<compile_context>
chip_gen: v7x
topology: tpu7x:2x2x1
jax: 0.10.2.dev20260603
libtpu: 0.0.44.dev20260713+nightly
codegen_flags: <defaults>
</compile_context>

<pallas_src>
import functools

import jax
import jax.numpy as jnp
from jax import lax
from jax.experimental import pallas as pl
from jax.experimental.pallas import tpu as pltpu
from jax.experimental.pallas import tpu_sc as plsc

NHEADS = 16
NREL = 3969
SIDE = 1024
LANES = 16

_info = plsc.get_sparse_core_info()
NCORES = _info.num_cores
NSUB = _info.num_subcores
NWORKERS = NCORES * NSUB

ROWS_PER_TILE = SIDE // NWORKERS
NBUF = 3


def _make_sc_gather():
    mesh = plsc.VectorSubcoreMesh(core_axis_name="c", subcore_axis_name="s")

    @functools.partial(
        pl.kernel,
        mesh=mesh,
        compiler_params=pltpu.CompilerParams(
            needs_layout_passes=False,
            disable_bounds_checks=True,
            disable_semaphore_checks=True,
            skip_device_barrier=True,
        ),
        out_type=jax.ShapeDtypeStruct((NHEADS, SIDE, SIDE), jnp.float32),
        scratch_types=[
            pltpu.VMEM((NHEADS, NREL), jnp.float32),
            pltpu.VMEM((NBUF, 1, SIDE), jnp.int32),
            pltpu.VMEM((NBUF, NHEADS, SIDE), jnp.float32),
            pltpu.SemaphoreType.DMA,
            pltpu.SemaphoreType.DMA,
            pltpu.SemaphoreType.DMA,
            pltpu.SemaphoreType.DMA,
            pltpu.SemaphoreType.DMA,
            pltpu.SemaphoreType.DMA,
        ],
    )
    def gather_kernel(table_hbm, idx_hbm, out_hbm, table_v, idx_v, out_v,
                      sem_idx0, sem_idx1, sem_idx2,
                      sem_out0, sem_out1, sem_out2):
        wid = lax.axis_index("s") * NCORES + lax.axis_index("c")
        row0 = wid * ROWS_PER_TILE
        sem_idx = (sem_idx0, sem_idx1, sem_idx2)
        sem_out = (sem_out0, sem_out1, sem_out2)
        pltpu.sync_copy(table_hbm, table_v)

        pltpu.async_copy(idx_hbm.at[row0, :], idx_v.at[0, 0], sem_idx[0])
        pltpu.async_copy(idx_hbm.at[row0 + 1, :], idx_v.at[1, 0], sem_idx[1])

        def outer(i, carry):
            for b in range(NBUF):
                r = row0 + i * NBUF + b
                pltpu.make_async_copy(
                    idx_hbm.at[r, :], idx_v.at[b, 0], sem_idx[b]).wait()

                @pl.when(i * NBUF + b + 2 < ROWS_PER_TILE)
                def _prefetch():
                    nb = b + 2 if b + 2 < NBUF else b + 2 - NBUF
                    pltpu.async_copy(
                        idx_hbm.at[r + 2, :], idx_v.at[nb, 0], sem_idx[nb])

                @pl.when(i * NBUF + b >= NBUF)
                def _drain():
                    pltpu.make_async_copy(
                        out_v.at[b], out_hbm.at[:, r - NBUF, :],
                        sem_out[b]).wait()

                @plsc.parallel_loop(0, SIDE // LANES, unroll=1)
                def gather_body(j):
                    iv = idx_v[b, 0, pl.ds(j * LANES, LANES)]
                    for h in range(NHEADS):
                        hvec = jnp.full((LANES,), h, jnp.int32)
                        out_v[b, h, pl.ds(j * LANES, LANES)] = (
                            plsc.load_gather(table_v, [hvec, iv]))

                pltpu.async_copy(
                    out_v.at[b], out_hbm.at[:, r, :], sem_out[b])
            return carry

        lax.fori_loop(0, ROWS_PER_TILE // NBUF, outer, 0)

        for t in range(ROWS_PER_TILE % NBUF):
            b = t
            r = row0 + (ROWS_PER_TILE // NBUF) * NBUF + t
            pltpu.make_async_copy(
                idx_hbm.at[r, :], idx_v.at[b, 0], sem_idx[b]).wait()
            pltpu.make_async_copy(
                out_v.at[b], out_hbm.at[:, r - NBUF, :], sem_out[b]).wait()

            @plsc.parallel_loop(0, SIDE // LANES, unroll=1)
            def gather_body(j):
                iv = idx_v[b, 0, pl.ds(j * LANES, LANES)]
                for h in range(NHEADS):
                    hvec = jnp.full((LANES,), h, jnp.int32)
                    out_v[b, h, pl.ds(j * LANES, LANES)] = (
                        plsc.load_gather(table_v, [hvec, iv]))

            pltpu.async_copy(out_v.at[b], out_hbm.at[:, r, :], sem_out[b])

        for t in range(NBUF):
            r = row0 + ROWS_PER_TILE - NBUF + t
            b = (ROWS_PER_TILE - NBUF + t) % NBUF
            pltpu.make_async_copy(
                out_v.at[b], out_hbm.at[:, r, :], sem_out[b]).wait()

    return gather_kernel


_sc_gather = _make_sc_gather()


def kernel(relative_bias_table, relative_position_index):
    idx = relative_position_index.astype(jnp.int32)
    return _sc_gather(relative_bias_table, idx)

# --- scband reference (transcript-rebuilt; emitter-appended) ---
"""Pipeline reference for scband-relative-position-bias2-d-90520730730954 (READ-ONLY COPY).

The authoritative reference and input builder live on the scoring server;
editing this copy changes nothing except your own understanding.
"""

import jax, jax.numpy as jnp
import numpy as np

NUM_HEADS = 16
GRID_H = 32
GRID_W = 32


def _build_relative_position_index(grid_h, grid_w):
    coords_h = np.arange(grid_h)
    coords_w = np.arange(grid_w)
    coords = np.stack(np.meshgrid(coords_h, coords_w, indexing='ij'))  # [2, H, W]
    coords_flatten = coords.reshape(2, -1)  # [2, H*W]
    relative_coords = coords_flatten[:, :, None] - coords_flatten[:, None, :]  # [2, L, L]
    relative_coords = relative_coords.transpose(1, 2, 0).copy()  # [L, L, 2]
    relative_coords[:, :, 0] += grid_h - 1
    relative_coords[:, :, 1] += grid_w - 1
    relative_coords[:, :, 0] *= 2 * grid_w - 1
    relative_position_index = relative_coords.sum(-1)  # [L, L]
    return relative_position_index.astype(np.int64)


def setup_inputs(seed: int = 0) -> dict:
    key = jax.random.key(seed)
    num_relative = (2 * GRID_H - 1) * (2 * GRID_W - 1)
    relative_bias_table = jax.random.truncated_normal(
        key, -2.0, 2.0, (NUM_HEADS, num_relative), dtype=jnp.float32) * 0.02
    relative_position_index = jnp.asarray(_build_relative_position_index(GRID_H, GRID_W))
    return {
        'relative_bias_table': relative_bias_table,
        'relative_position_index': relative_position_index,
    }


def reference(relative_bias_table, relative_position_index):
    num_heads = relative_bias_table.shape[0]
    L = relative_position_index.shape[0]
    flat_idx = relative_position_index.reshape(-1)  # [L*L]
    bias = jnp.take(relative_bias_table, flat_idx, axis=1)  # [H, L*L]
    bias = bias.reshape(num_heads, L, L)
    return bias

if __name__ == "__main__":
    import jax
    _d = setup_inputs()
    print(jax.jit(kernel)(*tuple(_d.values())))

</pallas_src>

<mosaic_0001>
#map = affine_map<(d0, d1) -> (0, 0)>
#map1 = affine_map<(d0, d1) -> (0, 0, 0)>
module attributes {stable_mosaic.version = 14 : i64} {
  func.func @gather_kernel(%arg0: i32, %arg1: i32, %arg2: memref<16x3969xf32, #tpu.memory_space<hbm>>, %arg3: memref<1024x1024xi32, #tpu.memory_space<hbm>>, %arg4: memref<16x1024x1024xf32, #tpu.memory_space<hbm>>, %arg5: memref<16x3969xf32, #tpu.memory_space<vmem>>, %arg6: memref<3x1x1024xi32, #tpu.memory_space<vmem>>, %arg7: memref<3x16x1024xf32, #tpu.memory_space<vmem>>, %arg8: memref<!tpu.dma_semaphore, #tpu.memory_space<semaphore_mem>>, %arg9: memref<!tpu.dma_semaphore, #tpu.memory_space<semaphore_mem>>, %arg10: memref<!tpu.dma_semaphore, #tpu.memory_space<semaphore_mem>>, %arg11: memref<!tpu.dma_semaphore, #tpu.memory_space<semaphore_mem>>, %arg12: memref<!tpu.dma_semaphore, #tpu.memory_space<semaphore_mem>>, %arg13: memref<!tpu.dma_semaphore, #tpu.memory_space<semaphore_mem>>) attributes {dimension_semantics = [#tpu.dimension_semantics<core_parallel>, #tpu.dimension_semantics<subcore_parallel>], iteration_bounds = array<i64: 2, 16>, scalar_prefetch = 0 : i64, scratch_operands = 9 : i64, tpu.core_type = #tpu.core_type<sc_vector_subcore>, window_params = [{transform_indices = #map}, {transform_indices = #map}, {transform_indices = #map1}]} {
    %mul3A = arith.constant 2 : i32
    %mul3A_0 = arith.muli %arg1, %mul3A : i32
    %add3A = arith.addi %mul3A_0, %arg0 : i32
    %mul3A_1 = arith.constant 32 : i32
    %mul3A_2 = arith.muli %add3A, %mul3A_1 : i32
    "tpu.region"() ({
      %run_scoped3A = tpu.sem_alloc : memref<!tpu.dma_semaphore, #tpu.memory_space<semaphore_mem>>
      tpu.enqueue_dma source(%arg2 : memref<16x3969xf32, #tpu.memory_space<hbm>>) target(%arg5 : memref<16x3969xf32, #tpu.memory_space<vmem>>) target_semaphore(%run_scoped3A : memref<!tpu.dma_semaphore, #tpu.memory_space<semaphore_mem>>)
      tpu.wait_dma2 semaphore(%run_scoped3A : memref<!tpu.dma_semaphore, #tpu.memory_space<semaphore_mem>>) src(%arg2 : memref<16x3969xf32, #tpu.memory_space<hbm>>) dst(%arg5 : memref<16x3969xf32, #tpu.memory_space<vmem>>)
      tpu.yield
    }) : () -> ()
    %dma_start3A = arith.constant 0 : i32
    %dma_start3A_3 = arith.constant 0 : i32
    %dma_start3A_4 = arith.constant 0 : i32
    %dma_start3A_5 = tpu.memref_slice %arg6[%dma_start3A, %dma_start3A_3, %dma_start3A_4] : memref<3x1x1024xi32, #tpu.memory_space<vmem>> -> memref<1x1x1024xi32, #tpu.memory_space<vmem>>
    %dma_start3A_6 = tpu.memref_squeeze %dma_start3A_5 : memref<1x1x1024xi32, #tpu.memory_space<vmem>> -> memref<1024xi32, #tpu.memory_space<vmem>>
    %dma_start3A_7 = arith.constant 0 : i32
    %dma_start3A_8 = tpu.memref_slice %arg3[%mul3A_2, %dma_start3A_7] : memref<1024x1024xi32, #tpu.memory_space<hbm>> -> memref<1x1024xi32, #tpu.memory_space<hbm>>
    %dma_start3A_9 = tpu.memref_squeeze %dma_start3A_8 : memref<1x1024xi32, #tpu.memory_space<hbm>> -> memref<1024xi32, #tpu.memory_space<hbm>>
    %dma_start3A_10 = arith.constant 0 : i32
    %dma_start3A_11 = tpu.memref_slice %arg6[%dma_start3A, %dma_start3A_3, %dma_start3A_10] : memref<3x1x1024xi32, #tpu.memory_space<vmem>> -> memref<1x1x1024xi32, #tpu.memory_space<vmem>>
    %dma_start3A_12 = tpu.memref_squeeze %dma_start3A_11 : memref<1x1x1024xi32, #tpu.memory_space<vmem>> -> memref<1024xi32, #tpu.memory_space<vmem>>
    %dma_start3A_13 = arith.constant 0 : i32
    %dma_start3A_14 = tpu.memref_slice %arg3[%mul3A_2, %dma_start3A_13] : memref<1024x1024xi32, #tpu.memory_space<hbm>> -> memref<1x1024xi32, #tpu.memory_space<hbm>>
    %dma_start3A_15 = tpu.memref_squeeze %dma_start3A_14 : memref<1x1024xi32, #tpu.memory_space<hbm>> -> memref<1024xi32, #tpu.memory_space<hbm>>
    tpu.enqueue_dma source(%dma_start3A_15 : memref<1024xi32, #tpu.memory_space<hbm>>) target(%dma_start3A_12 : memref<1024xi32, #tpu.memory_space<vmem>>) target_semaphore(%arg8 : memref<!tpu.dma_semaphore, #tpu.memory_space<semaphore_mem>>)
    %add3A_16 = arith.constant 1 : i32
    %add3A_17 = arith.addi %mul3A_2, %add3A_16 : i32
    %dma_start3A_18 = arith.constant 1 : i32
    %dma_start3A_19 = arith.constant 0 : i32
    %dma_start3A_20 = arith.constant 0 : i32
    %dma_start3A_21 = tpu.memref_slice %arg6[%dma_start3A_18, %dma_start3A_19, %dma_start3A_20] : memref<3x1x1024xi32, #tpu.memory_space<vmem>> -> memref<1x1x1024xi32, #tpu.memory_space<vmem>>
    %dma_start3A_22 = tpu.memref_squeeze %dma_start3A_21 : memref<1x1x1024xi32, #tpu.memory_space<vmem>> -> memref<1024xi32, #tpu.memory_space<vmem>>
    %dma_start3A_23 = arith.constant 0 : i32
    %dma_start3A_24 = tpu.memref_slice %arg3[%add3A_17, %dma_start3A_23] : memref<1024x1024xi32, #tpu.memory_space<hbm>> -> memref<1x1024xi32, #tpu.memory_space<hbm>>
    %dma_start3A_25 = tpu.memref_squeeze %dma_start3A_24 : memref<1x1024xi32, #tpu.memory_space<hbm>> -> memref<1024xi32, #tpu.memory_space<hbm>>
    %dma_start3A_26 = arith.constant 0 : i32
    %dma_start3A_27 = tpu.memref_slice %arg6[%dma_start3A_18, %dma_start3A_19, %dma_start3A_26] : memref<3x1x1024xi32, #tpu.memory_space<vmem>> -> memref<1x1x1024xi32, #tpu.memory_space<vmem>>
    %dma_start3A_28 = tpu.memref_squeeze %dma_start3A_27 : memref<1x1x1024xi32, #tpu.memory_space<vmem>> -> memref<1024xi32, #tpu.memory_space<vmem>>
    %dma_start3A_29 = arith.constant 0 : i32
    %dma_start3A_30 = tpu.memref_slice %arg3[%add3A_17, %dma_start3A_29] : memref<1024x1024xi32, #tpu.memory_space<hbm>> -> memref<1x1024xi32, #tpu.memory_space<hbm>>
    %dma_start3A_31 = tpu.memref_squeeze %dma_start3A_30 : memref<1x1024xi32, #tpu.memory_space<hbm>> -> memref<1024xi32, #tpu.memory_space<hbm>>
    tpu.enqueue_dma source(%dma_start3A_31 : memref<1024xi32, #tpu.memory_space<hbm>>) target(%dma_start3A_28 : memref<1024xi32, #tpu.memory_space<vmem>>) target_semaphore(%arg9 : memref<!tpu.dma_semaphore, #tpu.memory_space<semaphore_mem>>)
    %scan3A = arith.constant 0 : i32
    %scan3A_32 = arith.constant 0 : i32
    %scan3A_33 = arith.constant 10 : i32
    %scan3A_34 = arith.addi %scan3A_32, %scan3A_33 : i32
    %scan3A_35 = arith.constant 1 : i32
    scf.for %scan3A_217 = %scan3A_32 to %scan3A_34 step %scan3A_35  : i32 {
      %mul3A_218 = arith.constant 3 : i32
      %mul3A_219 = arith.muli %scan3A_217, %mul3A_218 : i32
      %add3A_220 = arith.addi %mul3A_2, %mul3A_219 : i32
      %add3A_221 = arith.constant 0 : i32
      %add3A_222 = arith.addi %add3A_220, %add3A_221 : i32
      %dma_wait3A_223 = arith.constant 0 : i32
      %dma_wait3A_224 = arith.constant 0 : i32
      %dma_wait3A_225 = arith.constant 0 : i32
      %dma_wait3A_226 = tpu.memref_slice %arg6[%dma_wait3A_223, %dma_wait3A_224, %dma_wait3A_225] : memref<3x1x1024xi32, #tpu.memory_space<vmem>> -> memref<1x1x1024xi32, #tpu.memory_space<vmem>>
      %dma_wait3A_227 = tpu.memref_squeeze %dma_wait3A_226 : memref<1x1x1024xi32, #tpu.memory_space<vmem>> -> memref<1024xi32, #tpu.memory_space<vmem>>
      %dma_wait3A_228 = arith.constant 0 : i32
      %dma_wait3A_229 = tpu.memref_slice %arg3[%add3A_222, %dma_wait3A_228] : memref<1024x1024xi32, #tpu.memory_space<hbm>> -> memref<1x1024xi32, #tpu.memory_space<hbm>>
      %dma_wait3A_230 = tpu.memref_squeeze %dma_wait3A_229 : memref<1x1024xi32, #tpu.memory_space<hbm>> -> memref<1024xi32, #tpu.memory_space<hbm>>
      %dma_wait3A_231 = arith.constant 0 : i32
      %dma_wait3A_232 = tpu.memref_slice %arg6[%dma_wait3A_223, %dma_wait3A_224, %dma_wait3A_231] : memref<3x1x1024xi32, #tpu.memory_space<vmem>> -> memref<1x1x1024xi32, #tpu.memory_space<vmem>>
      %dma_wait3A_233 = tpu.memref_squeeze %dma_wait3A_232 : memref<1x1x1024xi32, #tpu.memory_space<vmem>> -> memref<1024xi32, #tpu.memory_space<vmem>>
      %dma_wait3A_234 = arith.constant 0 : i32
      %dma_wait3A_235 = tpu.memref_slice %arg3[%add3A_222, %dma_wait3A_234] : memref<1024x1024xi32, #tpu.memory_space<hbm>> -> memref<1x1024xi32, #tpu.memory_space<hbm>>
      %dma_wait3A_236 = tpu.memref_squeeze %dma_wait3A_235 : memref<1x1024xi32, #tpu.memory_space<hbm>> -> memref<1024xi32, #tpu.memory_space<hbm>>
      tpu.wait_dma2 semaphore(%arg8 : memref<!tpu.dma_semaphore, #tpu.memory_space<semaphore_mem>>) src(%dma_wait3A_236 : memref<1024xi32, #tpu.memory_space<hbm>>) dst(%dma_wait3A_233 : memref<1024xi32, #tpu.memory_space<vmem>>)
      %mul3A_237 = arith.constant 3 : i32
      %mul3A_238 = arith.muli %scan3A_217, %mul3A_237 : i32
      %add3A_239 = arith.constant 0 : i32
      %add3A_240 = arith.addi %mul3A_238, %add3A_239 : i32
      %add3A_241 = arith.constant 2 : i32
      %add3A_242 = arith.addi %add3A_240, %add3A_241 : i32
      %lt3A = arith.constant 32 : i32
      %lt3A_243 = arith.cmpi slt, %add3A_242, %lt3A : i32
      %convert_element_type3A = arith.extui %lt3A_243 : i1 to i32
      %cond3A = arith.constant 0 : i32
      %cond3A_244 = arith.cmpi ne, %convert_element_type3A, %cond3A : i32
      scf.if %cond3A_244 {
        %add3A_391 = arith.constant 2 : i32
        %add3A_392 = arith.addi %add3A_222, %add3A_391 : i32
        %dma_start3A_393 = arith.constant 2 : i32
        %dma_start3A_394 = arith.constant 0 : i32
        %dma_start3A_395 = arith.constant 0 : i32
        %dma_start3A_396 = tpu.memref_slice %arg6[%dma_start3A_393, %dma_start3A_394, %dma_start3A_395] : memref<3x1x1024xi32, #tpu.memory_space<vmem>> -> memref<1x1x1024xi32, #tpu.memory_space<vmem>>
        %dma_start3A_397 = tpu.memref_squeeze %dma_start3A_396 : memref<1x1x1024xi32, #tpu.memory_space<vmem>> -> memref<1024xi32, #tpu.memory_space<vmem>>
        %dma_start3A_398 = arith.constant 0 : i32
        %dma_start3A_399 = tpu.memref_slice %arg3[%add3A_392, %dma_start3A_398] : memref<1024x1024xi32, #tpu.memory_space<hbm>> -> memref<1x1024xi32, #tpu.memory_space<hbm>>
        %dma_start3A_400 = tpu.memref_squeeze %dma_start3A_399 : memref<1x1024xi32, #tpu.memory_space<hbm>> -> memref<1024xi32, #tpu.memory_space<hbm>>
        %dma_start3A_401 = arith.constant 0 : i32
        %dma_start3A_402 = tpu.memref_slice %arg6[%dma_start3A_393, %dma_start3A_394, %dma_start3A_401] : memref<3x1x1024xi32, #tpu.memory_space<vmem>> -> memref<1x1x1024xi32, #tpu.memory_space<vmem>>
        %dma_start3A_403 = tpu.memref_squeeze %dma_start3A_402 : memref<1x1x1024xi32, #tpu.memory_space<vmem>> -> memref<1024xi32, #tpu.memory_space<vmem>>
        %dma_start3A_404 = arith.constant 0 : i32
        %dma_start3A_405 = tpu.memref_slice %arg3[%add3A_392, %dma_start3A_404] : memref<1024x1024xi32, #tpu.memory_space<hbm>> -> memref<1x1024xi32, #tpu.memory_space<hbm>>
        %dma_start3A_406 = tpu.memref_squeeze %dma_start3A_405 : memref<1x1024xi32, #tpu.memory_space<hbm>> -> memref<1024xi32, #tpu.memory_space<hbm>>
        tpu.enqueue_dma source(%dma_start3A_406 : memref<1024xi32, #tpu.memory_space<hbm>>) target(%dma_start3A_403 : memref<1024xi32, #tpu.memory_space<vmem>>) target_semaphore(%arg10 : memref<!tpu.dma_semaphore, #tpu.memory_space<semaphore_mem>>)
      } else {
      }
      %mul3A_245 = arith.constant 3 : i32
      %mul3A_246 = arith.muli %scan3A_217, %mul3A_245 : i32
      %add3A_247 = arith.constant 0 : i32
      %add3A_248 = arith.addi %mul3A_246, %add3A_247 : i32
      %ge3A = arith.constant 3 : i32
      %ge3A_249 = arith.cmpi sge, %add3A_248, %ge3A : i32
      %convert_element_type3A_250 = arith.extui %ge3A_249 : i1 to i32
      %cond3A_251 = arith.constant 0 : i32
      %cond3A_252 = arith.cmpi ne, %convert_element_type3A_250, %cond3A_251 : i32
      scf.if %cond3A_252 {
        %sub3A_391 = arith.constant 3 : i32
        %sub3A_392 = arith.subi %add3A_222, %sub3A_391 : i32
        %dma_wait3A_393 = arith.constant 0 : i32
        %dma_wait3A_394 = arith.constant 0 : i32
        %dma_wait3A_395 = arith.constant 0 : i32
        %dma_wait3A_396 = tpu.memref_slice %arg7[%dma_wait3A_393, %dma_wait3A_394, %dma_wait3A_395] : memref<3x16x1024xf32, #tpu.memory_space<vmem>> -> memref<1x16x1024xf32, #tpu.memory_space<vmem>>
        %dma_wait3A_397 = tpu.memref_squeeze %dma_wait3A_396 : memref<1x16x1024xf32, #tpu.memory_space<vmem>> -> memref<16x1024xf32, #tpu.memory_space<vmem>>
        %dma_wait3A_398 = arith.constant 0 : i32
        %dma_wait3A_399 = arith.constant 0 : i32
        %dma_wait3A_400 = tpu.memref_slice %arg4[%dma_wait3A_398, %sub3A_392, %dma_wait3A_399] : memref<16x1024x1024xf32, #tpu.memory_space<hbm>> -> memref<16x1x1024xf32, #tpu.memory_space<hbm>>
        %dma_wait3A_401 = tpu.memref_squeeze %dma_wait3A_400 : memref<16x1x1024xf32, #tpu.memory_space<hbm>> -> memref<16x1024xf32, #tpu.memory_space<hbm>>
        %dma_wait3A_402 = arith.constant 0 : i32
        %dma_wait3A_403 = arith.constant 0 : i32
        %dma_wait3A_404 = tpu.memref_slice %arg4[%dma_wait3A_402, %sub3A_392, %dma_wait3A_403] : memref<16x1024x1024xf32, #tpu.memory_space<hbm>> -> memref<16x1x1024xf32, #tpu.memory_space<hbm>>
        %dma_wait3A_405 = tpu.memref_squeeze %dma_wait3A_404 : memref<16x1x1024xf32, #tpu.memory_space<hbm>> -> memref<16x1024xf32, #tpu.memory_space<hbm>>
        %dma_wait3A_406 = arith.constant 0 : i32
        %dma_wait3A_407 = arith.constant 0 : i32
        %dma_wait3A_408 = tpu.memref_slice %arg7[%dma_wait3A_393, %dma_wait3A_406, %dma_wait3A_407] : memref<3x16x1024xf32, #tpu.memory_space<vmem>> -> memref<1x16x1024xf32, #tpu.memory_space<vmem>>
        %dma_wait3A_409 = tpu.memref_squeeze %dma_wait3A_408 : memref<1x16x1024xf32, #tpu.memory_space<vmem>> -> memref<16x1024xf32, #tpu.memory_space<vmem>>
        tpu.wait_dma2 semaphore(%arg11 : memref<!tpu.dma_semaphore, #tpu.memory_space<semaphore_mem>>) src(%dma_wait3A_409 : memref<16x1024xf32, #tpu.memory_space<vmem>>) dst(%dma_wait3A_405 : memref<16x1024xf32, #tpu.memory_space<hbm>>)
      } else {
      }
      %parallel_loop3A_253 = arith.constant 0 : i32
      %parallel_loop3A_254 = arith.constant 64 : i32
      %parallel_loop3A_255 = arith.constant 1 : i32
      scf.for %parallel_loop3A_391 = %parallel_loop3A_253 to %parallel_loop3A_254 step %parallel_loop3A_255  : i32 {
        %parallel_loop3A_392 = arith.constant 16 : i32
        %parallel_loop3A_393 = arith.muli %parallel_loop3A_391, %parallel_loop3A_392 : i32
        %parallel_loop3A_394 = arith.constant 0 : i32
        %parallel_loop3A_395 = arith.constant 0 : i32
        %parallel_loop3A_396 = arith.index_cast %parallel_loop3A_394 : i32 to index
        %parallel_loop3A_397 = arith.index_cast %parallel_loop3A_395 : i32 to index
        %parallel_loop3A_398 = arith.index_cast %parallel_loop3A_393 : i32 to index
        %parallel_loop3A_399 = tpu.vector_load %arg6[%parallel_loop3A_396, %parallel_loop3A_397, %parallel_loop3A_398] {strides = array<i32>} : memref<3x1x1024xi32, #tpu.memory_space<vmem>>, vector<16xi32>,
        %parallel_loop3A_400 = arith.constant 0 : i32
        %parallel_loop3A_401 = vector.broadcast %parallel_loop3A_400 : i32 to vector<16xi32>
        %parallel_loop3A_402 = tpu.vector_load_idx %arg5[%parallel_loop3A_401, %parallel_loop3A_399] : memref<16x3969xf32, #tpu.memory_space<vmem>>[vector<16xi32>, vector<16xi32>], vector<16xf32>,
        %parallel_loop3A_403 = arith.constant 16 : i32
        %parallel_loop3A_404 = arith.muli %parallel_loop3A_391, %parallel_loop3A_403 : i32
        %parallel_loop3A_405 = arith.constant 0 : i32
        %parallel_loop3A_406 = arith.constant 0 : i32
        %parallel_loop3A_407 = arith.index_cast %parallel_loop3A_405 : i32 to index
        %parallel_loop3A_408 = arith.index_cast %parallel_loop3A_406 : i32 to index
        %parallel_loop3A_409 = arith.index_cast %parallel_loop3A_404 : i32 to index
        %parallel_loop3A_410 = tpu.vector_load %arg7[%parallel_loop3A_407, %parallel_loop3A_408, %parallel_loop3A_409] {strides = array<i32>} : memref<3x16x1024xf32, #tpu.memory_space<vmem>>, vector<16xf32>,
        tpu.vector_store %arg7[%parallel_loop3A_407, %parallel_loop3A_408, %parallel_loop3A_409], %parallel_loop3A_402 {strides = array<i32>} : memref<3x16x1024xf32, #tpu.memory_space<vmem>>, vector<16xf32>,
        %parallel_loop3A_411 = arith.constant 1 : i32
        %parallel_loop3A_412 = vector.broadcast %parallel_loop3A_411 : i32 to vector<16xi32>
        %parallel_loop3A_413 = tpu.vector_load_idx %arg5[%parallel_loop3A_412, %parallel_loop3A_399] : memref<16x3969xf32, #tpu.memory_space<vmem>>[vector<16xi32>, vector<16xi32>], vector<16xf32>,
        %parallel_loop3A_414 = arith.constant 16 : i32
        %parallel_loop3A_415 = arith.muli %parallel_loop3A_391, %parallel_loop3A_414 : i32
        %parallel_loop3A_416 = arith.constant 0 : i32
        %parallel_loop3A_417 = arith.constant 1 : i32
        %parallel_loop3A_418 = arith.index_cast %parallel_loop3A_416 : i32 to index
        %parallel_loop3A_419 = arith.index_cast %parallel_loop3A_417 : i32 to index
        %parallel_loop3A_420 = arith.index_cast %parallel_loop3A_415 : i32 to index
        %parallel_loop3A_421 = tpu.vector_load %arg7[%parallel_loop3A_418, %parallel_loop3A_419, %parallel_loop3A_420] {strides = array<i32>} : memref<3x16x1024xf32, #tpu.memory_space<vmem>>, vector<16xf32>,
        tpu.vector_store %arg7[%parallel_loop3A_418, %parallel_loop3A_419, %parallel_loop3A_420], %parallel_loop3A_413 {strides = array<i32>} : memref<3x16x1024xf32, #tpu.memory_space<vmem>>, vector<16xf32>,
        %parallel_loop3A_422 = arith.constant 2 : i32
        %parallel_loop3A_423 = vector.broadcast %parallel_loop3A_422 : i32 to vector<16xi32>
        %parallel_loop3A_424 = tpu.vector_load_idx %arg5[%parallel_loop3A_423, %parallel_loop3A_399] : memref<16x3969xf32, #tpu.memory_space<vmem>>[vector<16xi32>, vector<16xi32>], vector<16xf32>,
        %parallel_loop3A_425 = arith.constant 16 : i32
        %parallel_loop3A_426 = arith.muli %parallel_loop3A_391, %parallel_loop3A_425 : i32
        %parallel_loop3A_427 = arith.constant 0 : i32
        %parallel_loop3A_428 = arith.constant 2 : i32
        %parallel_loop3A_429 = arith.index_cast %parallel_loop3A_427 : i32 to index
        %parallel_loop3A_430 = arith.index_cast %parallel_loop3A_428 : i32 to index
        %parallel_loop3A_431 = arith.index_cast %parallel_loop3A_426 : i32 to index
        %parallel_loop3A_432 = tpu.vector_load %arg7[%parallel_loop3A_429, %parallel_loop3A_430, %parallel_loop3A_431] {strides = array<i32>} : memref<3x16x1024xf32, #tpu.memory_space<vmem>>, vector<16xf32>,
        tpu.vector_store %arg7[%parallel_loop3A_429, %parallel_loop3A_430, %parallel_loop3A_431], %parallel_loop3A_424 {strides = array<i32>} : memref<3x16x1024xf32, #tpu.memory_space<vmem>>, vector<16xf32>,
        %parallel_loop3A_433 = arith.constant 3 : i32
        %parallel_loop3A_434 = vector.broadcast %parallel_loop3A_433 : i32 to vector<16xi32>
        %parallel_loop3A_435 = tpu.vector_load_idx %arg5[%parallel_loop3A_434, %parallel_loop3A_399] : memref<16x3969xf32, #tpu.memory_space<vmem>>[vector<16xi32>, vector<16xi32>], vector<16xf32>,
        %parallel_loop3A_436 = arith.constant 16 : i32
        %parallel_loop3A_437 = arith.muli %parallel_loop3A_391, %parallel_loop3A_436 : i32
        %parallel_loop3A_438 = arith.constant 0 : i32
        %parallel_loop3A_439 = arith.constant 3 : i32
        %parallel_loop3A_440 = arith.index_cast %parallel_loop3A_438 : i32 to index
        %parallel_loop3A_441 = arith.index_cast %parallel_loop3A_439 : i32 to index
        %parallel_loop3A_442 = arith.index_cast %parallel_loop3A_437 : i32 to index
        %parallel_loop3A_443 = tpu.vector_load %arg7[%parallel_loop3A_440, %parallel_loop3A_441, %parallel_loop3A_442] {strides = array<i32>} : memref<3x16x1024xf32, #tpu.memory_space<vmem>>, vector<16xf32>,
        tpu.vector_store %arg7[%parallel_loop3A_440, %parallel_loop3A_441, %parallel_loop3A_442], %parallel_loop3A_435 {strides = array<i32>} : memref<3x16x1024xf32, #tpu.memory_space<vmem>>, vector<16xf32>,
        %parallel_loop3A_444 = arith.constant 4 : i32
        %parallel_loop3A_445 = vector.broadcast %parallel_loop3A_444 : i32 to vector<16xi32>
        %parallel_loop3A_446 = tpu.vector_load_idx %arg5[%parallel_loop3A_445, %parallel_loop3A_399] : memref<16x3969xf32, #tpu.memory_space<vmem>>[vector<16xi32>, vector<16xi32>], vector<16xf32>,
        %parallel_loop3A_447 = arith.constant 16 : i32
        %parallel_loop3A_448 = arith.muli %parallel_loop3A_391, %parallel_loop3A_447 : i32
        %parallel_loop3A_449 = arith.constant 0 : i32
        %parallel_loop3A_450 = arith.constant 4 : i32
        %parallel_loop3A_451 = arith.index_cast %parallel_loop3A_449 : i32 to index
        %parallel_loop3A_452 = arith.index_cast %parallel_loop3A_450 : i32 to index
        %parallel_loop3A_453 = arith.index_cast %parallel_loop3A_448 : i32 to index
        %parallel_loop3A_454 = tpu.vector_load %arg7[%parallel_loop3A_451, %parallel_loop3A_452, %parallel_loop3A_453] {strides = array<i32>} : memref<3x16x1024xf32, #tpu.memory_space<vmem>>, vector<16xf32>,
        tpu.vector_store %arg7[%parallel_loop3A_451, %parallel_loop3A_452, %parallel_loop3A_453], %parallel_loop3A_446 {strides = array<i32>} : memref<3x16x1024xf32, #tpu.memory_space<vmem>>, vector<16xf32>,
        %parallel_loop3A_455 = arith.constant 5 : i32
        %parallel_loop3A_456 = vector.broadcast %parallel_loop3A_455 : i32 to vector<16xi32>
        %parallel_loop3A_457 = tpu.vector_load_idx %arg5[%parallel_loop3A_456, %parallel_loop3A_399] : memref<16x3969xf32, #tpu.memory_space<vmem>>[vector<16xi32>, vector<16xi32>], vector<16xf32>,
        %parallel_loop3A_458 = arith.constant 16 : i32
        %parallel_loop3A_459 = arith.muli %parallel_loop3A_391, %parallel_loop3A_458 : i32
        %parallel_loop3A_460 = arith.constant 0 : i32
        %parallel_loop3A_461 = arith.constant 5 : i32
        %parallel_loop3A_462 = arith.index_cast %parallel_loop3A_460 : i32 to index
        %parallel_loop3A_463 = arith.index_cast %parallel_loop3A_461 : i32 to index
        %parallel_loop3A_464 = arith.index_cast %parallel_loop3A_459 : i32 to index
        %parallel_loop3A_465 = tpu.vector_load %arg7[%parallel_loop3A_462, %parallel_loop3A_463, %parallel_loop3A_464] {strides = array<i32>} : memref<3x16x1024xf32, #tpu.memory_space<vmem>>, vector<16xf32>,
        tpu.vector_store %arg7[%parallel_loop3A_462, %parallel_loop3A_463, %parallel_loop3A_464], %parallel_loop3A_457 {strides = array<i32>} : memref<3x16x1024xf32, #tpu.memory_space<vmem>>, vector<16xf32>,
        %parallel_loop3A_466 = arith.constant 6 : i32
        %parallel_loop3A_467 = vector.broadcast %parallel_loop3A_466 : i32 to vector<16xi32>
        %parallel_loop3A_468 = tpu.vector_load_idx %arg5[%parallel_loop3A_467, %parallel_loop3A_399] : memref<16x3969xf32, #tpu.memory_space<vmem>>[vector<16xi32>, vector<16xi32>], vector<16xf32>,
        %parallel_loop3A_469 = arith.constant 16 : i32
        %parallel_loop3A_470 = arith.muli %parallel_loop3A_391, %parallel_loop3A_469 : i32
        %parallel_loop3A_471 = arith.constant 0 : i32
        %parallel_loop3A_472 = arith.constant 6 : i32
        %parallel_loop3A_473 = arith.index_cast %parallel_loop3A_471 : i32 to index
        %parallel_loop3A_474 = arith.index_cast %parallel_loop3A_472 : i32 to index
        %parallel_loop3A_475 = arith.index_cast %parallel_loop3A_470 : i32 to index
        %parallel_loop3A_476 = tpu.vector_load %arg7[%parallel_loop3A_473, %parallel_loop3A_474, %parallel_loop3A_475] {strides = array<i32>} : memref<3x16x1024xf32, #tpu.memory_space<vmem>>, vector<16xf32>,
        tpu.vector_store %arg7[%parallel_loop3A_473, %parallel_loop3A_474, %parallel_loop3A_475], %parallel_loop3A_468 {strides = array<i32>} : memref<3x16x1024xf32, #tpu.memory_space<vmem>>, vector<16xf32>,
        %parallel_loop3A_477 = arith.constant 7 : i32
        %parallel_loop3A_478 = vector.broadcast %parallel_loop3A_477 : i32 to vector<16xi32>
        %parallel_loop3A_479 = tpu.vector_load_idx %arg5[%parallel_loop3A_478, %parallel_loop3A_399] : memref<16x3969xf32, #tpu.memory_space<vmem>>[vector<16xi32>, vector<16xi32>], vector<16xf32>,
        %parallel_loop3A_480 = arith.constant 16 : i32
        %parallel_loop3A_481 = arith.muli %parallel_loop3A_391, %parallel_loop3A_480 : i32
        %parallel_loop3A_482 = arith.constant 0 : i32
        %parallel_loop3A_483 = arith.constant 7 : i32
        %parallel_loop3A_484 = arith.index_cast %parallel_loop3A_482 : i32 to index
        %parallel_loop3A_485 = arith.index_cast %parallel_loop3A_483 : i32 to index
        %parallel_loop3A_486 = arith.index_cast %parallel_loop3A_481 : i32 to index
        %parallel_loop3A_487 = tpu.vector_load %arg7[%parallel_loop3A_484, %parallel_loop3A_485, %parallel_loop3A_486] {strides = array<i32>} : memref<3x16x1024xf32, #tpu.memory_space<vmem>>, vector<16xf32>,
        tpu.vector_store %arg7[%parallel_loop3A_484, %parallel_loop3A_485, %parallel_loop3A_486], %parallel_loop3A_479 {strides = array<i32>} : memref<3x16x1024xf32, #tpu.memory_space<vmem>>, vector<16xf32>,
        %parallel_loop3A_488 = arith.constant 8 : i32
        %parallel_loop3A_489 = vector.broadcast %parallel_loop3A_488 : i32 to vector<16xi32>
        %parallel_loop3A_490 = tpu.vector_load_idx %arg5[%parallel_loop3A_489, %parallel_loop3A_399] : memref<16x3969xf32, #tpu.memory_space<vmem>>[vector<16xi32>, vector<16xi32>], vector<16xf32>,
        %parallel_loop3A_491 = arith.constant 16 : i32
        %parallel_loop3A_492 = arith.muli %parallel_loop3A_391, %parallel_loop3A_491 : i32
        %parallel_loop3A_493 = arith.constant 0 : i32
        %parallel_loop3A_494 = arith.constant 8 : i32
        %parallel_loop3A_495 = arith.index_cast %parallel_loop3A_493 : i32 to index
        %parallel_loop3A_496 = arith.index_cast %parallel_loop3A_494 : i32 to index
        %parallel_loop3A_497 = arith.index_cast %parallel_loop3A_492 : i32 to index
        %parallel_loop3A_498 = tpu.vector_load %arg7[%parallel_loop3A_495, %parallel_loop3A_496, %parallel_loop3A_497] {strides = array<i32>} : memref<3x16x1024xf32, #tpu.memory_space<vmem>>, vector<16xf32>,
        tpu.vector_store %arg7[%parallel_loop3A_495, %parallel_loop3A_496, %parallel_loop3A_497], %parallel_loop3A_490 {strides = array<i32>} : memref<3x16x1024xf32, #tpu.memory_space<vmem>>, vector<16xf32>,
        %parallel_loop3A_499 = arith.constant 9 : i32
        %parallel_loop3A_500 = vector.broadcast %parallel_loop3A_499 : i32 to vector<16xi32>
        %parallel_loop3A_501 = tpu.vector_load_idx %arg5[%parallel_loop3A_500, %parallel_loop3A_399] : memref<16x3969xf32, #tpu.memory_space<vmem>>[vector<16xi32>, vector<16xi32>], vector<16xf32>,
        %parallel_loop3A_502 = arith.constant 16 : i32
        %parallel_loop3A_503 = arith.muli %parallel_loop3A_391, %parallel_loop3A_502 : i32
        %parallel_loop3A_504 = arith.constant 0 : i32
        %parallel_loop3A_505 = arith.constant 9 : i32
        %parallel_loop3A_506 = arith.index_cast %parallel_loop3A_504 : i32 to index
        %parallel_loop3A_507 = arith.index_cast %parallel_loop3A_505 : i32 to index
        %parallel_loop3A_508 = arith.index_cast %parallel_loop3A_503 : i32 to index
        %parallel_loop3A_509 = tpu.vector_load %arg7[%parallel_loop3A_506, %parallel_loop3A_507, %parallel_loop3A_508] {strides = array<i32>} : memref<3x16x1024xf32, #tpu.memory_space<vmem>>, vector<16xf32>,
        tpu.vector_store %arg7[%parallel_loop3A_506, %parallel_loop3A_507, %parallel_loop3A_508], %parallel_loop3A_501 {strides = array<i32>} : memref<3x16x1024xf32, #tpu.memory_space<vmem>>, vector<16xf32>,
        %parallel_loop3A_510 = arith.constant 10 : i32
        %parallel_loop3A_511 = vector.broadcast %parallel_loop3A_510 : i32 to vector<16xi32>
        %parallel_loop3A_512 = tpu.vector_load_idx %arg5[%parallel_loop3A_511, %parallel_loop3A_399] : memref<16x3969xf32, #tpu.memory_space<vmem>>[vector<16xi32>, vector<16xi32>], vector<16xf32>,
        %parallel_loop3A_513 = arith.constant 16 : i32
        %parallel_loop3A_514 = arith.muli %parallel_loop3A_391, %parallel_loop3A_513 : i32
        %parallel_loop3A_515 = arith.constant 0 : i32
        %parallel_loop3A_516 = arith.constant 10 : i32
        %parallel_loop3A_517 = arith.index_cast %parallel_loop3A_515 : i32 to index
        %parallel_loop3A_518 = arith.index_cast %parallel_loop3A_516 : i32 to index
        %parallel_loop3A_519 = arith.index_cast %parallel_loop3A_514 : i32 to index
        %parallel_loop3A_520 = tpu.vector_load %arg7[%parallel_loop3A_517, %parallel_loop3A_518, %parallel_loop3A_519] {strides = array<i32>} : memref<3x16x1024xf32, #tpu.memory_space<vmem>>, vector<16xf32>,
        tpu.vector_store %arg7[%parallel_loop3A_517, %parallel_loop3A_518, %parallel_loop3A_519], %parallel_loop3A_512 {strides = array<i32>} : memref<3x16x1024xf32, #tpu.memory_space<vmem>>, vector<16xf32>,
        %parallel_loop3A_521 = arith.constant 11 : i32
        %parallel_loop3A_522 = vector.broadcast %parallel_loop3A_521 : i32 to vector<16xi32>
        %parallel_loop3A_523 = tpu.vector_load_idx %arg5[%parallel_loop3A_522, %parallel_loop3A_399] : memref<16x3969xf32, #tpu.memory_space<vmem>>[vector<16xi32>, vector<16xi32>], vector<16xf32>,
        %parallel_loop3A_524 = arith.constant 16 : i32
        %parallel_loop3A_525 = arith.muli %parallel_loop3A_391, %parallel_loop3A_524 : i32
        %parallel_loop3A_526 = arith.constant 0 : i32
        %parallel_loop3A_527 = arith.constant 11 : i32
        %parallel_loop3A_528 = arith.index_cast %parallel_loop3A_526 : i32 to index
        %parallel_loop3A_529 = arith.index_cast %parallel_loop3A_527 : i32 to index
        %parallel_loop3A_530 = arith.index_cast %parallel_loop3A_525 : i32 to index
        %parallel_loop3A_531 = tpu.vector_load %arg7[%parallel_loop3A_528, %parallel_loop3A_529, %parallel_loop3A_530] {strides = array<i32>} : memref<3x16x1024xf32, #tpu.memory_space<vmem>>, vector<16xf32>,
        tpu.vector_store %arg7[%parallel_loop3A_528, %parallel_loop3A_529, %parallel_loop3A_530], %parallel_loop3A_523 {strides = array<i32>} : memref<3x16x1024xf32, #tpu.memory_space<vmem>>, vector<16xf32>,
        %parallel_loop3A_532 = arith.constant 12 : i32
        %parallel_loop3A_533 = vector.broadcast %parallel_loop3A_532 : i32 to vector<16xi32>
        %parallel_loop3A_534 = tpu.vector_load_idx %arg5[%parallel_loop3A_533, %parallel_loop3A_399] : memref<16x3969xf32, #tpu.memory_space<vmem>>[vector<16xi32>, vector<16xi32>], vector<16xf32>,
        %parallel_loop3A_535 = arith.constant 16 : i32
        %parallel_loop3A_536 = arith.muli %parallel_loop3A_391, %parallel_loop3A_535 : i32
        %parallel_loop3A_537 = arith.constant 0 : i32
        %parallel_loop3A_538 = arith.constant 12 : i32
        %parallel_loop3A_539 = arith.index_cast %parallel_loop3A_537 : i32 to index
        %parallel_loop3A_540 = arith.index_cast %parallel_loop3A_538 : i32 to index
        %parallel_loop3A_541 = arith.index_cast %parallel_loop3A_536 : i32 to index
        %parallel_loop3A_542 = tpu.vector_load %arg7[%parallel_loop3A_539, %parallel_loop3A_540, %parallel_loop3A_541] {strides = array<i32>} : memref<3x16x1024xf32, #tpu.memory_space<vmem>>, vector<16xf32>,
        tpu.vector_store %arg7[%parallel_loop3A_539, %parallel_loop3A_540, %parallel_loop3A_541], %parallel_loop3A_534 {strides = array<i32>} : memref<3x16x1024xf32, #tpu.memory_space<vmem>>, vector<16xf32>,
        %parallel_loop3A_543 = arith.constant 13 : i32
        %parallel_loop3A_544 = vector.broadcast %parallel_loop3A_543 : i32 to vector<16xi32>
        %parallel_loop3A_545 = tpu.vector_load_idx %arg5[%parallel_loop3A_544, %parallel_loop3A_399] : memref<16x3969xf32, #tpu.memory_space<vmem>>[vector<16xi32>, vector<16xi32>], vector<16xf32>,
        %parallel_loop3A_546 = arith.constant 16 : i32
        %parallel_loop3A_547 = arith.muli %parallel_loop3A_391, %parallel_loop3A_546 : i32
        %parallel_loop3A_548 = arith.constant 0 : i32
        %parallel_loop3A_549 = arith.constant 13 : i32
        %parallel_loop3A_550 = arith.index_cast %parallel_loop3A_548 : i32 to index
        %parallel_loop3A_551 = arith.index_cast %parallel_loop3A_549 : i32 to index
        %parallel_loop3A_552 = arith.index_cast %parallel_loop3A_547 : i32 to index
        %parallel_loop3A_553 = tpu.vector_load %arg7[%parallel_loop3A_550, %parallel_loop3A_551, %parallel_loop3A_552] {strides = array<i32>} : memref<3x16x1024xf32, #tpu.memory_space<vmem>>, vector<16xf32>,
        tpu.vector_store %arg7[%parallel_loop3A_550, %parallel_loop3A_551, %parallel_loop3A_552], %parallel_loop3A_545 {strides = array<i32>} : memref<3x16x1024xf32, #tpu.memory_space<vmem>>, vector<16xf32>,
        %parallel_loop3A_554 = arith.constant 14 : i32
        %parallel_loop3A_555 = vector.broadcast %parallel_loop3A_554 : i32 to vector<16xi32>
        %parallel_loop3A_556 = tpu.vector_load_idx %arg5[%parallel_loop3A_555, %parallel_loop3A_399] : memref<16x3969xf32, #tpu.memory_space<vmem>>[vector<16xi32>, vector<16xi32>], vector<16xf32>,
        %parallel_loop3A_557 = arith.constant 16 : i32
        %parallel_loop3A_558 = arith.muli %parallel_loop3A_391, %parallel_loop3A_557 : i32
        %parallel_loop3A_559 = arith.constant 0 : i32
        %parallel_loop3A_560 = arith.constant 14 : i32
        %parallel_loop3A_561 = arith.index_cast %parallel_loop3A_559 : i32 to index
        %parallel_loop3A_562 = arith.index_cast %parallel_loop3A_560 : i32 to index
        %parallel_loop3A_563 = arith.index_cast %parallel_loop3A_558 : i32 to index
        %parallel_loop3A_564 = tpu.vector_load %arg7[%parallel_loop3A_561, %parallel_loop3A_562, %parallel_loop3A_563] {strides = array<i32>} : memref<3x16x1024xf32, #tpu.memory_space<vmem>>, vector<16xf32>,
        tpu.vector_store %arg7[%parallel_loop3A_561, %parallel_loop3A_562, %parallel_loop3A_563], %parallel_loop3A_556 {strides = array<i32>} : memref<3x16x1024xf32, #tpu.memory_space<vmem>>, vector<16xf32>,
        %parallel_loop3A_565 = arith.constant 15 : i32
        %parallel_loop3A_566 = vector.broadcast %parallel_loop3A_565 : i32 to vector<16xi32>
        %parallel_loop3A_567 = tpu.vector_load_idx %arg5[%parallel_loop3A_566, %parallel_loop3A_399] : memref<16x3969xf32, #tpu.memory_space<vmem>>[vector<16xi32>, vector<16xi32>], vector<16xf32>,
        %parallel_loop3A_568 = arith.constant 16 : i32
        %parallel_loop3A_569 = arith.muli %parallel_loop3A_391, %parallel_loop3A_568 : i32
        %parallel_loop3A_570 = arith.constant 0 : i32
        %parallel_loop3A_571 = arith.constant 15 : i32
        %parallel_loop3A_572 = arith.index_cast %parallel_loop3A_570 : i32 to index
        %parallel_loop3A_573 = arith.index_cast %parallel_loop3A_571 : i32 to index
        %parallel_loop3A_574 = arith.index_cast %parallel_loop3A_569 : i32 to index
        %parallel_loop3A_575 = tpu.vector_load %arg7[%parallel_loop3A_572, %parallel_loop3A_573, %parallel_loop3A_574] {strides = array<i32>} : memref<3x16x1024xf32, #tpu.memory_space<vmem>>, vector<16xf32>,
        tpu.vector_store %arg7[%parallel_loop3A_572, %parallel_loop3A_573, %parallel_loop3A_574], %parallel_loop3A_567 {strides = array<i32>} : memref<3x16x1024xf32, #tpu.memory_space<vmem>>, vector<16xf32>,
      } {sc.loop_unroll_factor = 1 : i64, sc.parallel_access}
      %dma_start3A_256 = arith.constant 0 : i32
      %dma_start3A_257 = arith.constant 0 : i32
      %dma_start3A_258 = arith.constant 0 : i32
      %dma_start3A_259 = tpu.memref_slice %arg7[%dma_start3A_256, %dma_start3A_257, %dma_start3A_258] : memref<3x16x1024xf32, #tpu.memory_space<vmem>> -> memref<1x16x1024xf32, #tpu.memory_space<vmem>>
      %dma_start3A_260 = tpu.memref_squeeze %dma_start3A_259 : memref<1x16x1024xf32, #tpu.memory_space<vmem>> -> memref<16x1024xf32, #tpu.memory_space<vmem>>
      %dma_start3A_261 = arith.constant 0 : i32
      %dma_start3A_262 = arith.constant 0 : i32
      %dma_start3A_263 = tpu.memref_slice %arg4[%dma_start3A_261, %add3A_222, %dma_start3A_262] : memref<16x1024x1024xf32, #tpu.memory_space<hbm>> -> memref<16x1x1024xf32, #tpu.memory_space<hbm>>
      %dma_start3A_264 = tpu.memref_squeeze %dma_start3A_263 : memref<16x1x1024xf32, #tpu.memory_space<hbm>> -> memref<16x1024xf32, #tpu.memory_space<hbm>>
      %dma_start3A_265 = arith.constant 0 : i32
      %dma_start3A_266 = arith.constant 0 : i32
      %dma_start3A_267 = tpu.memref_slice %arg4[%dma_start3A_265, %add3A_222, %dma_start3A_266] : memref<16x1024x1024xf32, #tpu.memory_space<hbm>> -> memref<16x1x1024xf32, #tpu.memory_space<hbm>>
      %dma_start3A_268 = tpu.memref_squeeze %dma_start3A_267 : memref<16x1x1024xf32, #tpu.memory_space<hbm>> -> memref<16x1024xf32, #tpu.memory_space<hbm>>
      %dma_start3A_269 = arith.constant 0 : i32
      %dma_start3A_270 = arith.constant 0 : i32
      %dma_start3A_271 = tpu.memref_slice %arg7[%dma_start3A_256, %dma_start3A_269, %dma_start3A_270] : memref<3x16x1024xf32, #tpu.memory_space<vmem>> -> memref<1x16x1024xf32, #tpu.memory_space<vmem>>
      %dma_start3A_272 = tpu.memref_squeeze %dma_start3A_271 : memref<1x16x1024xf32, #tpu.memory_space<vmem>> -> memref<16x1024xf32, #tpu.memory_space<vmem>>
      tpu.enqueue_dma source(%dma_start3A_272 : memref<16x1024xf32, #tpu.memory_space<vmem>>) target(%dma_start3A_268 : memref<16x1024xf32, #tpu.memory_space<hbm>>) target_semaphore(%arg11 : memref<!tpu.dma_semaphore, #tpu.memory_space<semaphore_mem>>)
      %mul3A_273 = arith.constant 3 : i32
      %mul3A_274 = arith.muli %scan3A_217, %mul3A_273 : i32
      %add3A_275 = arith.addi %mul3A_2, %mul3A_274 : i32
      %add3A_276 = arith.constant 1 : i32
      %add3A_277 = arith.addi %add3A_275, %add3A_276 : i32
      %dma_wait3A_278 = arith.constant 1 : i32
      %dma_wait3A_279 = arith.constant 0 : i32
      %dma_wait3A_280 = arith.constant 0 : i32
      %dma_wait3A_281 = tpu.memref_slice %arg6[%dma_wait3A_278, %dma_wait3A_279, %dma_wait3A_280] : memref<3x1x1024xi32, #tpu.memory_space<vmem>> -> memref<1x1x1024xi32, #tpu.memory_space<vmem>>
      %dma_wait3A_282 = tpu.memref_squeeze %dma_wait3A_281 : memref<1x1x1024xi32, #tpu.memory_space<vmem>> -> memref<1024xi32, #tpu.memory_space<vmem>>
      %dma_wait3A_283 = arith.constant 0 : i32
      %dma_wait3A_284 = tpu.memref_slice %arg3[%add3A_277, %dma_wait3A_283] : memref<1024x1024xi32, #tpu.memory_space<hbm>> -> memref<1x1024xi32, #tpu.memory_space<hbm>>
      %dma_wait3A_285 = tpu.memref_squeeze %dma_wait3A_284 : memref<1x1024xi32, #tpu.memory_space<hbm>> -> memref<1024xi32, #tpu.memory_space<hbm>>
      %dma_wait3A_286 = arith.constant 0 : i32
      %dma_wait3A_287 = tpu.memref_slice %arg6[%dma_wait3A_278, %dma_wait3A_279, %dma_wait3A_286] : memref<3x1x1024xi32, #tpu.memory_space<vmem>> -> memref<1x1x1024xi32, #tpu.memory_space<vmem>>
      %dma_wait3A_288 = tpu.memref_squeeze %dma_wait3A_287 : memref<1x1x1024xi32, #tpu.memory_space<vmem>> -> memref<1024xi32, #tpu.memory_space<vmem>>
      %dma_wait3A_289 = arith.constant 0 : i32
      %dma_wait3A_290 = tpu.memref_slice %arg3[%add3A_277, %dma_wait3A_289] : memref<1024x1024xi32, #tpu.memory_space<hbm>> -> memref<1x1024xi32, #tpu.memory_space<hbm>>
      %dma_wait3A_291 = tpu.memref_squeeze %dma_wait3A_290 : memref<1x1024xi32, #tpu.memory_space<hbm>> -> memref<1024xi32, #tpu.memory_space<hbm>>
      tpu.wait_dma2 semaphore(%arg9 : memref<!tpu.dma_semaphore, #tpu.memory_space<semaphore_mem>>) src(%dma_wait3A_291 : memref<1024xi32, #tpu.memory_space<hbm>>) dst(%dma_wait3A_288 : memref<1024xi32, #tpu.memory_space<vmem>>)
      %mul3A_292 = arith.constant 3 : i32
      %mul3A_293 = arith.muli %scan3A_217, %mul3A_292 : i32
      %add3A_294 = arith.constant 1 : i32
      %add3A_295 = arith.addi %mul3A_293, %add3A_294 : i32
      %add3A_296 = arith.constant 2 : i32
      %add3A_297 = arith.addi %add3A_295, %add3A_296 : i32
      %lt3A_298 = arith.constant 32 : i32
      %lt3A_299 = arith.cmpi slt, %add3A_297, %lt3A_298 : i32
      %convert_element_type3A_300 = arith.extui %lt3A_299 : i1 to i32
      %cond3A_301 = arith.constant 0 : i32
      %cond3A_302 = arith.cmpi ne, %convert_element_type3A_300, %cond3A_301 : i32
      scf.if %cond3A_302 {
        %add3A_391 = arith.constant 2 : i32
        %add3A_392 = arith.addi %add3A_277, %add3A_391 : i32
        %dma_start3A_393 = arith.constant 0 : i32
        %dma_start3A_394 = arith.constant 0 : i32
        %dma_start3A_395 = arith.constant 0 : i32
        %dma_start3A_396 = tpu.memref_slice %arg6[%dma_start3A_393, %dma_start3A_394, %dma_start3A_395] : memref<3x1x1024xi32, #tpu.memory_space<vmem>> -> memref<1x1x1024xi32, #tpu.memory_space<vmem>>
        %dma_start3A_397 = tpu.memref_squeeze %dma_start3A_396 : memref<1x1x1024xi32, #tpu.memory_space<vmem>> -> memref<1024xi32, #tpu.memory_space<vmem>>
        %dma_start3A_398 = arith.constant 0 : i32
        %dma_start3A_399 = tpu.memref_slice %arg3[%add3A_392, %dma_start3A_398] : memref<1024x1024xi32, #tpu.memory_space<hbm>> -> memref<1x1024xi32, #tpu.memory_space<hbm>>
        %dma_start3A_400 = tpu.memref_squeeze %dma_start3A_399 : memref<1x1024xi32, #tpu.memory_space<hbm>> -> memref<1024xi32, #tpu.memory_space<hbm>>
        %dma_start3A_401 = arith.constant 0 : i32
        %dma_start3A_402 = tpu.memref_slice %arg6[%dma_start3A_393, %dma_start3A_394, %dma_start3A_401] : memref<3x1x1024xi32, #tpu.memory_space<vmem>> -> memref<1x1x1024xi32, #tpu.memory_space<vmem>>
        %dma_start3A_403 = tpu.memref_squeeze %dma_start3A_402 : memref<1x1x1024xi32, #tpu.memory_space<vmem>> -> memref<1024xi32, #tpu.memory_space<vmem>>
        %dma_start3A_404 = arith.constant 0 : i32
        %dma_start3A_405 = tpu.memref_slice %arg3[%add3A_392, %dma_start3A_404] : memref<1024x1024xi32, #tpu.memory_space<hbm>> -> memref<1x1024xi32, #tpu.memory_space<hbm>>
        %dma_start3A_406 = tpu.memref_squeeze %dma_start3A_405 : memref<1x1024xi32, #tpu.memory_space<hbm>> -> memref<1024xi32, #tpu.memory_space<hbm>>
        tpu.enqueue_dma source(%dma_start3A_406 : memref<1024xi32, #tpu.memory_space<hbm>>) target(%dma_start3A_403 : memref<1024xi32, #tpu.memory_space<vmem>>) target_semaphore(%arg8 : memref<!tpu.dma_semaphore, #tpu.memory_space<semaphore_mem>>)
      } else {
      }
      %mul3A_303 = arith.constant 3 : i32
      %mul3A_304 = arith.muli %scan3A_217, %mul3A_303 : i32
      %add3A_305 = arith.constant 1 : i32
      %add3A_306 = arith.addi %mul3A_304, %add3A_305 : i32
      %ge3A_307 = arith.constant 3 : i32
      %ge3A_308 = arith.cmpi sge, %add3A_306, %ge3A_307 : i32
      %convert_element_type3A_309 = arith.extui %ge3A_308 : i1 to i32
      %cond3A_310 = arith.constant 0 : i32
      %cond3A_311 = arith.cmpi ne, %convert_element_type3A_309, %cond3A_310 : i32
      scf.if %cond3A_311 {
        %sub3A_391 = arith.constant 3 : i32
        %sub3A_392 = arith.subi %add3A_277, %sub3A_391 : i32
        %dma_wait3A_393 = arith.constant 1 : i32
        %dma_wait3A_394 = arith.constant 0 : i32
        %dma_wait3A_395 = arith.constant 0 : i32
        %dma_wait3A_396 = tpu.memref_slice %arg7[%dma_wait3A_393, %dma_wait3A_394, %dma_wait3A_395] : memref<3x16x1024xf32, #tpu.memory_space<vmem>> -> memref<1x16x1024xf32, #tpu.memory_space<vmem>>
        %dma_wait3A_397 = tpu.memref_squeeze %dma_wait3A_396 : memref<1x16x1024xf32, #tpu.memory_space<vmem>> -> memref<16x1024xf32, #tpu.memory_space<vmem>>
        %dma_wait3A_398 = arith.constant 0 : i32
        %dma_wait3A_399 = arith.constant 0 : i32
        %dma_wait3A_400 = tpu.memref_slice %arg4[%dma_wait3A_398, %sub3A_392, %dma_wait3A_399] : memref<16x1024x1024xf32, #tpu.memory_space<hbm>> -> memref<16x1x1024xf32, #tpu.memory_space<hbm>>
        %dma_wait3A_401 = tpu.memref_squeeze %dma_wait3A_400 : memref<16x1x1024xf32, #tpu.memory_space<hbm>> -> memref<16x1024xf32, #tpu.memory_space<hbm>>
        %dma_wait3A_402 = arith.constant 0 : i32
        %dma_wait3A_403 = arith.constant 0 : i32
        %dma_wait3A_404 = tpu.memref_slice %arg4[%dma_wait3A_402, %sub3A_392, %dma_wait3A_403] : memref<16x1024x1024xf32, #tpu.memory_space<hbm>> -> memref<16x1x1024xf32, #tpu.memory_space<hbm>>
        %dma_wait3A_405 = tpu.memref_squeeze %dma_wait3A_404 : memref<16x1x1024xf32, #tpu.memory_space<hbm>> -> memref<16x1024xf32, #tpu.memory_space<hbm>>
        %dma_wait3A_406 = arith.constant 0 : i32
        %dma_wait3A_407 = arith.constant 0 : i32
        %dma_wait3A_408 = tpu.memref_slice %arg7[%dma_wait3A_393, %dma_wait3A_406, %dma_wait3A_407] : memref<3x16x1024xf32, #tpu.memory_space<vmem>> -> memref<1x16x1024xf32, #tpu.memory_space<vmem>>
        %dma_wait3A_409 = tpu.memref_squeeze %dma_wait3A_408 : memref<1x16x1024xf32, #tpu.memory_space<vmem>> -> memref<16x1024xf32, #tpu.memory_space<vmem>>
        tpu.wait_dma2 semaphore(%arg12 : memref<!tpu.dma_semaphore, #tpu.memory_space<semaphore_mem>>) src(%dma_wait3A_409 : memref<16x1024xf32, #tpu.memory_space<vmem>>) dst(%dma_wait3A_405 : memref<16x1024xf32, #tpu.memory_space<hbm>>)
      } else {
      }
      %parallel_loop3A_312 = arith.constant 0 : i32
      %parallel_loop3A_313 = arith.constant 64 : i32
      %parallel_loop3A_314 = arith.constant 1 : i32
      scf.for %parallel_loop3A_391 = %parallel_loop3A_312 to %parallel_loop3A_313 step %parallel_loop3A_314  : i32 {
        %parallel_loop3A_392 = arith.constant 16 : i32
        %parallel_loop3A_393 = arith.muli %parallel_loop3A_391, %parallel_loop3A_392 : i32
        %parallel_loop3A_394 = arith.constant 1 : i32
        %parallel_loop3A_395 = arith.constant 0 : i32
        %parallel_loop3A_396 = arith.index_cast %parallel_loop3A_394 : i32 to index
        %parallel_loop3A_397 = arith.index_cast %parallel_loop3A_395 : i32 to index
        %parallel_loop3A_398 = arith.index_cast %parallel_loop3A_393 : i32 to index
        %parallel_loop3A_399 = tpu.vector_load %arg6[%parallel_loop3A_396, %parallel_loop3A_397, %parallel_loop3A_398] {strides = array<i32>} : memref<3x1x1024xi32, #tpu.memory_space<vmem>>, vector<16xi32>,
        %parallel_loop3A_400 = arith.constant 0 : i32
        %parallel_loop3A_401 = vector.broadcast %parallel_loop3A_400 : i32 to vector<16xi32>
        %parallel_loop3A_402 = tpu.vector_load_idx %arg5[%parallel_loop3A_401, %parallel_loop3A_399] : memref<16x3969xf32, #tpu.memory_space<vmem>>[vector<16xi32>, vector<16xi32>], vector<16xf32>,
        %parallel_loop3A_403 = arith.constant 16 : i32
        %parallel_loop3A_404 = arith.muli %parallel_loop3A_391, %parallel_loop3A_403 : i32
        %parallel_loop3A_405 = arith.constant 1 : i32
        %parallel_loop3A_406 = arith.constant 0 : i32
        %parallel_loop3A_407 = arith.index_cast %parallel_loop3A_405 : i32 to index
        %parallel_loop3A_408 = arith.index_cast %parallel_loop3A_406 : i32 to index
        %parallel_loop3A_409 = arith.index_cast %parallel_loop3A_404 : i32 to index
        %parallel_loop3A_410 = tpu.vector_load %arg7[%parallel_loop3A_407, %parallel_loop3A_408, %parallel_loop3A_409] {strides = array<i32>} : memref<3x16x1024xf32, #tpu.memory_space<vmem>>, vector<16xf32>,
        tpu.vector_store %arg7[%parallel_loop3A_407, %parallel_loop3A_408, %parallel_loop3A_409], %parallel_loop3A_402 {strides = array<i32>} : memref<3x16x1024xf32, #tpu.memory_space<vmem>>, vector<16xf32>,
        %parallel_loop3A_411 = arith.constant 1 : i32
        %parallel_loop3A_412 = vector.broadcast %parallel_loop3A_411 : i32 to vector<16xi32>
        %parallel_loop3A_413 = tpu.vector_load_idx %arg5[%parallel_loop3A_412, %parallel_loop3A_399] : memref<16x3969xf32, #tpu.memory_space<vmem>>[vector<16xi32>, vector<16xi32>], vector<16xf32>,
        %parallel_loop3A_414 = arith.constant 16 : i32
        %parallel_loop3A_415 = arith.muli %parallel_loop3A_391, %parallel_loop3A_414 : i32
        %parallel_loop3A_416 = arith.constant 1 : i32
        %parallel_loop3A_417 = arith.constant 1 : i32
        %parallel_loop3A_418 = arith.index_cast %parallel_loop3A_416 : i32 to index
        %parallel_loop3A_419 = arith.index_cast %parallel_loop3A_417 : i32 to index
        %parallel_loop3A_420 = arith.index_cast %parallel_loop3A_415 : i32 to index
        %parallel_loop3A_421 = tpu.vector_load %arg7[%parallel_loop3A_418, %parallel_loop3A_419, %parallel_loop3A_420] {strides = array<i32>} : memref<3x16x1024xf32, #tpu.memory_space<vmem>>, vector<16xf32>,
        tpu.vector_store %arg7[%parallel_loop3A_418, %parallel_loop3A_419, %parallel_loop3A_420], %parallel_loop3A_413 {strides = array<i32>} : memref<3x16x1024xf32, #tpu.memory_space<vmem>>, vector<16xf32>,
        %parallel_loop3A_422 = arith.constant 2 : i32
        %parallel_loop3A_423 = vector.broadcast %parallel_loop3A_422 : i32 to vector<16xi32>
        %parallel_loop3A_424 = tpu.vector_load_idx %arg5[%parallel_loop3A_423, %parallel_loop3A_399] : memref<16x3969xf32, #tpu.memory_space<vmem>>[vector<16xi32>, vector<16xi32>], vector<16xf32>,
        %parallel_loop3A_425 = arith.constant 16 : i32
        %parallel_loop3A_426 = arith.muli %parallel_loop3A_391, %parallel_loop3A_425 : i32
        %parallel_loop3A_427 = arith.constant 1 : i32
        %parallel_loop3A_428 = arith.constant 2 : i32
        %parallel_loop3A_429 = arith.index_cast %parallel_loop3A_427 : i32 to index
        %parallel_loop3A_430 = arith.index_cast %parallel_loop3A_428 : i32 to index
        %parallel_loop3A_431 = arith.index_cast %parallel_loop3A_426 : i32 to index
        %parallel_loop3A_432 = tpu.vector_load %arg7[%parallel_loop3A_429, %parallel_loop3A_430, %parallel_loop3A_431] {strides = array<i32>} : memref<3x16x1024xf32, #tpu.memory_space<vmem>>, vector<16xf32>,
        tpu.vector_store %arg7[%parallel_loop3A_429, %parallel_loop3A_430, %parallel_loop3A_431], %parallel_loop3A_424 {strides = array<i32>} : memref<3x16x1024xf32, #tpu.memory_space<vmem>>, vector<16xf32>,
        %parallel_loop3A_433 = arith.constant 3 : i32
        %parallel_loop3A_434 = vector.broadcast %parallel_loop3A_433 : i32 to vector<16xi32>
        %parallel_loop3A_435 = tpu.vector_load_idx %arg5[%parallel_loop3A_434, %parallel_loop3A_399] : memref<16x3969xf32, #tpu.memory_space<vmem>>[vector<16xi32>, vector<16xi32>], vector<16xf32>,
        %parallel_loop3A_436 = arith.constant 16 : i32
        %parallel_loop3A_437 = arith.muli %parallel_loop3A_391, %parallel_loop3A_436 : i32
        %parallel_loop3A_438 = arith.constant 1 : i32
        %parallel_loop3A_439 = arith.constant 3 : i32
        %parallel_loop3A_440 = arith.index_cast %parallel_loop3A_438 : i32 to index
        %parallel_loop3A_441 = arith.index_cast %parallel_loop3A_439 : i32 to index
        %parallel_loop3A_442 = arith.index_cast %parallel_loop3A_437 : i32 to index
        %parallel_loop3A_443 = tpu.vector_load %arg7[%parallel_loop3A_440, %parallel_loop3A_441, %parallel_loop3A_442] {strides = array<i32>} : memref<3x16x1024xf32, #tpu.memory_space<vmem>>, vector<16xf32>,
        tpu.vector_store %arg7[%parallel_loop3A_440, %parallel_loop3A_441, %parallel_loop3A_442], %parallel_loop3A_435 {strides = array<i32>} : memref<3x16x1024xf32, #tpu.memory_space<vmem>>, vector<16xf32>,
        %parallel_loop3A_444 = arith.constant 4 : i32
        %parallel_loop3A_445 = vector.broadcast %parallel_loop3A_444 : i32 to vector<16xi32>
        %parallel_loop3A_446 = tpu.vector_load_idx %arg5[%parallel_loop3A_445, %parallel_loop3A_399] : memref<16x3969xf32, #tpu.memory_space<vmem>>[vector<16xi32>, vector<16xi32>], vector<16xf32>,
        %parallel_loop3A_447 = arith.constant 16 : i32
        %parallel_loop3A_448 = arith.muli %parallel_loop3A_391, %parallel_loop3A_447 : i32
        %parallel_loop3A_449 = arith.constant 1 : i32
        %parallel_loop3A_450 = arith.constant 4 : i32
        %parallel_loop3A_451 = arith.index_cast %parallel_loop3A_449 : i32 to index
        %parallel_loop3A_452 = arith.index_cast %parallel_loop3A_450 : i32 to index
        %parallel_loop3A_453 = arith.index_cast %parallel_loop3A_448 : i32 to index
        %parallel_loop3A_454 = tpu.vector_load %arg7[%parallel_loop3A_451, %parallel_loop3A_452, %parallel_loop3A_453] {strides = array<i32>} : memref<3x16x1024xf32, #tpu.memory_space<vmem>>, vector<16xf32>,
        tpu.vector_store %arg7[%parallel_loop3A_451, %parallel_loop3A_452, %parallel_loop3A_453], %parallel_loop3A_446 {strides = array<i32>} : memref<3x16x1024xf32, #tpu.memory_space<vmem>>, vector<16xf32>,
        %parallel_loop3A_455 = arith.constant 5 : i32
        %parallel_loop3A_456 = vector.broadcast %parallel_loop3A_455 : i32 to vector<16xi32>
        %parallel_loop3A_457 = tpu.vector_load_idx %arg5[%parallel_loop3A_456, %parallel_loop3A_399] : memref<16x3969xf32, #tpu.memory_space<vmem>>[vector<16xi32>, vector<16xi32>], vector<16xf32>,
        %parallel_loop3A_458 = arith.constant 16 : i32
        %parallel_loop3A_459 = arith.muli %parallel_loop3A_391, %parallel_loop3A_458 : i32
        %parallel_loop3A_460 = arith.constant 1 : i32
        %parallel_loop3A_461 = arith.constant 5 : i32
        %parallel_loop3A_462 = arith.index_cast %parallel_loop3A_460 : i32 to index
        %parallel_loop3A_463 = arith.index_cast %parallel_loop3A_461 : i32 to index
        %parallel_loop3A_464 = arith.index_cast %parallel_loop3A_459 : i32 to index
        %parallel_loop3A_465 = tpu.vector_load %arg7[%parallel_loop3A_462, %parallel_loop3A_463, %parallel_loop3A_464] {strides = array<i32>} : memref<3x16x1024xf32, #tpu.memory_space<vmem>>, vector<16xf32>,
        tpu.vector_store %arg7[%parallel_loop3A_462, %parallel_loop3A_463, %parallel_loop3A_464], %parallel_loop3A_457 {strides = array<i32>} : memref<3x16x1024xf32, #tpu.memory_space<vmem>>, vector<16xf32>,
        %parallel_loop3A_466 = arith.constant 6 : i32
        %parallel_loop3A_467 = vector.broadcast %parallel_loop3A_466 : i32 to vector<16xi32>
        %parallel_loop3A_468 = tpu.vector_load_idx %arg5[%parallel_loop3A_467, %parallel_loop3A_399] : memref<16x3969xf32, #tpu.memory_space<vmem>>[vector<16xi32>, vector<16xi32>], vector<16xf32>,
        %parallel_loop3A_469 = arith.constant 16 : i32
        %parallel_loop3A_470 = arith.muli %parallel_loop3A_391, %parallel_loop3A_469 : i32
        %parallel_loop3A_471 = arith.constant 1 : i32
        %parallel_loop3A_472 = arith.constant 6 : i32
        %parallel_loop3A_473 = arith.index_cast %parallel_loop3A_471 : i32 to index
        %parallel_loop3A_474 = arith.index_cast %parallel_loop3A_472 : i32 to index
        %parallel_loop3A_475 = arith.index_cast %parallel_loop3A_470 : i32 to index
        %parallel_loop3A_476 = tpu.vector_load %arg7[%parallel_loop3A_473, %parallel_loop3A_474, %parallel_loop3A_475] {strides = array<i32>} : memref<3x16x1024xf32, #tpu.memory_space<vmem>>, vector<16xf32>,
        tpu.vector_store %arg7[%parallel_loop3A_473, %parallel_loop3A_474, %parallel_loop3A_475], %parallel_loop3A_468 {strides = array<i32>} : memref<3x16x1024xf32, #tpu.memory_space<vmem>>, vector<16xf32>,
        %parallel_loop3A_477 = arith.constant 7 : i32
        %parallel_loop3A_478 = vector.broadcast %parallel_loop3A_477 : i32 to vector<16xi32>
        %parallel_loop3A_479 = tpu.vector_load_idx %arg5[%parallel_loop3A_478, %parallel_loop3A_399] : memref<16x3969xf32, #tpu.memory_space<vmem>>[vector<16xi32>, vector<16xi32>], vector<16xf32>,
        %parallel_loop3A_480 = arith.constant 16 : i32
        %parallel_loop3A_481 = arith.muli %parallel_loop3A_391, %parallel_loop3A_480 : i32
        %parallel_loop3A_482 = arith.constant 1 : i32
        %parallel_loop3A_483 = arith.constant 7 : i32
        %parallel_loop3A_484 = arith.index_cast %parallel_loop3A_482 : i32 to index
        %parallel_loop3A_485 = arith.index_cast %parallel_loop3A_483 : i32 to index
        %parallel_loop3A_486 = arith.index_cast %parallel_loop3A_481 : i32 to index
        %parallel_loop3A_487 = tpu.vector_load %arg7[%parallel_loop3A_484, %parallel_loop3A_485, %parallel_loop3A_486] {strides = array<i32>} : memref<3x16x1024xf32, #tpu.memory_space<vmem>>, vector<16xf32>,
        tpu.vector_store %arg7[%parallel_loop3A_484, %parallel_loop3A_485, %parallel_loop3A_486], %parallel_loop3A_479 {strides = array<i32>} : memref<3x16x1024xf32, #tpu.memory_space<vmem>>, vector<16xf32>,
        %parallel_loop3A_488 = arith.constant 8 : i32
        %parallel_loop3A_489 = vector.broadcast %parallel_loop3A_488 : i32 to vector<16xi32>
        %parallel_loop3A_490 = tpu.vector_load_idx %arg5[%parallel_loop3A_489, %parallel_loop3A_399] : memref<16x3969xf32, #tpu.memory_space<vmem>>[vector<16xi32>, vector<16xi32>], vector<16xf32>,
        %parallel_loop3A_491 = arith.constant 16 : i32
        %parallel_loop3A_492 = arith.muli %parallel_loop3A_391, %parallel_loop3A_491 : i32
        %parallel_loop3A_493 = arith.constant 1 : i32
        %parallel_loop3A_494 = arith.constant 8 : i32
        %parallel_loop3A_495 = arith.index_cast %parallel_loop3A_493 : i32 to index
        %parallel_loop3A_496 = arith.index_cast %parallel_loop3A_494 : i32 to index
        %parallel_loop3A_497 = arith.index_cast %parallel_loop3A_492 : i32 to index
        %parallel_loop3A_498 = tpu.vector_load %arg7[%parallel_loop3A_495, %parallel_loop3A_496, %parallel_loop3A_497] {strides = array<i32>} : memref<3x16x1024xf32, #tpu.memory_space<vmem>>, vector<16xf32>,
        tpu.vector_store %arg7[%parallel_loop3A_495, %parallel_loop3A_496, %parallel_loop3A_497], %parallel_loop3A_490 {strides = array<i32>} : memref<3x16x1024xf32, #tpu.memory_space<vmem>>, vector<16xf32>,
        %parallel_loop3A_499 = arith.constant 9 : i32
        %parallel_loop3A_500 = vector.broadcast %parallel_loop3A_499 : i32 to vector<16xi32>
        %parallel_loop3A_501 = tpu.vector_load_idx %arg5[%parallel_loop3A_500, %parallel_loop3A_399] : memref<16x3969xf32, #tpu.memory_space<vmem>>[vector<16xi32>, vector<16xi32>], vector<16xf32>,
        %parallel_loop3A_502 = arith.constant 16 : i32
        %parallel_loop3A_503 = arith.muli %parallel_loop3A_391, %parallel_loop3A_502 : i32
        %parallel_loop3A_504 = arith.constant 1 : i32
        %parallel_loop3A_505 = arith.constant 9 : i32
        %parallel_loop3A_506 = arith.index_cast %parallel_loop3A_504 : i32 to index
        %parallel_loop3A_507 = arith.index_cast %parallel_loop3A_505 : i32 to index
        %parallel_loop3A_508 = arith.index_cast %parallel_loop3A_503 : i32 to index
        %parallel_loop3A_509 = tpu.vector_load %arg7[%parallel_loop3A_506, %parallel_loop3A_507, %parallel_loop3A_508] {strides = array<i32>} : memref<3x16x1024xf32, #tpu.memory_space<vmem>>, vector<16xf32>,
        tpu.vector_store %arg7[%parallel_loop3A_506, %parallel_loop3A_507, %parallel_loop3A_508], %parallel_loop3A_501 {strides = array<i32>} : memref<3x16x1024xf32, #tpu.memory_space<vmem>>, vector<16xf32>,
        %parallel_loop3A_510 = arith.constant 10 : i32
        %parallel_loop3A_511 = vector.broadcast %parallel_loop3A_510 : i32 to vector<16xi32>
        %parallel_loop3A_512 = tpu.vector_load_idx %arg5[%parallel_loop3A_511, %parallel_loop3A_399] : memref<16x3969xf32, #tpu.memory_space<vmem>>[vector<16xi32>, vector<16xi32>], vector<16xf32>,
        %parallel_loop3A_513 = arith.constant 16 : i32
        %parallel_loop3A_514 = arith.muli %parallel_loop3A_391, %parallel_loop3A_513 : i32
        %parallel_loop3A_515 = arith.constant 1 : i32
        %parallel_loop3A_516 = arith.constant 10 : i32
        %parallel_loop3A_517 = arith.index_cast %parallel_loop3A_515 : i32 to index
        %parallel_loop3A_518 = arith.index_cast %parallel_loop3A_516 : i32 to index
        %parallel_loop3A_519 = arith.index_cast %parallel_loop3A_514 : i32 to index
        %parallel_loop3A_520 = tpu.vector_load %arg7[%parallel_loop3A_517, %parallel_loop3A_518, %parallel_loop3A_519] {strides = array<i32>} : memref<3x16x1024xf32, #tpu.memory_space<vmem>>, vector<16xf32>,
        tpu.vector_store %arg7[%parallel_loop3A_517, %parallel_loop3A_518, %parallel_loop3A_519], %parallel_loop3A_512 {strides = array<i32>} : memref<3x16x1024xf32, #tpu.memory_space<vmem>>, vector<16xf32>,
        %parallel_loop3A_521 = arith.constant 11 : i32
        %parallel_loop3A_522 = vector.broadcast %parallel_loop3A_521 : i32 to vector<16xi32>
        %parallel_loop3A_523 = tpu.vector_load_idx %arg5[%parallel_loop3A_522, %parallel_loop3A_399] : memref<16x3969xf32, #tpu.memory_space<vmem>>[vector<16xi32>, vector<16xi32>], vector<16xf32>,
        %parallel_loop3A_524 = arith.constant 16 : i32
        %parallel_loop3A_525 = arith.muli %parallel_loop3A_391, %parallel_loop3A_524 : i32
        %parallel_loop3A_526 = arith.constant 1 : i32
        %parallel_loop3A_527 = arith.constant 11 : i32
        %parallel_loop3A_528 = arith.index_cast %parallel_loop3A_526 : i32 to index
        %parallel_loop3A_529 = arith.index_cast %parallel_loop3A_527 : i32 to index
        %parallel_loop3A_530 = arith.index_cast %parallel_loop3A_525 : i32 to index
        %parallel_loop3A_531 = tpu.vector_load %arg7[%parallel_loop3A_528, %parallel_loop3A_529, %parallel_loop3A_530] {strides = array<i32>} : memref<3x16x1024xf32, #tpu.memory_space<vmem>>, vector<16xf32>,
        tpu.vector_store %arg7[%parallel_loop3A_528, %parallel_loop3A_529, %parallel_loop3A_530], %parallel_loop3A_523 {strides = array<i32>} : memref<3x16x1024xf32, #tpu.memory_space<vmem>>, vector<16xf32>,
        %parallel_loop3A_532 = arith.constant 12 : i32
        %parallel_loop3A_533 = vector.broadcast %parallel_loop3A_532 : i32 to vector<16xi32>
        %parallel_loop3A_534 = tpu.vector_load_idx %arg5[%parallel_loop3A_533, %parallel_loop3A_399] : memref<16x3969xf32, #tpu.memory_space<vmem>>[vector<16xi32>, vector<16xi32>], vector<16xf32>,
        %parallel_loop3A_535 = arith.constant 16 : i32
        %parallel_loop3A_536 = arith.muli %parallel_loop3A_391, %parallel_loop3A_535 : i32
        %parallel_loop3A_537 = arith.constant 1 : i32
        %parallel_loop3A_538 = arith.constant 12 : i32
        %parallel_loop3A_539 = arith.index_cast %parallel_loop3A_537 : i32 to index
        %parallel_loop3A_540 = arith.index_cast %parallel_loop3A_538 : i32 to index
        %parallel_loop3A_541 = arith.index_cast %parallel_loop3A_536 : i32 to index
        %parallel_loop3A_542 = tpu.vector_load %arg7[%parallel_loop3A_539, %parallel_loop3A_540, %parallel_loop3A_541] {strides = array<i32>} : memref<3x16x1024xf32, #tpu.memory_space<vmem>>, vector<16xf32>,
        tpu.vector_store %arg7[%parallel_loop3A_539, %parallel_loop3A_540, %parallel_loop3A_541], %parallel_loop3A_534 {strides = array<i32>} : memref<3x16x1024xf32, #tpu.memory_space<vmem>>, vector<16xf32>,
        %parallel_loop3A_543 = arith.constant 13 : i32
        %parallel_loop3A_544 = vector.broadcast %parallel_loop3A_543 : i32 to vector<16xi32>
        %parallel_loop3A_545 = tpu.vector_load_idx %arg5[%parallel_loop3A_544, %parallel_loop3A_399] : memref<16x3969xf32, #tpu.memory_space<vmem>>[vector<16xi32>, vector<16xi32>], vector<16xf32>,
        %parallel_loop3A_546 = arith.constant 16 : i32
        %parallel_loop3A_547 = arith.muli %parallel_loop3A_391, %parallel_loop3A_546 : i32
        %parallel_loop3A_548 = arith.constant 1 : i32
        %parallel_loop3A_549 = arith.constant 13 : i32
        %parallel_loop3A_550 = arith.index_cast %parallel_loop3A_548 : i32 to index
        %parallel_loop3A_551 = arith.index_cast %parallel_loop3A_549 : i32 to index
        %parallel_loop3A_552 = arith.index_cast %parallel_loop3A_547 : i32 to index
        %parallel_loop3A_553 = tpu.vector_load %arg7[%parallel_loop3A_550, %parallel_loop3A_551, %parallel_loop3A_552] {strides = array<i32>} : memref<3x16x1024xf32, #tpu.memory_space<vmem>>, vector<16xf32>,
        tpu.vector_store %arg7[%parallel_loop3A_550, %parallel_loop3A_551, %parallel_loop3A_552], %parallel_loop3A_545 {strides = array<i32>} : memref<3x16x1024xf32, #tpu.memory_space<vmem>>, vector<16xf32>,
        %parallel_loop3A_554 = arith.constant 14 : i32
        %parallel_loop3A_555 = vector.broadcast %parallel_loop3A_554 : i32 to vector<16xi32>
        %parallel_loop3A_556 = tpu.vector_load_idx %arg5[%parallel_loop3A_555, %parallel_loop3A_399] : memref<16x3969xf32, #tpu.memory_space<vmem>>[vector<16xi32>, vector<16xi32>], vector<16xf32>,
        %parallel_loop3A_557 = arith.constant 16 : i32
        %parallel_loop3A_558 = arith.muli %parallel_loop3A_391, %parallel_loop3A_557 : i32
        %parallel_loop3A_559 = arith.constant 1 : i32
        %parallel_loop3A_560 = arith.constant 14 : i32
        %parallel_loop3A_561 = arith.index_cast %parallel_loop3A_559 : i32 to index
        %parallel_loop3A_562 = arith.index_cast %parallel_loop3A_560 : i32 to index
        %parallel_loop3A_563 = arith.index_cast %parallel_loop3A_558 : i32 to index
        %parallel_loop3A_564 = tpu.vector_load %arg7[%parallel_loop3A_561, %parallel_loop3A_562, %parallel_loop3A_563] {strides = array<i32>} : memref<3x16x1024xf32, #tpu.memory_space<vmem>>, vector<16xf32>,
        tpu.vector_store %arg7[%parallel_loop3A_561, %parallel_loop3A_562, %parallel_loop3A_563], %parallel_loop3A_556 {strides = array<i32>} : memref<3x16x1024xf32, #tpu.memory_space<vmem>>, vector<16xf32>,
        %parallel_loop3A_565 = arith.constant 15 : i32
        %parallel_loop3A_566 = vector.broadcast %parallel_loop3A_565 : i32 to vector<16xi32>
        %parallel_loop3A_567 = tpu.vector_load_idx %arg5[%parallel_loop3A_566, %parallel_loop3A_399] : memref<16x3969xf32, #tpu.memory_space<vmem>>[vector<16xi32>, vector<16xi32>], vector<16xf32>,
        %parallel_loop3A_568 = arith.constant 16 : i32
        %parallel_loop3A_569 = arith.muli %parallel_loop3A_391, %parallel_loop3A_568 : i32
        %parallel_loop3A_570 = arith.constant 1 : i32
        %parallel_loop3A_571 = arith.constant 15 : i32
        %parallel_loop3A_572 = arith.index_cast %parallel_loop3A_570 : i32 to index
        %parallel_loop3A_573 = arith.index_cast %parallel_loop3A_571 : i32 to index
        %parallel_loop3A_574 = arith.index_cast %parallel_loop3A_569 : i32 to index
        %parallel_loop3A_575 = tpu.vector_load %arg7[%parallel_loop3A_572, %parallel_loop3A_573, %parallel_loop3A_574] {strides = array<i32>} : memref<3x16x1024xf32, #tpu.memory_space<vmem>>, vector<16xf32>,
        tpu.vector_store %arg7[%parallel_loop3A_572, %parallel_loop3A_573, %parallel_loop3A_574], %parallel_loop3A_567 {strides = array<i32>} : memref<3x16x1024xf32, #tpu.memory_space<vmem>>, vector<16xf32>,
      } {sc.loop_unroll_factor = 1 : i64, sc.parallel_access}
      %dma_start3A_315 = arith.constant 1 : i32
      %dma_start3A_316 = arith.constant 0 : i32
      %dma_start3A_317 = arith.constant 0 : i32
      %dma_start3A_318 = tpu.memref_slice %arg7[%dma_start3A_315, %dma_start3A_316, %dma_start3A_317] : memref<3x16x1024xf32, #tpu.memory_space<vmem>> -> memref<1x16x1024xf32, #tpu.memory_space<vmem>>
      %dma_start3A_319 = tpu.memref_squeeze %dma_start3A_318 : memref<1x16x1024xf32, #tpu.memory_space<vmem>> -> memref<16x1024xf32, #tpu.memory_space<vmem>>
      %dma_start3A_320 = arith.constant 0 : i32
      %dma_start3A_321 = arith.constant 0 : i32
      %dma_start3A_322 = tpu.memref_slice %arg4[%dma_start3A_320, %add3A_277, %dma_start3A_321] : memref<16x1024x1024xf32, #tpu.memory_space<hbm>> -> memref<16x1x1024xf32, #tpu.memory_space<hbm>>
      %dma_start3A_323 = tpu.memref_squeeze %dma_start3A_322 : memref<16x1x1024xf32, #tpu.memory_space<hbm>> -> memref<16x1024xf32, #tpu.memory_space<hbm>>
      %dma_start3A_324 = arith.constant 0 : i32
      %dma_start3A_325 = arith.constant 0 : i32
      %dma_start3A_326 = tpu.memref_slice %arg4[%dma_start3A_324, %add3A_277, %dma_start3A_325] : memref<16x1024x1024xf32, #tpu.memory_space<hbm>> -> memref<16x1x1024xf32, #tpu.memory_space<hbm>>
      %dma_start3A_327 = tpu.memref_squeeze %dma_start3A_326 : memref<16x1x1024xf32, #tpu.memory_space<hbm>> -> memref<16x1024xf32, #tpu.memory_space<hbm>>
      %dma_start3A_328 = arith.constant 0 : i32
      %dma_start3A_329 = arith.constant 0 : i32
      %dma_start3A_330 = tpu.memref_slice %arg7[%dma_start3A_315, %dma_start3A_328, %dma_start3A_329] : memref<3x16x1024xf32, #tpu.memory_space<vmem>> -> memref<1x16x1024xf32, #tpu.memory_space<vmem>>
      %dma_start3A_331 = tpu.memref_squeeze %dma_start3A_330 : memref<1x16x1024xf32, #tpu.memory_space<vmem>> -> memref<16x1024xf32, #tpu.memory_space<vmem>>
      tpu.enqueue_dma source(%dma_start3A_331 : memref<16x1024xf32, #tpu.memory_space<vmem>>) target(%dma_start3A_327 : memref<16x1024xf32, #tpu.memory_space<hbm>>) target_semaphore(%arg12 : memref<!tpu.dma_semaphore, #tpu.memory_space<semaphore_mem>>)
      %mul3A_332 = arith.constant 3 : i32
      %mul3A_333 = arith.muli %scan3A_217, %mul3A_332 : i32
      %add3A_334 = arith.addi %mul3A_2, %mul3A_333 : i32
      %add3A_335 = arith.constant 2 : i32
      %add3A_336 = arith.addi %add3A_334, %add3A_335 : i32
      %dma_wait3A_337 = arith.constant 2 : i32
      %dma_wait3A_338 = arith.constant 0 : i32
      %dma_wait3A_339 = arith.constant 0 : i32
      %dma_wait3A_340 = tpu.memref_slice %arg6[%dma_wait3A_337, %dma_wait3A_338, %dma_wait3A_339] : memref<3x1x1024xi32, #tpu.memory_space<vmem>> -> memref<1x1x1024xi32, #tpu.memory_space<vmem>>
      %dma_wait3A_341 = tpu.memref_squeeze %dma_wait3A_340 : memref<1x1x1024xi32, #tpu.memory_space<vmem>> -> memref<1024xi32, #tpu.memory_space<vmem>>
      %dma_wait3A_342 = arith.constant 0 : i32
      %dma_wait3A_343 = tpu.memref_slice %arg3[%add3A_336, %dma_wait3A_342] : memref<1024x1024xi32, #tpu.memory_space<hbm>> -> memref<1x1024xi32, #tpu.memory_space<hbm>>
      %dma_wait3A_344 = tpu.memref_squeeze %dma_wait3A_343 : memref<1x1024xi32, #tpu.memory_space<hbm>> -> memref<1024xi32, #tpu.memory_space<hbm>>
      %dma_wait3A_345 = arith.constant 0 : i32
      %dma_wait3A_346 = tpu.memref_slice %arg6[%dma_wait3A_337, %dma_wait3A_338, %dma_wait3A_345] : memref<3x1x1024xi32, #tpu.memory_space<vmem>> -> memref<1x1x1024xi32, #tpu.memory_space<vmem>>
      %dma_wait3A_347 = tpu.memref_squeeze %dma_wait3A_346 : memref<1x1x1024xi32, #tpu.memory_space<vmem>> -> memref<1024xi32, #tpu.memory_space<vmem>>
      %dma_wait3A_348 = arith.constant 0 : i32
      %dma_wait3A_349 = tpu.memref_slice %arg3[%add3A_336, %dma_wait3A_348] : memref<1024x1024xi32, #tpu.memory_space<hbm>> -> memref<1x1024xi32, #tpu.memory_space<hbm>>
      %dma_wait3A_350 = tpu.memref_squeeze %dma_wait3A_349 : memref<1x1024xi32, #tpu.memory_space<hbm>> -> memref<1024xi32, #tpu.memory_space<hbm>>
      tpu.wait_dma2 semaphore(%arg10 : memref<!tpu.dma_semaphore, #tpu.memory_space<semaphore_mem>>) src(%dma_wait3A_350 : memref<1024xi32, #tpu.memory_space<hbm>>) dst(%dma_wait3A_347 : memref<1024xi32, #tpu.memory_space<vmem>>)
      %mul3A_351 = arith.constant 3 : i32
      %mul3A_352 = arith.muli %scan3A_217, %mul3A_351 : i32
      %add3A_353 = arith.constant 2 : i32
      %add3A_354 = arith.addi %mul3A_352, %add3A_353 : i32
      %add3A_355 = arith.constant 2 : i32
      %add3A_356 = arith.addi %add3A_354, %add3A_355 : i32
      %lt3A_357 = arith.constant 32 : i32
      %lt3A_358 = arith.cmpi slt, %add3A_356, %lt3A_357 : i32
      %convert_element_type3A_359 = arith.extui %lt3A_358 : i1 to i32
      %cond3A_360 = arith.constant 0 : i32
      %cond3A_361 = arith.cmpi ne, %convert_element_type3A_359, %cond3A_360 : i32
      scf.if %cond3A_361 {
        %add3A_391 = arith.constant 2 : i32
        %add3A_392 = arith.addi %add3A_336, %add3A_391 : i32
        %dma_start3A_393 = arith.constant 1 : i32
        %dma_start3A_394 = arith.constant 0 : i32
        %dma_start3A_395 = arith.constant 0 : i32
        %dma_start3A_396 = tpu.memref_slice %arg6[%dma_start3A_393, %dma_start3A_394, %dma_start3A_395] : memref<3x1x1024xi32, #tpu.memory_space<vmem>> -> memref<1x1x1024xi32, #tpu.memory_space<vmem>>
        %dma_start3A_397 = tpu.memref_squeeze %dma_start3A_396 : memref<1x1x1024xi32, #tpu.memory_space<vmem>> -> memref<1024xi32, #tpu.memory_space<vmem>>
        %dma_start3A_398 = arith.constant 0 : i32
        %dma_start3A_399 = tpu.memref_slice %arg3[%add3A_392, %dma_start3A_398] : memref<1024x1024xi32, #tpu.memory_space<hbm>> -> memref<1x1024xi32, #tpu.memory_space<hbm>>
        %dma_start3A_400 = tpu.memref_squeeze %dma_start3A_399 : memref<1x1024xi32, #tpu.memory_space<hbm>> -> memref<1024xi32, #tpu.memory_space<hbm>>
        %dma_start3A_401 = arith.constant 0 : i32
        %dma_start3A_402 = tpu.memref_slice %arg6[%dma_start3A_393, %dma_start3A_394, %dma_start3A_401] : memref<3x1x1024xi32, #tpu.memory_space<vmem>> -> memref<1x1x1024xi32, #tpu.memory_space<vmem>>
        %dma_start3A_403 = tpu.memref_squeeze %dma_start3A_402 : memref<1x1x1024xi32, #tpu.memory_space<vmem>> -> memref<1024xi32, #tpu.memory_space<vmem>>
        %dma_start3A_404 = arith.constant 0 : i32
        %dma_start3A_405 = tpu.memref_slice %arg3[%add3A_392, %dma_start3A_404] : memref<1024x1024xi32, #tpu.memory_space<hbm>> -> memref<1x1024xi32, #tpu.memory_space<hbm>>
        %dma_start3A_406 = tpu.memref_squeeze %dma_start3A_405 : memref<1x1024xi32, #tpu.memory_space<hbm>> -> memref<1024xi32, #tpu.memory_space<hbm>>
        tpu.enqueue_dma source(%dma_start3A_406 : memref<1024xi32, #tpu.memory_space<hbm>>) target(%dma_start3A_403 : memref<1024xi32, #tpu.memory_space<vmem>>) target_semaphore(%arg9 : memref<!tpu.dma_semaphore, #tpu.memory_space<semaphore_mem>>)
      } else {
      }
      %mul3A_362 = arith.constant 3 : i32
      %mul3A_363 = arith.muli %scan3A_217, %mul3A_362 : i32
      %add3A_364 = arith.constant 2 : i32
      %add3A_365 = arith.addi %mul3A_363, %add3A_364 : i32
      %ge3A_366 = arith.constant 3 : i32
      %ge3A_367 = arith.cmpi sge, %add3A_365, %ge3A_366 : i32
      %convert_element_type3A_368 = arith.extui %ge3A_367 : i1 to i32
      %cond3A_369 = arith.constant 0 : i32
      %cond3A_370 = arith.cmpi ne, %convert_element_type3A_368, %cond3A_369 : i32
      scf.if %cond3A_370 {
        %sub3A_391 = arith.constant 3 : i32
        %sub3A_392 = arith.subi %add3A_336, %sub3A_391 : i32
        %dma_wait3A_393 = arith.constant 2 : i32
        %dma_wait3A_394 = arith.constant 0 : i32
        %dma_wait3A_395 = arith.constant 0 : i32
        %dma_wait3A_396 = tpu.memref_slice %arg7[%dma_wait3A_393, %dma_wait3A_394, %dma_wait3A_395] : memref<3x16x1024xf32, #tpu.memory_space<vmem>> -> memref<1x16x1024xf32, #tpu.memory_space<vmem>>
        %dma_wait3A_397 = tpu.memref_squeeze %dma_wait3A_396 : memref<1x16x1024xf32, #tpu.memory_space<vmem>> -> memref<16x1024xf32, #tpu.memory_space<vmem>>
        %dma_wait3A_398 = arith.constant 0 : i32
        %dma_wait3A_399 = arith.constant 0 : i32
        %dma_wait3A_400 = tpu.memref_slice %arg4[%dma_wait3A_398, %sub3A_392, %dma_wait3A_399] : memref<16x1024x1024xf32, #tpu.memory_space<hbm>> -> memref<16x1x1024xf32, #tpu.memory_space<hbm>>
        %dma_wait3A_401 = tpu.memref_squeeze %dma_wait3A_400 : memref<16x1x1024xf32, #tpu.memory_space<hbm>> -> memref<16x1024xf32, #tpu.memory_space<hbm>>
        %dma_wait3A_402 = arith.constant 0 : i32
        %dma_wait3A_403 = arith.constant 0 : i32
        %dma_wait3A_404 = tpu.memref_slice %arg4[%dma_wait3A_402, %sub3A_392, %dma_wait3A_403] : memref<16x1024x1024xf32, #tpu.memory_space<hbm>> -> memref<16x1x1024xf32, #tpu.memory_space<hbm>>
        %dma_wait3A_405 = tpu.memref_squeeze %dma_wait3A_404 : memref<16x1x1024xf32, #tpu.memory_space<hbm>> -> memref<16x1024xf32, #tpu.memory_space<hbm>>
        %dma_wait3A_406 = arith.constant 0 : i32
        %dma_wait3A_407 = arith.constant 0 : i32
        %dma_wait3A_408 = tpu.memref_slice %arg7[%dma_wait3A_393, %dma_wait3A_406, %dma_wait3A_407] : memref<3x16x1024xf32, #tpu.memory_space<vmem>> -> memref<1x16x1024xf32, #tpu.memory_space<vmem>>
        %dma_wait3A_409 = tpu.memref_squeeze %dma_wait3A_408 : memref<1x16x1024xf32, #tpu.memory_space<vmem>> -> memref<16x1024xf32, #tpu.memory_space<vmem>>
        tpu.wait_dma2 semaphore(%arg13 : memref<!tpu.dma_semaphore, #tpu.memory_space<semaphore_mem>>) src(%dma_wait3A_409 : memref<16x1024xf32, #tpu.memory_space<vmem>>) dst(%dma_wait3A_405 : memref<16x1024xf32, #tpu.memory_space<hbm>>)
      } else {
      }
      %parallel_loop3A_371 = arith.constant 0 : i32
      %parallel_loop3A_372 = arith.constant 64 : i32
      %parallel_loop3A_373 = arith.constant 1 : i32
      scf.for %parallel_loop3A_391 = %parallel_loop3A_371 to %parallel_loop3A_372 step %parallel_loop3A_373  : i32 {
        %parallel_loop3A_392 = arith.constant 16 : i32
        %parallel_loop3A_393 = arith.muli %parallel_loop3A_391, %parallel_loop3A_392 : i32
        %parallel_loop3A_394 = arith.constant 2 : i32
        %parallel_loop3A_395 = arith.constant 0 : i32
        %parallel_loop3A_396 = arith.index_cast %parallel_loop3A_394 : i32 to index
        %parallel_loop3A_397 = arith.index_cast %parallel_loop3A_395 : i32 to index
        %parallel_loop3A_398 = arith.index_cast %parallel_loop3A_393 : i32 to index
        %parallel_loop3A_399 = tpu.vector_load %arg6[%parallel_loop3A_396, %parallel_loop3A_397, %parallel_loop3A_398] {strides = array<i32>} : memref<3x1x1024xi32, #tpu.memory_space<vmem>>, vector<16xi32>,
        %parallel_loop3A_400 = arith.constant 0 : i32
        %parallel_loop3A_401 = vector.broadcast %parallel_loop3A_400 : i32 to vector<16xi32>
        %parallel_loop3A_402 = tpu.vector_load_idx %arg5[%parallel_loop3A_401, %parallel_loop3A_399] : memref<16x3969xf32, #tpu.memory_space<vmem>>[vector<16xi32>, vector<16xi32>], vector<16xf32>,
        %parallel_loop3A_403 = arith.constant 16 : i32
        %parallel_loop3A_404 = arith.muli %parallel_loop3A_391, %parallel_loop3A_403 : i32
        %parallel_loop3A_405 = arith.constant 2 : i32
        %parallel_loop3A_406 = arith.constant 0 : i32
        %parallel_loop3A_407 = arith.index_cast %parallel_loop3A_405 : i32 to index
        %parallel_loop3A_408 = arith.index_cast %parallel_loop3A_406 : i32 to index
        %parallel_loop3A_409 = arith.index_cast %parallel_loop3A_404 : i32 to index
        %parallel_loop3A_410 = tpu.vector_load %arg7[%parallel_loop3A_407, %parallel_loop3A_408, %parallel_loop3A_409] {strides = array<i32>} : memref<3x16x1024xf32, #tpu.memory_space<vmem>>, vector<16xf32>,
        tpu.vector_store %arg7[%parallel_loop3A_407, %parallel_loop3A_408, %parallel_loop3A_409], %parallel_loop3A_402 {strides = array<i32>} : memref<3x16x1024xf32, #tpu.memory_space<vmem>>, vector<16xf32>,
        %parallel_loop3A_411 = arith.constant 1 : i32
        %parallel_loop3A_412 = vector.broadcast %parallel_loop3A_411 : i32 to vector<16xi32>
        %parallel_loop3A_413 = tpu.vector_load_idx %arg5[%parallel_loop3A_412, %parallel_loop3A_399] : memref<16x3969xf32, #tpu.memory_space<vmem>>[vector<16xi32>, vector<16xi32>], vector<16xf32>,
        %parallel_loop3A_414 = arith.constant 16 : i32
        %parallel_loop3A_415 = arith.muli %parallel_loop3A_391, %parallel_loop3A_414 : i32
        %parallel_loop3A_416 = arith.constant 2 : i32
        %parallel_loop3A_417 = arith.constant 1 : i32
        %parallel_loop3A_418 = arith.index_cast %parallel_loop3A_416 : i32 to index
        %parallel_loop3A_419 = arith.index_cast %parallel_loop3A_417 : i32 to index
        %parallel_loop3A_420 = arith.index_cast %parallel_loop3A_415 : i32 to index
        %parallel_loop3A_421 = tpu.vector_load %arg7[%parallel_loop3A_418, %parallel_loop3A_419, %parallel_loop3A_420] {strides = array<i32>} : memref<3x16x1024xf32, #tpu.memory_space<vmem>>, vector<16xf32>,
        tpu.vector_store %arg7[%parallel_loop3A_418, %parallel_loop3A_419, %parallel_loop3A_420], %parallel_loop3A_413 {strides = array<i32>} : memref<3x16x1024xf32, #tpu.memory_space<vmem>>, vector<16xf32>,
        %parallel_loop3A_422 = arith.constant 2 : i32
        %parallel_loop3A_423 = vector.broadcast %parallel_loop3A_422 : i32 to vector<16xi32>
        %parallel_loop3A_424 = tpu.vector_load_idx %arg5[%parallel_loop3A_423, %parallel_loop3A_399] : memref<16x3969xf32, #tpu.memory_space<vmem>>[vector<16xi32>, vector<16xi32>], vector<16xf32>,
        %parallel_loop3A_425 = arith.constant 16 : i32
        %parallel_loop3A_426 = arith.muli %parallel_loop3A_391, %parallel_loop3A_425 : i32
        %parallel_loop3A_427 = arith.constant 2 : i32
        %parallel_loop3A_428 = arith.constant 2 : i32
        %parallel_loop3A_429 = arith.index_cast %parallel_loop3A_427 : i32 to index
        %parallel_loop3A_430 = arith.index_cast %parallel_loop3A_428 : i32 to index
        %parallel_loop3A_431 = arith.index_cast %parallel_loop3A_426 : i32 to index
        %parallel_loop3A_432 = tpu.vector_load %arg7[%parallel_loop3A_429, %parallel_loop3A_430, %parallel_loop3A_431] {strides = array<i32>} : memref<3x16x1024xf32, #tpu.memory_space<vmem>>, vector<16xf32>,
        tpu.vector_store %arg7[%parallel_loop3A_429, %parallel_loop3A_430, %parallel_loop3A_431], %parallel_loop3A_424 {strides = array<i32>} : memref<3x16x1024xf32, #tpu.memory_space<vmem>>, vector<16xf32>,
        %parallel_loop3A_433 = arith.constant 3 : i32
        %parallel_loop3A_434 = vector.broadcast %parallel_loop3A_433 : i32 to vector<16xi32>
        %parallel_loop3A_435 = tpu.vector_load_idx %arg5[%parallel_loop3A_434, %parallel_loop3A_399] : memref<16x3969xf32, #tpu.memory_space<vmem>>[vector<16xi32>, vector<16xi32>], vector<16xf32>,
        %parallel_loop3A_436 = arith.constant 16 : i32
        %parallel_loop3A_437 = arith.muli %parallel_loop3A_391, %parallel_loop3A_436 : i32
        %parallel_loop3A_438 = arith.constant 2 : i32
        %parallel_loop3A_439 = arith.constant 3 : i32
        %parallel_loop3A_440 = arith.index_cast %parallel_loop3A_438 : i32 to index
        %parallel_loop3A_441 = arith.index_cast %parallel_loop3A_439 : i32 to index
        %parallel_loop3A_442 = arith.index_cast %parallel_loop3A_437 : i32 to index
        %parallel_loop3A_443 = tpu.vector_load %arg7[%parallel_loop3A_440, %parallel_loop3A_441, %parallel_loop3A_442] {strides = array<i32>} : memref<3x16x1024xf32, #tpu.memory_space<vmem>>, vector<16xf32>,
        tpu.vector_store %arg7[%parallel_loop3A_440, %parallel_loop3A_441, %parallel_loop3A_442], %parallel_loop3A_435 {strides = array<i32>} : memref<3x16x1024xf32, #tpu.memory_space<vmem>>, vector<16xf32>,
        %parallel_loop3A_444 = arith.constant 4 : i32
        %parallel_loop3A_445 = vector.broadcast %parallel_loop3A_444 : i32 to vector<16xi32>
        %parallel_loop3A_446 = tpu.vector_load_idx %arg5[%parallel_loop3A_445, %parallel_loop3A_399] : memref<16x3969xf32, #tpu.memory_space<vmem>>[vector<16xi32>, vector<16xi32>], vector<16xf32>,
        %parallel_loop3A_447 = arith.constant 16 : i32
        %parallel_loop3A_448 = arith.muli %parallel_loop3A_391, %parallel_loop3A_447 : i32
        %parallel_loop3A_449 = arith.constant 2 : i32
        %parallel_loop3A_450 = arith.constant 4 : i32
        %parallel_loop3A_451 = arith.index_cast %parallel_loop3A_449 : i32 to index
        %parallel_loop3A_452 = arith.index_cast %parallel_loop3A_450 : i32 to index
        %parallel_loop3A_453 = arith.index_cast %parallel_loop3A_448 : i32 to index
        %parallel_loop3A_454 = tpu.vector_load %arg7[%parallel_loop3A_451, %parallel_loop3A_452, %parallel_loop3A_453] {strides = array<i32>} : memref<3x16x1024xf32, #tpu.memory_space<vmem>>, vector<16xf32>,
        tpu.vector_store %arg7[%parallel_loop3A_451, %parallel_loop3A_452, %parallel_loop3A_453], %parallel_loop3A_446 {strides = array<i32>} : memref<3x16x1024xf32, #tpu.memory_space<vmem>>, vector<16xf32>,
        %parallel_loop3A_455 = arith.constant 5 : i32
        %parallel_loop3A_456 = vector.broadcast %parallel_loop3A_455 : i32 to vector<16xi32>
        %parallel_loop3A_457 = tpu.vector_load_idx %arg5[%parallel_loop3A_456, %parallel_loop3A_399] : memref<16x3969xf32, #tpu.memory_space<vmem>>[vector<16xi32>, vector<16xi32>], vector<16xf32>,
        %parallel_loop3A_458 = arith.constant 16 : i32
        %parallel_loop3A_459 = arith.muli %parallel_loop3A_391, %parallel_loop3A_458 : i32
        %parallel_loop3A_460 = arith.constant 2 : i32
        %parallel_loop3A_461 = arith.constant 5 : i32
        %parallel_loop3A_462 = arith.index_cast %parallel_loop3A_460 : i32 to index
        %parallel_loop3A_463 = arith.index_cast %parallel_loop3A_461 : i32 to index
        %parallel_loop3A_464 = arith.index_cast %parallel_loop3A_459 : i32 to index
        %parallel_loop3A_465 = tpu.vector_load %arg7[%parallel_loop3A_462, %parallel_loop3A_463, %parallel_loop3A_464] {strides = array<i32>} : memref<3x16x1024xf32, #tpu.memory_space<vmem>>, vector<16xf32>,
        tpu.vector_store %arg7[%parallel_loop3A_462, %parallel_loop3A_463, %parallel_loop3A_464], %parallel_loop3A_457 {strides = array<i32>} : memref<3x16x1024xf32, #tpu.memory_space<vmem>>, vector<16xf32>,
        %parallel_loop3A_466 = arith.constant 6 : i32
        %parallel_loop3A_467 = vector.broadcast %parallel_loop3A_466 : i32 to vector<16xi32>
        %parallel_loop3A_468 = tpu.vector_load_idx %arg5[%parallel_loop3A_467, %parallel_loop3A_399] : memref<16x3969xf32, #tpu.memory_space<vmem>>[vector<16xi32>, vector<16xi32>], vector<16xf32>,
        %parallel_loop3A_469 = arith.constant 16 : i32
        %parallel_loop3A_470 = arith.muli %parallel_loop3A_391, %parallel_loop3A_469 : i32
        %parallel_loop3A_471 = arith.constant 2 : i32
        %parallel_loop3A_472 = arith.constant 6 : i32
        %parallel_loop3A_473 = arith.index_cast %parallel_loop3A_471 : i32 to index
        %parallel_loop3A_474 = arith.index_cast %parallel_loop3A_472 : i32 to index
        %parallel_loop3A_475 = arith.index_cast %parallel_loop3A_470 : i32 to index
        %parallel_loop3A_476 = tpu.vector_load %arg7[%parallel_loop3A_473, %parallel_loop3A_474, %parallel_loop3A_475] {strides = array<i32>} : memref<3x16x1024xf32, #tpu.memory_space<vmem>>, vector<16xf32>,
        tpu.vector_store %arg7[%parallel_loop3A_473, %parallel_loop3A_474, %parallel_loop3A_475], %parallel_loop3A_468 {strides = array<i32>} : memref<3x16x1024xf32, #tpu.memory_space<vmem>>, vector<16xf32>,
        %parallel_loop3A_477 = arith.constant 7 : i32
        %parallel_loop3A_478 = vector.broadcast %parallel_loop3A_477 : i32 to vector<16xi32>
        %parallel_loop3A_479 = tpu.vector_load_idx %arg5[%parallel_loop3A_478, %parallel_loop3A_399] : memref<16x3969xf32, #tpu.memory_space<vmem>>[vector<16xi32>, vector<16xi32>], vector<16xf32>,
        %parallel_loop3A_480 = arith.constant 16 : i32
        %parallel_loop3A_481 = arith.muli %parallel_loop3A_391, %parallel_loop3A_480 : i32
        %parallel_loop3A_482 = arith.constant 2 : i32
        %parallel_loop3A_483 = arith.constant 7 : i32
        %parallel_loop3A_484 = arith.index_cast %parallel_loop3A_482 : i32 to index
        %parallel_loop3A_485 = arith.index_cast %parallel_loop3A_483 : i32 to index
        %parallel_loop3A_486 = arith.index_cast %parallel_loop3A_481 : i32 to index
        %parallel_loop3A_487 = tpu.vector_load %arg7[%parallel_loop3A_484, %parallel_loop3A_485, %parallel_loop3A_486] {strides = array<i32>} : memref<3x16x1024xf32, #tpu.memory_space<vmem>>, vector<16xf32>,
        tpu.vector_store %arg7[%parallel_loop3A_484, %parallel_loop3A_485, %parallel_loop3A_486], %parallel_loop3A_479 {strides = array<i32>} : memref<3x16x1024xf32, #tpu.memory_space<vmem>>, vector<16xf32>,
        %parallel_loop3A_488 = arith.constant 8 : i32
        %parallel_loop3A_489 = vector.broadcast %parallel_loop3A_488 : i32 to vector<16xi32>
        %parallel_loop3A_490 = tpu.vector_load_idx %arg5[%parallel_loop3A_489, %parallel_loop3A_399] : memref<16x3969xf32, #tpu.memory_space<vmem>>[vector<16xi32>, vector<16xi32>], vector<16xf32>,
        %parallel_loop3A_491 = arith.constant 16 : i32
        %parallel_loop3A_492 = arith.muli %parallel_loop3A_391, %parallel_loop3A_491 : i32
        %parallel_loop3A_493 = arith.constant 2 : i32
        %parallel_loop3A_494 = arith.constant 8 : i32
        %parallel_loop3A_495 = arith.index_cast %parallel_loop3A_493 : i32 to index
        %parallel_loop3A_496 = arith.index_cast %parallel_loop3A_494 : i32 to index
        %parallel_loop3A_497 = arith.index_cast %parallel_loop3A_492 : i32 to index
        %parallel_loop3A_498 = tpu.vector_load %arg7[%parallel_loop3A_495, %parallel_loop3A_496, %parallel_loop3A_497] {strides = array<i32>} : memref<3x16x1024xf32, #tpu.memory_space<vmem>>, vector<16xf32>,
        tpu.vector_store %arg7[%parallel_loop3A_495, %parallel_loop3A_496, %parallel_loop3A_497], %parallel_loop3A_490 {strides = array<i32>} : memref<3x16x1024xf32, #tpu.memory_space<vmem>>, vector<16xf32>,
        %parallel_loop3A_499 = arith.constant 9 : i32
        %parallel_loop3A_500 = vector.broadcast %parallel_loop3A_499 : i32 to vector<16xi32>
        %parallel_loop3A_501 = tpu.vector_load_idx %arg5[%parallel_loop3A_500, %parallel_loop3A_399] : memref<16x3969xf32, #tpu.memory_space<vmem>>[vector<16xi32>, vector<16xi32>], vector<16xf32>,
        %parallel_loop3A_502 = arith.constant 16 : i32
        %parallel_loop3A_503 = arith.muli %parallel_loop3A_391, %parallel_loop3A_502 : i32
        %parallel_loop3A_504 = arith.constant 2 : i32
        %parallel_loop3A_505 = arith.constant 9 : i32
        %parallel_loop3A_506 = arith.index_cast %parallel_loop3A_504 : i32 to index
        %parallel_loop3A_507 = arith.index_cast %parallel_loop3A_505 : i32 to index
        %parallel_loop3A_508 = arith.index_cast %parallel_loop3A_503 : i32 to index
        %parallel_loop3A_509 = tpu.vector_load %arg7[%parallel_loop3A_506, %parallel_loop3A_507, %parallel_loop3A_508] {strides = array<i32>} : memref<3x16x1024xf32, #tpu.memory_space<vmem>>, vector<16xf32>,
        tpu.vector_store %arg7[%parallel_loop3A_506, %parallel_loop3A_507, %parallel_loop3A_508], %parallel_loop3A_501 {strides = array<i32>} : memref<3x16x1024xf32, #tpu.memory_space<vmem>>, vector<16xf32>,
        %parallel_loop3A_510 = arith.constant 10 : i32
        %parallel_loop3A_511 = vector.broadcast %parallel_loop3A_510 : i32 to vector<16xi32>
        %parallel_loop3A_512 = tpu.vector_load_idx %arg5[%parallel_loop3A_511, %parallel_loop3A_399] : memref<16x3969xf32, #tpu.memory_space<vmem>>[vector<16xi32>, vector<16xi32>], vector<16xf32>,
        %parallel_loop3A_513 = arith.constant 16 : i32
        %parallel_loop3A_514 = arith.muli %parallel_loop3A_391, %parallel_loop3A_513 : i32
        %parallel_loop3A_515 = arith.constant 2 : i32
        %parallel_loop3A_516 = arith.constant 10 : i32
        %parallel_loop3A_517 = arith.index_cast %parallel_loop3A_515 : i32 to index
        %parallel_loop3A_518 = arith.index_cast %parallel_loop3A_516 : i32 to index
        %parallel_loop3A_519 = arith.index_cast %parallel_loop3A_514 : i32 to index
        %parallel_loop3A_520 = tpu.vector_load %arg7[%parallel_loop3A_517, %parallel_loop3A_518, %parallel_loop3A_519] {strides = array<i32>} : memref<3x16x1024xf32, #tpu.memory_space<vmem>>, vector<16xf32>,
        tpu.vector_store %arg7[%parallel_loop3A_517, %parallel_loop3A_518, %parallel_loop3A_519], %parallel_loop3A_512 {strides = array<i32>} : memref<3x16x1024xf32, #tpu.memory_space<vmem>>, vector<16xf32>,
        %parallel_loop3A_521 = arith.constant 11 : i32
        %parallel_loop3A_522 = vector.broadcast %parallel_loop3A_521 : i32 to vector<16xi32>
        %parallel_loop3A_523 = tpu.vector_load_idx %arg5[%parallel_loop3A_522, %parallel_loop3A_399] : memref<16x3969xf32, #tpu.memory_space<vmem>>[vector<16xi32>, vector<16xi32>], vector<16xf32>,
        %parallel_loop3A_524 = arith.constant 16 : i32
        %parallel_loop3A_525 = arith.muli %parallel_loop3A_391, %parallel_loop3A_524 : i32
        %parallel_loop3A_526 = arith.constant 2 : i32
        %parallel_loop3A_527 = arith.constant 11 : i32
        %parallel_loop3A_528 = arith.index_cast %parallel_loop3A_526 : i32 to index
        %parallel_loop3A_529 = arith.index_cast %parallel_loop3A_527 : i32 to index
        %parallel_loop3A_530 = arith.index_cast %parallel_loop3A_525 : i32 to index
        %parallel_loop3A_531 = tpu.vector_load %arg7[%parallel_loop3A_528, %parallel_loop3A_529, %parallel_loop3A_530] {strides = array<i32>} : memref<3x16x1024xf32, #tpu.memory_space<vmem>>, vector<16xf32>,
        tpu.vector_store %arg7[%parallel_loop3A_528, %parallel_loop3A_529, %parallel_loop3A_530], %parallel_loop3A_523 {strides = array<i32>} : memref<3x16x1024xf32, #tpu.memory_space<vmem>>, vector<16xf32>,
        %parallel_loop3A_532 = arith.constant 12 : i32
        %parallel_loop3A_533 = vector.broadcast %parallel_loop3A_532 : i32 to vector<16xi32>
        %parallel_loop3A_534 = tpu.vector_load_idx %arg5[%parallel_loop3A_533, %parallel_loop3A_399] : memref<16x3969xf32, #tpu.memory_space<vmem>>[vector<16xi32>, vector<16xi32>], vector<16xf32>,
        %parallel_loop3A_535 = arith.constant 16 : i32
        %parallel_loop3A_536 = arith.muli %parallel_loop3A_391, %parallel_loop3A_535 : i32
        %parallel_loop3A_537 = arith.constant 2 : i32
        %parallel_loop3A_538 = arith.constant 12 : i32
        %parallel_loop3A_539 = arith.index_cast %parallel_loop3A_537 : i32 to index
        %parallel_loop3A_540 = arith.index_cast %parallel_loop3A_538 : i32 to index
        %parallel_loop3A_541 = arith.index_cast %parallel_loop3A_536 : i32 to index
        %parallel_loop3A_542 = tpu.vector_load %arg7[%parallel_loop3A_539, %parallel_loop3A_540, %parallel_loop3A_541] {strides = array<i32>} : memref<3x16x1024xf32, #tpu.memory_space<vmem>>, vector<16xf32>,
        tpu.vector_store %arg7[%parallel_loop3A_539, %parallel_loop3A_540, %parallel_loop3A_541], %parallel_loop3A_534 {strides = array<i32>} : memref<3x16x1024xf32, #tpu.memory_space<vmem>>, vector<16xf32>,
        %parallel_loop3A_543 = arith.constant 13 : i32
        %parallel_loop3A_544 = vector.broadcast %parallel_loop3A_543 : i32 to vector<16xi32>
        %parallel_loop3A_545 = tpu.vector_load_idx %arg5[%parallel_loop3A_544, %parallel_loop3A_399] : memref<16x3969xf32, #tpu.memory_space<vmem>>[vector<16xi32>, vector<16xi32>], vector<16xf32>,
        %parallel_loop3A_546 = arith.constant 16 : i32
        %parallel_loop3A_547 = arith.muli %parallel_loop3A_391, %parallel_loop3A_546 : i32
        %parallel_loop3A_548 = arith.constant 2 : i32
        %parallel_loop3A_549 = arith.constant 13 : i32
        %parallel_loop3A_550 = arith.index_cast %parallel_loop3A_548 : i32 to index
        %parallel_loop3A_551 = arith.index_cast %parallel_loop3A_549 : i32 to index
        %parallel_loop3A_552 = arith.index_cast %parallel_loop3A_547 : i32 to index
        %parallel_loop3A_553 = tpu.vector_load %arg7[%parallel_loop3A_550, %parallel_loop3A_551, %parallel_loop3A_552] {strides = array<i32>} : memref<3x16x1024xf32, #tpu.memory_space<vmem>>, vector<16xf32>,
        tpu.vector_store %arg7[%parallel_loop3A_550, %parallel_loop3A_551, %parallel_loop3A_552], %parallel_loop3A_545 {strides = array<i32>} : memref<3x16x1024xf32, #tpu.memory_space<vmem>>, vector<16xf32>,
        %parallel_loop3A_554 = arith.constant 14 : i32
        %parallel_loop3A_555 = vector.broadcast %parallel_loop3A_554 : i32 to vector<16xi32>
        %parallel_loop3A_556 = tpu.vector_load_idx %arg5[%parallel_loop3A_555, %parallel_loop3A_399] : memref<16x3969xf32, #tpu.memory_space<vmem>>[vector<16xi32>, vector<16xi32>], vector<16xf32>,
        %parallel_loop3A_557 = arith.constant 16 : i32
        %parallel_loop3A_558 = arith.muli %parallel_loop3A_391, %parallel_loop3A_557 : i32
        %parallel_loop3A_559 = arith.constant 2 : i32
        %parallel_loop3A_560 = arith.constant 14 : i32
        %parallel_loop3A_561 = arith.index_cast %parallel_loop3A_559 : i32 to index
        %parallel_loop3A_562 = arith.index_cast %parallel_loop3A_560 : i32 to index
        %parallel_loop3A_563 = arith.index_cast %parallel_loop3A_558 : i32 to index
        %parallel_loop3A_564 = tpu.vector_load %arg7[%parallel_loop3A_561, %parallel_loop3A_562, %parallel_loop3A_563] {strides = array<i32>} : memref<3x16x1024xf32, #tpu.memory_space<vmem>>, vector<16xf32>,
        tpu.vector_store %arg7[%parallel_loop3A_561, %parallel_loop3A_562, %parallel_loop3A_563], %parallel_loop3A_556 {strides = array<i32>} : memref<3x16x1024xf32, #tpu.memory_space<vmem>>, vector<16xf32>,
        %parallel_loop3A_565 = arith.constant 15 : i32
        %parallel_loop3A_566 = vector.broadcast %parallel_loop3A_565 : i32 to vector<16xi32>
        %parallel_loop3A_567 = tpu.vector_load_idx %arg5[%parallel_loop3A_566, %parallel_loop3A_399] : memref<16x3969xf32, #tpu.memory_space<vmem>>[vector<16xi32>, vector<16xi32>], vector<16xf32>,
        %parallel_loop3A_568 = arith.constant 16 : i32
        %parallel_loop3A_569 = arith.muli %parallel_loop3A_391, %parallel_loop3A_568 : i32
        %parallel_loop3A_570 = arith.constant 2 : i32
        %parallel_loop3A_571 = arith.constant 15 : i32
        %parallel_loop3A_572 = arith.index_cast %parallel_loop3A_570 : i32 to index
        %parallel_loop3A_573 = arith.index_cast %parallel_loop3A_571 : i32 to index
        %parallel_loop3A_574 = arith.index_cast %parallel_loop3A_569 : i32 to index
        %parallel_loop3A_575 = tpu.vector_load %arg7[%parallel_loop3A_572, %parallel_loop3A_573, %parallel_loop3A_574] {strides = array<i32>} : memref<3x16x1024xf32, #tpu.memory_space<vmem>>, vector<16xf32>,
        tpu.vector_store %arg7[%parallel_loop3A_572, %parallel_loop3A_573, %parallel_loop3A_574], %parallel_loop3A_567 {strides = array<i32>} : memref<3x16x1024xf32, #tpu.memory_space<vmem>>, vector<16xf32>,
      } {sc.loop_unroll_factor = 1 : i64, sc.parallel_access}
      %dma_start3A_374 = arith.constant 2 : i32
      %dma_start3A_375 = arith.constant 0 : i32
      %dma_start3A_376 = arith.constant 0 : i32
      %dma_start3A_377 = tpu.memref_slice %arg7[%dma_start3A_374, %dma_start3A_375, %dma_start3A_376] : memref<3x16x1024xf32, #tpu.memory_space<vmem>> -> memref<1x16x1024xf32, #tpu.memory_space<vmem>>
      %dma_start3A_378 = tpu.memref_squeeze %dma_start3A_377 : memref<1x16x1024xf32, #tpu.memory_space<vmem>> -> memref<16x1024xf32, #tpu.memory_space<vmem>>
      %dma_start3A_379 = arith.constant 0 : i32
      %dma_start3A_380 = arith.constant 0 : i32
      %dma_start3A_381 = tpu.memref_slice %arg4[%dma_start3A_379, %add3A_336, %dma_start3A_380] : memref<16x1024x1024xf32, #tpu.memory_space<hbm>> -> memref<16x1x1024xf32, #tpu.memory_space<hbm>>
      %dma_start3A_382 = tpu.memref_squeeze %dma_start3A_381 : memref<16x1x1024xf32, #tpu.memory_space<hbm>> -> memref<16x1024xf32, #tpu.memory_space<hbm>>
      %dma_start3A_383 = arith.constant 0 : i32
      %dma_start3A_384 = arith.constant 0 : i32
      %dma_start3A_385 = tpu.memref_slice %arg4[%dma_start3A_383, %add3A_336, %dma_start3A_384] : memref<16x1024x1024xf32, #tpu.memory_space<hbm>> -> memref<16x1x1024xf32, #tpu.memory_space<hbm>>
      %dma_start3A_386 = tpu.memref_squeeze %dma_start3A_385 : memref<16x1x1024xf32, #tpu.memory_space<hbm>> -> memref<16x1024xf32, #tpu.memory_space<hbm>>
      %dma_start3A_387 = arith.constant 0 : i32
      %dma_start3A_388 = arith.constant 0 : i32
      %dma_start3A_389 = tpu.memref_slice %arg7[%dma_start3A_374, %dma_start3A_387, %dma_start3A_388] : memref<3x16x1024xf32, #tpu.memory_space<vmem>> -> memref<1x16x1024xf32, #tpu.memory_space<vmem>>
      %dma_start3A_390 = tpu.memref_squeeze %dma_start3A_389 : memref<1x16x1024xf32, #tpu.memory_space<vmem>> -> memref<16x1024xf32, #tpu.memory_space<vmem>>
      tpu.enqueue_dma source(%dma_start3A_390 : memref<16x1024xf32, #tpu.memory_space<vmem>>) target(%dma_start3A_386 : memref<16x1024xf32, #tpu.memory_space<hbm>>) target_semaphore(%arg13 : memref<!tpu.dma_semaphore, #tpu.memory_space<semaphore_mem>>)
    }
    %scan3A_36 = arith.constant 10 : i32
    %add3A_37 = arith.constant 30 : i32
    %add3A_38 = arith.addi %mul3A_2, %add3A_37 : i32
    %add3A_39 = arith.constant 0 : i32
    %add3A_40 = arith.addi %add3A_38, %add3A_39 : i32
    %dma_wait3A = arith.constant 0 : i32
    %dma_wait3A_41 = arith.constant 0 : i32
    %dma_wait3A_42 = arith.constant 0 : i32
    %dma_wait3A_43 = tpu.memref_slice %arg6[%dma_wait3A, %dma_wait3A_41, %dma_wait3A_42] : memref<3x1x1024xi32, #tpu.memory_space<vmem>> -> memref<1x1x1024xi32, #tpu.memory_space<vmem>>
    %dma_wait3A_44 = tpu.memref_squeeze %dma_wait3A_43 : memref<1x1x1024xi32, #tpu.memory_space<vmem>> -> memref<1024xi32, #tpu.memory_space<vmem>>
    %dma_wait3A_45 = arith.constant 0 : i32
    %dma_wait3A_46 = tpu.memref_slice %arg3[%add3A_40, %dma_wait3A_45] : memref<1024x1024xi32, #tpu.memory_space<hbm>> -> memref<1x1024xi32, #tpu.memory_space<hbm>>
    %dma_wait3A_47 = tpu.memref_squeeze %dma_wait3A_46 : memref<1x1024xi32, #tpu.memory_space<hbm>> -> memref<1024xi32, #tpu.memory_space<hbm>>
    %dma_wait3A_48 = arith.constant 0 : i32
    %dma_wait3A_49 = tpu.memref_slice %arg6[%dma_wait3A, %dma_wait3A_41, %dma_wait3A_48] : memref<3x1x1024xi32, #tpu.memory_space<vmem>> -> memref<1x1x1024xi32, #tpu.memory_space<vmem>>
    %dma_wait3A_50 = tpu.memref_squeeze %dma_wait3A_49 : memref<1x1x1024xi32, #tpu.memory_space<vmem>> -> memref<1024xi32, #tpu.memory_space<vmem>>
    %dma_wait3A_51 = arith.constant 0 : i32
    %dma_wait3A_52 = tpu.memref_slice %arg3[%add3A_40, %dma_wait3A_51] : memref<1024x1024xi32, #tpu.memory_space<hbm>> -> memref<1x1024xi32, #tpu.memory_space<hbm>>
    %dma_wait3A_53 = tpu.memref_squeeze %dma_wait3A_52 : memref<1x1024xi32, #tpu.memory_space<hbm>> -> memref<1024xi32, #tpu.memory_space<hbm>>
    tpu.wait_dma2 semaphore(%arg8 : memref<!tpu.dma_semaphore, #tpu.memory_space<semaphore_mem>>) src(%dma_wait3A_53 : memref<1024xi32, #tpu.memory_space<hbm>>) dst(%dma_wait3A_50 : memref<1024xi32, #tpu.memory_space<vmem>>)
    %sub3A = arith.constant 3 : i32
    %sub3A_54 = arith.subi %add3A_40, %sub3A : i32
    %dma_wait3A_55 = arith.constant 0 : i32
    %dma_wait3A_56 = arith.constant 0 : i32
    %dma_wait3A_57 = arith.constant 0 : i32
    %dma_wait3A_58 = tpu.memref_slice %arg7[%dma_wait3A_55, %dma_wait3A_56, %dma_wait3A_57] : memref<3x16x1024xf32, #tpu.memory_space<vmem>> -> memref<1x16x1024xf32, #tpu.memory_space<vmem>>
    %dma_wait3A_59 = tpu.memref_squeeze %dma_wait3A_58 : memref<1x16x1024xf32, #tpu.memory_space<vmem>> -> memref<16x1024xf32, #tpu.memory_space<vmem>>
    %dma_wait3A_60 = arith.constant 0 : i32
    %dma_wait3A_61 = arith.constant 0 : i32
    %dma_wait3A_62 = tpu.memref_slice %arg4[%dma_wait3A_60, %sub3A_54, %dma_wait3A_61] : memref<16x1024x1024xf32, #tpu.memory_space<hbm>> -> memref<16x1x1024xf32, #tpu.memory_space<hbm>>
    %dma_wait3A_63 = tpu.memref_squeeze %dma_wait3A_62 : memref<16x1x1024xf32, #tpu.memory_space<hbm>> -> memref<16x1024xf32, #tpu.memory_space<hbm>>
    %dma_wait3A_64 = arith.constant 0 : i32
    %dma_wait3A_65 = arith.constant 0 : i32
    %dma_wait3A_66 = tpu.memref_slice %arg4[%dma_wait3A_64, %sub3A_54, %dma_wait3A_65] : memref<16x1024x1024xf32, #tpu.memory_space<hbm>> -> memref<16x1x1024xf32, #tpu.memory_space<hbm>>
    %dma_wait3A_67 = tpu.memref_squeeze %dma_wait3A_66 : memref<16x1x1024xf32, #tpu.memory_space<hbm>> -> memref<16x1024xf32, #tpu.memory_space<hbm>>
    %dma_wait3A_68 = arith.constant 0 : i32
    %dma_wait3A_69 = arith.constant 0 : i32
    %dma_wait3A_70 = tpu.memref_slice %arg7[%dma_wait3A_55, %dma_wait3A_68, %dma_wait3A_69] : memref<3x16x1024xf32, #tpu.memory_space<vmem>> -> memref<1x16x1024xf32, #tpu.memory_space<vmem>>
    %dma_wait3A_71 = tpu.memref_squeeze %dma_wait3A_70 : memref<1x16x1024xf32, #tpu.memory_space<vmem>> -> memref<16x1024xf32, #tpu.memory_space<vmem>>
    tpu.wait_dma2 semaphore(%arg11 : memref<!tpu.dma_semaphore, #tpu.memory_space<semaphore_mem>>) src(%dma_wait3A_71 : memref<16x1024xf32, #tpu.memory_space<vmem>>) dst(%dma_wait3A_67 : memref<16x1024xf32, #tpu.memory_space<hbm>>)
    %parallel_loop3A = arith.constant 0 : i32
    %parallel_loop3A_72 = arith.constant 64 : i32
    %parallel_loop3A_73 = arith.constant 1 : i32
    scf.for %parallel_loop3A_217 = %parallel_loop3A to %parallel_loop3A_72 step %parallel_loop3A_73  : i32 {
      %parallel_loop3A_218 = arith.constant 16 : i32
      %parallel_loop3A_219 = arith.muli %parallel_loop3A_217, %parallel_loop3A_218 : i32
      %parallel_loop3A_220 = arith.constant 0 : i32
      %parallel_loop3A_221 = arith.constant 0 : i32
      %parallel_loop3A_222 = arith.index_cast %parallel_loop3A_220 : i32 to index
      %parallel_loop3A_223 = arith.index_cast %parallel_loop3A_221 : i32 to index
      %parallel_loop3A_224 = arith.index_cast %parallel_loop3A_219 : i32 to index
      %parallel_loop3A_225 = tpu.vector_load %arg6[%parallel_loop3A_222, %parallel_loop3A_223, %parallel_loop3A_224] {strides = array<i32>} : memref<3x1x1024xi32, #tpu.memory_space<vmem>>, vector<16xi32>,
      %parallel_loop3A_226 = arith.constant 0 : i32
      %parallel_loop3A_227 = vector.broadcast %parallel_loop3A_226 : i32 to vector<16xi32>
      %parallel_loop3A_228 = tpu.vector_load_idx %arg5[%parallel_loop3A_227, %parallel_loop3A_225] : memref<16x3969xf32, #tpu.memory_space<vmem>>[vector<16xi32>, vector<16xi32>], vector<16xf32>,
      %parallel_loop3A_229 = arith.constant 16 : i32
      %parallel_loop3A_230 = arith.muli %parallel_loop3A_217, %parallel_loop3A_229 : i32
      %parallel_loop3A_231 = arith.constant 0 : i32
      %parallel_loop3A_232 = arith.constant 0 : i32
      %parallel_loop3A_233 = arith.index_cast %parallel_loop3A_231 : i32 to index
      %parallel_loop3A_234 = arith.index_cast %parallel_loop3A_232 : i32 to index
      %parallel_loop3A_235 = arith.index_cast %parallel_loop3A_230 : i32 to index
      %parallel_loop3A_236 = tpu.vector_load %arg7[%parallel_loop3A_233, %parallel_loop3A_234, %parallel_loop3A_235] {strides = array<i32>} : memref<3x16x1024xf32, #tpu.memory_space<vmem>>, vector<16xf32>,
      tpu.vector_store %arg7[%parallel_loop3A_233, %parallel_loop3A_234, %parallel_loop3A_235], %parallel_loop3A_228 {strides = array<i32>} : memref<3x16x1024xf32, #tpu.memory_space<vmem>>, vector<16xf32>,
      %parallel_loop3A_237 = arith.constant 1 : i32
      %parallel_loop3A_238 = vector.broadcast %parallel_loop3A_237 : i32 to vector<16xi32>
      %parallel_loop3A_239 = tpu.vector_load_idx %arg5[%parallel_loop3A_238, %parallel_loop3A_225] : memref<16x3969xf32, #tpu.memory_space<vmem>>[vector<16xi32>, vector<16xi32>], vector<16xf32>,
      %parallel_loop3A_240 = arith.constant 16 : i32
      %parallel_loop3A_241 = arith.muli %parallel_loop3A_217, %parallel_loop3A_240 : i32
      %parallel_loop3A_242 = arith.constant 0 : i32
      %parallel_loop3A_243 = arith.constant 1 : i32
      %parallel_loop3A_244 = arith.index_cast %parallel_loop3A_242 : i32 to index
      %parallel_loop3A_245 = arith.index_cast %parallel_loop3A_243 : i32 to index
      %parallel_loop3A_246 = arith.index_cast %parallel_loop3A_241 : i32 to index
      %parallel_loop3A_247 = tpu.vector_load %arg7[%parallel_loop3A_244, %parallel_loop3A_245, %parallel_loop3A_246] {strides = array<i32>} : memref<3x16x1024xf32, #tpu.memory_space<vmem>>, vector<16xf32>,
      tpu.vector_store %arg7[%parallel_loop3A_244, %parallel_loop3A_245, %parallel_loop3A_246], %parallel_loop3A_239 {strides = array<i32>} : memref<3x16x1024xf32, #tpu.memory_space<vmem>>, vector<16xf32>,
      %parallel_loop3A_248 = arith.constant 2 : i32
      %parallel_loop3A_249 = vector.broadcast %parallel_loop3A_248 : i32 to vector<16xi32>
      %parallel_loop3A_250 = tpu.vector_load_idx %arg5[%parallel_loop3A_249, %parallel_loop3A_225] : memref<16x3969xf32, #tpu.memory_space<vmem>>[vector<16xi32>, vector<16xi32>], vector<16xf32>,
      %parallel_loop3A_251 = arith.constant 16 : i32
      %parallel_loop3A_252 = arith.muli %parallel_loop3A_217, %parallel_loop3A_251 : i32
      %parallel_loop3A_253 = arith.constant 0 : i32
      %parallel_loop3A_254 = arith.constant 2 : i32
      %parallel_loop3A_255 = arith.index_cast %parallel_loop3A_253 : i32 to index
      %parallel_loop3A_256 = arith.index_cast %parallel_loop3A_254 : i32 to index
      %parallel_loop3A_257 = arith.index_cast %parallel_loop3A_252 : i32 to index
      %parallel_loop3A_258 = tpu.vector_load %arg7[%parallel_loop3A_255, %parallel_loop3A_256, %parallel_loop3A_257] {strides = array<i32>} : memref<3x16x1024xf32, #tpu.memory_space<vmem>>, vector<16xf32>,
      tpu.vector_store %arg7[%parallel_loop3A_255, %parallel_loop3A_256, %parallel_loop3A_257], %parallel_loop3A_250 {strides = array<i32>} : memref<3x16x1024xf32, #tpu.memory_space<vmem>>, vector<16xf32>,
      %parallel_loop3A_259 = arith.constant 3 : i32
      %parallel_loop3A_260 = vector.broadcast %parallel_loop3A_259 : i32 to vector<16xi32>
      %parallel_loop3A_261 = tpu.vector_load_idx %arg5[%parallel_loop3A_260, %parallel_loop3A_225] : memref<16x3969xf32, #tpu.memory_space<vmem>>[vector<16xi32>, vector<16xi32>], vector<16xf32>,
      %parallel_loop3A_262 = arith.constant 16 : i32
      %parallel_loop3A_263 = arith.muli %parallel_loop3A_217, %parallel_loop3A_262 : i32
      %parallel_loop3A_264 = arith.constant 0 : i32
      %parallel_loop3A_265 = arith.constant 3 : i32
      %parallel_loop3A_266 = arith.index_cast %parallel_loop3A_264 : i32 to index
      %parallel_loop3A_267 = arith.index_cast %parallel_loop3A_265 : i32 to index
      %parallel_loop3A_268 = arith.index_cast %parallel_loop3A_263 : i32 to index
      %parallel_loop3A_269 = tpu.vector_load %arg7[%parallel_loop3A_266, %parallel_loop3A_267, %parallel_loop3A_268] {strides = array<i32>} : memref<3x16x1024xf32, #tpu.memory_space<vmem>>, vector<16xf32>,
      tpu.vector_store %arg7[%parallel_loop3A_266, %parallel_loop3A_267, %parallel_loop3A_268], %parallel_loop3A_261 {strides = array<i32>} : memref<3x16x1024xf32, #tpu.memory_space<vmem>>, vector<16xf32>,
      %parallel_loop3A_270 = arith.constant 4 : i32
      %parallel_loop3A_271 = vector.broadcast %parallel_loop3A_270 : i32 to vector<16xi32>
      %parallel_loop3A_272 = tpu.vector_load_idx %arg5[%parallel_loop3A_271, %parallel_loop3A_225] : memref<16x3969xf32, #tpu.memory_space<vmem>>[vector<16xi32>, vector<16xi32>], vector<16xf32>,
      %parallel_loop3A_273 = arith.constant 16 : i32
      %parallel_loop3A_274 = arith.muli %parallel_loop3A_217, %parallel_loop3A_273 : i32
      %parallel_loop3A_275 = arith.constant 0 : i32
      %parallel_loop3A_276 = arith.constant 4 : i32
      %parallel_loop3A_277 = arith.index_cast %parallel_loop3A_275 : i32 to index
      %parallel_loop3A_278 = arith.index_cast %parallel_loop3A_276 : i32 to index
      %parallel_loop3A_279 = arith.index_cast %parallel_loop3A_274 : i32 to index
      %parallel_loop3A_280 = tpu.vector_load %arg7[%parallel_loop3A_277, %parallel_loop3A_278, %parallel_loop3A_279] {strides = array<i32>} : memref<3x16x1024xf32, #tpu.memory_space<vmem>>, vector<16xf32>,
      tpu.vector_store %arg7[%parallel_loop3A_277, %parallel_loop3A_278, %parallel_loop3A_279], %parallel_loop3A_272 {strides = array<i32>} : memref<3x16x1024xf32, #tpu.memory_space<vmem>>, vector<16xf32>,
      %parallel_loop3A_281 = arith.constant 5 : i32
      %parallel_loop3A_282 = vector.broadcast %parallel_loop3A_281 : i32 to vector<16xi32>
      %parallel_loop3A_283 = tpu.vector_load_idx %arg5[%parallel_loop3A_282, %parallel_loop3A_225] : memref<16x3969xf32, #tpu.memory_space<vmem>>[vector<16xi32>, vector<16xi32>], vector<16xf32>,
      %parallel_loop3A_284 = arith.constant 16 : i32
      %parallel_loop3A_285 = arith.muli %parallel_loop3A_217, %parallel_loop3A_284 : i32
      %parallel_loop3A_286 = arith.constant 0 : i32
      %parallel_loop3A_287 = arith.constant 5 : i32
      %parallel_loop3A_288 = arith.index_cast %parallel_loop3A_286 : i32 to index
      %parallel_loop3A_289 = arith.index_cast %parallel_loop3A_287 : i32 to index
      %parallel_loop3A_290 = arith.index_cast %parallel_loop3A_285 : i32 to index
      %parallel_loop3A_291 = tpu.vector_load %arg7[%parallel_loop3A_288, %parallel_loop3A_289, %parallel_loop3A_290] {strides = array<i32>} : memref<3x16x1024xf32, #tpu.memory_space<vmem>>, vector<16xf32>,
      tpu.vector_store %arg7[%parallel_loop3A_288, %parallel_loop3A_289, %parallel_loop3A_290], %parallel_loop3A_283 {strides = array<i32>} : memref<3x16x1024xf32, #tpu.memory_space<vmem>>, vector<16xf32>,
      %parallel_loop3A_292 = arith.constant 6 : i32
      %parallel_loop3A_293 = vector.broadcast %parallel_loop3A_292 : i32 to vector<16xi32>
      %parallel_loop3A_294 = tpu.vector_load_idx %arg5[%parallel_loop3A_293, %parallel_loop3A_225] : memref<16x3969xf32, #tpu.memory_space<vmem>>[vector<16xi32>, vector<16xi32>], vector<16xf32>,
      %parallel_loop3A_295 = arith.constant 16 : i32
      %parallel_loop3A_296 = arith.muli %parallel_loop3A_217, %parallel_loop3A_295 : i32
      %parallel_loop3A_297 = arith.constant 0 : i32
      %parallel_loop3A_298 = arith.constant 6 : i32
      %parallel_loop3A_299 = arith.index_cast %parallel_loop3A_297 : i32 to index
      %parallel_loop3A_300 = arith.index_cast %parallel_loop3A_298 : i32 to index
      %parallel_loop3A_301 = arith.index_cast %parallel_loop3A_296 : i32 to index
      %parallel_loop3A_302 = tpu.vector_load %arg7[%parallel_loop3A_299, %parallel_loop3A_300, %parallel_loop3A_301] {strides = array<i32>} : memref<3x16x1024xf32, #tpu.memory_space<vmem>>, vector<16xf32>,
      tpu.vector_store %arg7[%parallel_loop3A_299, %parallel_loop3A_300, %parallel_loop3A_301], %parallel_loop3A_294 {strides = array<i32>} : memref<3x16x1024xf32, #tpu.memory_space<vmem>>, vector<16xf32>,
      %parallel_loop3A_303 = arith.constant 7 : i32
      %parallel_loop3A_304 = vector.broadcast %parallel_loop3A_303 : i32 to vector<16xi32>
      %parallel_loop3A_305 = tpu.vector_load_idx %arg5[%parallel_loop3A_304, %parallel_loop3A_225] : memref<16x3969xf32, #tpu.memory_space<vmem>>[vector<16xi32>, vector<16xi32>], vector<16xf32>,
      %parallel_loop3A_306 = arith.constant 16 : i32
      %parallel_loop3A_307 = arith.muli %parallel_loop3A_217, %parallel_loop3A_306 : i32
      %parallel_loop3A_308 = arith.constant 0 : i32
      %parallel_loop3A_309 = arith.constant 7 : i32
      %parallel_loop3A_310 = arith.index_cast %parallel_loop3A_308 : i32 to index
      %parallel_loop3A_311 = arith.index_cast %parallel_loop3A_309 : i32 to index
      %parallel_loop3A_312 = arith.index_cast %parallel_loop3A_307 : i32 to index
      %parallel_loop3A_313 = tpu.vector_load %arg7[%parallel_loop3A_310, %parallel_loop3A_311, %parallel_loop3A_312] {strides = array<i32>} : memref<3x16x1024xf32, #tpu.memory_space<vmem>>, vector<16xf32>,
      tpu.vector_store %arg7[%parallel_loop3A_310, %parallel_loop3A_311, %parallel_loop3A_312], %parallel_loop3A_305 {strides = array<i32>} : memref<3x16x1024xf32, #tpu.memory_space<vmem>>, vector<16xf32>,
      %parallel_loop3A_314 = arith.constant 8 : i32
      %parallel_loop3A_315 = vector.broadcast %parallel_loop3A_314 : i32 to vector<16xi32>
      %parallel_loop3A_316 = tpu.vector_load_idx %arg5[%parallel_loop3A_315, %parallel_loop3A_225] : memref<16x3969xf32, #tpu.memory_space<vmem>>[vector<16xi32>, vector<16xi32>], vector<16xf32>,
      %parallel_loop3A_317 = arith.constant 16 : i32
      %parallel_loop3A_318 = arith.muli %parallel_loop3A_217, %parallel_loop3A_317 : i32
      %parallel_loop3A_319 = arith.constant 0 : i32
      %parallel_loop3A_320 = arith.constant 8 : i32
      %parallel_loop3A_321 = arith.index_cast %parallel_loop3A_319 : i32 to index
      %parallel_loop3A_322 = arith.index_cast %parallel_loop3A_320 : i32 to index
      %parallel_loop3A_323 = arith.index_cast %parallel_loop3A_318 : i32 to index
      %parallel_loop3A_324 = tpu.vector_load %arg7[%parallel_loop3A_321, %parallel_loop3A_322, %parallel_loop3A_323] {strides = array<i32>} : memref<3x16x1024xf32, #tpu.memory_space<vmem>>, vector<16xf32>,
      tpu.vector_store %arg7[%parallel_loop3A_321, %parallel_loop3A_322, %parallel_loop3A_323], %parallel_loop3A_316 {strides = array<i32>} : memref<3x16x1024xf32, #tpu.memory_space<vmem>>, vector<16xf32>,
      %parallel_loop3A_325 = arith.constant 9 : i32
      %parallel_loop3A_326 = vector.broadcast %parallel_loop3A_325 : i32 to vector<16xi32>
      %parallel_loop3A_327 = tpu.vector_load_idx %arg5[%parallel_loop3A_326, %parallel_loop3A_225] : memref<16x3969xf32, #tpu.memory_space<vmem>>[vector<16xi32>, vector<16xi32>], vector<16xf32>,
      %parallel_loop3A_328 = arith.constant 16 : i32
      %parallel_loop3A_329 = arith.muli %parallel_loop3A_217, %parallel_loop3A_328 : i32
      %parallel_loop3A_330 = arith.constant 0 : i32
      %parallel_loop3A_331 = arith.constant 9 : i32
      %parallel_loop3A_332 = arith.index_cast %parallel_loop3A_330 : i32 to index
      %parallel_loop3A_333 = arith.index_cast %parallel_loop3A_331 : i32 to index
      %parallel_loop3A_334 = arith.index_cast %parallel_loop3A_329 : i32 to index
      %parallel_loop3A_335 = tpu.vector_load %arg7[%parallel_loop3A_332, %parallel_loop3A_333, %parallel_loop3A_334] {strides = array<i32>} : memref<3x16x1024xf32, #tpu.memory_space<vmem>>, vector<16xf32>,
      tpu.vector_store %arg7[%parallel_loop3A_332, %parallel_loop3A_333, %parallel_loop3A_334], %parallel_loop3A_327 {strides = array<i32>} : memref<3x16x1024xf32, #tpu.memory_space<vmem>>, vector<16xf32>,
      %parallel_loop3A_336 = arith.constant 10 : i32
      %parallel_loop3A_337 = vector.broadcast %parallel_loop3A_336 : i32 to vector<16xi32>
      %parallel_loop3A_338 = tpu.vector_load_idx %arg5[%parallel_loop3A_337, %parallel_loop3A_225] : memref<16x3969xf32, #tpu.memory_space<vmem>>[vector<16xi32>, vector<16xi32>], vector<16xf32>,
      %parallel_loop3A_339 = arith.constant 16 : i32
      %parallel_loop3A_340 = arith.muli %parallel_loop3A_217, %parallel_loop3A_339 : i32
      %parallel_loop3A_341 = arith.constant 0 : i32
      %parallel_loop3A_342 = arith.constant 10 : i32
      %parallel_loop3A_343 = arith.index_cast %parallel_loop3A_341 : i32 to index
      %parallel_loop3A_344 = arith.index_cast %parallel_loop3A_342 : i32 to index
      %parallel_loop3A_345 = arith.index_cast %parallel_loop3A_340 : i32 to index
      %parallel_loop3A_346 = tpu.vector_load %arg7[%parallel_loop3A_343, %parallel_loop3A_344, %parallel_loop3A_345] {strides = array<i32>} : memref<3x16x1024xf32, #tpu.memory_space<vmem>>, vector<16xf32>,
      tpu.vector_store %arg7[%parallel_loop3A_343, %parallel_loop3A_344, %parallel_loop3A_345], %parallel_loop3A_338 {strides = array<i32>} : memref<3x16x1024xf32, #tpu.memory_space<vmem>>, vector<16xf32>,
      %parallel_loop3A_347 = arith.constant 11 : i32
      %parallel_loop3A_348 = vector.broadcast %parallel_loop3A_347 : i32 to vector<16xi32>
      %parallel_loop3A_349 = tpu.vector_load_idx %arg5[%parallel_loop3A_348, %parallel_loop3A_225] : memref<16x3969xf32, #tpu.memory_space<vmem>>[vector<16xi32>, vector<16xi32>], vector<16xf32>,
      %parallel_loop3A_350 = arith.constant 16 : i32
      %parallel_loop3A_351 = arith.muli %parallel_loop3A_217, %parallel_loop3A_350 : i32
      %parallel_loop3A_352 = arith.constant 0 : i32
      %parallel_loop3A_353 = arith.constant 11 : i32
      %parallel_loop3A_354 = arith.index_cast %parallel_loop3A_352 : i32 to index
      %parallel_loop3A_355 = arith.index_cast %parallel_loop3A_353 : i32 to index
      %parallel_loop3A_356 = arith.index_cast %parallel_loop3A_351 : i32 to index
      %parallel_loop3A_357 = tpu.vector_load %arg7[%parallel_loop3A_354, %parallel_loop3A_355, %parallel_loop3A_356] {strides = array<i32>} : memref<3x16x1024xf32, #tpu.memory_space<vmem>>, vector<16xf32>,
      tpu.vector_store %arg7[%parallel_loop3A_354, %parallel_loop3A_355, %parallel_loop3A_356], %parallel_loop3A_349 {strides = array<i32>} : memref<3x16x1024xf32, #tpu.memory_space<vmem>>, vector<16xf32>,
      %parallel_loop3A_358 = arith.constant 12 : i32
      %parallel_loop3A_359 = vector.broadcast %parallel_loop3A_358 : i32 to vector<16xi32>
      %parallel_loop3A_360 = tpu.vector_load_idx %arg5[%parallel_loop3A_359, %parallel_loop3A_225] : memref<16x3969xf32, #tpu.memory_space<vmem>>[vector<16xi32>, vector<16xi32>], vector<16xf32>,
      %parallel_loop3A_361 = arith.constant 16 : i32
      %parallel_loop3A_362 = arith.muli %parallel_loop3A_217, %parallel_loop3A_361 : i32
      %parallel_loop3A_363 = arith.constant 0 : i32
      %parallel_loop3A_364 = arith.constant 12 : i32
      %parallel_loop3A_365 = arith.index_cast %parallel_loop3A_363 : i32 to index
      %parallel_loop3A_366 = arith.index_cast %parallel_loop3A_364 : i32 to index
      %parallel_loop3A_367 = arith.index_cast %parallel_loop3A_362 : i32 to index
      %parallel_loop3A_368 = tpu.vector_load %arg7[%parallel_loop3A_365, %parallel_loop3A_366, %parallel_loop3A_367] {strides = array<i32>} : memref<3x16x1024xf32, #tpu.memory_space<vmem>>, vector<16xf32>,
      tpu.vector_store %arg7[%parallel_loop3A_365, %parallel_loop3A_366, %parallel_loop3A_367], %parallel_loop3A_360 {strides = array<i32>} : memref<3x16x1024xf32, #tpu.memory_space<vmem>>, vector<16xf32>,
      %parallel_loop3A_369 = arith.constant 13 : i32
      %parallel_loop3A_370 = vector.broadcast %parallel_loop3A_369 : i32 to vector<16xi32>
      %parallel_loop3A_371 = tpu.vector_load_idx %arg5[%parallel_loop3A_370, %parallel_loop3A_225] : memref<16x3969xf32, #tpu.memory_space<vmem>>[vector<16xi32>, vector<16xi32>], vector<16xf32>,
      %parallel_loop3A_372 = arith.constant 16 : i32
      %parallel_loop3A_373 = arith.muli %parallel_loop3A_217, %parallel_loop3A_372 : i32
      %parallel_loop3A_374 = arith.constant 0 : i32
      %parallel_loop3A_375 = arith.constant 13 : i32
      %parallel_loop3A_376 = arith.index_cast %parallel_loop3A_374 : i32 to index
      %parallel_loop3A_377 = arith.index_cast %parallel_loop3A_375 : i32 to index
      %parallel_loop3A_378 = arith.index_cast %parallel_loop3A_373 : i32 to index
      %parallel_loop3A_379 = tpu.vector_load %arg7[%parallel_loop3A_376, %parallel_loop3A_377, %parallel_loop3A_378] {strides = array<i32>} : memref<3x16x1024xf32, #tpu.memory_space<vmem>>, vector<16xf32>,
      tpu.vector_store %arg7[%parallel_loop3A_376, %parallel_loop3A_377, %parallel_loop3A_378], %parallel_loop3A_371 {strides = array<i32>} : memref<3x16x1024xf32, #tpu.memory_space<vmem>>, vector<16xf32>,
      %parallel_loop3A_380 = arith.constant 14 : i32
      %parallel_loop3A_381 = vector.broadcast %parallel_loop3A_380 : i32 to vector<16xi32>
      %parallel_loop3A_382 = tpu.vector_load_idx %arg5[%parallel_loop3A_381, %parallel_loop3A_225] : memref<16x3969xf32, #tpu.memory_space<vmem>>[vector<16xi32>, vector<16xi32>], vector<16xf32>,
      %parallel_loop3A_383 = arith.constant 16 : i32
      %parallel_loop3A_384 = arith.muli %parallel_loop3A_217, %parallel_loop3A_383 : i32
      %parallel_loop3A_385 = arith.constant 0 : i32
      %parallel_loop3A_386 = arith.constant 14 : i32
      %parallel_loop3A_387 = arith.index_cast %parallel_loop3A_385 : i32 to index
      %parallel_loop3A_388 = arith.index_cast %parallel_loop3A_386 : i32 to index
      %parallel_loop3A_389 = arith.index_cast %parallel_loop3A_384 : i32 to index
      %parallel_loop3A_390 = tpu.vector_load %arg7[%parallel_loop3A_387, %parallel_loop3A_388, %parallel_loop3A_389] {strides = array<i32>} : memref<3x16x1024xf32, #tpu.memory_space<vmem>>, vector<16xf32>,
      tpu.vector_store %arg7[%parallel_loop3A_387, %parallel_loop3A_388, %parallel_loop3A_389], %parallel_loop3A_382 {strides = array<i32>} : memref<3x16x1024xf32, #tpu.memory_space<vmem>>, vector<16xf32>,
      %parallel_loop3A_391 = arith.constant 15 : i32
      %parallel_loop3A_392 = vector.broadcast %parallel_loop3A_391 : i32 to vector<16xi32>
      %parallel_loop3A_393 = tpu.vector_load_idx %arg5[%parallel_loop3A_392, %parallel_loop3A_225] : memref<16x3969xf32, #tpu.memory_space<vmem>>[vector<16xi32>, vector<16xi32>], vector<16xf32>,
      %parallel_loop3A_394 = arith.constant 16 : i32
      %parallel_loop3A_395 = arith.muli %parallel_loop3A_217, %parallel_loop3A_394 : i32
      %parallel_loop3A_396 = arith.constant 0 : i32
      %parallel_loop3A_397 = arith.constant 15 : i32
      %parallel_loop3A_398 = arith.index_cast %parallel_loop3A_396 : i32 to index
      %parallel_loop3A_399 = arith.index_cast %parallel_loop3A_397 : i32 to index
      %parallel_loop3A_400 = arith.index_cast %parallel_loop3A_395 : i32 to index
      %parallel_loop3A_401 = tpu.vector_load %arg7[%parallel_loop3A_398, %parallel_loop3A_399, %parallel_loop3A_400] {strides = array<i32>} : memref<3x16x1024xf32, #tpu.memory_space<vmem>>, vector<16xf32>,
      tpu.vector_store %arg7[%parallel_loop3A_398, %parallel_loop3A_399, %parallel_loop3A_400], %parallel_loop3A_393 {strides = array<i32>} : memref<3x16x1024xf32, #tpu.memory_space<vmem>>, vector<16xf32>,
    } {sc.loop_unroll_factor = 1 : i64, sc.parallel_access}
    %dma_start3A_74 = arith.constant 0 : i32
    %dma_start3A_75 = arith.constant 0 : i32
    %dma_start3A_76 = arith.constant 0 : i32
    %dma_start3A_77 = tpu.memref_slice %arg7[%dma_start3A_74, %dma_start3A_75, %dma_start3A_76] : memref<3x16x1024xf32, #tpu.memory_space<vmem>> -> memref<1x16x1024xf32, #tpu.memory_space<vmem>>
    %dma_start3A_78 = tpu.memref_squeeze %dma_start3A_77 : memref<1x16x1024xf32, #tpu.memory_space<vmem>> -> memref<16x1024xf32, #tpu.memory_space<vmem>>
    %dma_start3A_79 = arith.constant 0 : i32
    %dma_start3A_80 = arith.constant 0 : i32
    %dma_start3A_81 = tpu.memref_slice %arg4[%dma_start3A_79, %add3A_40, %dma_start3A_80] : memref<16x1024x1024xf32, #tpu.memory_space<hbm>> -> memref<16x1x1024xf32, #tpu.memory_space<hbm>>
    %dma_start3A_82 = tpu.memref_squeeze %dma_start3A_81 : memref<16x1x1024xf32, #tpu.memory_space<hbm>> -> memref<16x1024xf32, #tpu.memory_space<hbm>>
    %dma_start3A_83 = arith.constant 0 : i32
    %dma_start3A_84 = arith.constant 0 : i32
    %dma_start3A_85 = tpu.memref_slice %arg4[%dma_start3A_83, %add3A_40, %dma_start3A_84] : memref<16x1024x1024xf32, #tpu.memory_space<hbm>> -> memref<16x1x1024xf32, #tpu.memory_space<hbm>>
    %dma_start3A_86 = tpu.memref_squeeze %dma_start3A_85 : memref<16x1x1024xf32, #tpu.memory_space<hbm>> -> memref<16x1024xf32, #tpu.memory_space<hbm>>
    %dma_start3A_87 = arith.constant 0 : i32
    %dma_start3A_88 = arith.constant 0 : i32
    %dma_start3A_89 = tpu.memref_slice %arg7[%dma_start3A_74, %dma_start3A_87, %dma_start3A_88] : memref<3x16x1024xf32, #tpu.memory_space<vmem>> -> memref<1x16x1024xf32, #tpu.memory_space<vmem>>
    %dma_start3A_90 = tpu.memref_squeeze %dma_start3A_89 : memref<1x16x1024xf32, #tpu.memory_space<vmem>> -> memref<16x1024xf32, #tpu.memory_space<vmem>>
    tpu.enqueue_dma source(%dma_start3A_90 : memref<16x1024xf32, #tpu.memory_space<vmem>>) target(%dma_start3A_86 : memref<16x1024xf32, #tpu.memory_space<hbm>>) target_semaphore(%arg11 : memref<!tpu.dma_semaphore, #tpu.memory_space<semaphore_mem>>)
    %add3A_91 = arith.constant 30 : i32
    %add3A_92 = arith.addi %mul3A_2, %add3A_91 : i32
    %add3A_93 = arith.constant 1 : i32
    %add3A_94 = arith.addi %add3A_92, %add3A_93 : i32
    %dma_wait3A_95 = arith.constant 1 : i32
    %dma_wait3A_96 = arith.constant 0 : i32
    %dma_wait3A_97 = arith.constant 0 : i32
    %dma_wait3A_98 = tpu.memref_slice %arg6[%dma_wait3A_95, %dma_wait3A_96, %dma_wait3A_97] : memref<3x1x1024xi32, #tpu.memory_space<vmem>> -> memref<1x1x1024xi32, #tpu.memory_space<vmem>>
    %dma_wait3A_99 = tpu.memref_squeeze %dma_wait3A_98 : memref<1x1x1024xi32, #tpu.memory_space<vmem>> -> memref<1024xi32, #tpu.memory_space<vmem>>
    %dma_wait3A_100 = arith.constant 0 : i32
    %dma_wait3A_101 = tpu.memref_slice %arg3[%add3A_94, %dma_wait3A_100] : memref<1024x1024xi32, #tpu.memory_space<hbm>> -> memref<1x1024xi32, #tpu.memory_space<hbm>>
    %dma_wait3A_102 = tpu.memref_squeeze %dma_wait3A_101 : memref<1x1024xi32, #tpu.memory_space<hbm>> -> memref<1024xi32, #tpu.memory_space<hbm>>
    %dma_wait3A_103 = arith.constant 0 : i32
    %dma_wait3A_104 = tpu.memref_slice %arg6[%dma_wait3A_95, %dma_wait3A_96, %dma_wait3A_103] : memref<3x1x1024xi32, #tpu.memory_space<vmem>> -> memref<1x1x1024xi32, #tpu.memory_space<vmem>>
    %dma_wait3A_105 = tpu.memref_squeeze %dma_wait3A_104 : memref<1x1x1024xi32, #tpu.memory_space<vmem>> -> memref<1024xi32, #tpu.memory_space<vmem>>
    %dma_wait3A_106 = arith.constant 0 : i32
    %dma_wait3A_107 = tpu.memref_slice %arg3[%add3A_94, %dma_wait3A_106] : memref<1024x1024xi32, #tpu.memory_space<hbm>> -> memref<1x1024xi32, #tpu.memory_space<hbm>>
    %dma_wait3A_108 = tpu.memref_squeeze %dma_wait3A_107 : memref<1x1024xi32, #tpu.memory_space<hbm>> -> memref<1024xi32, #tpu.memory_space<hbm>>
    tpu.wait_dma2 semaphore(%arg9 : memref<!tpu.dma_semaphore, #tpu.memory_space<semaphore_mem>>) src(%dma_wait3A_108 : memref<1024xi32, #tpu.memory_space<hbm>>) dst(%dma_wait3A_105 : memref<1024xi32, #tpu.memory_space<vmem>>)
    %sub3A_109 = arith.constant 3 : i32
    %sub3A_110 = arith.subi %add3A_94, %sub3A_109 : i32
    %dma_wait3A_111 = arith.constant 1 : i32
    %dma_wait3A_112 = arith.constant 0 : i32
    %dma_wait3A_113 = arith.constant 0 : i32
    %dma_wait3A_114 = tpu.memref_slice %arg7[%dma_wait3A_111, %dma_wait3A_112, %dma_wait3A_113] : memref<3x16x1024xf32, #tpu.memory_space<vmem>> -> memref<1x16x1024xf32, #tpu.memory_space<vmem>>
    %dma_wait3A_115 = tpu.memref_squeeze %dma_wait3A_114 : memref<1x16x1024xf32, #tpu.memory_space<vmem>> -> memref<16x1024xf32, #tpu.memory_space<vmem>>
    %dma_wait3A_116 = arith.constant 0 : i32
    %dma_wait3A_117 = arith.constant 0 : i32
    %dma_wait3A_118 = tpu.memref_slice %arg4[%dma_wait3A_116, %sub3A_110, %dma_wait3A_117] : memref<16x1024x1024xf32, #tpu.memory_space<hbm>> -> memref<16x1x1024xf32, #tpu.memory_space<hbm>>
    %dma_wait3A_119 = tpu.memref_squeeze %dma_wait3A_118 : memref<16x1x1024xf32, #tpu.memory_space<hbm>> -> memref<16x1024xf32, #tpu.memory_space<hbm>>
    %dma_wait3A_120 = arith.constant 0 : i32
    %dma_wait3A_121 = arith.constant 0 : i32
    %dma_wait3A_122 = tpu.memref_slice %arg4[%dma_wait3A_120, %sub3A_110, %dma_wait3A_121] : memref<16x1024x1024xf32, #tpu.memory_space<hbm>> -> memref<16x1x1024xf32, #tpu.memory_space<hbm>>
    %dma_wait3A_123 = tpu.memref_squeeze %dma_wait3A_122 : memref<16x1x1024xf32, #tpu.memory_space<hbm>> -> memref<16x1024xf32, #tpu.memory_space<hbm>>
    %dma_wait3A_124 = arith.constant 0 : i32
    %dma_wait3A_125 = arith.constant 0 : i32
    %dma_wait3A_126 = tpu.memref_slice %arg7[%dma_wait3A_111, %dma_wait3A_124, %dma_wait3A_125] : memref<3x16x1024xf32, #tpu.memory_space<vmem>> -> memref<1x16x1024xf32, #tpu.memory_space<vmem>>
    %dma_wait3A_127 = tpu.memref_squeeze %dma_wait3A_126 : memref<1x16x1024xf32, #tpu.memory_space<vmem>> -> memref<16x1024xf32, #tpu.memory_space<vmem>>
    tpu.wait_dma2 semaphore(%arg12 : memref<!tpu.dma_semaphore, #tpu.memory_space<semaphore_mem>>) src(%dma_wait3A_127 : memref<16x1024xf32, #tpu.memory_space<vmem>>) dst(%dma_wait3A_123 : memref<16x1024xf32, #tpu.memory_space<hbm>>)
    %parallel_loop3A_128 = arith.constant 0 : i32
    %parallel_loop3A_129 = arith.constant 64 : i32
    %parallel_loop3A_130 = arith.constant 1 : i32
    scf.for %parallel_loop3A_217 = %parallel_loop3A_128 to %parallel_loop3A_129 step %parallel_loop3A_130  : i32 {
      %parallel_loop3A_218 = arith.constant 16 : i32
      %parallel_loop3A_219 = arith.muli %parallel_loop3A_217, %parallel_loop3A_218 : i32
      %parallel_loop3A_220 = arith.constant 1 : i32
      %parallel_loop3A_221 = arith.constant 0 : i32
      %parallel_loop3A_222 = arith.index_cast %parallel_loop3A_220 : i32 to index
      %parallel_loop3A_223 = arith.index_cast %parallel_loop3A_221 : i32 to index
      %parallel_loop3A_224 = arith.index_cast %parallel_loop3A_219 : i32 to index
      %parallel_loop3A_225 = tpu.vector_load %arg6[%parallel_loop3A_222, %parallel_loop3A_223, %parallel_loop3A_224] {strides = array<i32>} : memref<3x1x1024xi32, #tpu.memory_space<vmem>>, vector<16xi32>,
      %parallel_loop3A_226 = arith.constant 0 : i32
      %parallel_loop3A_227 = vector.broadcast %parallel_loop3A_226 : i32 to vector<16xi32>
      %parallel_loop3A_228 = tpu.vector_load_idx %arg5[%parallel_loop3A_227, %parallel_loop3A_225] : memref<16x3969xf32, #tpu.memory_space<vmem>>[vector<16xi32>, vector<16xi32>], vector<16xf32>,
      %parallel_loop3A_229 = arith.constant 16 : i32
      %parallel_loop3A_230 = arith.muli %parallel_loop3A_217, %parallel_loop3A_229 : i32
      %parallel_loop3A_231 = arith.constant 1 : i32
      %parallel_loop3A_232 = arith.constant 0 : i32
      %parallel_loop3A_233 = arith.index_cast %parallel_loop3A_231 : i32 to index
      %parallel_loop3A_234 = arith.index_cast %parallel_loop3A_232 : i32 to index
      %parallel_loop3A_235 = arith.index_cast %parallel_loop3A_230 : i32 to index
      %parallel_loop3A_236 = tpu.vector_load %arg7[%parallel_loop3A_233, %parallel_loop3A_234, %parallel_loop3A_235] {strides = array<i32>} : memref<3x16x1024xf32, #tpu.memory_space<vmem>>, vector<16xf32>,
      tpu.vector_store %arg7[%parallel_loop3A_233, %parallel_loop3A_234, %parallel_loop3A_235], %parallel_loop3A_228 {strides = array<i32>} : memref<3x16x1024xf32, #tpu.memory_space<vmem>>, vector<16xf32>,
      %parallel_loop3A_237 = arith.constant 1 : i32
      %parallel_loop3A_238 = vector.broadcast %parallel_loop3A_237 : i32 to vector<16xi32>
      %parallel_loop3A_239 = tpu.vector_load_idx %arg5[%parallel_loop3A_238, %parallel_loop3A_225] : memref<16x3969xf32, #tpu.memory_space<vmem>>[vector<16xi32>, vector<16xi32>], vector<16xf32>,
      %parallel_loop3A_240 = arith.constant 16 : i32
      %parallel_loop3A_241 = arith.muli %parallel_loop3A_217, %parallel_loop3A_240 : i32
      %parallel_loop3A_242 = arith.constant 1 : i32
      %parallel_loop3A_243 = arith.constant 1 : i32
      %parallel_loop3A_244 = arith.index_cast %parallel_loop3A_242 : i32 to index
      %parallel_loop3A_245 = arith.index_cast %parallel_loop3A_243 : i32 to index
      %parallel_loop3A_246 = arith.index_cast %parallel_loop3A_241 : i32 to index
      %parallel_loop3A_247 = tpu.vector_load %arg7[%parallel_loop3A_244, %parallel_loop3A_245, %parallel_loop3A_246] {strides = array<i32>} : memref<3x16x1024xf32, #tpu.memory_space<vmem>>, vector<16xf32>,
      tpu.vector_store %arg7[%parallel_loop3A_244, %parallel_loop3A_245, %parallel_loop3A_246], %parallel_loop3A_239 {strides = array<i32>} : memref<3x16x1024xf32, #tpu.memory_space<vmem>>, vector<16xf32>,
      %parallel_loop3A_248 = arith.constant 2 : i32
      %parallel_loop3A_249 = vector.broadcast %parallel_loop3A_248 : i32 to vector<16xi32>
      %parallel_loop3A_250 = tpu.vector_load_idx %arg5[%parallel_loop3A_249, %parallel_loop3A_225] : memref<16x3969xf32, #tpu.memory_space<vmem>>[vector<16xi32>, vector<16xi32>], vector<16xf32>,
      %parallel_loop3A_251 = arith.constant 16 : i32
      %parallel_loop3A_252 = arith.muli %parallel_loop3A_217, %parallel_loop3A_251 : i32
      %parallel_loop3A_253 = arith.constant 1 : i32
      %parallel_loop3A_254 = arith.constant 2 : i32
      %parallel_loop3A_255 = arith.index_cast %parallel_loop3A_253 : i32 to index
      %parallel_loop3A_256 = arith.index_cast %parallel_loop3A_254 : i32 to index
      %parallel_loop3A_257 = arith.index_cast %parallel_loop3A_252 : i32 to index
      %parallel_loop3A_258 = tpu.vector_load %arg7[%parallel_loop3A_255, %parallel_loop3A_256, %parallel_loop3A_257] {strides = array<i32>} : memref<3x16x1024xf32, #tpu.memory_space<vmem>>, vector<16xf32>,
      tpu.vector_store %arg7[%parallel_loop3A_255, %parallel_loop3A_256, %parallel_loop3A_257], %parallel_loop3A_250 {strides = array<i32>} : memref<3x16x1024xf32, #tpu.memory_space<vmem>>, vector<16xf32>,
      %parallel_loop3A_259 = arith.constant 3 : i32
      %parallel_loop3A_260 = vector.broadcast %parallel_loop3A_259 : i32 to vector<16xi32>
      %parallel_loop3A_261 = tpu.vector_load_idx %arg5[%parallel_loop3A_260, %parallel_loop3A_225] : memref<16x3969xf32, #tpu.memory_space<vmem>>[vector<16xi32>, vector<16xi32>], vector<16xf32>,
      %parallel_loop3A_262 = arith.constant 16 : i32
      %parallel_loop3A_263 = arith.muli %parallel_loop3A_217, %parallel_loop3A_262 : i32
      %parallel_loop3A_264 = arith.constant 1 : i32
      %parallel_loop3A_265 = arith.constant 3 : i32
      %parallel_loop3A_266 = arith.index_cast %parallel_loop3A_264 : i32 to index
      %parallel_loop3A_267 = arith.index_cast %parallel_loop3A_265 : i32 to index
      %parallel_loop3A_268 = arith.index_cast %parallel_loop3A_263 : i32 to index
      %parallel_loop3A_269 = tpu.vector_load %arg7[%parallel_loop3A_266, %parallel_loop3A_267, %parallel_loop3A_268] {strides = array<i32>} : memref<3x16x1024xf32, #tpu.memory_space<vmem>>, vector<16xf32>,
      tpu.vector_store %arg7[%parallel_loop3A_266, %parallel_loop3A_267, %parallel_loop3A_268], %parallel_loop3A_261 {strides = array<i32>} : memref<3x16x1024xf32, #tpu.memory_space<vmem>>, vector<16xf32>,
      %parallel_loop3A_270 = arith.constant 4 : i32
      %parallel_loop3A_271 = vector.broadcast %parallel_loop3A_270 : i32 to vector<16xi32>
      %parallel_loop3A_272 = tpu.vector_load_idx %arg5[%parallel_loop3A_271, %parallel_loop3A_225] : memref<16x3969xf32, #tpu.memory_space<vmem>>[vector<16xi32>, vector<16xi32>], vector<16xf32>,
      %parallel_loop3A_273 = arith.constant 16 : i32
      %parallel_loop3A_274 = arith.muli %parallel_loop3A_217, %parallel_loop3A_273 : i32
      %parallel_loop3A_275 = arith.constant 1 : i32
      %parallel_loop3A_276 = arith.constant 4 : i32
      %parallel_loop3A_277 = arith.index_cast %parallel_loop3A_275 : i32 to index
      %parallel_loop3A_278 = arith.index_cast %parallel_loop3A_276 : i32 to index
      %parallel_loop3A_279 = arith.index_cast %parallel_loop3A_274 : i32 to index
      %parallel_loop3A_280 = tpu.vector_load %arg7[%parallel_loop3A_277, %parallel_loop3A_278, %parallel_loop3A_279] {strides = array<i32>} : memref<3x16x1024xf32, #tpu.memory_space<vmem>>, vector<16xf32>,
      tpu.vector_store %arg7[%parallel_loop3A_277, %parallel_loop3A_278, %parallel_loop3A_279], %parallel_loop3A_272 {strides = array<i32>} : memref<3x16x1024xf32, #tpu.memory_space<vmem>>, vector<16xf32>,
      %parallel_loop3A_281 = arith.constant 5 : i32
      %parallel_loop3A_282 = vector.broadcast %parallel_loop3A_281 : i32 to vector<16xi32>
      %parallel_loop3A_283 = tpu.vector_load_idx %arg5[%parallel_loop3A_282, %parallel_loop3A_225] : memref<16x3969xf32, #tpu.memory_space<vmem>>[vector<16xi32>, vector<16xi32>], vector<16xf32>,
      %parallel_loop3A_284 = arith.constant 16 : i32
      %parallel_loop3A_285 = arith.muli %parallel_loop3A_217, %parallel_loop3A_284 : i32
      %parallel_loop3A_286 = arith.constant 1 : i32
      %parallel_loop3A_287 = arith.constant 5 : i32
      %parallel_loop3A_288 = arith.index_cast %parallel_loop3A_286 : i32 to index
      %parallel_loop3A_289 = arith.index_cast %parallel_loop3A_287 : i32 to index
      %parallel_loop3A_290 = arith.index_cast %parallel_loop3A_285 : i32 to index
      %parallel_loop3A_291 = tpu.vector_load %arg7[%parallel_loop3A_288, %parallel_loop3A_289, %parallel_loop3A_290] {strides = array<i32>} : memref<3x16x1024xf32, #tpu.memory_space<vmem>>, vector<16xf32>,
      tpu.vector_store %arg7[%parallel_loop3A_288, %parallel_loop3A_289, %parallel_loop3A_290], %parallel_loop3A_283 {strides = array<i32>} : memref<3x16x1024xf32, #tpu.memory_space<vmem>>, vector<16xf32>,
      %parallel_loop3A_292 = arith.constant 6 : i32
      %parallel_loop3A_293 = vector.broadcast %parallel_loop3A_292 : i32 to vector<16xi32>
      %parallel_loop3A_294 = tpu.vector_load_idx %arg5[%parallel_loop3A_293, %parallel_loop3A_225] : memref<16x3969xf32, #tpu.memory_space<vmem>>[vector<16xi32>, vector<16xi32>], vector<16xf32>,
      %parallel_loop3A_295 = arith.constant 16 : i32
      %parallel_loop3A_296 = arith.muli %parallel_loop3A_217, %parallel_loop3A_295 : i32
      %parallel_loop3A_297 = arith.constant 1 : i32
      %parallel_loop3A_298 = arith.constant 6 : i32
      %parallel_loop3A_299 = arith.index_cast %parallel_loop3A_297 : i32 to index
      %parallel_loop3A_300 = arith.index_cast %parallel_loop3A_298 : i32 to index
      %parallel_loop3A_301 = arith.index_cast %parallel_loop3A_296 : i32 to index
      %parallel_loop3A_302 = tpu.vector_load %arg7[%parallel_loop3A_299, %parallel_loop3A_300, %parallel_loop3A_301] {strides = array<i32>} : memref<3x16x1024xf32, #tpu.memory_space<vmem>>, vector<16xf32>,
      tpu.vector_store %arg7[%parallel_loop3A_299, %parallel_loop3A_300, %parallel_loop3A_301], %parallel_loop3A_294 {strides = array<i32>} : memref<3x16x1024xf32, #tpu.memory_space<vmem>>, vector<16xf32>,
      %parallel_loop3A_303 = arith.constant 7 : i32
      %parallel_loop3A_304 = vector.broadcast %parallel_loop3A_303 : i32 to vector<16xi32>
      %parallel_loop3A_305 = tpu.vector_load_idx %arg5[%parallel_loop3A_304, %parallel_loop3A_225] : memref<16x3969xf32, #tpu.memory_space<vmem>>[vector<16xi32>, vector<16xi32>], vector<16xf32>,
      %parallel_loop3A_306 = arith.constant 16 : i32
      %parallel_loop3A_307 = arith.muli %parallel_loop3A_217, %parallel_loop3A_306 : i32
      %parallel_loop3A_308 = arith.constant 1 : i32
      %parallel_loop3A_309 = arith.constant 7 : i32
      %parallel_loop3A_310 = arith.index_cast %parallel_loop3A_308 : i32 to index
      %parallel_loop3A_311 = arith.index_cast %parallel_loop3A_309 : i32 to index
      %parallel_loop3A_312 = arith.index_cast %parallel_loop3A_307 : i32 to index
      %parallel_loop3A_313 = tpu.vector_load %arg7[%parallel_loop3A_310, %parallel_loop3A_311, %parallel_loop3A_312] {strides = array<i32>} : memref<3x16x1024xf32, #tpu.memory_space<vmem>>, vector<16xf32>,
      tpu.vector_store %arg7[%parallel_loop3A_310, %parallel_loop3A_311, %parallel_loop3A_312], %parallel_loop3A_305 {strides = array<i32>} : memref<3x16x1024xf32, #tpu.memory_space<vmem>>, vector<16xf32>,
      %parallel_loop3A_314 = arith.constant 8 : i32
      %parallel_loop3A_315 = vector.broadcast %parallel_loop3A_314 : i32 to vector<16xi32>
      %parallel_loop3A_316 = tpu.vector_load_idx %arg5[%parallel_loop3A_315, %parallel_loop3A_225] : memref<16x3969xf32, #tpu.memory_space<vmem>>[vector<16xi32>, vector<16xi32>], vector<16xf32>,
      %parallel_loop3A_317 = arith.constant 16 : i32
      %parallel_loop3A_318 = arith.muli %parallel_loop3A_217, %parallel_loop3A_317 : i32
      %parallel_loop3A_319 = arith.constant 1 : i32
      %parallel_loop3A_320 = arith.constant 8 : i32
      %parallel_loop3A_321 = arith.index_cast %parallel_loop3A_319 : i32 to index
      %parallel_loop3A_322 = arith.index_cast %parallel_loop3A_320 : i32 to index
      %parallel_loop3A_323 = arith.index_cast %parallel_loop3A_318 : i32 to index
      %parallel_loop3A_324 = tpu.vector_load %arg7[%parallel_loop3A_321, %parallel_loop3A_322, %parallel_loop3A_323] {strides = array<i32>} : memref<3x16x1024xf32, #tpu.memory_space<vmem>>, vector<16xf32>,
      tpu.vector_store %arg7[%parallel_loop3A_321, %parallel_loop3A_322, %parallel_loop3A_323], %parallel_loop3A_316 {strides = array<i32>} : memref<3x16x1024xf32, #tpu.memory_space<vmem>>, vector<16xf32>,
      %parallel_loop3A_325 = arith.constant 9 : i32
      %parallel_loop3A_326 = vector.broadcast %parallel_loop3A_325 : i32 to vector<16xi32>
      %parallel_loop3A_327 = tpu.vector_load_idx %arg5[%parallel_loop3A_326, %parallel_loop3A_225] : memref<16x3969xf32, #tpu.memory_space<vmem>>[vector<16xi32>, vector<16xi32>], vector<16xf32>,
      %parallel_loop3A_328 = arith.constant 16 : i32
      %parallel_loop3A_329 = arith.muli %parallel_loop3A_217, %parallel_loop3A_328 : i32
      %parallel_loop3A_330 = arith.constant 1 : i32
      %parallel_loop3A_331 = arith.constant 9 : i32
      %parallel_loop3A_332 = arith.index_cast %parallel_loop3A_330 : i32 to index
      %parallel_loop3A_333 = arith.index_cast %parallel_loop3A_331 : i32 to index
      %parallel_loop3A_334 = arith.index_cast %parallel_loop3A_329 : i32 to index
      %parallel_loop3A_335 = tpu.vector_load %arg7[%parallel_loop3A_332, %parallel_loop3A_333, %parallel_loop3A_334] {strides = array<i32>} : memref<3x16x1024xf32, #tpu.memory_space<vmem>>, vector<16xf32>,
      tpu.vector_store %arg7[%parallel_loop3A_332, %parallel_loop3A_333, %parallel_loop3A_334], %parallel_loop3A_327 {strides = array<i32>} : memref<3x16x1024xf32, #tpu.memory_space<vmem>>, vector<16xf32>,
      %parallel_loop3A_336 = arith.constant 10 : i32
      %parallel_loop3A_337 = vector.broadcast %parallel_loop3A_336 : i32 to vector<16xi32>
      %parallel_loop3A_338 = tpu.vector_load_idx %arg5[%parallel_loop3A_337, %parallel_loop3A_225] : memref<16x3969xf32, #tpu.memory_space<vmem>>[vector<16xi32>, vector<16xi32>], vector<16xf32>,
      %parallel_loop3A_339 = arith.constant 16 : i32
      %parallel_loop3A_340 = arith.muli %parallel_loop3A_217, %parallel_loop3A_339 : i32
      %parallel_loop3A_341 = arith.constant 1 : i32
      %parallel_loop3A_342 = arith.constant 10 : i32
      %parallel_loop3A_343 = arith.index_cast %parallel_loop3A_341 : i32 to index
      %parallel_loop3A_344 = arith.index_cast %parallel_loop3A_342 : i32 to index
      %parallel_loop3A_345 = arith.index_cast %parallel_loop3A_340 : i32 to index
      %parallel_loop3A_346 = tpu.vector_load %arg7[%parallel_loop3A_343, %parallel_loop3A_344, %parallel_loop3A_345] {strides = array<i32>} : memref<3x16x1024xf32, #tpu.memory_space<vmem>>, vector<16xf32>,
      tpu.vector_store %arg7[%parallel_loop3A_343, %parallel_loop3A_344, %parallel_loop3A_345], %parallel_loop3A_338 {strides = array<i32>} : memref<3x16x1024xf32, #tpu.memory_space<vmem>>, vector<16xf32>,
      %parallel_loop3A_347 = arith.constant 11 : i32
      %parallel_loop3A_348 = vector.broadcast %parallel_loop3A_347 : i32 to vector<16xi32>
      %parallel_loop3A_349 = tpu.vector_load_idx %arg5[%parallel_loop3A_348, %parallel_loop3A_225] : memref<16x3969xf32, #tpu.memory_space<vmem>>[vector<16xi32>, vector<16xi32>], vector<16xf32>,
      %parallel_loop3A_350 = arith.constant 16 : i32
      %parallel_loop3A_351 = arith.muli %parallel_loop3A_217, %parallel_loop3A_350 : i32
      %parallel_loop3A_352 = arith.constant 1 : i32
      %parallel_loop3A_353 = arith.constant 11 : i32
      %parallel_loop3A_354 = arith.index_cast %parallel_loop3A_352 : i32 to index
      %parallel_loop3A_355 = arith.index_cast %parallel_loop3A_353 : i32 to index
      %parallel_loop3A_356 = arith.index_cast %parallel_loop3A_351 : i32 to index
      %parallel_loop3A_357 = tpu.vector_load %arg7[%parallel_loop3A_354, %parallel_loop3A_355, %parallel_loop3A_356] {strides = array<i32>} : memref<3x16x1024xf32, #tpu.memory_space<vmem>>, vector<16xf32>,
      tpu.vector_store %arg7[%parallel_loop3A_354, %parallel_loop3A_355, %parallel_loop3A_356], %parallel_loop3A_349 {strides = array<i32>} : memref<3x16x1024xf32, #tpu.memory_space<vmem>>, vector<16xf32>,
      %parallel_loop3A_358 = arith.constant 12 : i32
      %parallel_loop3A_359 = vector.broadcast %parallel_loop3A_358 : i32 to vector<16xi32>
      %parallel_loop3A_360 = tpu.vector_load_idx %arg5[%parallel_loop3A_359, %parallel_loop3A_225] : memref<16x3969xf32, #tpu.memory_space<vmem>>[vector<16xi32>, vector<16xi32>], vector<16xf32>,
      %parallel_loop3A_361 = arith.constant 16 : i32
      %parallel_loop3A_362 = arith.muli %parallel_loop3A_217, %parallel_loop3A_361 : i32
      %parallel_loop3A_363 = arith.constant 1 : i32
      %parallel_loop3A_364 = arith.constant 12 : i32
      %parallel_loop3A_365 = arith.index_cast %parallel_loop3A_363 : i32 to index
      %parallel_loop3A_366 = arith.index_cast %parallel_loop3A_364 : i32 to index
      %parallel_loop3A_367 = arith.index_cast %parallel_loop3A_362 : i32 to index
      %parallel_loop3A_368 = tpu.vector_load %arg7[%parallel_loop3A_365, %parallel_loop3A_366, %parallel_loop3A_367] {strides = array<i32>} : memref<3x16x1024xf32, #tpu.memory_space<vmem>>, vector<16xf32>,
      tpu.vector_store %arg7[%parallel_loop3A_365, %parallel_loop3A_366, %parallel_loop3A_367], %parallel_loop3A_360 {strides = array<i32>} : memref<3x16x1024xf32, #tpu.memory_space<vmem>>, vector<16xf32>,
      %parallel_loop3A_369 = arith.constant 13 : i32
      %parallel_loop3A_370 = vector.broadcast %parallel_loop3A_369 : i32 to vector<16xi32>
      %parallel_loop3A_371 = tpu.vector_load_idx %arg5[%parallel_loop3A_370, %parallel_loop3A_225] : memref<16x3969xf32, #tpu.memory_space<vmem>>[vector<16xi32>, vector<16xi32>], vector<16xf32>,
      %parallel_loop3A_372 = arith.constant 16 : i32
      %parallel_loop3A_373 = arith.muli %parallel_loop3A_217, %parallel_loop3A_372 : i32
      %parallel_loop3A_374 = arith.constant 1 : i32
      %parallel_loop3A_375 = arith.constant 13 : i32
      %parallel_loop3A_376 = arith.index_cast %parallel_loop3A_374 : i32 to index
      %parallel_loop3A_377 = arith.index_cast %parallel_loop3A_375 : i32 to index
      %parallel_loop3A_378 = arith.index_cast %parallel_loop3A_373 : i32 to index
      %parallel_loop3A_379 = tpu.vector_load %arg7[%parallel_loop3A_376, %parallel_loop3A_377, %parallel_loop3A_378] {strides = array<i32>} : memref<3x16x1024xf32, #tpu.memory_space<vmem>>, vector<16xf32>,
      tpu.vector_store %arg7[%parallel_loop3A_376, %parallel_loop3A_377, %parallel_loop3A_378], %parallel_loop3A_371 {strides = array<i32>} : memref<3x16x1024xf32, #tpu.memory_space<vmem>>, vector<16xf32>,
      %parallel_loop3A_380 = arith.constant 14 : i32
      %parallel_loop3A_381 = vector.broadcast %parallel_loop3A_380 : i32 to vector<16xi32>
      %parallel_loop3A_382 = tpu.vector_load_idx %arg5[%parallel_loop3A_381, %parallel_loop3A_225] : memref<16x3969xf32, #tpu.memory_space<vmem>>[vector<16xi32>, vector<16xi32>], vector<16xf32>,
      %parallel_loop3A_383 = arith.constant 16 : i32
      %parallel_loop3A_384 = arith.muli %parallel_loop3A_217, %parallel_loop3A_383 : i32
      %parallel_loop3A_385 = arith.constant 1 : i32
      %parallel_loop3A_386 = arith.constant 14 : i32
      %parallel_loop3A_387 = arith.index_cast %parallel_loop3A_385 : i32 to index
      %parallel_loop3A_388 = arith.index_cast %parallel_loop3A_386 : i32 to index
      %parallel_loop3A_389 = arith.index_cast %parallel_loop3A_384 : i32 to index
      %parallel_loop3A_390 = tpu.vector_load %arg7[%parallel_loop3A_387, %parallel_loop3A_388, %parallel_loop3A_389] {strides = array<i32>} : memref<3x16x1024xf32, #tpu.memory_space<vmem>>, vector<16xf32>,
      tpu.vector_store %arg7[%parallel_loop3A_387, %parallel_loop3A_388, %parallel_loop3A_389], %parallel_loop3A_382 {strides = array<i32>} : memref<3x16x1024xf32, #tpu.memory_space<vmem>>, vector<16xf32>,
      %parallel_loop3A_391 = arith.constant 15 : i32
      %parallel_loop3A_392 = vector.broadcast %parallel_loop3A_391 : i32 to vector<16xi32>
      %parallel_loop3A_393 = tpu.vector_load_idx %arg5[%parallel_loop3A_392, %parallel_loop3A_225] : memref<16x3969xf32, #tpu.memory_space<vmem>>[vector<16xi32>, vector<16xi32>], vector<16xf32>,
      %parallel_loop3A_394 = arith.constant 16 : i32
      %parallel_loop3A_395 = arith.muli %parallel_loop3A_217, %parallel_loop3A_394 : i32
      %parallel_loop3A_396 = arith.constant 1 : i32
      %parallel_loop3A_397 = arith.constant 15 : i32
      %parallel_loop3A_398 = arith.index_cast %parallel_loop3A_396 : i32 to index
      %parallel_loop3A_399 = arith.index_cast %parallel_loop3A_397 : i32 to index
      %parallel_loop3A_400 = arith.index_cast %parallel_loop3A_395 : i32 to index
      %parallel_loop3A_401 = tpu.vector_load %arg7[%parallel_loop3A_398, %parallel_loop3A_399, %parallel_loop3A_400] {strides = array<i32>} : memref<3x16x1024xf32, #tpu.memory_space<vmem>>, vector<16xf32>,
      tpu.vector_store %arg7[%parallel_loop3A_398, %parallel_loop3A_399, %parallel_loop3A_400], %parallel_loop3A_393 {strides = array<i32>} : memref<3x16x1024xf32, #tpu.memory_space<vmem>>, vector<16xf32>,
    } {sc.loop_unroll_factor = 1 : i64, sc.parallel_access}
    %dma_start3A_131 = arith.constant 1 : i32
    %dma_start3A_132 = arith.constant 0 : i32
    %dma_start3A_133 = arith.constant 0 : i32
    %dma_start3A_134 = tpu.memref_slice %arg7[%dma_start3A_131, %dma_start3A_132, %dma_start3A_133] : memref<3x16x1024xf32, #tpu.memory_space<vmem>> -> memref<1x16x1024xf32, #tpu.memory_space<vmem>>
    %dma_start3A_135 = tpu.memref_squeeze %dma_start3A_134 : memref<1x16x1024xf32, #tpu.memory_space<vmem>> -> memref<16x1024xf32, #tpu.memory_space<vmem>>
    %dma_start3A_136 = arith.constant 0 : i32
    %dma_start3A_137 = arith.constant 0 : i32
    %dma_start3A_138 = tpu.memref_slice %arg4[%dma_start3A_136, %add3A_94, %dma_start3A_137] : memref<16x1024x1024xf32, #tpu.memory_space<hbm>> -> memref<16x1x1024xf32, #tpu.memory_space<hbm>>
    %dma_start3A_139 = tpu.memref_squeeze %dma_start3A_138 : memref<16x1x1024xf32, #tpu.memory_space<hbm>> -> memref<16x1024xf32, #tpu.memory_space<hbm>>
    %dma_start3A_140 = arith.constant 0 : i32
    %dma_start3A_141 = arith.constant 0 : i32
    %dma_start3A_142 = tpu.memref_slice %arg4[%dma_start3A_140, %add3A_94, %dma_start3A_141] : memref<16x1024x1024xf32, #tpu.memory_space<hbm>> -> memref<16x1x1024xf32, #tpu.memory_space<hbm>>
    %dma_start3A_143 = tpu.memref_squeeze %dma_start3A_142 : memref<16x1x1024xf32, #tpu.memory_space<hbm>> -> memref<16x1024xf32, #tpu.memory_space<hbm>>
    %dma_start3A_144 = arith.constant 0 : i32
    %dma_start3A_145 = arith.constant 0 : i32
    %dma_start3A_146 = tpu.memref_slice %arg7[%dma_start3A_131, %dma_start3A_144, %dma_start3A_145] : memref<3x16x1024xf32, #tpu.memory_space<vmem>> -> memref<1x16x1024xf32, #tpu.memory_space<vmem>>
    %dma_start3A_147 = tpu.memref_squeeze %dma_start3A_146 : memref<1x16x1024xf32, #tpu.memory_space<vmem>> -> memref<16x1024xf32, #tpu.memory_space<vmem>>
    tpu.enqueue_dma source(%dma_start3A_147 : memref<16x1024xf32, #tpu.memory_space<vmem>>) target(%dma_start3A_143 : memref<16x1024xf32, #tpu.memory_space<hbm>>) target_semaphore(%arg12 : memref<!tpu.dma_semaphore, #tpu.memory_space<semaphore_mem>>)
    %add3A_148 = arith.constant 32 : i32
    %add3A_149 = arith.addi %mul3A_2, %add3A_148 : i32
    %sub3A_150 = arith.constant 3 : i32
    %sub3A_151 = arith.subi %add3A_149, %sub3A_150 : i32
    %add3A_152 = arith.constant 0 : i32
    %add3A_153 = arith.addi %sub3A_151, %add3A_152 : i32
    %dma_wait3A_154 = arith.constant 2 : i32
    %dma_wait3A_155 = arith.constant 0 : i32
    %dma_wait3A_156 = arith.constant 0 : i32
    %dma_wait3A_157 = tpu.memref_slice %arg7[%dma_wait3A_154, %dma_wait3A_155, %dma_wait3A_156] : memref<3x16x1024xf32, #tpu.memory_space<vmem>> -> memref<1x16x1024xf32, #tpu.memory_space<vmem>>
    %dma_wait3A_158 = tpu.memref_squeeze %dma_wait3A_157 : memref<1x16x1024xf32, #tpu.memory_space<vmem>> -> memref<16x1024xf32, #tpu.memory_space<vmem>>
    %dma_wait3A_159 = arith.constant 0 : i32
    %dma_wait3A_160 = arith.constant 0 : i32
    %dma_wait3A_161 = tpu.memref_slice %arg4[%dma_wait3A_159, %add3A_153, %dma_wait3A_160] : memref<16x1024x1024xf32, #tpu.memory_space<hbm>> -> memref<16x1x1024xf32, #tpu.memory_space<hbm>>
    %dma_wait3A_162 = tpu.memref_squeeze %dma_wait3A_161 : memref<16x1x1024xf32, #tpu.memory_space<hbm>> -> memref<16x1024xf32, #tpu.memory_space<hbm>>
    %dma_wait3A_163 = arith.constant 0 : i32
    %dma_wait3A_164 = arith.constant 0 : i32
    %dma_wait3A_165 = tpu.memref_slice %arg4[%dma_wait3A_163, %add3A_153, %dma_wait3A_164] : memref<16x1024x1024xf32, #tpu.memory_space<hbm>> -> memref<16x1x1024xf32, #tpu.memory_space<hbm>>
    %dma_wait3A_166 = tpu.memref_squeeze %dma_wait3A_165 : memref<16x1x1024xf32, #tpu.memory_space<hbm>> -> memref<16x1024xf32, #tpu.memory_space<hbm>>
    %dma_wait3A_167 = arith.constant 0 : i32
    %dma_wait3A_168 = arith.constant 0 : i32
    %dma_wait3A_169 = tpu.memref_slice %arg7[%dma_wait3A_154, %dma_wait3A_167, %dma_wait3A_168] : memref<3x16x1024xf32, #tpu.memory_space<vmem>> -> memref<1x16x1024xf32, #tpu.memory_space<vmem>>
    %dma_wait3A_170 = tpu.memref_squeeze %dma_wait3A_169 : memref<1x16x1024xf32, #tpu.memory_space<vmem>> -> memref<16x1024xf32, #tpu.memory_space<vmem>>
    tpu.wait_dma2 semaphore(%arg13 : memref<!tpu.dma_semaphore, #tpu.memory_space<semaphore_mem>>) src(%dma_wait3A_170 : memref<16x1024xf32, #tpu.memory_space<vmem>>) dst(%dma_wait3A_166 : memref<16x1024xf32, #tpu.memory_space<hbm>>)
    %add3A_171 = arith.constant 32 : i32
    %add3A_172 = arith.addi %mul3A_2, %add3A_171 : i32
    %sub3A_173 = arith.constant 3 : i32
    %sub3A_174 = arith.subi %add3A_172, %sub3A_173 : i32
    %add3A_175 = arith.constant 1 : i32
    %add3A_176 = arith.addi %sub3A_174, %add3A_175 : i32
    %dma_wait3A_177 = arith.constant 0 : i32
    %dma_wait3A_178 = arith.constant 0 : i32
    %dma_wait3A_179 = arith.constant 0 : i32
    %dma_wait3A_180 = tpu.memref_slice %arg7[%dma_wait3A_177, %dma_wait3A_178, %dma_wait3A_179] : memref<3x16x1024xf32, #tpu.memory_space<vmem>> -> memref<1x16x1024xf32, #tpu.memory_space<vmem>>
    %dma_wait3A_181 = tpu.memref_squeeze %dma_wait3A_180 : memref<1x16x1024xf32, #tpu.memory_space<vmem>> -> memref<16x1024xf32, #tpu.memory_space<vmem>>
    %dma_wait3A_182 = arith.constant 0 : i32
    %dma_wait3A_183 = arith.constant 0 : i32
    %dma_wait3A_184 = tpu.memref_slice %arg4[%dma_wait3A_182, %add3A_176, %dma_wait3A_183] : memref<16x1024x1024xf32, #tpu.memory_space<hbm>> -> memref<16x1x1024xf32, #tpu.memory_space<hbm>>
    %dma_wait3A_185 = tpu.memref_squeeze %dma_wait3A_184 : memref<16x1x1024xf32, #tpu.memory_space<hbm>> -> memref<16x1024xf32, #tpu.memory_space<hbm>>
    %dma_wait3A_186 = arith.constant 0 : i32
    %dma_wait3A_187 = arith.constant 0 : i32
    %dma_wait3A_188 = tpu.memref_slice %arg4[%dma_wait3A_186, %add3A_176, %dma_wait3A_187] : memref<16x1024x1024xf32, #tpu.memory_space<hbm>> -> memref<16x1x1024xf32, #tpu.memory_space<hbm>>
    %dma_wait3A_189 = tpu.memref_squeeze %dma_wait3A_188 : memref<16x1x1024xf32, #tpu.memory_space<hbm>> -> memref<16x1024xf32, #tpu.memory_space<hbm>>
    %dma_wait3A_190 = arith.constant 0 : i32
    %dma_wait3A_191 = arith.constant 0 : i32
    %dma_wait3A_192 = tpu.memref_slice %arg7[%dma_wait3A_177, %dma_wait3A_190, %dma_wait3A_191] : memref<3x16x1024xf32, #tpu.memory_space<vmem>> -> memref<1x16x1024xf32, #tpu.memory_space<vmem>>
    %dma_wait3A_193 = tpu.memref_squeeze %dma_wait3A_192 : memref<1x16x1024xf32, #tpu.memory_space<vmem>> -> memref<16x1024xf32, #tpu.memory_space<vmem>>
    tpu.wait_dma2 semaphore(%arg11 : memref<!tpu.dma_semaphore, #tpu.memory_space<semaphore_mem>>) src(%dma_wait3A_193 : memref<16x1024xf32, #tpu.memory_space<vmem>>) dst(%dma_wait3A_189 : memref<16x1024xf32, #tpu.memory_space<hbm>>)
    %add3A_194 = arith.constant 32 : i32
    %add3A_195 = arith.addi %mul3A_2, %add3A_194 : i32
    %sub3A_196 = arith.constant 3 : i32
    %sub3A_197 = arith.subi %add3A_195, %sub3A_196 : i32
    %add3A_198 = arith.constant 2 : i32
    %add3A_199 = arith.addi %sub3A_197, %add3A_198 : i32
    %dma_wait3A_200 = arith.constant 1 : i32
    %dma_wait3A_201 = arith.constant 0 : i32
    %dma_wait3A_202 = arith.constant 0 : i32
    %dma_wait3A_203 = tpu.memref_slice %arg7[%dma_wait3A_200, %dma_wait3A_201, %dma_wait3A_202] : memref<3x16x1024xf32, #tpu.memory_space<vmem>> -> memref<1x16x1024xf32, #tpu.memory_space<vmem>>
    %dma_wait3A_204 = tpu.memref_squeeze %dma_wait3A_203 : memref<1x16x1024xf32, #tpu.memory_space<vmem>> -> memref<16x1024xf32, #tpu.memory_space<vmem>>
    %dma_wait3A_205 = arith.constant 0 : i32
    %dma_wait3A_206 = arith.constant 0 : i32
    %dma_wait3A_207 = tpu.memref_slice %arg4[%dma_wait3A_205, %add3A_199, %dma_wait3A_206] : memref<16x1024x1024xf32, #tpu.memory_space<hbm>> -> memref<16x1x1024xf32, #tpu.memory_space<hbm>>
    %dma_wait3A_208 = tpu.memref_squeeze %dma_wait3A_207 : memref<16x1x1024xf32, #tpu.memory_space<hbm>> -> memref<16x1024xf32, #tpu.memory_space<hbm>>
    %dma_wait3A_209 = arith.constant 0 : i32
    %dma_wait3A_210 = arith.constant 0 : i32
    %dma_wait3A_211 = tpu.memref_slice %arg4[%dma_wait3A_209, %add3A_199, %dma_wait3A_210] : memref<16x1024x1024xf32, #tpu.memory_space<hbm>> -> memref<16x1x1024xf32, #tpu.memory_space<hbm>>
    %dma_wait3A_212 = tpu.memref_squeeze %dma_wait3A_211 : memref<16x1x1024xf32, #tpu.memory_space<hbm>> -> memref<16x1024xf32, #tpu.memory_space<hbm>>
    %dma_wait3A_213 = arith.constant 0 : i32
    %dma_wait3A_214 = arith.constant 0 : i32
    %dma_wait3A_215 = tpu.memref_slice %arg7[%dma_wait3A_200, %dma_wait3A_213, %dma_wait3A_214] : memref<3x16x1024xf32, #tpu.memory_space<vmem>> -> memref<1x16x1024xf32, #tpu.memory_space<vmem>>
    %dma_wait3A_216 = tpu.memref_squeeze %dma_wait3A_215 : memref<1x16x1024xf32, #tpu.memory_space<vmem>> -> memref<16x1024xf32, #tpu.memory_space<vmem>>
    tpu.wait_dma2 semaphore(%arg12 : memref<!tpu.dma_semaphore, #tpu.memory_space<semaphore_mem>>) src(%dma_wait3A_216 : memref<16x1024xf32, #tpu.memory_space<vmem>>) dst(%dma_wait3A_212 : memref<16x1024xf32, #tpu.memory_space<hbm>>)
    return
  }
}

</mosaic_0001>

<sc_bundles>
// kernel: kernel.3.cloned.1.call-start
scs
__scs_entry_jumppad:
0x0: {  	(pc) =	sbr.rel $0x88, $3  }
0x1: {  	(tag) =	ssettag $0x0;
	lr =	simm.s32 $0x1  }
0x2: {  	[smem:$0x3F9F] =	sst lr;
	_ =	strace $0xD0000000  }
0x3: {  	_ = 	snop  }
0x4: {  	_ = 	snop  }
0x5: {  	_ = 	snop  }
0x6: {  	_ = 	snop  }
0x7: {  	_ = 	snop  }
__scs_overlays_trampoline_lowered:
0x8: {  	[smem:$0x3FAE] =	sst s0  }
0x9: {  	[smem:$0x3FAF] =	sst s1  }
0xa: {  	[smem:$0x3FB0] =	sst s2  }
0xb: {  	[smem:$0x3FB1] =	sst s3  }
0xc: {  	[smem:$0x3FB2] =	sst s4  }
0xd: {  	[smem:$0x3FB3] =	sst s5  }
0xe: {  	[smem:$0x3FB4] =	sst s6  }
0xf: {  	[smem:$0x3FB5] =	sst s7  }
0x10: {  	[smem:$0x3FB6] =	sst s8  }
0x11: {  	[smem:$0x3FB7] =	sst s9;
	s0 =	simm.s32 @!p0 $0x0  }
0x12: {  	s1 =	sld [smem:$0x3F9D];
	s0 =	simm.s32 @p0 $0x1  }
0x13: {  	[smem:$0x3FB8] =	sst s0;
	s0 =	simm.s32 @!p1 $0x0  }
0x14: {  	s2 =	sld [smem:$0x3F9C];
	s0 =	simm.s32 @p1 $0x1  }
0x15: {  	[smem:$0x3FB9] =	sst s0;
	s0 =	simm.s32 @!p2 $0x0  }
0x16: {  	s3 =	sld [smem:$0x3FDB];
	s0 =	simm.s32 @p2 $0x1  }
0x17: {  	s4 =	simm.s32 $0x1BF5;
	[smem:$0x3FBB] =	sst s0  }
0x18: {  	s0 =	sld [smem:$0x3F9E];
	_ =	swait.ge [sflag:s4], $0x0  }
0x19: {  	s7 =	sld [smem:$0x3F9F]  }
0x1a: {  	s8 =	sadd.s32 $0xFFFFE003, lr  }
0x1b: {  	s9 =	sadd.s32 $0xFFFFFEF7, lr;
	s5 =	simm.s32 $0xFFFFFFFF;
	p2 =	slt.u32 s8, $0xFFFFF086  }
0x1c: {  	p1 =	slt.u32 s9, $0xF7A;
	s5 =	simm.s32 @!p2 $0x0  }
0x1d: {  	s5 =	simm.s32 @p1 $0x1;
	p0 =	seq.s32 s7, s2  }
0x1e: {  	s7 =	smul.u32 @!p0 $0xF7A, s2;
	p2 =	seq.s32 @!p0 s5, $0x0  }
0x1f: {  	s9 =	smul.u32 $0xF7A, s1;
	s8 =	simm.s32 @!p0 $0x1BF5;
	p2 =	por !p2, p0  }
0x20: {  	[sflag:s8] =	ssyncset.s32 @!p0 $0xFFFFF086;
	s6 =	sadd.s32 @!p0 s3, s7;
	s7 =	simm.s32 @!p0 $0x108  }
0x21: {  	s3 =	sadd.s32 s3, s9;
	s6 =	sadd.s32 @!p0 $0x88, s6;
	s7 =	simm.s32 @p2 $0x1082  }
0x22: {  	[simem:s7], [sflag:s8] =	dma.local @!p0 [hbm:s6], $0xF7A  }
0x23: {  	s9 =	sor.u32 $0xD0000000, s2;
	s6 =	simm.s32 $0x108;
	_ =	swait.ge @!p0 [sflag:s8], $0x0  }
0x24: {  	s3 =	sadd.s32 $0x88, s3;
	s6 =	simm.s32 @!p1 $0x1082;
	[sflag:s4] =	ssyncset.s32 $0xFFFFF086  }
0x25: {  	[simem:s6], [sflag:s4] =	dma.local [hbm:s3], $0xF7A  }
0x26: {  	[smem:$0x3F9F] =	sst s1;
	(tag) =	ssettag s2;
	_ =	strace s9  }
0x27: {  	s1 =	sld [smem:$0x3FAF]  }
0x28: {  	s2 =	sld [smem:$0x3FB0]  }
0x29: {  	s4 =	sld [smem:$0x3FB2]  }
0x2a: {  	p0 =	seq.s32 s5, $0x0;
	s5 =	sld [smem:$0x3FB3]  }
0x2b: {  	s6 =	sld [smem:$0x3FB4]  }
0x2c: {  	s7 =	sld [smem:$0x3FB5]  }
0x2d: {  	s3 =	simm.s32 $0x108;
	s8 =	sld [smem:$0x3FB6]  }
0x2e: {  	s3 =	simm.s32 @!p0 $0x1082;
	s9 =	sld [smem:$0x3FB7]  }
0x2f: {  	lr =	sadd.s32 s0, s3;
	s0 =	sld [smem:$0x3FAE]  }
0x30: {  	s3 =	sld [smem:$0x3FB1]  }
0x31: {  	[smem:$0x3FBA] =	sst s10  }
0x32: {  	s10 =	sld [smem:$0x3FB8];
	_ =	sdelay $0x3  }
0x33: {  	p0 =	seq.s32 s10, $0x1;
	s10 =	sld [smem:$0x3FBA];
	_ =	sdelay $0x3  }
0x34: {  	[smem:$0x3FBA] =	sst s10  }
0x35: {  	s10 =	sld [smem:$0x3FB9];
	_ =	sdelay $0x3  }
0x36: {  	p1 =	seq.s32 s10, $0x1;
	s10 =	sld [smem:$0x3FBA];
	_ =	sdelay $0x3  }
0x37: {  	[smem:$0x3FBA] =	sst s10  }
0x38: {  	s10 =	sld [smem:$0x3FBB]  }
0x39: {  	_ = 	snop;
	(pc) =	sbr.ind lr, $3  }
0x3a: {  	_ = 	snop  }
0x3b: {  	_ = 	snop  }
0x3c: {  	p2 =	seq.s32 s10, $0x1;
	s10 =	sld [smem:$0x3FBA]  }
0x3d: {  	_ =	shalt  }
0x3e: {  	_ =	shalt  }
0x3f: {  	_ =	shalt  }
0x40: {  	_ =	shalt  }
0x41: {  	_ =	shalt  }
0x42: {  	_ =	shalt  }
0x43: {  	_ =	shalt  }
0x44: {  	_ =	shalt  }
0x45: {  	_ =	shalt  }
0x46: {  	_ =	shalt  }
0x47: {  	_ =	shalt  }
0x48: {  	_ =	shalt  }
0x49: {  	_ =	shalt  }
0x4a: {  	_ =	shalt  }
0x4b: {  	_ =	shalt  }
0x4c: {  	_ =	shalt  }
0x4d: {  	_ =	shalt  }
0x4e: {  	_ =	shalt  }
0x4f: {  	_ =	shalt  }
0x50: {  	_ =	shalt  }
0x51: {  	_ =	shalt  }
0x52: {  	_ =	shalt  }
0x53: {  	_ =	shalt  }
0x54: {  	_ =	shalt  }
0x55: {  	_ =	shalt  }
0x56: {  	_ =	shalt  }
0x57: {  	_ =	shalt  }
0x58: {  	_ =	shalt  }
0x59: {  	_ =	shalt  }
0x5a: {  	_ =	shalt  }
0x5b: {  	_ =	shalt  }
0x5c: {  	_ =	shalt  }
0x5d: {  	_ =	shalt  }
0x5e: {  	_ =	shalt  }
0x5f: {  	_ =	shalt  }
0x60: {  	_ =	shalt  }
0x61: {  	_ =	shalt  }
0x62: {  	_ =	shalt  }
0x63: {  	_ =	shalt  }
0x64: {  	_ =	shalt  }
0x65: {  	_ =	shalt  }
0x66: {  	_ =	shalt  }
0x67: {  	_ =	shalt  }
0x68: {  	_ =	shalt  }
0x69: {  	_ =	shalt  }
0x6a: {  	_ =	shalt  }
0x6b: {  	_ =	shalt  }
0x6c: {  	_ =	shalt  }
0x6d: {  	_ =	shalt  }
0x6e: {  	_ =	shalt  }
0x6f: {  	_ =	shalt  }
0x70: {  	_ =	shalt  }
0x71: {  	_ =	shalt  }
0x72: {  	_ =	shalt  }
0x73: {  	_ =	shalt  }
0x74: {  	_ =	shalt  }
0x75: {  	_ =	shalt  }
0x76: {  	_ =	shalt  }
0x77: {  	_ =	shalt  }
0x78: {  	_ =	shalt  }
0x79: {  	_ =	shalt  }
0x7a: {  	_ =	shalt  }
0x7b: {  	_ =	shalt  }
0x7c: {  	_ =	shalt  }
0x7d: {  	_ =	shalt  }
0x7e: {  	_ =	shalt  }
0x7f: {  	_ =	shalt  }
0x80: {  	_ =	shalt  }
0x81: {  	_ =	shalt  }
0x82: {  	_ =	shalt  }
0x83: {  	_ =	shalt  }
0x84: {  	_ =	shalt  }
0x85: {  	_ =	shalt  }
0x86: {  	_ =	shalt  }
0x87: {  	_ =	shalt  }
.Lfunc_end0:
.L_simem_size_0:
called_computation_lowered:
.L_overlay_start_0:
0x88: {  	s2 =	sld [smem:$0x3FD9]  }
0x89: {  	s3 =	sld [smem:$0x3FFE];
	_ =	sdelay $0x1  }
0x8a: {  	s1 =	srdreg.scid  }
0x8b: {  	s0 =	sand.u32 $0x1, s1  }
0x8c: {  	s18 =	sshll.u32 s0, $0xA;
	s2 =	sadd.s32 s3, s2  }
0x8d: {  	s2 =	sadd.s32 s2, s18  }
0x8e: {  	[smem:$0x3FC6] =	sst s2  }
0x8f: {  	_ = 	snop  }
0x90: {  	s2 =	sld [smem:$0x3FC9]  }
0x91: {  	s19 =	sld [smem:$0x3FC8]  }
0x92: {  	s4 =	sld [smem:$0x3FD0];
	(tm) =	ssettm $0x1  }
0x93: {  	s5 =	sld [smem:$0x3FFB];
	_ =	sdelay $0x3  }
0x94: {  	_ =	strace s5  }
0x95: {  	s5 =	sld [smem:$0x3FFC];
	_ =	sdelay $0x3  }
0x96: {  	_ =	strace s5  }
0x97: {  	s5 =	sld [smem:$0x3FFD];
	_ =	sdelay $0x3  }
0x98: {  	_ =	strace s5  }
0x99: {  	_ =	strace $0x8FFFFFFF  }
0x9a: {  	s20 =	sld [smem:$0x3FDB];
	_ =	sdelay $0x1  }
0x9b: {  	s6 =	simm.s32 $_scs_section_size  }
0x9c: {  	s7 =	simm.s32 $_size__tile_overlayer_lowered;
	s8 =	simm.s32 $_tile_overlayer_lowered  }
0x9d: {  	s23 =	simm.s32 $0x1BFF;
	s22 =	sshll.u32 s8, $0x1;
	s5 =	sadd.s32 s6, s20  }
0x9e: {  	s9 =	simm.s32 $0x0;
	s21 =	sshll.u32 s7, $0x1;
	s7 =	sadd.s32 s22, s5  }
0x9f: {  	[timem:s9], [sflag:s23] =	dma.local [hbm:s7], s21  }
0xa0: {  	_ =	swait.ge [sflag:s23], s21  }
0xa1: {  	s6 =	ssub.s32 $0x0, s21;
	[sflag:s23] =	ssyncset.done $0x0  }
0xa2: {  	[sflag:s23] =	ssyncadd.s32 s6;
	_ =	sdelay $0x1  }
0xa3: {  	s24 =	simm.s32 $0x1B8B  }
0xa4: {  	_ =	swait.ge [sflag:s24], $0x1  }
0xa5: {  	[sflag:s24] =	ssyncset.done $0x0  }
0xa6: {  	s25 =	simm.s32 $0x1B8E;
	[sflag:s24] =	ssyncadd.s32 $0xFFFFFFFF  }
0xa7: {  	s26 =	simm.s32 $execute0_lowered;
	[smem:$0x3FD2] =	sst s25  }
0xa8: {  	s6 =	sshll.u32 s26, $0x1;
	_ =	strace $0x80000046;
	[dreg:$0x1] =	wrdreg $0xFFFFFFFF  }
0xa9: {  	s28 =	simm.s32 $_size_execute0_lowered;
	s5 =	sadd.s32 s5, s6;
	[dreg:$0x0] =	wrdreg $0x0  }
0xaa: {  	s6 =	sshll.u32 s28, $0x1;
	[dreg:$0x2] =	wrdreg s5  }
0xab: {  	[dreg:$0x3] =	wrdreg s6  }
0xac: {  	[dreg:$0x4] =	wrdreg $0xC0  }
0xad: {  	_ =	task [dreg:s9], $0x5FFFF  }
0xae: {  	[dreg:$0x1] =	wrdreg $0xFFFFFFFF  }
0xaf: {  	[dreg:$0x0] =	wrdreg $0x60  }
0xb0: {  	[dreg:$0x2] =	wrdreg s2  }
0xb1: {  	[dreg:$0x3] =	wrdreg s19  }
0xb2: {  	[dreg:$0x4] =	wrdreg s4  }
0xb3: {  	[dreg:$0x5] =	wrdreg $0x9  }
0xb4: {  	_ =	task.clear_ibuf [dreg:s9], $0x6FFFF;
	_ =	strace $0x90000046  }
0xb5: {  	s29 =	simm.s32 $0x9;
	_ =	strace $0x80000048  }
0xb6: {  	_ =	swait.ge [sflag:s29], $0x1  }
0xb7: {  	[sflag:s29] =	ssyncadd.s32 $0xFFFFFFFF  }
0xb8: {  	_ =	strace $0x90000048  }
0xb9: {  	_ =	sfence  }
0xba: {  	s30 =	sld [smem:$0x0];
	_ =	sdelay $0x2  }
0xbb: {  	s31 =	sshll.u32 s1, $0xD;
	s1 =	sshrl.u32 s1, $0x2  }
0xbc: {  	s3 =	sand.u32 $0x4000, s31;
	s1 =	sadd.s32 s1, s30  }
0xbd: {  	s0 =	sor.u32 s3, s0;
	s1 =	sshll.u32 s1, $0x11  }
0xbe: {  	s0 =	sor.u32 s1, s0  }
0xbf: {  	s0 =	sadd.s32 $0x8F2B, s0  }
0xc0: {  	[sflag:s0] =	ssyncadd.remote.s32 $0x1  }
0xc1: {  	_ =	sfence.sel $0xFFFF  }
0xc2: {  	[dreg:$0x0] =	wrdreg $0xFFFFFFFF;
	(pc) =	sbr.abs _section_cstart, $3  }
0xc3: {  	[dreg:$0x1] =	wrdreg $0xFFFFFFFF  }
0xc4: {  	_ =	task.clear_ibuf [dreg:s9], $0x2FFFF;
	_ =	strace $0x9FFFFFFF  }
0xc5: {  	(tm) =	ssettm $0x7FFFFFFF  }
tec
execute0_lowered:
.L_overlay_start_1:
0x0: {  	(tag) =	ssettag $0x1  }
0x1: {  	s28 =	rddreg [dreg:$0x1]  }
0x2: {  	s17 =	rddreg [dreg:$0x2];
	s0 =	srdreg.scid  }
0x3: {  	s1 =	stileid.u32;
	s5 =	simm.s32 $0x0;
	s0 =	sand.u32 $0x1, s0  }
0x4: {  	s1 =	sshll.u32 s1, $0x6;
	[smem:$0x7FF] =	sst s5;
	s2 =	sshll.u32 s0, $0x5  }
0x5: {  	s0 =	ssub.s32 $0x2, s0;
	_ =	strace $0x80000047;
	s2 =	sor.u32 s2, s1  }
0x6: {  	s25 =	sshrl.u32 s0, $0x1;
	[dreg:$0x4] =	wrdreg s2;
	s2 =	sshll.u32 s2, $0x7  }
0x7: {  	s0 =	ssub.s32 s0, s25;
	s3 =	sadd.s32 s28, s2  }
0x8: {  	s13 =	simm.s32 $0x80;
	s0 =	smax.u32 s0, $0x1;
	[dreg:$0x5] =	wrdreg s3  }
0x9: {  	s26 =	sadd.s32 s2, s17;
	s29 =	sadd.s32 $0x10, s3;
	[dreg:$0x9] =	wrdreg s0  }
0xa: {  	s30 =	simm.s32 $0x400;
	s31 =	sadd.s32 $0xC60, s26;
	[dreg:$0x6] =	wrdreg s29  }
0xb: {  	s19 =	simm.s32 $0x100000;
	s1 =	sadd.s32 $0xC70, s26;
	[dreg:$0x7] =	wrdreg s31  }
0xc: {  	s7 =	simm.s32 $0x2;
	[dreg:$0x8] =	wrdreg s1;
	s1 =	simm.s32 $0x0  }
.LBB2_1:
0xd: {  	[dreg:$0xa] =	wrdreg s1  }
0xe: {  	s0 =	rddreg [dreg:$0x0];
	s24 =	simm.s32 $0x7  }
0xf: {  	[tilespmem:s5], [sflag:$0x7] =	stream.linear.gather [hbm4b:s0+s5], $0x10000, $0x38;
	[tilespmem:$0x1CC00] =	vst v63  }
0x10: {  	_ =	swait.ge [sflag:s24], $0x10000  }
0x11: {  	[sflag:s24] =	ssyncset.done $0x0  }
0x12: {  	s26 =	simm.s32 $0x10000;
	s25 =	rddreg [dreg:$0x5];
	[sflag:s24] =	ssyncadd.s32 $0xFFFF0000  }
0x13: {  	[tilespmem:s26], [sflag:$0x1] =	stream.strided.gather [hbm4b:s25+s13], $0x400, s30, s13, $0x38;
	[tilespmem:$0x1CC00] =	vst v63  }
0x14: {  	s31 =	simm.s32 $0x10400;
	s0 =	simm.s32 $0x0;
	s29 =	rddreg [dreg:$0x6]  }
0x15: {  	[tilespmem:s31], [sflag:$0x2] =	stream.strided.gather [hbm4b:s29+s13], $0x400, s30, s13, $0x38;
	[tilespmem:$0x1CC00] =	vst v63  }
.LBB2_2:
0x16: {  	s1 =	smul.u32 $0x3, s0  }
0x17: {  	s2 =	rddreg [dreg:$0x4]  }
0x18: {  	s1 =	sadd.s32 s2, s1  }
0x19: {  	s2 =	sadd.s32 $0x2, s1  }
0x1a: {  	s4 =	simm.s32 $0x1;
	s3 =	sshll.u32 s2, $0x7;
	s2 =	sshll.u32 s2, $0x4  }
0x1b: {  	_ =	swait.ge [sflag:s4], $0x400;
	s3 =	sand.u32 $0xFFFFC00, s3;
	s2 =	sand.u32 $0x70, s2  }
0x1c: {  	s20 =	simm.s32 $0x10800;
	[sflag:s4] =	ssyncset.done $0x0;
	s2 =	sor.u32 s2, s3  }
0x1d: {  	p0 =	seq.s32 s0, $0x0;
	[sflag:s4] =	ssyncadd.s32 $0xFFFFFC00;
	s3 =	sadd.s32 s28, s2  }
0x1e: {  	[tilespmem:s20], [sflag:$0x3] =	stream.strided.gather [hbm4b:s3+s13], $0x400, s30, s13, $0x38;
	[tilespmem:$0x1CC00] =	vst v63  }
0x1f: {  	s3 =	simm.s32 @!p0 $0x4  }
0x20: {  	_ =	swait.ge @!p0 [sflag:s3], $0x4000  }
0x21: {  	[sflag:s3] =	ssyncset.done @!p0 $0x0  }
0x22: {  	s21 =	simm.s32 $0x10000;
	[sflag:s3] =	ssyncadd.s32 @!p0 $0xFFFFC000  }
0x23: {  	v0 =	vld [tilespmem:s21+$0x0];
	_ =	sdelay $0x4  }
0x24: {  	v1 =	vshll.u32 v0, $0x3  }
0x25: {  	v0 =	vand.u32 $0x7F, v0;
	v1 =	vand.u32 $0xFFFFFC00, v1  }
0x26: {  	v6 =	vor.u32 v0, v1;
	_ =	sdelay $0x4  }
0x27: {  	v0 =	vld.idx.msk [tilespmem:v6+s5+$0x0], $0xffff  }
0x28: {  	v1 =	vor.u32 $0x80, v6  }
0x29: {  	s22 =	simm.s32 $0x0;
	s6 =	simm.s32 $0x10010  }
0x2a: {  	s25 =	sand.u32 $0x70, s22;
	s8 =	sand.u32 $0x1C00, s22;
	v2 =	vld [tilespmem:s6+$0x0]  }
0x2b: {  	s10 =	sor.u32 s25, s8  }
0x2c: {  	[tilespmem:s10+$0x10C00] =	vst v0  }
0x2d: {  	v0 =	vld.idx.msk [tilespmem:v1+s5+$0x0], $0xffff  }
0x2e: {  	v1 =	vor.u32 $0x100, v6  }
0x2f: {  	v3 =	vshll.u32 v2, $0x3  }
0x30: {  	v2 =	vand.u32 $0x7F, v2;
	v3 =	vand.u32 $0xFFFFFC00, v3  }
0x31: {  	s12 =	sadd.s32 $0x10C00, s10;
	v2 =	vor.u32 v2, v3  }
0x32: {  	[tilespmem:s12+$0x80] =	vst v0  }
0x33: {  	v0 =	vld.idx.msk [tilespmem:v1+s5+$0x0], $0xffff  }
0x34: {  	v1 =	vor.u32 $0x180, v6;
	_ =	sdelay $0x1  }
0x35: {  	v3 =	vld.idx.msk [tilespmem:v2+s5+$0x0], $0xffff  }
0x36: {  	s26 =	simm.s32 $0x10020;
	v4 =	vor.u32 $0x80, v2  }
0x37: {  	s9 =	simm.s32 $0x10;
	s31 =	simm.s32 $0x80;
	v5 =	vld [tilespmem:s26+$0x0];
	[tilespmem:s12+$0x100] =	vst v0  }
0x38: {  	s11 =	sand.u32 $0x1C00, s31;
	s4 =	sand.u32 $0x70, s9;
	v0 =	vld.idx.msk [tilespmem:v1+s5+$0x0], $0xffff  }
0x39: {  	s11 =	sor.u32 s4, s11;
	v1 =	vor.u32 $0x200, v6  }
0x3a: {  	[tilespmem:s11+$0x10C00] =	vst v3  }
0x3b: {  	v3 =	vld.idx.msk [tilespmem:v4+s5+$0x0], $0xffff  }
0x3c: {  	v7 =	vshll.u32 v5, $0x3;
	v4 =	vor.u32 $0x100, v2  }
0x3d: {  	[tilespmem:s12+$0x180] =	vst v0;
	v0 =	vand.u32 $0x7F, v5;
	v5 =	vand.u32 $0xFFFFFC00, v7  }
0x3e: {  	v1 =	vld.idx.msk [tilespmem:v1+s5+$0x0], $0xffff;
	v0 =	vor.u32 v0, v5  }
0x3f: {  	s16 =	sadd.s32 $0x10C00, s11;
	v5 =	vor.u32 $0x280, v6  }
0x40: {  	[tilespmem:s16+$0x80] =	vst v3  }
0x41: {  	v3 =	vld.idx.msk [tilespmem:v4+s5+$0x0], $0xffff  }
0x42: {  	v4 =	vor.u32 $0x180, v2  }
0x43: {  	v7 =	vld.idx.msk [tilespmem:v0+s5+$0x0], $0xffff;
	[tilespmem:s12+$0x200] =	vst v1  }
0x44: {  	v1 =	vld.idx.msk [tilespmem:v5+s5+$0x0], $0xffff;
	v5 =	vor.u32 $0x80, v0  }
0x45: {  	s18 =	simm.s32 $0x20;
	s15 =	simm.s32 $0x10030;
	s23 =	simm.s32 $0x100;
	v8 =	vor.u32 $0x300, v6  }
0x46: {  	s20 =	sand.u32 $0x70, s18;
	v9 =	vld [tilespmem:s15+$0x0];
	s15 =	sand.u32 $0x1C00, s23;
	[tilespmem:s16+$0x100] =	vst v3  }
0x47: {  	s8 =	sor.u32 s20, s15;
	v3 =	vld.idx.msk [tilespmem:v4+s5+$0x0], $0xffff  }
0x48: {  	v4 =	vor.u32 $0x200, v2;
	[tilespmem:s8+$0x10C00] =	vst v7  }
0x49: {  	v5 =	vld.idx.msk [tilespmem:v5+s5+$0x0], $0xffff;
	[tilespmem:s12+$0x280] =	vst v1  }
0x4a: {  	v7 =	vld.idx.msk [tilespmem:v8+s5+$0x0], $0xffff;
	v8 =	vor.u32 $0x100, v0  }
0x4b: {  	v10 =	vor.u32 $0x380, v6;
	v1 =	vshll.u32 v9, $0x3  }
0x4c: {  	[tilespmem:s16+$0x180] =	vst v3;
	v3 =	vand.u32 $0x7F, v9;
	v1 =	vand.u32 $0xFFFFFC00, v1  }
0x4d: {  	s24 =	sadd.s32 $0x10C00, s8;
	v4 =	vld.idx.msk [tilespmem:v4+s5+$0x0], $0xffff;
	v1 =	vor.u32 v3, v1  }
0x4e: {  	v3 =	vor.u32 $0x280, v2;
	[tilespmem:s24+$0x80] =	vst v5  }
0x4f: {  	v5 =	vld.idx.msk [tilespmem:v8+s5+$0x0], $0xffff;
	[tilespmem:s12+$0x300] =	vst v7  }
0x50: {  	v8 =	vor.u32 $0x180, v0;
	v7 =	vld.idx.msk [tilespmem:v10+s5+$0x0], $0xffff  }
0x51: {  	v9 =	vadd.s32 $0x8000, v6  }
0x52: {  	[tilespmem:s16+$0x200] =	vst v4;
	v10 =	vld.idx.msk [tilespmem:v1+s5+$0x0], $0xffff  }
0x53: {  	s3 =	sor.u32 s22, s22;
	s21 =	simm.s32 $0x10040;
	v4 =	vor.u32 $0x80, v1;
	v3 =	vld.idx.msk [tilespmem:v3+s5+$0x0], $0xffff  }
0x54: {  	s3 =	sor.u32 $0x380, s3;
	s15 =	simm.s32 $0x30;
	v11 =	vld [tilespmem:s21+$0x0];
	s21 =	simm.s32 $0x180;
	[tilespmem:s24+$0x100] =	vst v5;
	v5 =	vor.u32 $0x300, v2  }
0x55: {  	s22 =	sand.u32 $0x70, s15;
	s20 =	sand.u32 $0x1C00, s21;
	v8 =	vld.idx.msk [tilespmem:v8+s5+$0x0], $0xffff;
	[tilespmem:s3+$0x10C00] =	vst v7  }
0x56: {  	s12 =	sor.u32 s22, s20;
	v7 =	vld.idx.msk [tilespmem:v9+s5+$0x0], $0xffff;
	v9 =	vor.u32 $0x200, v0  }
0x57: {  	[tilespmem:s12+$0x10C00] =	vst v10;
	v10 =	vadd.s32 $0x8080, v6  }
0x58: {  	[tilespmem:s16+$0x280] =	vst v3;
	v4 =	vld.idx.msk [tilespmem:v4+s5+$0x0], $0xffff  }
0x59: {  	v12 =	vor.u32 $0x100, v1;
	v3 =	vshll.u32 v11, $0x3;
	v5 =	vld.idx.msk [tilespmem:v5+s5+$0x0], $0xffff  }
0x5a: {  	v11 =	vand.u32 $0x7F, v11;
	v3 =	vand.u32 $0xFFFFFC00, v3;
	[tilespmem:s24+$0x180] =	vst v8;
	v8 =	vor.u32 $0x380, v2  }
0x5b: {  	v3 =	vor.u32 v11, v3;
	v9 =	vld.idx.msk [tilespmem:v9+s5+$0x0], $0xffff;
	[tilespmem:s10+$0x12C00] =	vst v7  }
0x5c: {  	s14 =	smov.u32 s28;
	s28 =	sadd.s32 $0x10C00, s12;
	v7 =	vld.idx.msk [tilespmem:v10+s5+$0x0], $0xffff;
	v10 =	vor.u32 $0x280, v0  }
0x5d: {  	[tilespmem:s28+$0x80] =	vst v4;
	v4 =	vadd.s32 $0x8100, v6  }
0x5e: {  	v11 =	vld.idx.msk [tilespmem:v12+s5+$0x0], $0xffff;
	[tilespmem:s16+$0x300] =	vst v5  }
0x5f: {  	v5 =	vld.idx.msk [tilespmem:v8+s5+$0x0], $0xffff;
	v8 =	vor.u32 $0x180, v1  }
0x60: {  	v12 =	vld.idx.msk [tilespmem:v3+s5+$0x0], $0xffff;
	[tilespmem:s24+$0x200] =	vst v9;
	v9 =	vadd.s32 $0x8000, v2  }
0x61: {  	s25 =	simm.s32 $0x10050;
	v10 =	vld.idx.msk [tilespmem:v10+s5+$0x0], $0xffff;
	[tilespmem:s10+$0x12C80] =	vst v7;
	v7 =	vor.u32 $0x80, v3  }
0x62: {  	s6 =	sor.u32 s31, s9;
	v13 =	vor.u32 $0x300, v0;
	s20 =	simm.s32 $0x40;
	s16 =	simm.s32 $0x200;
	v4 =	vld.idx.msk [tilespmem:v4+s5+$0x0], $0xffff  }
0x63: {  	v14 =	vld [tilespmem:s25+$0x0];
	s26 =	sor.u32 $0x380, s6;
	s31 =	sand.u32 $0x70, s20;
	s4 =	sand.u32 $0x1C00, s16;
	[tilespmem:s28+$0x100] =	vst v11;
	v11 =	vadd.s32 $0x8180, v6  }
0x64: {  	s9 =	sor.u32 s31, s4;
	v8 =	vld.idx.msk [tilespmem:v8+s5+$0x0], $0xffff;
	[tilespmem:s26+$0x10C00] =	vst v5  }
0x65: {  	[tilespmem:s9+$0x10C00] =	vst v12;
	v5 =	vld.idx.msk [tilespmem:v9+s5+$0x0], $0xffff;
	v9 =	vor.u32 $0x200, v1  }
0x66: {  	v7 =	vld.idx.msk [tilespmem:v7+s5+$0x0], $0xffff;
	[tilespmem:s24+$0x280] =	vst v10;
	v10 =	vadd.s32 $0x8080, v2  }
0x67: {  	v12 =	vld.idx.msk [tilespmem:v13+s5+$0x0], $0xffff;
	[tilespmem:s10+$0x12D00] =	vst v4;
	v13 =	vor.u32 $0x100, v3  }
0x68: {  	s6 =	simm.s32 $0x10060;
	v15 =	vor.u32 $0x380, v0;
	v4 =	vshll.u32 v14, $0x3;
	v11 =	vld.idx.msk [tilespmem:v11+s5+$0x0], $0xffff  }
0x69: {  	v16 =	vld [tilespmem:s6+$0x0];
	v4 =	vand.u32 $0xFFFFFC00, v4;
	[tilespmem:s28+$0x180] =	vst v8;
	v8 =	vand.u32 $0x7F, v14;
	v14 =	vadd.s32 $0x8200, v6  }
0x6a: {  	s22 =	sadd.s32 $0x10C00, s9;
	v9 =	vld.idx.msk [tilespmem:v9+s5+$0x0], $0xffff;
	[tilespmem:s11+$0x12C00] =	vst v5;
	v4 =	vor.u32 v8, v4  }
0x6b: {  	v5 =	vld.idx.msk [tilespmem:v10+s5+$0x0], $0xffff;
	[tilespmem:s22+$0x80] =	vst v7;
	v7 =	vor.u32 $0x280, v1  }
0x6c: {  	v10 =	vadd.s32 $0x8100, v2;
	v8 =	vld.idx.msk [tilespmem:v13+s5+$0x0], $0xffff;
	[tilespmem:s24+$0x300] =	vst v12  }
0x6d: {  	v12 =	vld.idx.msk [tilespmem:v15+s5+$0x0], $0xffff;
	[tilespmem:s10+$0x12D80] =	vst v11;
	v11 =	vor.u32 $0x180, v3  }
0x6e: {  	v13 =	vld.idx.msk [tilespmem:v14+s5+$0x0], $0xffff;
	v14 =	vadd.s32 $0x8000, v0  }
0x6f: {  	v15 =	vld.idx.msk [tilespmem:v4+s5+$0x0], $0xffff;
	[tilespmem:s28+$0x200] =	vst v9;
	v9 =	vadd.s32 $0x8280, v6  }
0x70: {  	s18 =	sor.u32 s23, s18;
	v7 =	vld.idx.msk [tilespmem:v7+s5+$0x0], $0xffff;
	[tilespmem:s11+$0x12C80] =	vst v5  }
0x71: {  	s23 =	simm.s32 $0x280;
	s3 =	sor.u32 $0x380, s18;
	s24 =	simm.s32 $0x50;
	v5 =	vor.u32 $0x80, v4;
	v10 =	vld.idx.msk [tilespmem:v10+s5+$0x0], $0xffff;
	[tilespmem:s22+$0x100] =	vst v8  }
0x72: {  	s26 =	sand.u32 $0x1C00, s23;
	s25 =	sand.u32 $0x70, s24;
	v8 =	vor.u32 $0x300, v1;
	v11 =	vld.idx.msk [tilespmem:v11+s5+$0x0], $0xffff;
	[tilespmem:s3+$0x10C00] =	vst v12  }
0x73: {  	s18 =	sor.u32 s25, s26;
	v12 =	vadd.s32 $0x8180, v2;
	v14 =	vld.idx.msk [tilespmem:v14+s5+$0x0], $0xffff;
	[tilespmem:s10+$0x12E00] =	vst v13  }
0x74: {  	s25 =	simm.s32 $0x10070;
	v13 =	vor.u32 $0x200, v3;
	[tilespmem:s18+$0x10C00] =	vst v15;
	v15 =	vld.idx.msk [tilespmem:v9+s5+$0x0], $0xffff  }
0x75: {  	v9 =	vld [tilespmem:s25+$0x0];
	[tilespmem:s28+$0x280] =	vst v7;
	v7 =	vadd.s32 $0x8080, v0  }
0x76: {  	v17 =	vld.idx.msk [tilespmem:v5+s5+$0x0], $0xffff;
	[tilespmem:s11+$0x12D00] =	vst v10;
	v10 =	vadd.s32 $0x8300, v6  }
0x77: {  	v18 =	vor.u32 $0x100, v4;
	v5 =	vshll.u32 v16, $0x3;
	v8 =	vld.idx.msk [tilespmem:v8+s5+$0x0], $0xffff  }
0x78: {  	v16 =	vand.u32 $0x7F, v16;
	v5 =	vand.u32 $0xFFFFFC00, v5;
	v12 =	vld.idx.msk [tilespmem:v12+s5+$0x0], $0xffff;
	[tilespmem:s22+$0x180] =	vst v11;
	v11 =	vor.u32 $0x380, v1  }
0x79: {  	v5 =	vor.u32 v16, v5;
	v13 =	vld.idx.msk [tilespmem:v13+s5+$0x0], $0xffff;
	[tilespmem:s8+$0x12C00] =	vst v14  }
0x7a: {  	s26 =	sadd.s32 $0x10C00, s18;
	v14 =	vadd.s32 $0x8200, v2;
	[tilespmem:s10+$0x12E80] =	vst v15;
	v7 =	vld.idx.msk [tilespmem:v7+s5+$0x0], $0xffff  }
0x7b: {  	v15 =	vor.u32 $0x280, v3;
	[tilespmem:s26+$0x80] =	vst v17;
	v10 =	vld.idx.msk [tilespmem:v10+s5+$0x0], $0xffff  }
0x7c: {  	v17 =	vld.idx.msk [tilespmem:v18+s5+$0x0], $0xffff;
	[tilespmem:s28+$0x300] =	vst v8;
	v8 =	vadd.s32 $0x8100, v0  }
0x7d: {  	v6 =	vadd.s32 $0x8380, v6;
	v18 =	vld.idx.msk [tilespmem:v11+s5+$0x0], $0xffff;
	[tilespmem:s11+$0x12D80] =	vst v12  }
0x7e: {  	v19 =	vor.u32 $0x180, v4;
	v16 =	vld.idx.msk [tilespmem:v5+s5+$0x0], $0xffff;
	[tilespmem:s22+$0x200] =	vst v13  }
0x7f: {  	v21 =	vadd.s32 $0x8000, v1;
	v20 =	vld.idx.msk [tilespmem:v14+s5+$0x0], $0xffff;
	[tilespmem:s8+$0x12C80] =	vst v7  }
0x80: {  	s15 =	sor.u32 s21, s15;
	s31 =	smul.u32 $0x180, s0;
	v11 =	vadd.s32 $0x8280, v2;
	v13 =	vld.idx.msk [tilespmem:v15+s5+$0x0], $0xffff;
	[tilespmem:s10+$0x12F00] =	vst v10  }
0x81: {  	s29 =	simm.s32 $0x60;
	s21 =	sor.u32 $0x380, s15;
	s4 =	sshll.u32 s1, $0xA;
	v7 =	vld.idx.msk [tilespmem:v8+s5+$0x0], $0xffff;
	[tilespmem:s26+$0x100] =	vst v17;
	v17 =	vor.u32 $0x80, v5  }
0x82: {  	s6 =	sand.u32 $0x1FE000, s4;
	s3 =	sand.u32 $0x380, s31;
	s28 =	simm.s32 $0x300;
	v14 =	vor.u32 $0x300, v3;
	v12 =	vld.idx.msk [tilespmem:v6+s5+$0x0], $0xffff  }
0x83: {  	s15 =	sor.u32 s3, s6;
	s6 =	sand.u32 $0x70, s29;
	s31 =	sand.u32 $0x1C00, s28;
	v10 =	vadd.s32 $0x8180, v0;
	v15 =	vld.idx.msk [tilespmem:v19+s5+$0x0], $0xffff;
	[tilespmem:s21+$0x10C00] =	vst v18  }
0x84: {  	s30 =	simm.s32 $0x70;
	s21 =	sor.u32 s6, s31;
	s6 =	simm.s32 $0x80;
	v8 =	vld.idx.msk [tilespmem:v21+s5+$0x0], $0xffff;
	[tilespmem:s11+$0x12E00] =	vst v20  }
.LBB2_3:
0x85: {  	p1 =	sne.s32 s6, $0x3F0;
	[tilespmem:s21+$0x10C00] =	vst v16;
	v6 =	vor.u32 $0x200, v4;
	v11 =	vld.idx.msk [tilespmem:v11+s5+$0x0], $0xffff;
	s3 =	smov.u32 s30;
	s30 =	smov.u32 s6  }
0x86: {  	v16 =	vld.idx.msk [tilespmem:v17+s5+$0x0], $0xffff;
	[tilespmem:s22+$0x280] =	vst v13;
	v13 =	vadd.s32 $0x8080, v1  }
0x87: {  	v14 =	vld.idx.msk [tilespmem:v14+s5+$0x0], $0xffff;
	[tilespmem:s8+$0x12D00] =	vst v7;
	v7 =	vadd.s32 $0x8300, v2  }
0x88: {  	s25 =	sadd.s32 $0x10, s25;
	v17 =	vor.u32 $0x100, v5;
	v10 =	vld.idx.msk [tilespmem:v10+s5+$0x0], $0xffff;
	[tilespmem:s10+$0x12F80] =	vst v12;
	s10 =	smov.u32 s11;
	s11 =	smov.u32 s8  }
0x89: {  	v18 =	vshll.u32 v9, $0x3;
	s8 =	smov.u32 s12;
	s12 =	smov.u32 s9;
	s9 =	smov.u32 s18;
	v12 =	vld [tilespmem:s25+$0x0];
	[tilespmem:s26+$0x180] =	vst v15;
	v15 =	vor.u32 $0x380, v3  }
0x8a: {  	v9 =	vand.u32 $0x7F, v9;
	v18 =	vand.u32 $0xFFFFFC00, v18;
	s18 =	smov.u32 s21;
	v6 =	vld.idx.msk [tilespmem:v6+s5+$0x0], $0xffff;
	[tilespmem:s8+$0x12C00] =	vst v8;
	v8 =	vadd.s32 $0x8200, v0  }
0x8b: {  	v18 =	vor.u32 v9, v18;
	s21 =	sadd.s32 $0x10C00, s18;
	v19 =	vld.idx.msk [tilespmem:v13+s5+$0x0], $0xffff;
	[tilespmem:s10+$0x12E80] =	vst v11  }
0x8c: {  	v11 =	vor.u32 $0x280, v4;
	[tilespmem:s21+$0x80] =	vst v16;
	v20 =	vld.idx.msk [tilespmem:v7+s5+$0x0], $0xffff  }
0x8d: {  	v7 =	vadd.s32 $0x8100, v1;
	v21 =	vld.idx.msk [tilespmem:v17+s5+$0x0], $0xffff;
	[tilespmem:s22+$0x300] =	vst v14;
	s22 =	smov.u32 s26;
	s26 =	smov.u32 s21  }
0x8e: {  	v22 =	vld.idx.msk [tilespmem:v15+s5+$0x0], $0xffff;
	[tilespmem:s11+$0x12D80] =	vst v10;
	v10 =	vadd.s32 $0x8380, v2;
	v9 =	vmovc v12;
	v2 =	vmovc v0;
	v0 =	vmov v1;
	v1 =	vmov v3  }
0x8f: {  	v15 =	vor.u32 $0x180, v5;
	v3 =	vmovc v4;
	v4 =	vmov v5;
	v5 =	vmov v18;
	v23 =	vld.idx.msk [tilespmem:v8+s5+$0x0], $0xffff  }
0x90: {  	v16 =	vld.idx.msk [tilespmem:v18+s5+$0x0], $0xffff;
	[tilespmem:s22+$0x200] =	vst v6;
	v6 =	vadd.s32 $0x8000, v1  }
.Ltmp0:
0x91: {  	v13 =	vld.idx.msk [tilespmem:v11+s5+$0x0], $0xffff;
	[tilespmem:s8+$0x12C80] =	vst v19;
	v11 =	vadd.s32 $0x8280, v2;
	(pc) =	sbr.rel @p1 .LBB2_3-.Ltmp0, $4  }
0x92: {  	s20 =	sor.u32 s16, s20;
	s16 =	smov.u32 s23;
	s23 =	smov.u32 s28;
	v17 =	vor.u32 $0x80, v5;
	v7 =	vld.idx.msk [tilespmem:v7+s5+$0x0], $0xffff;
	[tilespmem:s10+$0x12F00] =	vst v20  }
0x93: {  	s28 =	sadd.s32 $0x80, s28;
	s21 =	sor.u32 $0x380, s20;
	s20 =	smov.u32 s24;
	v14 =	vor.u32 $0x300, v3;
	[tilespmem:s26+$0x100] =	vst v21;
	v12 =	vld.idx.msk [tilespmem:v10+s5+$0x0], $0xffff  }
0x94: {  	s4 =	sand.u32 $0x70, s3;
	s31 =	sand.u32 $0x1C00, s28;
	s24 =	smov.u32 s29;
	v10 =	vadd.s32 $0x8180, v0;
	v15 =	vld.idx.msk [tilespmem:v15+s5+$0x0], $0xffff;
	[tilespmem:s21+$0x10C00] =	vst v22  }
0x95: {  	s6 =	sadd.s32 $0x10, s6;
	s29 =	smov.u32 s3;
	s21 =	sor.u32 s4, s31;
	v8 =	vld.idx.msk [tilespmem:v6+s5+$0x0], $0xffff;
	[tilespmem:s11+$0x12E00] =	vst v23  }
0x96: {  	v6 =	vshll.u32 v9, $0x3  }
0x97: {  	v9 =	vand.u32 $0x7F, v9;
	v6 =	vand.u32 $0xFFFFFC00, v6  }
0x98: {  	v6 =	vor.u32 v9, v6;
	_ =	sdelay $0x4  }
0x99: {  	v9 =	vld.idx.msk [tilespmem:v6+s5+$0x0], $0xffff  }
0x9a: {  	v18 =	vor.u32 $0x80, v6  }
0x9b: {  	s3 =	sadd.s32 $0x80, s28  }
0x9c: {  	s4 =	sand.u32 $0x70, s30;
	s6 =	sand.u32 $0x1C00, s3  }
0x9d: {  	[tilespmem:s21+$0x10C00] =	vst v16;
	s25 =	sor.u32 s4, s6  }
0x9e: {  	v16 =	vld.idx.msk [tilespmem:v17+s5+$0x0], $0xffff;
	[tilespmem:s25+$0x10C00] =	vst v9  }
0x9f: {  	v9 =	vor.u32 $0x100, v5;
	v17 =	vld.idx.msk [tilespmem:v18+s5+$0x0], $0xffff  }
0xa0: {  	v18 =	vor.u32 $0x100, v6;
	_ =	sdelay $0x1  }
0xa1: {  	s31 =	sadd.s32 $0x10C00, s21  }
0xa2: {  	s6 =	sadd.s32 $0x10C00, s25;
	[tilespmem:s31+$0x80] =	vst v16  }
0xa3: {  	v9 =	vld.idx.msk [tilespmem:v9+s5+$0x0], $0xffff;
	[tilespmem:s6+$0x80] =	vst v17  }
0xa4: {  	v16 =	vor.u32 $0x180, v5;
	v17 =	vld.idx.msk [tilespmem:v18+s5+$0x0], $0xffff  }
0xa5: {  	v18 =	vor.u32 $0x180, v6;
	_ =	sdelay $0x2  }
0xa6: {  	[tilespmem:s31+$0x100] =	vst v9  }
0xa7: {  	v9 =	vor.u32 $0x200, v4;
	v16 =	vld.idx.msk [tilespmem:v16+s5+$0x0], $0xffff;
	[tilespmem:s6+$0x100] =	vst v17  }
0xa8: {  	v17 =	vor.u32 $0x200, v5;
	v18 =	vld.idx.msk [tilespmem:v18+s5+$0x0], $0xffff  }
0xa9: {  	v19 =	vor.u32 $0x200, v6;
	_ =	sdelay $0x1  }
0xaa: {  	[tilespmem:s26+$0x180] =	vst v15  }
0xab: {  	v9 =	vld.idx.msk [tilespmem:v9+s5+$0x0], $0xffff;
	[tilespmem:s31+$0x180] =	vst v16  }
0xac: {  	v15 =	vor.u32 $0x280, v4;
	v16 =	vld.idx.msk [tilespmem:v17+s5+$0x0], $0xffff;
	[tilespmem:s6+$0x180] =	vst v18  }
0xad: {  	v17 =	vor.u32 $0x280, v5;
	v18 =	vld.idx.msk [tilespmem:v19+s5+$0x0], $0xffff  }
0xae: {  	v19 =	vor.u32 $0x280, v6;
	_ =	sdelay $0x1  }
0xaf: {  	[tilespmem:s26+$0x200] =	vst v9  }
0xb0: {  	v9 =	vld.idx.msk [tilespmem:v15+s5+$0x0], $0xffff;
	[tilespmem:s31+$0x200] =	vst v16  }
0xb1: {  	v15 =	vor.u32 $0x300, v4;
	v16 =	vld.idx.msk [tilespmem:v17+s5+$0x0], $0xffff;
	[tilespmem:s6+$0x200] =	vst v18  }
0xb2: {  	v17 =	vor.u32 $0x300, v5;
	v18 =	vld.idx.msk [tilespmem:v19+s5+$0x0], $0xffff  }
0xb3: {  	[tilespmem:s22+$0x280] =	vst v13;
	v13 =	vor.u32 $0x300, v6  }
0xb4: {  	v14 =	vld.idx.msk [tilespmem:v14+s5+$0x0], $0xffff  }
0xb5: {  	[tilespmem:s26+$0x280] =	vst v9;
	v9 =	vor.u32 $0x380, v3  }
0xb6: {  	v15 =	vld.idx.msk [tilespmem:v15+s5+$0x0], $0xffff;
	[tilespmem:s31+$0x280] =	vst v16  }
0xb7: {  	v16 =	vor.u32 $0x380, v4;
	v17 =	vld.idx.msk [tilespmem:v17+s5+$0x0], $0xffff;
	[tilespmem:s6+$0x280] =	vst v18  }
0xb8: {  	v18 =	vor.u32 $0x380, v5;
	v13 =	vld.idx.msk [tilespmem:v13+s5+$0x0], $0xffff  }
0xb9: {  	[tilespmem:s22+$0x300] =	vst v14;
	v14 =	vor.u32 $0x380, v6  }
0xba: {  	[tilespmem:s8+$0x12D00] =	vst v7;
	v9 =	vld.idx.msk [tilespmem:v9+s5+$0x0], $0xffff  }
0xbb: {  	[tilespmem:s26+$0x300] =	vst v15  }
0xbc: {  	v15 =	vadd.s32 $0x8000, v3;
	v16 =	vld.idx.msk [tilespmem:v16+s5+$0x0], $0xffff;
	[tilespmem:s31+$0x300] =	vst v17  }
0xbd: {  	s31 =	sor.u32 s16, s20;
	v17 =	vld.idx.msk [tilespmem:v18+s5+$0x0], $0xffff;
	[tilespmem:s6+$0x300] =	vst v13;
	v13 =	vadd.s32 $0x8000, v4  }
0xbe: {  	[tilespmem:s10+$0x12F80] =	vst v12;
	v12 =	vadd.s32 $0x8000, v5;
	s4 =	sor.u32 $0x380, s31;
	v14 =	vld.idx.msk [tilespmem:v14+s5+$0x0], $0xffff  }
0xbf: {  	v11 =	vld.idx.msk [tilespmem:v11+s5+$0x0], $0xffff;
	s10 =	sor.u32 s23, s24;
	[tilespmem:s4+$0x10C00] =	vst v9;
	v9 =	vadd.s32 $0x8000, v6  }
0xc0: {  	v7 =	vadd.s32 $0x8080, v1;
	v10 =	vld.idx.msk [tilespmem:v10+s5+$0x0], $0xffff;
	[tilespmem:s12+$0x12C00] =	vst v8;
	s16 =	sor.u32 s28, s29;
	s4 =	sor.u32 $0x380, s10  }
0xc1: {  	s3 =	sor.u32 s3, s30;
	s20 =	sor.u32 $0x380, s16;
	v15 =	vld.idx.msk [tilespmem:v15+s5+$0x0], $0xffff;
	[tilespmem:s4+$0x10C00] =	vst v16  }
0xc2: {  	s3 =	sor.u32 $0x380, s3;
	v16 =	vadd.s32 $0x8080, v3;
	[tilespmem:s20+$0x10C00] =	vst v17;
	v13 =	vld.idx.msk [tilespmem:v13+s5+$0x0], $0xffff  }
0xc3: {  	v17 =	vadd.s32 $0x8080, v4;
	v12 =	vld.idx.msk [tilespmem:v12+s5+$0x0], $0xffff;
	[tilespmem:s3+$0x10C00] =	vst v14  }
0xc4: {  	v8 =	vadd.s32 $0x8080, v5;
	[tilespmem:s11+$0x12E80] =	vst v11;
	v9 =	vld.idx.msk [tilespmem:v9+s5+$0x0], $0xffff  }
0xc5: {  	v11 =	vadd.s32 $0x8080, v6;
	v7 =	vld.idx.msk [tilespmem:v7+s5+$0x0], $0xffff;
	[tilespmem:s8+$0x12D80] =	vst v10  }
0xc6: {  	[tilespmem:s9+$0x12C00] =	vst v15;
	v15 =	vadd.s32 $0x8100, v1  }
0xc7: {  	v14 =	vadd.s32 $0x8300, v2;
	v16 =	vld.idx.msk [tilespmem:v16+s5+$0x0], $0xffff;
	[tilespmem:s18+$0x12C00] =	vst v13  }
0xc8: {  	v13 =	vadd.s32 $0x8100, v3;
	[tilespmem:s21+$0x12C00] =	vst v12;
	v17 =	vld.idx.msk [tilespmem:v17+s5+$0x0], $0xffff  }
0xc9: {  	v12 =	vadd.s32 $0x8100, v4;
	v8 =	vld.idx.msk [tilespmem:v8+s5+$0x0], $0xffff;
	[tilespmem:s25+$0x12C00] =	vst v9  }
0xca: {  	[tilespmem:s12+$0x12C80] =	vst v7;
	v9 =	vadd.s32 $0x8100, v5;
	v10 =	vld.idx.msk [tilespmem:v11+s5+$0x0], $0xffff  }
0xcb: {  	v7 =	vadd.s32 $0x8100, v6;
	v15 =	vld.idx.msk [tilespmem:v15+s5+$0x0], $0xffff  }
0xcc: {  	[tilespmem:s9+$0x12C80] =	vst v16;
	v11 =	vld.idx.msk [tilespmem:v14+s5+$0x0], $0xffff;
	v14 =	vadd.s32 $0x8200, v0  }
0xcd: {  	v16 =	vadd.s32 $0x8180, v1;
	v13 =	vld.idx.msk [tilespmem:v13+s5+$0x0], $0xffff;
	[tilespmem:s18+$0x12C80] =	vst v17  }
0xce: {  	v17 =	vadd.s32 $0x8180, v3;
	[tilespmem:s21+$0x12C80] =	vst v8;
	v12 =	vld.idx.msk [tilespmem:v12+s5+$0x0], $0xffff  }
0xcf: {  	v8 =	vadd.s32 $0x8180, v4;
	v9 =	vld.idx.msk [tilespmem:v9+s5+$0x0], $0xffff;
	[tilespmem:s25+$0x12C80] =	vst v10  }
0xd0: {  	[tilespmem:s12+$0x12D00] =	vst v15;
	v10 =	vadd.s32 $0x8180, v5;
	v7 =	vld.idx.msk [tilespmem:v7+s5+$0x0], $0xffff  }
0xd1: {  	[tilespmem:s11+$0x12F00] =	vst v11;
	v11 =	vld.idx.msk [tilespmem:v14+s5+$0x0], $0xffff;
	v14 =	vadd.s32 $0x8180, v6  }
0xd2: {  	v2 =	vadd.s32 $0x8380, v2;
	v15 =	vld.idx.msk [tilespmem:v16+s5+$0x0], $0xffff;
	[tilespmem:s9+$0x12D00] =	vst v13  }
0xd3: {  	v13 =	vadd.s32 $0x8200, v1;
	v16 =	vld.idx.msk [tilespmem:v17+s5+$0x0], $0xffff;
	[tilespmem:s18+$0x12D00] =	vst v12  }
0xd4: {  	v12 =	vadd.s32 $0x8200, v3;
	[tilespmem:s21+$0x12D00] =	vst v9;
	v8 =	vld.idx.msk [tilespmem:v8+s5+$0x0], $0xffff  }
0xd5: {  	v9 =	vadd.s32 $0x8200, v4;
	v10 =	vld.idx.msk [tilespmem:v10+s5+$0x0], $0xffff;
	[tilespmem:s25+$0x12D00] =	vst v7  }
0xd6: {  	[tilespmem:s8+$0x12E00] =	vst v11;
	v7 =	vadd.s32 $0x8200, v5;
	v11 =	vld.idx.msk [tilespmem:v14+s5+$0x0], $0xffff  }
0xd7: {  	v2 =	vld.idx.msk [tilespmem:v2+s5+$0x0], $0xffff;
	[tilespmem:s12+$0x12D80] =	vst v15;
	v14 =	vadd.s32 $0x8200, v6  }
0xd8: {  	v15 =	vadd.s32 $0x8280, v0;
	v13 =	vld.idx.msk [tilespmem:v13+s5+$0x0], $0xffff;
	[tilespmem:s9+$0x12D80] =	vst v16  }
0xd9: {  	v16 =	vadd.s32 $0x8280, v1;
	v12 =	vld.idx.msk [tilespmem:v12+s5+$0x0], $0xffff;
	[tilespmem:s18+$0x12D80] =	vst v8  }
0xda: {  	v8 =	vadd.s32 $0x8280, v3;
	[tilespmem:s21+$0x12D80] =	vst v10;
	v9 =	vld.idx.msk [tilespmem:v9+s5+$0x0], $0xffff  }
0xdb: {  	v10 =	vadd.s32 $0x8280, v4;
	v7 =	vld.idx.msk [tilespmem:v7+s5+$0x0], $0xffff;
	[tilespmem:s25+$0x12D80] =	vst v11  }
0xdc: {  	[tilespmem:s11+$0x12F80] =	vst v2;
	v2 =	vadd.s32 $0x8280, v5;
	v11 =	vld.idx.msk [tilespmem:v14+s5+$0x0], $0xffff  }
0xdd: {  	[tilespmem:s12+$0x12E00] =	vst v13;
	v13 =	vadd.s32 $0x8280, v6;
	v14 =	vld.idx.msk [tilespmem:v15+s5+$0x0], $0xffff  }
0xde: {  	v15 =	vadd.s32 $0x8300, v0;
	v16 =	vld.idx.msk [tilespmem:v16+s5+$0x0], $0xffff;
	[tilespmem:s9+$0x12E00] =	vst v12  }
0xdf: {  	v12 =	vadd.s32 $0x8300, v1;
	v8 =	vld.idx.msk [tilespmem:v8+s5+$0x0], $0xffff;
	[tilespmem:s18+$0x12E00] =	vst v9  }
0xe0: {  	v9 =	vadd.s32 $0x8300, v3;
	[tilespmem:s21+$0x12E00] =	vst v7;
	v10 =	vld.idx.msk [tilespmem:v10+s5+$0x0], $0xffff  }
0xe1: {  	v7 =	vadd.s32 $0x8300, v4;
	v2 =	vld.idx.msk [tilespmem:v2+s5+$0x0], $0xffff;
	[tilespmem:s25+$0x12E00] =	vst v11  }
0xe2: {  	[tilespmem:s8+$0x12E80] =	vst v14;
	v11 =	vadd.s32 $0x8300, v5;
	v13 =	vld.idx.msk [tilespmem:v13+s5+$0x0], $0xffff  }
0xe3: {  	[tilespmem:s12+$0x12E80] =	vst v16;
	v14 =	vld.idx.msk [tilespmem:v15+s5+$0x0], $0xffff;
	v15 =	vadd.s32 $0x8300, v6  }
0xe4: {  	v0 =	vadd.s32 $0x8380, v0;
	v12 =	vld.idx.msk [tilespmem:v12+s5+$0x0], $0xffff;
	[tilespmem:s9+$0x12E80] =	vst v8  }
0xe5: {  	v1 =	vadd.s32 $0x8380, v1;
	v8 =	vld.idx.msk [tilespmem:v9+s5+$0x0], $0xffff;
	[tilespmem:s18+$0x12E80] =	vst v10  }
0xe6: {  	v3 =	vadd.s32 $0x8380, v3;
	[tilespmem:s21+$0x12E80] =	vst v2;
	v7 =	vld.idx.msk [tilespmem:v7+s5+$0x0], $0xffff  }
0xe7: {  	v2 =	vadd.s32 $0x8380, v4;
	v4 =	vld.idx.msk [tilespmem:v11+s5+$0x0], $0xffff;
	[tilespmem:s25+$0x12E80] =	vst v13  }
0xe8: {  	v5 =	vadd.s32 $0x8380, v5;
	[tilespmem:s8+$0x12F00] =	vst v14;
	v9 =	vld.idx.msk [tilespmem:v15+s5+$0x0], $0xffff  }
0xe9: {  	v6 =	vadd.s32 $0x8380, v6;
	[tilespmem:s12+$0x12F00] =	vst v12;
	v0 =	vld.idx.msk [tilespmem:v0+s5+$0x0], $0xffff  }
0xea: {  	v1 =	vld.idx.msk [tilespmem:v1+s5+$0x0], $0xffff;
	[tilespmem:s9+$0x12F00] =	vst v8  }
0xeb: {  	v3 =	vld.idx.msk [tilespmem:v3+s5+$0x0], $0xffff;
	[tilespmem:s18+$0x12F00] =	vst v7  }
0xec: {  	[tilespmem:s21+$0x12F00] =	vst v4;
	v2 =	vld.idx.msk [tilespmem:v2+s5+$0x0], $0xffff  }
0xed: {  	v4 =	vld.idx.msk [tilespmem:v5+s5+$0x0], $0xffff;
	[tilespmem:s25+$0x12F00] =	vst v9  }
0xee: {  	[tilespmem:s8+$0x12F80] =	vst v0;
	v0 =	vld.idx.msk [tilespmem:v6+s5+$0x0], $0xffff  }
0xef: {  	[tilespmem:s12+$0x12F80] =	vst v1  }
0xf0: {  	[tilespmem:s9+$0x12F80] =	vst v3  }
0xf1: {  	[tilespmem:s18+$0x12F80] =	vst v2  }
0xf2: {  	[tilespmem:s21+$0x12F80] =	vst v4;
	s21 =	sshrl.u32 s15, $0x3  }
0xf3: {  	s22 =	simm.s32 $0x10C00;
	s3 =	sadd.s32 s17, s21;
	[tilespmem:s25+$0x12F80] =	vst v0  }
0xf4: {  	[hbm4b:s3+s13] =	stream.strided.scatter [tilespmem:s22], [sflag:$0x4], $0x400, s19, s13, $0x38;
	[tilespmem:$0x1CC00] =	vst v63  }
0xf5: {  	s24 =	simm.s32 $0x11000;
	s23 =	sadd.s32 $0x80, s3  }
0xf6: {  	[hbm4b:s23+s13] =	stream.strided.scatter [tilespmem:s24], [sflag:$0x4], $0x400, s19, s13, $0x38;
	[tilespmem:$0x1CC00] =	vst v63  }
0xf7: {  	s26 =	simm.s32 $0x11400;
	s25 =	sadd.s32 $0x100, s3  }
0xf8: {  	[hbm4b:s25+s13] =	stream.strided.scatter [tilespmem:s26], [sflag:$0x4], $0x400, s19, s13, $0x38;
	[tilespmem:$0x1CC00] =	vst v63  }
0xf9: {  	s31 =	simm.s32 $0x11800;
	s29 =	sadd.s32 $0x180, s3  }
0xfa: {  	[hbm4b:s29+s13] =	stream.strided.scatter [tilespmem:s31], [sflag:$0x4], $0x400, s19, s13, $0x38;
	[tilespmem:$0x1CC00] =	vst v63  }
0xfb: {  	s9 =	simm.s32 $0x11C00;
	s8 =	sadd.s32 $0x200, s3  }
0xfc: {  	[hbm4b:s8+s13] =	stream.strided.scatter [tilespmem:s9], [sflag:$0x4], $0x400, s19, s13, $0x38;
	[tilespmem:$0x1CC00] =	vst v63  }
0xfd: {  	s11 =	simm.s32 $0x12000;
	s10 =	sadd.s32 $0x280, s3  }
0xfe: {  	[hbm4b:s10+s13] =	stream.strided.scatter [tilespmem:s11], [sflag:$0x4], $0x400, s19, s13, $0x38;
	[tilespmem:$0x1CC00] =	vst v63  }
0xff: {  	s15 =	simm.s32 $0x12400;
	s12 =	sadd.s32 $0x300, s3  }
0x100: {  	[hbm4b:s12+s13] =	stream.strided.scatter [tilespmem:s15], [sflag:$0x4], $0x400, s19, s13, $0x38;
	[tilespmem:$0x1CC00] =	vst v63  }
0x101: {  	s18 =	simm.s32 $0x12800;
	s16 =	sadd.s32 $0x380, s3  }
0x102: {  	[hbm4b:s16+s13] =	stream.strided.scatter [tilespmem:s18], [sflag:$0x4], $0x400, s19, s13, $0x38;
	[tilespmem:$0x1CC00] =	vst v63  }
0x103: {  	s20 =	simm.s32 $0x12C00;
	s3 =	sadd.s32 $0x100000, s3  }
0x104: {  	[hbm4b:s3+s13] =	stream.strided.scatter [tilespmem:s20], [sflag:$0x4], $0x400, s19, s13, $0x38;
	[tilespmem:$0x1CC00] =	vst v63  }
0x105: {  	s22 =	simm.s32 $0x13000;
	s21 =	sadd.s32 $0x80, s3  }
0x106: {  	[hbm4b:s21+s13] =	stream.strided.scatter [tilespmem:s22], [sflag:$0x4], $0x400, s19, s13, $0x38;
	[tilespmem:$0x1CC00] =	vst v63  }
0x107: {  	s23 =	sadd.s32 $0x100, s3;
	s24 =	simm.s32 $0x13400  }
0x108: {  	[hbm4b:s23+s13] =	stream.strided.scatter [tilespmem:s24], [sflag:$0x4], $0x400, s19, s13, $0x38;
	[tilespmem:$0x1CC00] =	vst v63  }
0x109: {  	s25 =	sadd.s32 $0x180, s3;
	s26 =	simm.s32 $0x13800  }
0x10a: {  	[hbm4b:s25+s13] =	stream.strided.scatter [tilespmem:s26], [sflag:$0x4], $0x400, s19, s13, $0x38;
	[tilespmem:$0x1CC00] =	vst v63  }
0x10b: {  	s29 =	sadd.s32 $0x200, s3;
	s31 =	simm.s32 $0x13C00  }
0x10c: {  	[hbm4b:s29+s13] =	stream.strided.scatter [tilespmem:s31], [sflag:$0x4], $0x400, s19, s13, $0x38;
	[tilespmem:$0x1CC00] =	vst v63  }
0x10d: {  	s30 =	simm.s32 $0x400;
	s8 =	sadd.s32 $0x280, s3;
	s9 =	simm.s32 $0x14000  }
0x10e: {  	[hbm4b:s8+s13] =	stream.strided.scatter [tilespmem:s9], [sflag:$0x4], $0x400, s19, s13, $0x38;
	[tilespmem:$0x1CC00] =	vst v63  }
0x10f: {  	s10 =	sadd.s32 $0x300, s3;
	s11 =	simm.s32 $0x14400;
	s15 =	sadd.s32 $0x3, s1  }
0x110: {  	[hbm4b:s10+s13] =	stream.strided.scatter [tilespmem:s11], [sflag:$0x4], $0x400, s19, s13, $0x38;
	[tilespmem:$0x1CC00] =	vst v63  }
0x111: {  	s12 =	simm.s32 $0x14800;
	s16 =	sshll.u32 s15, $0x4;
	s3 =	sadd.s32 $0x380, s3  }
0x112: {  	[hbm4b:s3+s13] =	stream.strided.scatter [tilespmem:s12], [sflag:$0x4], $0x400, s19, s13, $0x38;
	[tilespmem:$0x1CC00] =	vst v63  }
0x113: {  	s4 =	sand.u32 $0x70, s16;
	s3 =	sshll.u32 s15, $0x7;
	_ =	swait.ge [sflag:s7], $0x400  }
0x114: {  	s4 =	sadd.s32 s14, s4;
	s3 =	sand.u32 $0xFFFFC00, s3;
	[sflag:s7] =	ssyncset.done $0x0  }
0x115: {  	s18 =	simm.s32 $0x10000;
	s3 =	sadd.s32 s3, s4;
	[sflag:s7] =	ssyncadd.s32 $0xFFFFFC00  }
0x116: {  	[tilespmem:s18], [sflag:$0x1] =	stream.strided.gather [hbm4b:s3+s13], $0x400, s30, s13, $0x38;
	[tilespmem:$0x1CC00] =	vst v63  }
0x117: {  	s3 =	simm.s32 @!p0 $0x5  }
0x118: {  	_ =	swait.ge @!p0 [sflag:s3], $0x4000  }
0x119: {  	s20 =	simm.s32 $0x0;
	[sflag:s3] =	ssyncset.done @!p0 $0x0  }
0x11a: {  	s21 =	sand.u32 $0x3F0, s20;
	[sflag:s3] =	ssyncadd.s32 @!p0 $0xFFFFC000  }
0x11b: {  	v0 =	vld [tilespmem:s21+$0x10400];
	_ =	sdelay $0x4  }
0x11c: {  	v1 =	vshll.u32 v0, $0x3  }
0x11d: {  	v0 =	vand.u32 $0x7F, v0;
	v1 =	vand.u32 $0xFFFFFC00, v1  }
0x11e: {  	v6 =	vor.u32 v0, v1;
	_ =	sdelay $0x4  }
0x11f: {  	v0 =	vld.idx.msk [tilespmem:v6+s5+$0x0], $0xffff  }
0x120: {  	s22 =	simm.s32 $0x10;
	v1 =	vor.u32 $0x80, v6  }
0x121: {  	s23 =	sand.u32 $0x3F0, s22  }
0x122: {  	s24 =	sand.u32 $0x70, s20;
	s4 =	sand.u32 $0x1C00, s20;
	v2 =	vld [tilespmem:s23+$0x10400]  }
0x123: {  	s10 =	sor.u32 s24, s4  }
0x124: {  	[tilespmem:s10+$0x14C00] =	vst v0  }
0x125: {  	v0 =	vld.idx.msk [tilespmem:v1+s5+$0x0], $0xffff  }
0x126: {  	v1 =	vor.u32 $0x100, v6  }
0x127: {  	v3 =	vshll.u32 v2, $0x3  }
0x128: {  	v2 =	vand.u32 $0x7F, v2;
	v3 =	vand.u32 $0xFFFFFC00, v3  }
0x129: {  	v2 =	vor.u32 v2, v3  }
0x12a: {  	[tilespmem:s10+$0x14C80] =	vst v0  }
0x12b: {  	v0 =	vld.idx.msk [tilespmem:v1+s5+$0x0], $0xffff  }
0x12c: {  	v1 =	vor.u32 $0x180, v6;
	_ =	sdelay $0x1  }
0x12d: {  	s25 =	simm.s32 $0x20;
	v3 =	vld.idx.msk [tilespmem:v2+s5+$0x0], $0xffff  }
0x12e: {  	s26 =	sand.u32 $0x3F0, s25;
	v4 =	vor.u32 $0x80, v2  }
0x12f: {  	s29 =	simm.s32 $0x80;
	v5 =	vld [tilespmem:s26+$0x10400];
	[tilespmem:s10+$0x14D00] =	vst v0  }
0x130: {  	s6 =	sand.u32 $0x1C00, s29;
	s3 =	sand.u32 $0x70, s22;
	v0 =	vld.idx.msk [tilespmem:v1+s5+$0x0], $0xffff  }
0x131: {  	s11 =	sor.u32 s3, s6;
	v1 =	vor.u32 $0x200, v6  }
0x132: {  	[tilespmem:s11+$0x14C00] =	vst v3  }
0x133: {  	v3 =	vld.idx.msk [tilespmem:v4+s5+$0x0], $0xffff  }
0x134: {  	v7 =	vshll.u32 v5, $0x3;
	v4 =	vor.u32 $0x100, v2  }
0x135: {  	[tilespmem:s10+$0x14D80] =	vst v0;
	v0 =	vand.u32 $0x7F, v5;
	v5 =	vand.u32 $0xFFFFFC00, v7  }
0x136: {  	v1 =	vld.idx.msk [tilespmem:v1+s5+$0x0], $0xffff;
	v0 =	vor.u32 v0, v5  }
0x137: {  	v5 =	vor.u32 $0x280, v6  }
0x138: {  	[tilespmem:s11+$0x14C80] =	vst v3  }
0x139: {  	v3 =	vld.idx.msk [tilespmem:v4+s5+$0x0], $0xffff  }
0x13a: {  	v4 =	vor.u32 $0x180, v2  }
0x13b: {  	v7 =	vld.idx.msk [tilespmem:v0+s5+$0x0], $0xffff;
	[tilespmem:s10+$0x14E00] =	vst v1  }
0x13c: {  	s31 =	simm.s32 $0x30;
	v1 =	vld.idx.msk [tilespmem:v5+s5+$0x0], $0xffff;
	v5 =	vor.u32 $0x80, v0  }
0x13d: {  	s8 =	sand.u32 $0x3F0, s31;
	s9 =	simm.s32 $0x100;
	v8 =	vor.u32 $0x300, v6  }
0x13e: {  	s12 =	sand.u32 $0x1C00, s9;
	s4 =	sand.u32 $0x70, s25;
	v9 =	vld [tilespmem:s8+$0x10400];
	[tilespmem:s11+$0x14D00] =	vst v3  }
0x13f: {  	s8 =	sor.u32 s4, s12;
	v3 =	vld.idx.msk [tilespmem:v4+s5+$0x0], $0xffff  }
0x140: {  	v4 =	vor.u32 $0x200, v2;
	[tilespmem:s8+$0x14C00] =	vst v7  }
0x141: {  	v5 =	vld.idx.msk [tilespmem:v5+s5+$0x0], $0xffff;
	[tilespmem:s10+$0x14E80] =	vst v1  }
0x142: {  	v7 =	vld.idx.msk [tilespmem:v8+s5+$0x0], $0xffff;
	v8 =	vor.u32 $0x100, v0  }
0x143: {  	v10 =	vor.u32 $0x380, v6;
	v1 =	vshll.u32 v9, $0x3  }
0x144: {  	[tilespmem:s11+$0x14D80] =	vst v3;
	v3 =	vand.u32 $0x7F, v9;
	v1 =	vand.u32 $0xFFFFFC00, v1  }
0x145: {  	v4 =	vld.idx.msk [tilespmem:v4+s5+$0x0], $0xffff;
	v1 =	vor.u32 v3, v1  }
0x146: {  	v3 =	vor.u32 $0x280, v2;
	[tilespmem:s8+$0x14C80] =	vst v5  }
0x147: {  	v5 =	vld.idx.msk [tilespmem:v8+s5+$0x0], $0xffff;
	[tilespmem:s10+$0x14F00] =	vst v7  }
0x148: {  	v8 =	vor.u32 $0x180, v0;
	v7 =	vld.idx.msk [tilespmem:v10+s5+$0x0], $0xffff  }
0x149: {  	v9 =	vadd.s32 $0x8000, v6  }
0x14a: {  	s28 =	smov.u32 s14;
	s14 =	simm.s32 $0x40;
	[tilespmem:s11+$0x14E00] =	vst v4;
	v10 =	vld.idx.msk [tilespmem:v1+s5+$0x0], $0xffff  }
0x14b: {  	s15 =	sand.u32 $0x3F0, s14;
	v4 =	vor.u32 $0x80, v1;
	v3 =	vld.idx.msk [tilespmem:v3+s5+$0x0], $0xffff  }
0x14c: {  	s16 =	simm.s32 $0x180;
	v11 =	vld [tilespmem:s15+$0x10400];
	[tilespmem:s8+$0x14D00] =	vst v5;
	v5 =	vor.u32 $0x300, v2  }
0x14d: {  	s3 =	sand.u32 $0x70, s31;
	s6 =	sand.u32 $0x1C00, s16;
	v8 =	vld.idx.msk [tilespmem:v8+s5+$0x0], $0xffff;
	[tilespmem:s10+$0x14F80] =	vst v7  }
0x14e: {  	s12 =	sor.u32 s3, s6;
	v7 =	vld.idx.msk [tilespmem:v9+s5+$0x0], $0xffff;
	v9 =	vor.u32 $0x200, v0  }
0x14f: {  	[tilespmem:s12+$0x14C00] =	vst v10;
	v10 =	vadd.s32 $0x8080, v6  }
0x150: {  	[tilespmem:s11+$0x14E80] =	vst v3;
	v4 =	vld.idx.msk [tilespmem:v4+s5+$0x0], $0xffff  }
0x151: {  	v12 =	vor.u32 $0x100, v1;
	v3 =	vshll.u32 v11, $0x3;
	v5 =	vld.idx.msk [tilespmem:v5+s5+$0x0], $0xffff  }
0x152: {  	v11 =	vand.u32 $0x7F, v11;
	v3 =	vand.u32 $0xFFFFFC00, v3;
	[tilespmem:s8+$0x14D80] =	vst v8;
	v8 =	vor.u32 $0x380, v2  }
0x153: {  	v3 =	vor.u32 v11, v3;
	v9 =	vld.idx.msk [tilespmem:v9+s5+$0x0], $0xffff;
	[tilespmem:s10+$0x16C00] =	vst v7  }
0x154: {  	v7 =	vld.idx.msk [tilespmem:v10+s5+$0x0], $0xffff;
	v10 =	vor.u32 $0x280, v0  }
0x155: {  	[tilespmem:s12+$0x14C80] =	vst v4;
	v4 =	vadd.s32 $0x8100, v6  }
0x156: {  	v11 =	vld.idx.msk [tilespmem:v12+s5+$0x0], $0xffff;
	[tilespmem:s11+$0x14F00] =	vst v5  }
0x157: {  	v5 =	vld.idx.msk [tilespmem:v8+s5+$0x0], $0xffff;
	v8 =	vor.u32 $0x180, v1  }
0x158: {  	v12 =	vld.idx.msk [tilespmem:v3+s5+$0x0], $0xffff;
	[tilespmem:s8+$0x14E00] =	vst v9;
	v9 =	vadd.s32 $0x8000, v2  }
0x159: {  	s18 =	simm.s32 $0x50;
	v10 =	vld.idx.msk [tilespmem:v10+s5+$0x0], $0xffff;
	[tilespmem:s10+$0x16C80] =	vst v7;
	v7 =	vor.u32 $0x80, v3  }
0x15a: {  	s20 =	sand.u32 $0x3F0, s18;
	s21 =	simm.s32 $0x200;
	v13 =	vor.u32 $0x300, v0;
	v4 =	vld.idx.msk [tilespmem:v4+s5+$0x0], $0xffff  }
0x15b: {  	v14 =	vld [tilespmem:s20+$0x10400];
	s4 =	sand.u32 $0x70, s14;
	s22 =	sand.u32 $0x1C00, s21;
	[tilespmem:s12+$0x14D00] =	vst v11;
	v11 =	vadd.s32 $0x8180, v6  }
0x15c: {  	s9 =	sor.u32 s4, s22;
	v8 =	vld.idx.msk [tilespmem:v8+s5+$0x0], $0xffff;
	[tilespmem:s11+$0x14F80] =	vst v5  }
0x15d: {  	[tilespmem:s9+$0x14C00] =	vst v12;
	v5 =	vld.idx.msk [tilespmem:v9+s5+$0x0], $0xffff;
	v9 =	vor.u32 $0x200, v1  }
0x15e: {  	v7 =	vld.idx.msk [tilespmem:v7+s5+$0x0], $0xffff;
	[tilespmem:s8+$0x14E80] =	vst v10;
	v10 =	vadd.s32 $0x8080, v2  }
0x15f: {  	s23 =	simm.s32 $0x60;
	v12 =	vld.idx.msk [tilespmem:v13+s5+$0x0], $0xffff;
	[tilespmem:s10+$0x16D00] =	vst v4;
	v13 =	vor.u32 $0x100, v3  }
0x160: {  	s24 =	sand.u32 $0x3F0, s23;
	v15 =	vor.u32 $0x380, v0;
	v4 =	vshll.u32 v14, $0x3;
	v11 =	vld.idx.msk [tilespmem:v11+s5+$0x0], $0xffff  }
0x161: {  	v16 =	vld [tilespmem:s24+$0x10400];
	v4 =	vand.u32 $0xFFFFFC00, v4;
	[tilespmem:s12+$0x14D80] =	vst v8;
	v8 =	vand.u32 $0x7F, v14;
	v14 =	vadd.s32 $0x8200, v6  }
0x162: {  	v9 =	vld.idx.msk [tilespmem:v9+s5+$0x0], $0xffff;
	[tilespmem:s11+$0x16C00] =	vst v5;
	v4 =	vor.u32 v8, v4  }
0x163: {  	v5 =	vld.idx.msk [tilespmem:v10+s5+$0x0], $0xffff;
	[tilespmem:s9+$0x14C80] =	vst v7;
	v7 =	vor.u32 $0x280, v1  }
0x164: {  	v10 =	vadd.s32 $0x8100, v2;
	v8 =	vld.idx.msk [tilespmem:v13+s5+$0x0], $0xffff;
	[tilespmem:s8+$0x14F00] =	vst v12  }
0x165: {  	v12 =	vld.idx.msk [tilespmem:v15+s5+$0x0], $0xffff;
	[tilespmem:s10+$0x16D80] =	vst v11;
	v11 =	vor.u32 $0x180, v3  }
0x166: {  	v13 =	vld.idx.msk [tilespmem:v14+s5+$0x0], $0xffff;
	v14 =	vadd.s32 $0x8000, v0  }
0x167: {  	v15 =	vld.idx.msk [tilespmem:v4+s5+$0x0], $0xffff;
	[tilespmem:s12+$0x14E00] =	vst v9;
	v9 =	vadd.s32 $0x8280, v6  }
0x168: {  	v7 =	vld.idx.msk [tilespmem:v7+s5+$0x0], $0xffff;
	[tilespmem:s11+$0x16C80] =	vst v5;
	v5 =	vor.u32 $0x80, v4  }
0x169: {  	s25 =	simm.s32 $0x280;
	v10 =	vld.idx.msk [tilespmem:v10+s5+$0x0], $0xffff;
	[tilespmem:s9+$0x14D00] =	vst v8  }
0x16a: {  	s3 =	sand.u32 $0x70, s18;
	s4 =	sand.u32 $0x1C00, s25;
	v8 =	vor.u32 $0x300, v1;
	v11 =	vld.idx.msk [tilespmem:v11+s5+$0x0], $0xffff;
	[tilespmem:s8+$0x14F80] =	vst v12  }
0x16b: {  	s18 =	sor.u32 s3, s4;
	v12 =	vadd.s32 $0x8180, v2;
	v14 =	vld.idx.msk [tilespmem:v14+s5+$0x0], $0xffff;
	[tilespmem:s10+$0x16E00] =	vst v13  }
0x16c: {  	s21 =	simm.s32 $0x70;
	v13 =	vor.u32 $0x200, v3;
	[tilespmem:s18+$0x14C00] =	vst v15;
	v9 =	vld.idx.msk [tilespmem:v9+s5+$0x0], $0xffff  }
0x16d: {  	s26 =	sand.u32 $0x3F0, s21;
	v17 =	vadd.s32 $0x8080, v0;
	v15 =	vld.idx.msk [tilespmem:v5+s5+$0x0], $0xffff;
	[tilespmem:s12+$0x14E80] =	vst v7  }
0x16e: {  	v7 =	vld [tilespmem:s26+$0x10400];
	[tilespmem:s11+$0x16D00] =	vst v10;
	v10 =	vadd.s32 $0x8300, v6  }
0x16f: {  	v18 =	vor.u32 $0x100, v4;
	v5 =	vshll.u32 v16, $0x3;
	v8 =	vld.idx.msk [tilespmem:v8+s5+$0x0], $0xffff  }
0x170: {  	v16 =	vand.u32 $0x7F, v16;
	v5 =	vand.u32 $0xFFFFFC00, v5;
	v12 =	vld.idx.msk [tilespmem:v12+s5+$0x0], $0xffff;
	[tilespmem:s9+$0x14D80] =	vst v11;
	v11 =	vor.u32 $0x380, v1  }
0x171: {  	v5 =	vor.u32 v16, v5;
	v13 =	vld.idx.msk [tilespmem:v13+s5+$0x0], $0xffff;
	[tilespmem:s8+$0x16C00] =	vst v14  }
0x172: {  	v14 =	vadd.s32 $0x8200, v2;
	v16 =	vld.idx.msk [tilespmem:v17+s5+$0x0], $0xffff;
	[tilespmem:s10+$0x16E80] =	vst v9  }
0x173: {  	[tilespmem:s18+$0x14C80] =	vst v15;
	v15 =	vor.u32 $0x280, v3;
	v10 =	vld.idx.msk [tilespmem:v10+s5+$0x0], $0xffff  }
0x174: {  	v18 =	vld.idx.msk [tilespmem:v18+s5+$0x0], $0xffff;
	[tilespmem:s12+$0x14F00] =	vst v8;
	v8 =	vadd.s32 $0x8100, v0  }
0x175: {  	v6 =	vadd.s32 $0x8380, v6;
	v11 =	vld.idx.msk [tilespmem:v11+s5+$0x0], $0xffff;
	[tilespmem:s11+$0x16D80] =	vst v12  }
0x176: {  	v19 =	vor.u32 $0x180, v4;
	v17 =	vld.idx.msk [tilespmem:v5+s5+$0x0], $0xffff;
	[tilespmem:s9+$0x14E00] =	vst v13  }
0x177: {  	v9 =	vld.idx.msk [tilespmem:v14+s5+$0x0], $0xffff;
	v13 =	vadd.s32 $0x8000, v1;
	[tilespmem:s8+$0x16C80] =	vst v16  }
0x178: {  	s29 =	sadd.s32 $0x1, s1;
	v14 =	vld.idx.msk [tilespmem:v15+s5+$0x0], $0xffff;
	[tilespmem:s10+$0x16F00] =	vst v10;
	v10 =	vadd.s32 $0x8280, v2  }
0x179: {  	s31 =	sshll.u32 s29, $0x7;
	s20 =	simm.s32 $0x300;
	v8 =	vld.idx.msk [tilespmem:v8+s5+$0x0], $0xffff;
	[tilespmem:s18+$0x14D00] =	vst v18;
	v18 =	vor.u32 $0x80, v5  }
0x17a: {  	s15 =	sand.u32 $0xFFFFC00, s31;
	s6 =	sand.u32 $0x1C00, s20;
	s3 =	sshll.u32 s29, $0x4;
	v15 =	vor.u32 $0x300, v3;
	v12 =	vld.idx.msk [tilespmem:v6+s5+$0x0], $0xffff  }
0x17b: {  	s22 =	simm.s32 $0x80;
	s16 =	sand.u32 $0x70, s3;
	s3 =	sand.u32 $0x70, s23;
	v16 =	vld.idx.msk [tilespmem:v19+s5+$0x0], $0xffff;
	[tilespmem:s12+$0x14F80] =	vst v11;
	v11 =	vadd.s32 $0x8180, v0  }
.LBB2_5:
0x17c: {  	p1 =	sne.s32 s22, $0x3F0;
	s4 =	sor.u32 s3, s6;
	v6 =	vld.idx.msk [tilespmem:v13+s5+$0x0], $0xffff;
	[tilespmem:s11+$0x16E00] =	vst v9;
	s3 =	smov.u32 s21  }
0x17d: {  	v9 =	vor.u32 $0x200, v4;
	s21 =	smov.u32 s22;
	[tilespmem:s4+$0x14C00] =	vst v17;
	v10 =	vld.idx.msk [tilespmem:v10+s5+$0x0], $0xffff  }
0x17e: {  	v13 =	vld.idx.msk [tilespmem:v18+s5+$0x0], $0xffff;
	[tilespmem:s9+$0x14E80] =	vst v14;
	v14 =	vadd.s32 $0x8080, v1  }
0x17f: {  	v15 =	vld.idx.msk [tilespmem:v15+s5+$0x0], $0xffff;
	[tilespmem:s8+$0x16D00] =	vst v8;
	v8 =	vadd.s32 $0x8300, v2  }
0x180: {  	s6 =	sand.u32 $0x3F0, s22;
	v17 =	vor.u32 $0x100, v5;
	v11 =	vld.idx.msk [tilespmem:v11+s5+$0x0], $0xffff;
	[tilespmem:s10+$0x16F80] =	vst v12;
	s10 =	smov.u32 s11;
	s11 =	smov.u32 s8  }
0x181: {  	v18 =	vshll.u32 v7, $0x3;
	s8 =	smov.u32 s12;
	s12 =	smov.u32 s9;
	s9 =	smov.u32 s18;
	v12 =	vld [tilespmem:s6+$0x10400];
	[tilespmem:s18+$0x14D80] =	vst v16;
	v16 =	vor.u32 $0x380, v3  }
0x182: {  	v7 =	vand.u32 $0x7F, v7;
	v18 =	vand.u32 $0xFFFFFC00, v18;
	s18 =	smov.u32 s4;
	v19 =	vld.idx.msk [tilespmem:v9+s5+$0x0], $0xffff;
	[tilespmem:s8+$0x16C00] =	vst v6;
	v6 =	vadd.s32 $0x8200, v0  }
0x183: {  	v18 =	vor.u32 v7, v18;
	v20 =	vld.idx.msk [tilespmem:v14+s5+$0x0], $0xffff;
	[tilespmem:s10+$0x16E80] =	vst v10  }
0x184: {  	v10 =	vor.u32 $0x280, v4;
	[tilespmem:s18+$0x14C80] =	vst v13;
	v21 =	vld.idx.msk [tilespmem:v8+s5+$0x0], $0xffff  }
0x185: {  	v8 =	vadd.s32 $0x8100, v1;
	v22 =	vld.idx.msk [tilespmem:v17+s5+$0x0], $0xffff;
	[tilespmem:s12+$0x14F00] =	vst v15  }
0x186: {  	v23 =	vld.idx.msk [tilespmem:v16+s5+$0x0], $0xffff;
	[tilespmem:s11+$0x16D80] =	vst v11;
	v11 =	vadd.s32 $0x8380, v2;
	v7 =	vmovc v12;
	v2 =	vmovc v0;
	v0 =	vmov v1;
	v1 =	vmov v3  }
0x187: {  	v16 =	vor.u32 $0x180, v5;
	v3 =	vmovc v4;
	v4 =	vmov v5;
	v5 =	vmov v18;
	v9 =	vld.idx.msk [tilespmem:v6+s5+$0x0], $0xffff  }
.Ltmp1:
0x188: {  	v13 =	vadd.s32 $0x8000, v1;
	v17 =	vld.idx.msk [tilespmem:v18+s5+$0x0], $0xffff;
	[tilespmem:s9+$0x14E00] =	vst v19;
	(pc) =	sbr.rel @p1 .LBB2_5-.Ltmp1, $4  }
0x189: {  	v14 =	vld.idx.msk [tilespmem:v10+s5+$0x0], $0xffff;
	[tilespmem:s8+$0x16C80] =	vst v20;
	v10 =	vadd.s32 $0x8280, v2  }
0x18a: {  	v18 =	vor.u32 $0x80, v5;
	v8 =	vld.idx.msk [tilespmem:v8+s5+$0x0], $0xffff;
	[tilespmem:s10+$0x16F00] =	vst v21  }
0x18b: {  	s20 =	sadd.s32 $0x80, s20;
	v15 =	vor.u32 $0x300, v3;
	[tilespmem:s18+$0x14D00] =	vst v22;
	v12 =	vld.idx.msk [tilespmem:v11+s5+$0x0], $0xffff  }
0x18c: {  	s22 =	sadd.s32 $0x10, s22;
	s3 =	sand.u32 $0x70, s3;
	s6 =	sand.u32 $0x1C00, s20;
	v11 =	vadd.s32 $0x8180, v0;
	v16 =	vld.idx.msk [tilespmem:v16+s5+$0x0], $0xffff;
	[tilespmem:s12+$0x14F80] =	vst v23  }
0x18d: {  	v6 =	vshll.u32 v7, $0x3  }
0x18e: {  	v7 =	vand.u32 $0x7F, v7;
	v6 =	vand.u32 $0xFFFFFC00, v6  }
0x18f: {  	v6 =	vor.u32 v7, v6;
	_ =	sdelay $0x4  }
0x190: {  	v7 =	vld.idx.msk [tilespmem:v6+s5+$0x0], $0xffff  }
0x191: {  	v19 =	vor.u32 $0x80, v6  }
0x192: {  	s4 =	sadd.s32 $0x80, s20  }
0x193: {  	s25 =	sor.u32 s3, s6;
	s26 =	sand.u32 $0x70, s21;
	s4 =	sand.u32 $0x1C00, s4  }
0x194: {  	[tilespmem:s25+$0x14C00] =	vst v17;
	s21 =	sor.u32 s26, s4  }
0x195: {  	v17 =	vld.idx.msk [tilespmem:v18+s5+$0x0], $0xffff;
	[tilespmem:s21+$0x14C00] =	vst v7  }
0x196: {  	v7 =	vor.u32 $0x100, v5;
	v18 =	vld.idx.msk [tilespmem:v19+s5+$0x0], $0xffff  }
0x197: {  	v19 =	vor.u32 $0x100, v6;
	_ =	sdelay $0x2  }
0x198: {  	[tilespmem:s25+$0x14C80] =	vst v17  }
0x199: {  	v7 =	vld.idx.msk [tilespmem:v7+s5+$0x0], $0xffff;
	[tilespmem:s21+$0x14C80] =	vst v18  }
0x19a: {  	v17 =	vor.u32 $0x180, v5;
	v18 =	vld.idx.msk [tilespmem:v19+s5+$0x0], $0xffff  }
0x19b: {  	v19 =	vor.u32 $0x180, v6;
	_ =	sdelay $0x2  }
0x19c: {  	[tilespmem:s25+$0x14D00] =	vst v7  }
0x19d: {  	v7 =	vor.u32 $0x200, v4;
	v17 =	vld.idx.msk [tilespmem:v17+s5+$0x0], $0xffff;
	[tilespmem:s21+$0x14D00] =	vst v18  }
0x19e: {  	v18 =	vor.u32 $0x200, v5;
	v19 =	vld.idx.msk [tilespmem:v19+s5+$0x0], $0xffff  }
0x19f: {  	v20 =	vor.u32 $0x200, v6;
	_ =	sdelay $0x1  }
0x1a0: {  	[tilespmem:s18+$0x14D80] =	vst v16  }
0x1a1: {  	v7 =	vld.idx.msk [tilespmem:v7+s5+$0x0], $0xffff;
	[tilespmem:s25+$0x14D80] =	vst v17  }
0x1a2: {  	v16 =	vor.u32 $0x280, v4;
	v17 =	vld.idx.msk [tilespmem:v18+s5+$0x0], $0xffff;
	[tilespmem:s21+$0x14D80] =	vst v19  }
0x1a3: {  	v18 =	vor.u32 $0x280, v5;
	v19 =	vld.idx.msk [tilespmem:v20+s5+$0x0], $0xffff  }
0x1a4: {  	v20 =	vor.u32 $0x280, v6;
	_ =	sdelay $0x1  }
0x1a5: {  	[tilespmem:s18+$0x14E00] =	vst v7  }
0x1a6: {  	v7 =	vld.idx.msk [tilespmem:v16+s5+$0x0], $0xffff;
	[tilespmem:s25+$0x14E00] =	vst v17  }
0x1a7: {  	v16 =	vor.u32 $0x300, v4;
	v17 =	vld.idx.msk [tilespmem:v18+s5+$0x0], $0xffff;
	[tilespmem:s21+$0x14E00] =	vst v19  }
0x1a8: {  	v18 =	vor.u32 $0x300, v5;
	v19 =	vld.idx.msk [tilespmem:v20+s5+$0x0], $0xffff  }
0x1a9: {  	v20 =	vor.u32 $0x300, v6  }
0x1aa: {  	[tilespmem:s9+$0x14E80] =	vst v14  }
0x1ab: {  	v14 =	vld.idx.msk [tilespmem:v15+s5+$0x0], $0xffff;
	[tilespmem:s18+$0x14E80] =	vst v7  }
0x1ac: {  	v7 =	vor.u32 $0x380, v3;
	v15 =	vld.idx.msk [tilespmem:v16+s5+$0x0], $0xffff;
	[tilespmem:s25+$0x14E80] =	vst v17  }
0x1ad: {  	v16 =	vor.u32 $0x380, v4;
	v17 =	vld.idx.msk [tilespmem:v18+s5+$0x0], $0xffff;
	[tilespmem:s21+$0x14E80] =	vst v19  }
0x1ae: {  	[tilespmem:s11+$0x16E00] =	vst v9;
	v18 =	vor.u32 $0x380, v5;
	v19 =	vld.idx.msk [tilespmem:v20+s5+$0x0], $0xffff  }
0x1af: {  	[tilespmem:s8+$0x16D00] =	vst v8;
	v9 =	vor.u32 $0x380, v6  }
0x1b0: {  	v13 =	vld.idx.msk [tilespmem:v13+s5+$0x0], $0xffff;
	[tilespmem:s9+$0x14F00] =	vst v14  }
0x1b1: {  	v7 =	vld.idx.msk [tilespmem:v7+s5+$0x0], $0xffff;
	[tilespmem:s18+$0x14F00] =	vst v15  }
0x1b2: {  	v14 =	vadd.s32 $0x8000, v3;
	v15 =	vld.idx.msk [tilespmem:v16+s5+$0x0], $0xffff;
	[tilespmem:s25+$0x14F00] =	vst v17  }
0x1b3: {  	v16 =	vadd.s32 $0x8000, v4;
	v17 =	vld.idx.msk [tilespmem:v18+s5+$0x0], $0xffff;
	[tilespmem:s21+$0x14F00] =	vst v19  }
0x1b4: {  	v8 =	vadd.s32 $0x8000, v5;
	[tilespmem:s10+$0x16F80] =	vst v12;
	v9 =	vld.idx.msk [tilespmem:v9+s5+$0x0], $0xffff  }
0x1b5: {  	v10 =	vld.idx.msk [tilespmem:v10+s5+$0x0], $0xffff;
	v12 =	vadd.s32 $0x8000, v6;
	[tilespmem:s12+$0x16C00] =	vst v13  }
0x1b6: {  	v11 =	vld.idx.msk [tilespmem:v11+s5+$0x0], $0xffff;
	[tilespmem:s9+$0x14F80] =	vst v7;
	v7 =	vadd.s32 $0x8080, v1  }
0x1b7: {  	v14 =	vld.idx.msk [tilespmem:v14+s5+$0x0], $0xffff;
	[tilespmem:s18+$0x14F80] =	vst v15  }
0x1b8: {  	v15 =	vadd.s32 $0x8080, v3;
	v16 =	vld.idx.msk [tilespmem:v16+s5+$0x0], $0xffff;
	[tilespmem:s25+$0x14F80] =	vst v17  }
0x1b9: {  	v17 =	vadd.s32 $0x8080, v4;
	v8 =	vld.idx.msk [tilespmem:v8+s5+$0x0], $0xffff;
	[tilespmem:s21+$0x14F80] =	vst v9  }
0x1ba: {  	[tilespmem:s11+$0x16E80] =	vst v10;
	v9 =	vadd.s32 $0x8080, v5;
	v12 =	vld.idx.msk [tilespmem:v12+s5+$0x0], $0xffff  }
0x1bb: {  	v10 =	vadd.s32 $0x8080, v6;
	[tilespmem:s8+$0x16D80] =	vst v11;
	v7 =	vld.idx.msk [tilespmem:v7+s5+$0x0], $0xffff  }
0x1bc: {  	[tilespmem:s9+$0x16C00] =	vst v14;
	v14 =	vadd.s32 $0x8100, v1  }
0x1bd: {  	v13 =	vadd.s32 $0x8300, v2;
	v15 =	vld.idx.msk [tilespmem:v15+s5+$0x0], $0xffff;
	[tilespmem:s18+$0x16C00] =	vst v16  }
0x1be: {  	v16 =	vadd.s32 $0x8100, v3;
	v17 =	vld.idx.msk [tilespmem:v17+s5+$0x0], $0xffff;
	[tilespmem:s25+$0x16C00] =	vst v8  }
0x1bf: {  	v8 =	vadd.s32 $0x8100, v4;
	v9 =	vld.idx.msk [tilespmem:v9+s5+$0x0], $0xffff;
	[tilespmem:s21+$0x16C00] =	vst v12  }
0x1c0: {  	v11 =	vadd.s32 $0x8100, v5;
	[tilespmem:s12+$0x16C80] =	vst v7;
	v10 =	vld.idx.msk [tilespmem:v10+s5+$0x0], $0xffff  }
0x1c1: {  	v7 =	vadd.s32 $0x8100, v6;
	v14 =	vld.idx.msk [tilespmem:v14+s5+$0x0], $0xffff  }
0x1c2: {  	v12 =	vld.idx.msk [tilespmem:v13+s5+$0x0], $0xffff;
	v13 =	vadd.s32 $0x8200, v0;
	[tilespmem:s9+$0x16C80] =	vst v15  }
0x1c3: {  	v15 =	vadd.s32 $0x8180, v1;
	v16 =	vld.idx.msk [tilespmem:v16+s5+$0x0], $0xffff;
	[tilespmem:s18+$0x16C80] =	vst v17  }
0x1c4: {  	v17 =	vadd.s32 $0x8180, v3;
	v8 =	vld.idx.msk [tilespmem:v8+s5+$0x0], $0xffff;
	[tilespmem:s25+$0x16C80] =	vst v9  }
0x1c5: {  	v9 =	vadd.s32 $0x8180, v4;
	v11 =	vld.idx.msk [tilespmem:v11+s5+$0x0], $0xffff;
	[tilespmem:s21+$0x16C80] =	vst v10  }
0x1c6: {  	[tilespmem:s12+$0x16D00] =	vst v14;
	v10 =	vadd.s32 $0x8180, v5;
	v7 =	vld.idx.msk [tilespmem:v7+s5+$0x0], $0xffff  }
0x1c7: {  	[tilespmem:s11+$0x16F00] =	vst v12;
	v12 =	vld.idx.msk [tilespmem:v13+s5+$0x0], $0xffff;
	v13 =	vadd.s32 $0x8180, v6  }
0x1c8: {  	v2 =	vadd.s32 $0x8380, v2;
	v14 =	vld.idx.msk [tilespmem:v15+s5+$0x0], $0xffff;
	[tilespmem:s9+$0x16D00] =	vst v16  }
0x1c9: {  	v15 =	vadd.s32 $0x8200, v1;
	v16 =	vld.idx.msk [tilespmem:v17+s5+$0x0], $0xffff;
	[tilespmem:s18+$0x16D00] =	vst v8  }
0x1ca: {  	v8 =	vadd.s32 $0x8200, v3;
	v9 =	vld.idx.msk [tilespmem:v9+s5+$0x0], $0xffff;
	[tilespmem:s25+$0x16D00] =	vst v11  }
0x1cb: {  	v11 =	vadd.s32 $0x8200, v4;
	v10 =	vld.idx.msk [tilespmem:v10+s5+$0x0], $0xffff;
	[tilespmem:s21+$0x16D00] =	vst v7  }
0x1cc: {  	[tilespmem:s8+$0x16E00] =	vst v12;
	v7 =	vadd.s32 $0x8200, v5;
	v12 =	vld.idx.msk [tilespmem:v13+s5+$0x0], $0xffff  }
0x1cd: {  	v2 =	vld.idx.msk [tilespmem:v2+s5+$0x0], $0xffff;
	[tilespmem:s12+$0x16D80] =	vst v14;
	v13 =	vadd.s32 $0x8200, v6  }
0x1ce: {  	v14 =	vadd.s32 $0x8280, v0;
	v15 =	vld.idx.msk [tilespmem:v15+s5+$0x0], $0xffff;
	[tilespmem:s9+$0x16D80] =	vst v16  }
0x1cf: {  	v16 =	vadd.s32 $0x8280, v1;
	v8 =	vld.idx.msk [tilespmem:v8+s5+$0x0], $0xffff;
	[tilespmem:s18+$0x16D80] =	vst v9  }
0x1d0: {  	v9 =	vadd.s32 $0x8280, v3;
	v11 =	vld.idx.msk [tilespmem:v11+s5+$0x0], $0xffff;
	[tilespmem:s25+$0x16D80] =	vst v10  }
0x1d1: {  	v10 =	vadd.s32 $0x8280, v4;
	v7 =	vld.idx.msk [tilespmem:v7+s5+$0x0], $0xffff;
	[tilespmem:s21+$0x16D80] =	vst v12  }
0x1d2: {  	[tilespmem:s11+$0x16F80] =	vst v2;
	v2 =	vadd.s32 $0x8280, v5;
	v12 =	vld.idx.msk [tilespmem:v13+s5+$0x0], $0xffff  }
0x1d3: {  	[tilespmem:s12+$0x16E00] =	vst v15;
	v13 =	vld.idx.msk [tilespmem:v14+s5+$0x0], $0xffff;
	v14 =	vadd.s32 $0x8280, v6  }
0x1d4: {  	v15 =	vadd.s32 $0x8300, v0;
	v16 =	vld.idx.msk [tilespmem:v16+s5+$0x0], $0xffff;
	[tilespmem:s9+$0x16E00] =	vst v8  }
0x1d5: {  	v8 =	vadd.s32 $0x8300, v1;
	v9 =	vld.idx.msk [tilespmem:v9+s5+$0x0], $0xffff;
	[tilespmem:s18+$0x16E00] =	vst v11  }
0x1d6: {  	v11 =	vadd.s32 $0x8300, v3;
	v10 =	vld.idx.msk [tilespmem:v10+s5+$0x0], $0xffff;
	[tilespmem:s25+$0x16E00] =	vst v7  }
0x1d7: {  	v7 =	vadd.s32 $0x8300, v4;
	v2 =	vld.idx.msk [tilespmem:v2+s5+$0x0], $0xffff;
	[tilespmem:s21+$0x16E00] =	vst v12  }
0x1d8: {  	[tilespmem:s8+$0x16E80] =	vst v13;
	v12 =	vadd.s32 $0x8300, v5;
	v13 =	vld.idx.msk [tilespmem:v14+s5+$0x0], $0xffff  }
0x1d9: {  	[tilespmem:s12+$0x16E80] =	vst v16;
	v14 =	vld.idx.msk [tilespmem:v15+s5+$0x0], $0xffff;
	v15 =	vadd.s32 $0x8300, v6  }
0x1da: {  	v0 =	vadd.s32 $0x8380, v0;
	v8 =	vld.idx.msk [tilespmem:v8+s5+$0x0], $0xffff;
	[tilespmem:s9+$0x16E80] =	vst v9  }
0x1db: {  	v1 =	vadd.s32 $0x8380, v1;
	v9 =	vld.idx.msk [tilespmem:v11+s5+$0x0], $0xffff;
	[tilespmem:s18+$0x16E80] =	vst v10  }
0x1dc: {  	v3 =	vadd.s32 $0x8380, v3;
	v7 =	vld.idx.msk [tilespmem:v7+s5+$0x0], $0xffff;
	[tilespmem:s25+$0x16E80] =	vst v2  }
0x1dd: {  	v2 =	vadd.s32 $0x8380, v4;
	v4 =	vld.idx.msk [tilespmem:v12+s5+$0x0], $0xffff;
	[tilespmem:s21+$0x16E80] =	vst v13  }
0x1de: {  	v5 =	vadd.s32 $0x8380, v5;
	[tilespmem:s8+$0x16F00] =	vst v14;
	v10 =	vld.idx.msk [tilespmem:v15+s5+$0x0], $0xffff  }
0x1df: {  	v6 =	vadd.s32 $0x8380, v6;
	[tilespmem:s12+$0x16F00] =	vst v8;
	v0 =	vld.idx.msk [tilespmem:v0+s5+$0x0], $0xffff  }
0x1e0: {  	v1 =	vld.idx.msk [tilespmem:v1+s5+$0x0], $0xffff;
	[tilespmem:s9+$0x16F00] =	vst v9  }
0x1e1: {  	v3 =	vld.idx.msk [tilespmem:v3+s5+$0x0], $0xffff;
	[tilespmem:s18+$0x16F00] =	vst v7  }
0x1e2: {  	v2 =	vld.idx.msk [tilespmem:v2+s5+$0x0], $0xffff;
	[tilespmem:s25+$0x16F00] =	vst v4  }
0x1e3: {  	v4 =	vld.idx.msk [tilespmem:v5+s5+$0x0], $0xffff;
	[tilespmem:s21+$0x16F00] =	vst v10  }
0x1e4: {  	[tilespmem:s8+$0x16F80] =	vst v0;
	v0 =	vld.idx.msk [tilespmem:v6+s5+$0x0], $0xffff  }
0x1e5: {  	[tilespmem:s12+$0x16F80] =	vst v1  }
0x1e6: {  	[tilespmem:s9+$0x16F80] =	vst v3  }
0x1e7: {  	[tilespmem:s18+$0x16F80] =	vst v2  }
0x1e8: {  	s29 =	sadd.s32 s17, s16;
	[tilespmem:s25+$0x16F80] =	vst v4  }
0x1e9: {  	s31 =	simm.s32 $0x14C00;
	s3 =	sadd.s32 s15, s29;
	[tilespmem:s21+$0x16F80] =	vst v0  }
0x1ea: {  	[hbm4b:s3+s13] =	stream.strided.scatter [tilespmem:s31], [sflag:$0x5], $0x400, s19, s13, $0x38;
	[tilespmem:$0x1CC00] =	vst v63  }
0x1eb: {  	s6 =	sadd.s32 $0x80, s3;
	s8 =	simm.s32 $0x15000  }
0x1ec: {  	[hbm4b:s6+s13] =	stream.strided.scatter [tilespmem:s8], [sflag:$0x5], $0x400, s19, s13, $0x38;
	[tilespmem:$0x1CC00] =	vst v63  }
0x1ed: {  	s10 =	simm.s32 $0x15400;
	s9 =	sadd.s32 $0x100, s3  }
0x1ee: {  	[hbm4b:s9+s13] =	stream.strided.scatter [tilespmem:s10], [sflag:$0x5], $0x400, s19, s13, $0x38;
	[tilespmem:$0x1CC00] =	vst v63  }
0x1ef: {  	s11 =	sadd.s32 $0x180, s3;
	s12 =	simm.s32 $0x15800  }
0x1f0: {  	[hbm4b:s11+s13] =	stream.strided.scatter [tilespmem:s12], [sflag:$0x5], $0x400, s19, s13, $0x38;
	[tilespmem:$0x1CC00] =	vst v63  }
0x1f1: {  	s15 =	simm.s32 $0x15C00;
	s14 =	sadd.s32 $0x200, s3  }
0x1f2: {  	[hbm4b:s14+s13] =	stream.strided.scatter [tilespmem:s15], [sflag:$0x5], $0x400, s19, s13, $0x38;
	[tilespmem:$0x1CC00] =	vst v63  }
0x1f3: {  	s16 =	sadd.s32 $0x280, s3;
	s18 =	simm.s32 $0x16000  }
0x1f4: {  	[hbm4b:s16+s13] =	stream.strided.scatter [tilespmem:s18], [sflag:$0x5], $0x400, s19, s13, $0x38;
	[tilespmem:$0x1CC00] =	vst v63  }
0x1f5: {  	s20 =	sadd.s32 $0x300, s3;
	s21 =	simm.s32 $0x16400  }
0x1f6: {  	[hbm4b:s20+s13] =	stream.strided.scatter [tilespmem:s21], [sflag:$0x5], $0x400, s19, s13, $0x38;
	[tilespmem:$0x1CC00] =	vst v63  }
0x1f7: {  	s23 =	simm.s32 $0x16800;
	s22 =	sadd.s32 $0x380, s3  }
0x1f8: {  	[hbm4b:s22+s13] =	stream.strided.scatter [tilespmem:s23], [sflag:$0x5], $0x400, s19, s13, $0x38;
	[tilespmem:$0x1CC00] =	vst v63  }
0x1f9: {  	s24 =	simm.s32 $0x16C00;
	s3 =	sadd.s32 $0x100000, s3  }
0x1fa: {  	[hbm4b:s3+s13] =	stream.strided.scatter [tilespmem:s24], [sflag:$0x5], $0x400, s19, s13, $0x38;
	[tilespmem:$0x1CC00] =	vst v63  }
0x1fb: {  	s26 =	simm.s32 $0x17000;
	s25 =	sadd.s32 $0x80, s3  }
0x1fc: {  	[hbm4b:s25+s13] =	stream.strided.scatter [tilespmem:s26], [sflag:$0x5], $0x400, s19, s13, $0x38;
	[tilespmem:$0x1CC00] =	vst v63  }
0x1fd: {  	s31 =	simm.s32 $0x17400;
	s29 =	sadd.s32 $0x100, s3  }
0x1fe: {  	[hbm4b:s29+s13] =	stream.strided.scatter [tilespmem:s31], [sflag:$0x5], $0x400, s19, s13, $0x38;
	[tilespmem:$0x1CC00] =	vst v63  }
0x1ff: {  	s6 =	sadd.s32 $0x180, s3;
	s8 =	simm.s32 $0x17800  }
0x200: {  	[hbm4b:s6+s13] =	stream.strided.scatter [tilespmem:s8], [sflag:$0x5], $0x400, s19, s13, $0x38;
	[tilespmem:$0x1CC00] =	vst v63  }
0x201: {  	s9 =	sadd.s32 $0x200, s3;
	s10 =	simm.s32 $0x17C00  }
0x202: {  	[hbm4b:s9+s13] =	stream.strided.scatter [tilespmem:s10], [sflag:$0x5], $0x400, s19, s13, $0x38;
	[tilespmem:$0x1CC00] =	vst v63  }
0x203: {  	s1 =	sadd.s32 $0x4, s1;
	s11 =	sadd.s32 $0x280, s3;
	s12 =	simm.s32 $0x18000  }
0x204: {  	[hbm4b:s11+s13] =	stream.strided.scatter [tilespmem:s12], [sflag:$0x5], $0x400, s19, s13, $0x38;
	[tilespmem:$0x1CC00] =	vst v63  }
0x205: {  	s14 =	sadd.s32 $0x300, s3;
	s15 =	simm.s32 $0x18400;
	s16 =	simm.s32 $0x18800  }
0x206: {  	[hbm4b:s14+s13] =	stream.strided.scatter [tilespmem:s15], [sflag:$0x5], $0x400, s19, s13, $0x38;
	[tilespmem:$0x1CC00] =	vst v63  }
0x207: {  	s18 =	sshll.u32 s1, $0x4;
	s20 =	simm.s32 $0x3;
	s3 =	sadd.s32 $0x380, s3  }
0x208: {  	[hbm4b:s3+s13] =	stream.strided.scatter [tilespmem:s16], [sflag:$0x5], $0x400, s19, s13, $0x38;
	[tilespmem:$0x1CC00] =	vst v63  }
0x209: {  	s1 =	sshll.u32 s1, $0x7;
	s3 =	sand.u32 $0x70, s18;
	_ =	swait.ge [sflag:s20], $0x400  }
0x20a: {  	s1 =	sand.u32 $0xFFFFC00, s1;
	s3 =	sadd.s32 s28, s3;
	[sflag:s20] =	ssyncset.done $0x0  }
0x20b: {  	s21 =	simm.s32 $0x10400;
	s1 =	sadd.s32 s1, s3;
	[sflag:s20] =	ssyncadd.s32 $0xFFFFFC00  }
0x20c: {  	[tilespmem:s21], [sflag:$0x2] =	stream.strided.gather [hbm4b:s1+s13], $0x400, s30, s13, $0x38;
	[tilespmem:$0x1CC00] =	vst v63  }
0x20d: {  	s1 =	simm.s32 @!p0 $0x6  }
0x20e: {  	_ =	swait.ge @!p0 [sflag:s1], $0x4000  }
0x20f: {  	s22 =	simm.s32 $0x0;
	[sflag:s1] =	ssyncset.done @!p0 $0x0  }
0x210: {  	s23 =	sand.u32 $0x3F0, s22;
	[sflag:s1] =	ssyncadd.s32 @!p0 $0xFFFFC000  }
0x211: {  	v0 =	vld [tilespmem:s23+$0x10800];
	_ =	sdelay $0x4  }
0x212: {  	v1 =	vshll.u32 v0, $0x3  }
0x213: {  	v0 =	vand.u32 $0x7F, v0;
	v1 =	vand.u32 $0xFFFFFC00, v1  }
0x214: {  	v6 =	vor.u32 v0, v1;
	_ =	sdelay $0x4  }
0x215: {  	v0 =	vld.idx.msk [tilespmem:v6+s5+$0x0], $0xffff  }
0x216: {  	s24 =	simm.s32 $0x10;
	v1 =	vor.u32 $0x80, v6  }
0x217: {  	s25 =	sand.u32 $0x3F0, s24  }
0x218: {  	s26 =	sand.u32 $0x70, s22;
	s3 =	sand.u32 $0x1C00, s22;
	v2 =	vld [tilespmem:s25+$0x10800]  }
0x219: {  	s11 =	sor.u32 s26, s3  }
0x21a: {  	[tilespmem:s11+$0x18C00] =	vst v0  }
0x21b: {  	v0 =	vld.idx.msk [tilespmem:v1+s5+$0x0], $0xffff  }
0x21c: {  	v1 =	vor.u32 $0x100, v6  }
0x21d: {  	v3 =	vshll.u32 v2, $0x3  }
0x21e: {  	v2 =	vand.u32 $0x7F, v2;
	v3 =	vand.u32 $0xFFFFFC00, v3  }
0x21f: {  	v3 =	vor.u32 v2, v3  }
0x220: {  	[tilespmem:s11+$0x18C80] =	vst v0  }
0x221: {  	v0 =	vld.idx.msk [tilespmem:v1+s5+$0x0], $0xffff  }
0x222: {  	v1 =	vor.u32 $0x180, v6;
	_ =	sdelay $0x1  }
0x223: {  	s29 =	simm.s32 $0x20;
	v2 =	vld.idx.msk [tilespmem:v3+s5+$0x0], $0xffff  }
0x224: {  	s31 =	sand.u32 $0x3F0, s29;
	v4 =	vor.u32 $0x80, v3  }
0x225: {  	s6 =	simm.s32 $0x80;
	v5 =	vld [tilespmem:s31+$0x10800];
	[tilespmem:s11+$0x18D00] =	vst v0  }
0x226: {  	s4 =	sand.u32 $0x1C00, s6;
	s1 =	sand.u32 $0x70, s24;
	v0 =	vld.idx.msk [tilespmem:v1+s5+$0x0], $0xffff  }
0x227: {  	s9 =	sor.u32 s1, s4;
	v1 =	vor.u32 $0x200, v6  }
0x228: {  	[tilespmem:s9+$0x18C00] =	vst v2  }
0x229: {  	v2 =	vld.idx.msk [tilespmem:v4+s5+$0x0], $0xffff  }
0x22a: {  	v7 =	vshll.u32 v5, $0x3;
	v4 =	vor.u32 $0x100, v3  }
0x22b: {  	[tilespmem:s11+$0x18D80] =	vst v0;
	v0 =	vand.u32 $0x7F, v5;
	v5 =	vand.u32 $0xFFFFFC00, v7  }
0x22c: {  	v1 =	vld.idx.msk [tilespmem:v1+s5+$0x0], $0xffff;
	v0 =	vor.u32 v0, v5  }
0x22d: {  	v5 =	vor.u32 $0x280, v6  }
0x22e: {  	[tilespmem:s9+$0x18C80] =	vst v2  }
0x22f: {  	v2 =	vld.idx.msk [tilespmem:v4+s5+$0x0], $0xffff  }
0x230: {  	v4 =	vor.u32 $0x180, v3  }
0x231: {  	v7 =	vld.idx.msk [tilespmem:v0+s5+$0x0], $0xffff;
	[tilespmem:s11+$0x18E00] =	vst v1  }
0x232: {  	s8 =	simm.s32 $0x30;
	v1 =	vld.idx.msk [tilespmem:v5+s5+$0x0], $0xffff;
	v5 =	vor.u32 $0x80, v0  }
0x233: {  	s10 =	sand.u32 $0x3F0, s8;
	s12 =	simm.s32 $0x100;
	v8 =	vor.u32 $0x300, v6  }
0x234: {  	s14 =	sand.u32 $0x70, s29;
	s15 =	sand.u32 $0x1C00, s12;
	v9 =	vld [tilespmem:s10+$0x10800];
	[tilespmem:s9+$0x18D00] =	vst v2  }
0x235: {  	s1 =	sor.u32 s14, s15;
	v2 =	vld.idx.msk [tilespmem:v4+s5+$0x0], $0xffff  }
0x236: {  	v4 =	vor.u32 $0x200, v3;
	[tilespmem:s1+$0x18C00] =	vst v7  }
0x237: {  	v5 =	vld.idx.msk [tilespmem:v5+s5+$0x0], $0xffff;
	[tilespmem:s11+$0x18E80] =	vst v1  }
0x238: {  	v7 =	vld.idx.msk [tilespmem:v8+s5+$0x0], $0xffff;
	v8 =	vor.u32 $0x100, v0  }
0x239: {  	v10 =	vor.u32 $0x380, v6;
	v1 =	vshll.u32 v9, $0x3  }
0x23a: {  	[tilespmem:s9+$0x18D80] =	vst v2;
	v2 =	vand.u32 $0x7F, v9;
	v1 =	vand.u32 $0xFFFFFC00, v1  }
0x23b: {  	v4 =	vld.idx.msk [tilespmem:v4+s5+$0x0], $0xffff;
	v1 =	vor.u32 v2, v1  }
0x23c: {  	v2 =	vor.u32 $0x280, v3;
	[tilespmem:s1+$0x18C80] =	vst v5  }
0x23d: {  	v5 =	vld.idx.msk [tilespmem:v8+s5+$0x0], $0xffff;
	[tilespmem:s11+$0x18F00] =	vst v7  }
0x23e: {  	v8 =	vor.u32 $0x180, v0;
	v7 =	vld.idx.msk [tilespmem:v10+s5+$0x0], $0xffff  }
0x23f: {  	v9 =	vadd.s32 $0x8000, v6  }
0x240: {  	s16 =	simm.s32 $0x40;
	[tilespmem:s9+$0x18E00] =	vst v4;
	v10 =	vld.idx.msk [tilespmem:v1+s5+$0x0], $0xffff  }
0x241: {  	s18 =	sand.u32 $0x3F0, s16;
	v4 =	vor.u32 $0x80, v1;
	v2 =	vld.idx.msk [tilespmem:v2+s5+$0x0], $0xffff  }
0x242: {  	s20 =	simm.s32 $0x180;
	v11 =	vld [tilespmem:s18+$0x10800];
	[tilespmem:s1+$0x18D00] =	vst v5;
	v5 =	vor.u32 $0x300, v3  }
0x243: {  	s6 =	sand.u32 $0x1C00, s20;
	s4 =	sand.u32 $0x70, s8;
	v8 =	vld.idx.msk [tilespmem:v8+s5+$0x0], $0xffff;
	[tilespmem:s11+$0x18F80] =	vst v7  }
0x244: {  	s8 =	sor.u32 s4, s6;
	v7 =	vld.idx.msk [tilespmem:v9+s5+$0x0], $0xffff;
	v9 =	vor.u32 $0x200, v0  }
0x245: {  	[tilespmem:s8+$0x18C00] =	vst v10;
	v10 =	vadd.s32 $0x8080, v6  }
0x246: {  	[tilespmem:s9+$0x18E80] =	vst v2;
	v4 =	vld.idx.msk [tilespmem:v4+s5+$0x0], $0xffff  }
0x247: {  	v12 =	vor.u32 $0x100, v1;
	v2 =	vshll.u32 v11, $0x3;
	v5 =	vld.idx.msk [tilespmem:v5+s5+$0x0], $0xffff  }
0x248: {  	v11 =	vand.u32 $0x7F, v11;
	v2 =	vand.u32 $0xFFFFFC00, v2;
	[tilespmem:s1+$0x18D80] =	vst v8;
	v8 =	vor.u32 $0x380, v3  }
0x249: {  	v2 =	vor.u32 v11, v2;
	v9 =	vld.idx.msk [tilespmem:v9+s5+$0x0], $0xffff;
	[tilespmem:s11+$0x1AC00] =	vst v7  }
0x24a: {  	v7 =	vld.idx.msk [tilespmem:v10+s5+$0x0], $0xffff;
	v10 =	vor.u32 $0x280, v0  }
0x24b: {  	[tilespmem:s8+$0x18C80] =	vst v4;
	v4 =	vadd.s32 $0x8100, v6  }
0x24c: {  	v11 =	vld.idx.msk [tilespmem:v12+s5+$0x0], $0xffff;
	[tilespmem:s9+$0x18F00] =	vst v5  }
0x24d: {  	v5 =	vld.idx.msk [tilespmem:v8+s5+$0x0], $0xffff;
	v8 =	vor.u32 $0x180, v1  }
0x24e: {  	v12 =	vld.idx.msk [tilespmem:v2+s5+$0x0], $0xffff;
	[tilespmem:s1+$0x18E00] =	vst v9;
	v9 =	vadd.s32 $0x8000, v3  }
0x24f: {  	s21 =	simm.s32 $0x50;
	v10 =	vld.idx.msk [tilespmem:v10+s5+$0x0], $0xffff;
	[tilespmem:s11+$0x1AC80] =	vst v7;
	v7 =	vor.u32 $0x80, v2  }
0x250: {  	s22 =	sand.u32 $0x3F0, s21;
	s23 =	simm.s32 $0x200;
	v13 =	vor.u32 $0x300, v0;
	v4 =	vld.idx.msk [tilespmem:v4+s5+$0x0], $0xffff  }
0x251: {  	s3 =	sand.u32 $0x70, s16;
	v14 =	vld [tilespmem:s22+$0x10800];
	s24 =	sand.u32 $0x1C00, s23;
	[tilespmem:s8+$0x18D00] =	vst v11;
	v11 =	vadd.s32 $0x8180, v6  }
0x252: {  	s10 =	sor.u32 s3, s24;
	v8 =	vld.idx.msk [tilespmem:v8+s5+$0x0], $0xffff;
	[tilespmem:s9+$0x18F80] =	vst v5  }
0x253: {  	[tilespmem:s10+$0x18C00] =	vst v12;
	v5 =	vld.idx.msk [tilespmem:v9+s5+$0x0], $0xffff;
	v9 =	vor.u32 $0x200, v1  }
0x254: {  	v7 =	vld.idx.msk [tilespmem:v7+s5+$0x0], $0xffff;
	[tilespmem:s1+$0x18E80] =	vst v10;
	v10 =	vadd.s32 $0x8080, v3  }
0x255: {  	s25 =	simm.s32 $0x60;
	v12 =	vld.idx.msk [tilespmem:v13+s5+$0x0], $0xffff;
	[tilespmem:s11+$0x1AD00] =	vst v4;
	v13 =	vor.u32 $0x100, v2  }
0x256: {  	s26 =	sand.u32 $0x3F0, s25;
	v15 =	vor.u32 $0x380, v0;
	v4 =	vshll.u32 v14, $0x3;
	v11 =	vld.idx.msk [tilespmem:v11+s5+$0x0], $0xffff  }
0x257: {  	v16 =	vld [tilespmem:s26+$0x10800];
	v4 =	vand.u32 $0xFFFFFC00, v4;
	[tilespmem:s8+$0x18D80] =	vst v8;
	v8 =	vand.u32 $0x7F, v14;
	v14 =	vadd.s32 $0x8200, v6  }
0x258: {  	v9 =	vld.idx.msk [tilespmem:v9+s5+$0x0], $0xffff;
	[tilespmem:s9+$0x1AC00] =	vst v5;
	v4 =	vor.u32 v8, v4  }
0x259: {  	v5 =	vld.idx.msk [tilespmem:v10+s5+$0x0], $0xffff;
	[tilespmem:s10+$0x18C80] =	vst v7;
	v7 =	vor.u32 $0x280, v1  }
0x25a: {  	v10 =	vadd.s32 $0x8100, v3;
	v8 =	vld.idx.msk [tilespmem:v13+s5+$0x0], $0xffff;
	[tilespmem:s1+$0x18F00] =	vst v12  }
0x25b: {  	v12 =	vld.idx.msk [tilespmem:v15+s5+$0x0], $0xffff;
	[tilespmem:s11+$0x1AD80] =	vst v11;
	v11 =	vor.u32 $0x180, v2  }
0x25c: {  	v13 =	vld.idx.msk [tilespmem:v14+s5+$0x0], $0xffff;
	v14 =	vadd.s32 $0x8000, v0  }
0x25d: {  	v15 =	vld.idx.msk [tilespmem:v4+s5+$0x0], $0xffff;
	[tilespmem:s8+$0x18E00] =	vst v9;
	v9 =	vadd.s32 $0x8280, v6  }
0x25e: {  	v7 =	vld.idx.msk [tilespmem:v7+s5+$0x0], $0xffff;
	[tilespmem:s9+$0x1AC80] =	vst v5;
	v5 =	vor.u32 $0x80, v4  }
0x25f: {  	s29 =	simm.s32 $0x280;
	v10 =	vld.idx.msk [tilespmem:v10+s5+$0x0], $0xffff;
	[tilespmem:s10+$0x18D00] =	vst v8;
	v8 =	vor.u32 $0x300, v1  }
0x260: {  	s4 =	sand.u32 $0x70, s21;
	s6 =	sand.u32 $0x1C00, s29;
	v17 =	vld.idx.msk [tilespmem:v11+s5+$0x0], $0xffff;
	[tilespmem:s1+$0x18F80] =	vst v12;
	v11 =	vadd.s32 $0x8180, v3  }
0x261: {  	s12 =	sor.u32 s4, s6;
	v12 =	vld.idx.msk [tilespmem:v14+s5+$0x0], $0xffff;
	[tilespmem:s11+$0x1AE00] =	vst v13  }
0x262: {  	v13 =	vor.u32 $0x200, v2;
	[tilespmem:s12+$0x18C00] =	vst v15;
	v9 =	vld.idx.msk [tilespmem:v9+s5+$0x0], $0xffff  }
0x263: {  	v14 =	vld.idx.msk [tilespmem:v5+s5+$0x0], $0xffff;
	[tilespmem:s8+$0x18E80] =	vst v7;
	v7 =	vadd.s32 $0x8080, v0  }
0x264: {  	s16 =	simm.s32 $0x70;
	v8 =	vld.idx.msk [tilespmem:v8+s5+$0x0], $0xffff;
	[tilespmem:s9+$0x1AD00] =	vst v10;
	v10 =	vadd.s32 $0x8300, v6  }
0x265: {  	s31 =	sand.u32 $0x3F0, s16;
	v15 =	vor.u32 $0x100, v4;
	v18 =	vld.idx.msk [tilespmem:v11+s5+$0x0], $0xffff  }
0x266: {  	v11 =	vld [tilespmem:s31+$0x10800];
	[tilespmem:s10+$0x18D80] =	vst v17;
	v17 =	vor.u32 $0x380, v1  }
0x267: {  	v5 =	vshll.u32 v16, $0x3;
	v13 =	vld.idx.msk [tilespmem:v13+s5+$0x0], $0xffff;
	[tilespmem:s1+$0x1AC00] =	vst v12;
	v12 =	vadd.s32 $0x8200, v3  }
0x268: {  	v16 =	vand.u32 $0x7F, v16;
	v5 =	vand.u32 $0xFFFFFC00, v5;
	[tilespmem:s11+$0x1AE80] =	vst v9;
	v9 =	vor.u32 $0x280, v2;
	v7 =	vld.idx.msk [tilespmem:v7+s5+$0x0], $0xffff  }
0x269: {  	v5 =	vor.u32 v16, v5;
	[tilespmem:s12+$0x18C80] =	vst v14;
	v10 =	vld.idx.msk [tilespmem:v10+s5+$0x0], $0xffff  }
0x26a: {  	v15 =	vld.idx.msk [tilespmem:v15+s5+$0x0], $0xffff;
	[tilespmem:s8+$0x18F00] =	vst v8;
	v8 =	vadd.s32 $0x8100, v0  }
0x26b: {  	v6 =	vadd.s32 $0x8380, v6;
	v19 =	vld.idx.msk [tilespmem:v17+s5+$0x0], $0xffff;
	[tilespmem:s9+$0x1AD80] =	vst v18  }
0x26c: {  	v16 =	vor.u32 $0x180, v4;
	v12 =	vld.idx.msk [tilespmem:v12+s5+$0x0], $0xffff;
	[tilespmem:s10+$0x18E00] =	vst v13  }
0x26d: {  	v14 =	vld.idx.msk [tilespmem:v9+s5+$0x0], $0xffff;
	v9 =	vadd.s32 $0x8000, v1  }
0x26e: {  	v17 =	vld.idx.msk [tilespmem:v5+s5+$0x0], $0xffff;
	v13 =	vadd.s32 $0x8280, v3;
	[tilespmem:s1+$0x1AC80] =	vst v7  }
0x26f: {  	v18 =	vor.u32 $0x80, v5;
	v7 =	vld.idx.msk [tilespmem:v8+s5+$0x0], $0xffff;
	[tilespmem:s11+$0x1AF00] =	vst v10  }
0x270: {  	s15 =	simm.s32 $0x300;
	[tilespmem:s12+$0x18D00] =	vst v15;
	v15 =	vor.u32 $0x300, v2;
	v10 =	vld.idx.msk [tilespmem:v6+s5+$0x0], $0xffff  }
0x271: {  	s18 =	sand.u32 $0x1C00, s15;
	s6 =	simm.s32 $0x80;
	s3 =	sand.u32 $0x70, s25;
	v8 =	vadd.s32 $0x8180, v0;
	v16 =	vld.idx.msk [tilespmem:v16+s5+$0x0], $0xffff;
	[tilespmem:s8+$0x18F80] =	vst v19  }
.LBB2_7:
0x272: {  	p0 =	sne.s32 s6, $0x3F0;
	s4 =	sor.u32 s3, s18;
	v6 =	vld.idx.msk [tilespmem:v9+s5+$0x0], $0xffff;
	[tilespmem:s9+$0x1AE00] =	vst v12;
	s3 =	smov.u32 s16  }
0x273: {  	v9 =	vor.u32 $0x200, v4;
	s16 =	smov.u32 s6;
	[tilespmem:s4+$0x18C00] =	vst v17;
	v12 =	vld.idx.msk [tilespmem:v13+s5+$0x0], $0xffff  }
0x274: {  	v13 =	vld.idx.msk [tilespmem:v18+s5+$0x0], $0xffff;
	[tilespmem:s10+$0x18E80] =	vst v14;
	v14 =	vadd.s32 $0x8080, v1  }
0x275: {  	v15 =	vld.idx.msk [tilespmem:v15+s5+$0x0], $0xffff;
	[tilespmem:s1+$0x1AD00] =	vst v7;
	v7 =	vadd.s32 $0x8300, v3  }
0x276: {  	s18 =	sand.u32 $0x3F0, s6;
	v17 =	vor.u32 $0x100, v5;
	v8 =	vld.idx.msk [tilespmem:v8+s5+$0x0], $0xffff;
	[tilespmem:s11+$0x1AF80] =	vst v10;
	s11 =	smov.u32 s9;
	s9 =	smov.u32 s1  }
0x277: {  	v18 =	vshll.u32 v11, $0x3;
	s1 =	smov.u32 s8;
	s8 =	smov.u32 s10;
	s10 =	smov.u32 s12;
	v10 =	vld [tilespmem:s18+$0x10800];
	[tilespmem:s12+$0x18D80] =	vst v16;
	v16 =	vor.u32 $0x380, v2  }
0x278: {  	v11 =	vand.u32 $0x7F, v11;
	v18 =	vand.u32 $0xFFFFFC00, v18;
	s12 =	smov.u32 s4;
	v9 =	vld.idx.msk [tilespmem:v9+s5+$0x0], $0xffff;
	[tilespmem:s1+$0x1AC00] =	vst v6;
	v6 =	vadd.s32 $0x8200, v0  }
0x279: {  	v18 =	vor.u32 v11, v18;
	v19 =	vld.idx.msk [tilespmem:v14+s5+$0x0], $0xffff;
	[tilespmem:s11+$0x1AE80] =	vst v12  }
0x27a: {  	[tilespmem:s12+$0x18C80] =	vst v13;
	v13 =	vor.u32 $0x280, v4;
	v20 =	vld.idx.msk [tilespmem:v7+s5+$0x0], $0xffff  }
0x27b: {  	v7 =	vadd.s32 $0x8100, v1;
	v21 =	vld.idx.msk [tilespmem:v17+s5+$0x0], $0xffff;
	[tilespmem:s8+$0x18F00] =	vst v15  }
0x27c: {  	v22 =	vld.idx.msk [tilespmem:v16+s5+$0x0], $0xffff;
	[tilespmem:s9+$0x1AD80] =	vst v8;
	v8 =	vadd.s32 $0x8380, v3;
	v11 =	vmovc v10;
	v3 =	vmovc v0;
	v0 =	vmov v1;
	v1 =	vmov v2  }
0x27d: {  	v16 =	vor.u32 $0x180, v5;
	v2 =	vmovc v4;
	v4 =	vmov v5;
	v5 =	vmov v18;
	v12 =	vld.idx.msk [tilespmem:v6+s5+$0x0], $0xffff  }
.Ltmp2:
0x27e: {  	v17 =	vld.idx.msk [tilespmem:v18+s5+$0x0], $0xffff;
	[tilespmem:s10+$0x18E00] =	vst v9;
	v9 =	vadd.s32 $0x8000, v1;
	(pc) =	sbr.rel @p0 .LBB2_7-.Ltmp2, $4  }
0x27f: {  	v14 =	vld.idx.msk [tilespmem:v13+s5+$0x0], $0xffff;
	[tilespmem:s1+$0x1AC80] =	vst v19;
	v13 =	vadd.s32 $0x8280, v3  }
0x280: {  	v18 =	vor.u32 $0x80, v5;
	v7 =	vld.idx.msk [tilespmem:v7+s5+$0x0], $0xffff;
	[tilespmem:s11+$0x1AF00] =	vst v20  }
0x281: {  	s15 =	sadd.s32 $0x80, s15;
	v15 =	vor.u32 $0x300, v2;
	[tilespmem:s12+$0x18D00] =	vst v21;
	v10 =	vld.idx.msk [tilespmem:v8+s5+$0x0], $0xffff  }
0x282: {  	s6 =	sadd.s32 $0x10, s6;
	s3 =	sand.u32 $0x70, s3;
	s18 =	sand.u32 $0x1C00, s15;
	v8 =	vadd.s32 $0x8180, v0;
	v16 =	vld.idx.msk [tilespmem:v16+s5+$0x0], $0xffff;
	[tilespmem:s8+$0x18F80] =	vst v22  }
0x283: {  	v6 =	vshll.u32 v11, $0x3  }
0x284: {  	v31 =	vand.u32 $0x7F, v11;
	v6 =	vand.u32 $0xFFFFFC00, v6  }
0x285: {  	v6 =	vor.u32 v31, v6;
	_ =	sdelay $0x4  }
0x286: {  	v11 =	vld.idx.msk [tilespmem:v6+s5+$0x0], $0xffff  }
0x287: {  	v19 =	vor.u32 $0x80, v6  }
0x288: {  	s4 =	sadd.s32 $0x80, s15  }
0x289: {  	s14 =	sor.u32 s3, s18;
	s16 =	sand.u32 $0x70, s16;
	s4 =	sand.u32 $0x1C00, s4  }
0x28a: {  	[tilespmem:s14+$0x18C00] =	vst v17;
	s16 =	sor.u32 s16, s4  }
0x28b: {  	v17 =	vld.idx.msk [tilespmem:v18+s5+$0x0], $0xffff;
	[tilespmem:s16+$0x18C00] =	vst v11  }
0x28c: {  	v32 =	vor.u32 $0x100, v5;
	v33 =	vld.idx.msk [tilespmem:v19+s5+$0x0], $0xffff  }
0x28d: {  	v34 =	vor.u32 $0x100, v6;
	_ =	sdelay $0x2  }
0x28e: {  	[tilespmem:s14+$0x18C80] =	vst v17  }
0x28f: {  	v11 =	vld.idx.msk [tilespmem:v32+s5+$0x0], $0xffff;
	[tilespmem:s16+$0x18C80] =	vst v33  }
0x290: {  	v35 =	vor.u32 $0x180, v5;
	v18 =	vld.idx.msk [tilespmem:v34+s5+$0x0], $0xffff  }
0x291: {  	v36 =	vor.u32 $0x180, v6;
	_ =	sdelay $0x2  }
0x292: {  	[tilespmem:s14+$0x18D00] =	vst v11  }
0x293: {  	v37 =	vor.u32 $0x200, v4;
	v17 =	vld.idx.msk [tilespmem:v35+s5+$0x0], $0xffff;
	[tilespmem:s16+$0x18D00] =	vst v18  }
0x294: {  	v38 =	vor.u32 $0x200, v5;
	v19 =	vld.idx.msk [tilespmem:v36+s5+$0x0], $0xffff  }
0x295: {  	v20 =	vor.u32 $0x200, v6;
	_ =	sdelay $0x1  }
0x296: {  	[tilespmem:s12+$0x18D80] =	vst v16  }
0x297: {  	v11 =	vld.idx.msk [tilespmem:v37+s5+$0x0], $0xffff;
	[tilespmem:s14+$0x18D80] =	vst v17  }
0x298: {  	v39 =	vor.u32 $0x280, v4;
	v17 =	vld.idx.msk [tilespmem:v38+s5+$0x0], $0xffff;
	[tilespmem:s16+$0x18D80] =	vst v19  }
0x299: {  	v40 =	vor.u32 $0x280, v5;
	v19 =	vld.idx.msk [tilespmem:v20+s5+$0x0], $0xffff  }
0x29a: {  	v41 =	vor.u32 $0x280, v6;
	_ =	sdelay $0x1  }
0x29b: {  	[tilespmem:s12+$0x18E00] =	vst v11  }
0x29c: {  	v11 =	vld.idx.msk [tilespmem:v39+s5+$0x0], $0xffff;
	[tilespmem:s14+$0x18E00] =	vst v17  }
0x29d: {  	v42 =	vor.u32 $0x300, v4;
	v17 =	vld.idx.msk [tilespmem:v40+s5+$0x0], $0xffff;
	[tilespmem:s16+$0x18E00] =	vst v19  }
0x29e: {  	v43 =	vor.u32 $0x300, v5;
	v19 =	vld.idx.msk [tilespmem:v41+s5+$0x0], $0xffff  }
0x29f: {  	v44 =	vor.u32 $0x300, v6  }
0x2a0: {  	[tilespmem:s10+$0x18E80] =	vst v14  }
0x2a1: {  	v14 =	vld.idx.msk [tilespmem:v15+s5+$0x0], $0xffff;
	[tilespmem:s12+$0x18E80] =	vst v11  }
0x2a2: {  	v45 =	vor.u32 $0x380, v2;
	v46 =	vld.idx.msk [tilespmem:v42+s5+$0x0], $0xffff;
	[tilespmem:s14+$0x18E80] =	vst v17  }
0x2a3: {  	v47 =	vor.u32 $0x380, v4;
	v17 =	vld.idx.msk [tilespmem:v43+s5+$0x0], $0xffff;
	[tilespmem:s16+$0x18E80] =	vst v19  }
0x2a4: {  	[tilespmem:s9+$0x1AE00] =	vst v12;
	v48 =	vor.u32 $0x380, v5;
	v49 =	vld.idx.msk [tilespmem:v44+s5+$0x0], $0xffff  }
0x2a5: {  	v13 =	vld.idx.msk [tilespmem:v13+s5+$0x0], $0xffff;
	v50 =	vor.u32 $0x380, v6  }
0x2a6: {  	v51 =	vadd.s32 $0x8300, v3;
	[tilespmem:s10+$0x18F00] =	vst v14  }
0x2a7: {  	v11 =	vld.idx.msk [tilespmem:v45+s5+$0x0], $0xffff;
	[tilespmem:s12+$0x18F00] =	vst v46  }
0x2a8: {  	v52 =	vadd.s32 $0x8000, v2;
	v16 =	vld.idx.msk [tilespmem:v47+s5+$0x0], $0xffff;
	[tilespmem:s14+$0x18F00] =	vst v17  }
0x2a9: {  	v53 =	vadd.s32 $0x8000, v4;
	v12 =	vld.idx.msk [tilespmem:v48+s5+$0x0], $0xffff;
	[tilespmem:s16+$0x18F00] =	vst v49  }
0x2aa: {  	v54 =	vadd.s32 $0x8000, v5;
	[tilespmem:s9+$0x1AE80] =	vst v13;
	v18 =	vld.idx.msk [tilespmem:v50+s5+$0x0], $0xffff  }
0x2ab: {  	[tilespmem:s11+$0x1AF80] =	vst v10;
	v56 =	vadd.s32 $0x8000, v6;
	v55 =	vld.idx.msk [tilespmem:v51+s5+$0x0], $0xffff  }
0x2ac: {  	v9 =	vld.idx.msk [tilespmem:v9+s5+$0x0], $0xffff;
	v57 =	vadd.s32 $0x8380, v3;
	[tilespmem:s10+$0x18F80] =	vst v11  }
0x2ad: {  	v58 =	vadd.s32 $0x8080, v1;
	v15 =	vld.idx.msk [tilespmem:v52+s5+$0x0], $0xffff;
	[tilespmem:s12+$0x18F80] =	vst v16  }
0x2ae: {  	v59 =	vadd.s32 $0x8080, v2;
	v16 =	vld.idx.msk [tilespmem:v53+s5+$0x0], $0xffff;
	[tilespmem:s14+$0x18F80] =	vst v12  }
0x2af: {  	v60 =	vadd.s32 $0x8080, v4;
	v13 =	vld.idx.msk [tilespmem:v54+s5+$0x0], $0xffff;
	[tilespmem:s16+$0x18F80] =	vst v18  }
0x2b0: {  	v61 =	vadd.s32 $0x8080, v5;
	[tilespmem:s9+$0x1AF00] =	vst v55;
	v14 =	vld.idx.msk [tilespmem:v56+s5+$0x0], $0xffff  }
0x2b1: {  	v62 =	vadd.s32 $0x8080, v6;
	[tilespmem:s8+$0x1AC00] =	vst v9;
	v3 =	vld.idx.msk [tilespmem:v57+s5+$0x0], $0xffff  }
0x2b2: {  	v11 =	vld.idx.msk [tilespmem:v58+s5+$0x0], $0xffff;
	[tilespmem:s10+$0x1AC00] =	vst v15  }
0x2b3: {  	v63 =	vadd.s32 $0x8100, v1;
	[tilespmem:s12+$0x1AC00] =	vst v16;
	v12 =	vld.idx.msk [tilespmem:v59+s5+$0x0], $0xffff  }
0x2b4: {  	v20 =	vadd.s32 $0x8100, v2;
	v17 =	vld.idx.msk [tilespmem:v60+s5+$0x0], $0xffff;
	[tilespmem:s14+$0x1AC00] =	vst v13  }
0x2b5: {  	v21 =	vadd.s32 $0x8100, v4;
	v10 =	vld.idx.msk [tilespmem:v61+s5+$0x0], $0xffff;
	[tilespmem:s16+$0x1AC00] =	vst v14  }
0x2b6: {  	v22 =	vadd.s32 $0x8100, v5;
	[tilespmem:s9+$0x1AF80] =	vst v3;
	v9 =	vld.idx.msk [tilespmem:v62+s5+$0x0], $0xffff  }
0x2b7: {  	v23 =	vadd.s32 $0x8100, v6;
	[tilespmem:s8+$0x1AC80] =	vst v11  }
0x2b8: {  	v24 =	vld.idx.msk [tilespmem:v63+s5+$0x0], $0xffff;
	[tilespmem:s10+$0x1AC80] =	vst v12  }
0x2b9: {  	v25 =	vadd.s32 $0x8180, v1;
	[tilespmem:s12+$0x1AC80] =	vst v17;
	v26 =	vld.idx.msk [tilespmem:v20+s5+$0x0], $0xffff  }
0x2ba: {  	v27 =	vadd.s32 $0x8180, v2;
	v13 =	vld.idx.msk [tilespmem:v21+s5+$0x0], $0xffff;
	[tilespmem:s14+$0x1AC80] =	vst v10  }
0x2bb: {  	v28 =	vadd.s32 $0x8180, v4;
	v3 =	vld.idx.msk [tilespmem:v22+s5+$0x0], $0xffff;
	[tilespmem:s16+$0x1AC80] =	vst v9  }
0x2bc: {  	v29 =	vadd.s32 $0x8180, v5;
	[tilespmem:s1+$0x1AD00] =	vst v7;
	v9 =	vld.idx.msk [tilespmem:v23+s5+$0x0], $0xffff  }
0x2bd: {  	v8 =	vld.idx.msk [tilespmem:v8+s5+$0x0], $0xffff;
	v30 =	vadd.s32 $0x8180, v6;
	[tilespmem:s8+$0x1AD00] =	vst v24  }
0x2be: {  	v31 =	vadd.s32 $0x8200, v0;
	v12 =	vld.idx.msk [tilespmem:v25+s5+$0x0], $0xffff;
	[tilespmem:s10+$0x1AD00] =	vst v26  }
0x2bf: {  	v32 =	vadd.s32 $0x8200, v1;
	[tilespmem:s12+$0x1AD00] =	vst v13;
	v16 =	vld.idx.msk [tilespmem:v27+s5+$0x0], $0xffff  }
0x2c0: {  	v33 =	vadd.s32 $0x8200, v2;
	v10 =	vld.idx.msk [tilespmem:v28+s5+$0x0], $0xffff;
	[tilespmem:s14+$0x1AD00] =	vst v3  }
0x2c1: {  	v34 =	vadd.s32 $0x8200, v4;
	v7 =	vld.idx.msk [tilespmem:v29+s5+$0x0], $0xffff;
	[tilespmem:s16+$0x1AD00] =	vst v9  }
0x2c2: {  	[tilespmem:s1+$0x1AD80] =	vst v8;
	v35 =	vadd.s32 $0x8200, v5;
	v9 =	vld.idx.msk [tilespmem:v30+s5+$0x0], $0xffff  }
0x2c3: {  	v37 =	vadd.s32 $0x8200, v6;
	v36 =	vld.idx.msk [tilespmem:v31+s5+$0x0], $0xffff;
	[tilespmem:s8+$0x1AD80] =	vst v12  }
0x2c4: {  	v38 =	vadd.s32 $0x8280, v0;
	v15 =	vld.idx.msk [tilespmem:v32+s5+$0x0], $0xffff;
	[tilespmem:s10+$0x1AD80] =	vst v16  }
0x2c5: {  	v39 =	vadd.s32 $0x8280, v1;
	[tilespmem:s12+$0x1AD80] =	vst v10;
	v13 =	vld.idx.msk [tilespmem:v33+s5+$0x0], $0xffff  }
0x2c6: {  	v40 =	vadd.s32 $0x8280, v2;
	v3 =	vld.idx.msk [tilespmem:v34+s5+$0x0], $0xffff;
	[tilespmem:s14+$0x1AD80] =	vst v7  }
0x2c7: {  	v41 =	vadd.s32 $0x8280, v4;
	v8 =	vld.idx.msk [tilespmem:v35+s5+$0x0], $0xffff;
	[tilespmem:s16+$0x1AD80] =	vst v9  }
0x2c8: {  	v42 =	vadd.s32 $0x8280, v5;
	[tilespmem:s1+$0x1AE00] =	vst v36;
	v43 =	vld.idx.msk [tilespmem:v37+s5+$0x0], $0xffff  }
0x2c9: {  	v45 =	vadd.s32 $0x8280, v6;
	v44 =	vld.idx.msk [tilespmem:v38+s5+$0x0], $0xffff;
	[tilespmem:s8+$0x1AE00] =	vst v15  }
0x2ca: {  	v46 =	vadd.s32 $0x8300, v0;
	v16 =	vld.idx.msk [tilespmem:v39+s5+$0x0], $0xffff;
	[tilespmem:s10+$0x1AE00] =	vst v13  }
0x2cb: {  	v47 =	vadd.s32 $0x8300, v1;
	[tilespmem:s12+$0x1AE00] =	vst v3;
	v10 =	vld.idx.msk [tilespmem:v40+s5+$0x0], $0xffff  }
0x2cc: {  	v48 =	vadd.s32 $0x8300, v2;
	v7 =	vld.idx.msk [tilespmem:v41+s5+$0x0], $0xffff;
	[tilespmem:s14+$0x1AE00] =	vst v8  }
0x2cd: {  	v49 =	vadd.s32 $0x8300, v4;
	v9 =	vld.idx.msk [tilespmem:v42+s5+$0x0], $0xffff;
	[tilespmem:s16+$0x1AE00] =	vst v43  }
0x2ce: {  	[tilespmem:s1+$0x1AE80] =	vst v44;
	v50 =	vadd.s32 $0x8300, v5;
	v51 =	vld.idx.msk [tilespmem:v45+s5+$0x0], $0xffff  }
0x2cf: {  	v53 =	vadd.s32 $0x8300, v6;
	v52 =	vld.idx.msk [tilespmem:v46+s5+$0x0], $0xffff;
	[tilespmem:s8+$0x1AE80] =	vst v16  }
0x2d0: {  	v54 =	vadd.s32 $0x8380, v0;
	v13 =	vld.idx.msk [tilespmem:v47+s5+$0x0], $0xffff;
	[tilespmem:s10+$0x1AE80] =	vst v10  }
0x2d1: {  	v55 =	vadd.s32 $0x8380, v1;
	[tilespmem:s12+$0x1AE80] =	vst v7;
	v3 =	vld.idx.msk [tilespmem:v48+s5+$0x0], $0xffff  }
0x2d2: {  	v56 =	vadd.s32 $0x8380, v2;
	v7 =	vld.idx.msk [tilespmem:v49+s5+$0x0], $0xffff;
	[tilespmem:s14+$0x1AE80] =	vst v9  }
0x2d3: {  	v57 =	vadd.s32 $0x8380, v4;
	v58 =	vld.idx.msk [tilespmem:v50+s5+$0x0], $0xffff;
	[tilespmem:s16+$0x1AE80] =	vst v51  }
0x2d4: {  	v59 =	vadd.s32 $0x8380, v5;
	[tilespmem:s1+$0x1AF00] =	vst v52;
	v60 =	vld.idx.msk [tilespmem:v53+s5+$0x0], $0xffff  }
0x2d5: {  	v6 =	vadd.s32 $0x8380, v6;
	v0 =	vld.idx.msk [tilespmem:v54+s5+$0x0], $0xffff;
	[tilespmem:s8+$0x1AF00] =	vst v13  }
0x2d6: {  	v1 =	vld.idx.msk [tilespmem:v55+s5+$0x0], $0xffff;
	[tilespmem:s10+$0x1AF00] =	vst v3  }
0x2d7: {  	[tilespmem:s12+$0x1AF00] =	vst v7;
	v2 =	vld.idx.msk [tilespmem:v56+s5+$0x0], $0xffff  }
0x2d8: {  	v61 =	vld.idx.msk [tilespmem:v57+s5+$0x0], $0xffff;
	[tilespmem:s14+$0x1AF00] =	vst v58  }
0x2d9: {  	v62 =	vld.idx.msk [tilespmem:v59+s5+$0x0], $0xffff;
	[tilespmem:s16+$0x1AF00] =	vst v60  }
0x2da: {  	[tilespmem:s1+$0x1AF80] =	vst v0;
	v63 =	vld.idx.msk [tilespmem:v6+s5+$0x0], $0xffff  }
0x2db: {  	[tilespmem:s8+$0x1AF80] =	vst v1  }
0x2dc: {  	[tilespmem:s10+$0x1AF80] =	vst v2  }
0x2dd: {  	[tilespmem:s12+$0x1AF80] =	vst v61  }
0x2de: {  	[tilespmem:s14+$0x1AF80] =	vst v62  }
0x2df: {  	s18 =	sadd.s32 s17, s2;
	s20 =	simm.s32 $0x18C00;
	[tilespmem:s16+$0x1AF80] =	vst v63  }
0x2e0: {  	[hbm4b:s18+s13] =	stream.strided.scatter [tilespmem:s20], [sflag:$0x6], $0x400, s19, s13, $0x38;
	[tilespmem:$0x1CC00] =	vst v63  }
0x2e1: {  	s22 =	simm.s32 $0x19000;
	s21 =	sadd.s32 $0x80, s18  }
0x2e2: {  	[hbm4b:s21+s13] =	stream.strided.scatter [tilespmem:s22], [sflag:$0x6], $0x400, s19, s13, $0x38;
	[tilespmem:$0x1CC00] =	vst v63  }
0x2e3: {  	s24 =	simm.s32 $0x19400;
	s23 =	sadd.s32 $0x100, s18  }
0x2e4: {  	[hbm4b:s23+s13] =	stream.strided.scatter [tilespmem:s24], [sflag:$0x6], $0x400, s19, s13, $0x38;
	[tilespmem:$0x1CC00] =	vst v63  }
0x2e5: {  	s26 =	simm.s32 $0x19800;
	s25 =	sadd.s32 $0x180, s18  }
0x2e6: {  	[hbm4b:s25+s13] =	stream.strided.scatter [tilespmem:s26], [sflag:$0x6], $0x400, s19, s13, $0x38;
	[tilespmem:$0x1CC00] =	vst v63  }
0x2e7: {  	s31 =	simm.s32 $0x19C00;
	s29 =	sadd.s32 $0x200, s18  }
0x2e8: {  	[hbm4b:s29+s13] =	stream.strided.scatter [tilespmem:s31], [sflag:$0x6], $0x400, s19, s13, $0x38;
	[tilespmem:$0x1CC00] =	vst v63  }
0x2e9: {  	s6 =	simm.s32 $0x1A000;
	s4 =	sadd.s32 $0x280, s18  }
0x2ea: {  	[hbm4b:s4+s13] =	stream.strided.scatter [tilespmem:s6], [sflag:$0x6], $0x400, s19, s13, $0x38;
	[tilespmem:$0x1CC00] =	vst v63  }
0x2eb: {  	s9 =	simm.s32 $0x1A400;
	s8 =	sadd.s32 $0x300, s18  }
0x2ec: {  	[hbm4b:s8+s13] =	stream.strided.scatter [tilespmem:s9], [sflag:$0x6], $0x400, s19, s13, $0x38;
	[tilespmem:$0x1CC00] =	vst v63  }
0x2ed: {  	s11 =	simm.s32 $0x1A800;
	s10 =	sadd.s32 $0x380, s18  }
0x2ee: {  	[hbm4b:s10+s13] =	stream.strided.scatter [tilespmem:s11], [sflag:$0x6], $0x400, s19, s13, $0x38;
	[tilespmem:$0x1CC00] =	vst v63  }
0x2ef: {  	s1 =	sadd.s32 $0x100000, s18;
	s12 =	simm.s32 $0x1AC00  }
0x2f0: {  	[hbm4b:s1+s13] =	stream.strided.scatter [tilespmem:s12], [sflag:$0x6], $0x400, s19, s13, $0x38;
	[tilespmem:$0x1CC00] =	vst v63  }
0x2f1: {  	s15 =	simm.s32 $0x1B000;
	s14 =	sadd.s32 $0x80, s1  }
0x2f2: {  	[hbm4b:s14+s13] =	stream.strided.scatter [tilespmem:s15], [sflag:$0x6], $0x400, s19, s13, $0x38;
	[tilespmem:$0x1CC00] =	vst v63  }
0x2f3: {  	s16 =	sadd.s32 $0x100, s1;
	s18 =	simm.s32 $0x1B400  }
0x2f4: {  	[hbm4b:s16+s13] =	stream.strided.scatter [tilespmem:s18], [sflag:$0x6], $0x400, s19, s13, $0x38;
	[tilespmem:$0x1CC00] =	vst v63  }
0x2f5: {  	s20 =	sadd.s32 $0x180, s1;
	s21 =	simm.s32 $0x1B800  }
0x2f6: {  	[hbm4b:s20+s13] =	stream.strided.scatter [tilespmem:s21], [sflag:$0x6], $0x400, s19, s13, $0x38;
	[tilespmem:$0x1CC00] =	vst v63  }
0x2f7: {  	s0 =	sadd.s32 $0x1, s0;
	s22 =	sadd.s32 $0x200, s1;
	s23 =	simm.s32 $0x1BC00  }
0x2f8: {  	[hbm4b:s22+s13] =	stream.strided.scatter [tilespmem:s23], [sflag:$0x6], $0x400, s19, s13, $0x38;
	[tilespmem:$0x1CC00] =	vst v63  }
0x2f9: {  	p0 =	sne.s32 s0, $0xA;
	s24 =	sadd.s32 $0x280, s1;
	s25 =	simm.s32 $0x1C000  }
0x2fa: {  	[hbm4b:s24+s13] =	stream.strided.scatter [tilespmem:s25], [sflag:$0x6], $0x400, s19, s13, $0x38;
	[tilespmem:$0x1CC00] =	vst v63  }
.Ltmp3:
0x2fb: {  	_ = 	snop;
	(pc) =	sbr.rel @p0 .LBB2_2-.Ltmp3, $4  }
0x2fc: {  	s26 =	sadd.s32 $0x300, s1;
	s29 =	simm.s32 $0x1C400  }
0x2fd: {  	[hbm4b:s26+s13] =	stream.strided.scatter [tilespmem:s29], [sflag:$0x6], $0x400, s19, s13, $0x38;
	[tilespmem:$0x1CC00] =	vst v63  }
0x2fe: {  	s31 =	simm.s32 $0x1C800;
	s1 =	sadd.s32 $0x380, s1  }
0x2ff: {  	[hbm4b:s1+s13] =	stream.strided.scatter [tilespmem:s31], [sflag:$0x6], $0x400, s19, s13, $0x38;
	[tilespmem:$0x1CC00] =	vst v63  }
0x300: {  	s0 =	simm.s32 $0x1  }
0x301: {  	_ =	swait.ge [sflag:s0], $0x400  }
0x302: {  	[sflag:s0] =	ssyncset.done $0x0  }
0x303: {  	s12 =	simm.s32 $0x4;
	[sflag:s0] =	ssyncadd.s32 $0xFFFFFC00  }
0x304: {  	_ =	swait.ge [sflag:s12], $0x4000  }
0x305: {  	[sflag:s12] =	ssyncset.done $0x0  }
0x306: {  	s14 =	simm.s32 $0x10000;
	[sflag:s12] =	ssyncadd.s32 $0xFFFFC000  }
0x307: {  	v0 =	vld [tilespmem:s14+$0x0];
	_ =	sdelay $0x4  }
0x308: {  	v1 =	vshll.u32 v0, $0x3  }
0x309: {  	v0 =	vand.u32 $0x7F, v0;
	v1 =	vand.u32 $0xFFFFFC00, v1  }
0x30a: {  	v6 =	vor.u32 v0, v1;
	_ =	sdelay $0x4  }
0x30b: {  	v0 =	vld.idx.msk [tilespmem:v6+s5+$0x0], $0xffff  }
0x30c: {  	v1 =	vor.u32 $0x80, v6  }
0x30d: {  	s2 =	simm.s32 $0x0;
	s15 =	simm.s32 $0x10010  }
0x30e: {  	s16 =	sand.u32 $0x70, s2;
	s1 =	sand.u32 $0x1C00, s2;
	v2 =	vld [tilespmem:s15+$0x0]  }
0x30f: {  	s9 =	sor.u32 s16, s1  }
0x310: {  	[tilespmem:s9+$0x10C00] =	vst v0  }
0x311: {  	v0 =	vld.idx.msk [tilespmem:v1+s5+$0x0], $0xffff  }
0x312: {  	v1 =	vor.u32 $0x100, v6  }
0x313: {  	v3 =	vshll.u32 v2, $0x3  }
0x314: {  	v2 =	vand.u32 $0x7F, v2;
	v3 =	vand.u32 $0xFFFFFC00, v3  }
0x315: {  	s4 =	sadd.s32 $0x10C00, s9;
	v2 =	vor.u32 v2, v3  }
0x316: {  	[tilespmem:s4+$0x80] =	vst v0  }
0x317: {  	v0 =	vld.idx.msk [tilespmem:v1+s5+$0x0], $0xffff  }
0x318: {  	v1 =	vor.u32 $0x180, v6;
	_ =	sdelay $0x1  }
0x319: {  	v3 =	vld.idx.msk [tilespmem:v2+s5+$0x0], $0xffff  }
0x31a: {  	s18 =	simm.s32 $0x10020;
	v4 =	vor.u32 $0x80, v2  }
0x31b: {  	s8 =	simm.s32 $0x10;
	s6 =	simm.s32 $0x80;
	v5 =	vld [tilespmem:s18+$0x0];
	[tilespmem:s4+$0x100] =	vst v0  }
0x31c: {  	s20 =	sand.u32 $0x70, s8;
	s21 =	sand.u32 $0x1C00, s6;
	v0 =	vld.idx.msk [tilespmem:v1+s5+$0x0], $0xffff  }
0x31d: {  	s1 =	sor.u32 s20, s21;
	v1 =	vor.u32 $0x200, v6  }
0x31e: {  	[tilespmem:s1+$0x10C00] =	vst v3  }
0x31f: {  	v3 =	vld.idx.msk [tilespmem:v4+s5+$0x0], $0xffff  }
0x320: {  	v7 =	vshll.u32 v5, $0x3;
	v4 =	vor.u32 $0x100, v2  }
0x321: {  	[tilespmem:s4+$0x180] =	vst v0;
	v0 =	vand.u32 $0x7F, v5;
	v5 =	vand.u32 $0xFFFFFC00, v7  }
0x322: {  	v1 =	vld.idx.msk [tilespmem:v1+s5+$0x0], $0xffff;
	v0 =	vor.u32 v0, v5  }
0x323: {  	s3 =	sadd.s32 $0x10C00, s1;
	v5 =	vor.u32 $0x280, v6  }
0x324: {  	[tilespmem:s3+$0x80] =	vst v3  }
0x325: {  	v3 =	vld.idx.msk [tilespmem:v4+s5+$0x0], $0xffff  }
0x326: {  	v4 =	vor.u32 $0x180, v2  }
0x327: {  	v7 =	vld.idx.msk [tilespmem:v0+s5+$0x0], $0xffff;
	[tilespmem:s4+$0x200] =	vst v1  }
0x328: {  	v1 =	vld.idx.msk [tilespmem:v5+s5+$0x0], $0xffff;
	v5 =	vor.u32 $0x80, v0  }
0x329: {  	s10 =	simm.s32 $0x20;
	s22 =	simm.s32 $0x10030;
	s18 =	simm.s32 $0x100;
	v8 =	vor.u32 $0x300, v6  }
0x32a: {  	s23 =	sand.u32 $0x70, s10;
	v9 =	vld [tilespmem:s22+$0x0];
	s11 =	sand.u32 $0x1C00, s18;
	[tilespmem:s3+$0x100] =	vst v3  }
0x32b: {  	s0 =	sor.u32 s23, s11;
	v3 =	vld.idx.msk [tilespmem:v4+s5+$0x0], $0xffff  }
0x32c: {  	v4 =	vor.u32 $0x200, v2;
	[tilespmem:s0+$0x10C00] =	vst v7  }
0x32d: {  	v5 =	vld.idx.msk [tilespmem:v5+s5+$0x0], $0xffff;
	[tilespmem:s4+$0x280] =	vst v1  }
0x32e: {  	v7 =	vld.idx.msk [tilespmem:v8+s5+$0x0], $0xffff;
	v8 =	vor.u32 $0x100, v0  }
0x32f: {  	v10 =	vor.u32 $0x380, v6;
	v1 =	vshll.u32 v9, $0x3  }
0x330: {  	[tilespmem:s3+$0x180] =	vst v3;
	v3 =	vand.u32 $0x7F, v9;
	v1 =	vand.u32 $0xFFFFFC00, v1  }
0x331: {  	s20 =	sadd.s32 $0x10C00, s0;
	v4 =	vld.idx.msk [tilespmem:v4+s5+$0x0], $0xffff;
	v1 =	vor.u32 v3, v1  }
0x332: {  	v3 =	vor.u32 $0x280, v2;
	[tilespmem:s20+$0x80] =	vst v5  }
0x333: {  	v5 =	vld.idx.msk [tilespmem:v8+s5+$0x0], $0xffff;
	[tilespmem:s4+$0x300] =	vst v7  }
0x334: {  	v8 =	vor.u32 $0x180, v0;
	v7 =	vld.idx.msk [tilespmem:v10+s5+$0x0], $0xffff  }
0x335: {  	v9 =	vadd.s32 $0x8000, v6  }
0x336: {  	[tilespmem:s3+$0x200] =	vst v4;
	v10 =	vld.idx.msk [tilespmem:v1+s5+$0x0], $0xffff  }
0x337: {  	s24 =	simm.s32 $0x10040;
	s2 =	sor.u32 s2, s2;
	v4 =	vor.u32 $0x80, v1;
	v3 =	vld.idx.msk [tilespmem:v3+s5+$0x0], $0xffff  }
0x338: {  	s2 =	sor.u32 $0x380, s2;
	s15 =	simm.s32 $0x30;
	v11 =	vld [tilespmem:s24+$0x0];
	s23 =	simm.s32 $0x180;
	[tilespmem:s20+$0x100] =	vst v5;
	v5 =	vor.u32 $0x300, v2  }
0x339: {  	s25 =	sand.u32 $0x70, s15;
	s26 =	sand.u32 $0x1C00, s23;
	v8 =	vld.idx.msk [tilespmem:v8+s5+$0x0], $0xffff;
	[tilespmem:s2+$0x10C00] =	vst v7  }
0x33a: {  	s2 =	sor.u32 s25, s26;
	v7 =	vld.idx.msk [tilespmem:v9+s5+$0x0], $0xffff;
	v9 =	vor.u32 $0x200, v0  }
0x33b: {  	[tilespmem:s2+$0x10C00] =	vst v10;
	v10 =	vadd.s32 $0x8080, v6  }
0x33c: {  	[tilespmem:s3+$0x280] =	vst v3;
	v4 =	vld.idx.msk [tilespmem:v4+s5+$0x0], $0xffff  }
0x33d: {  	v12 =	vor.u32 $0x100, v1;
	v3 =	vshll.u32 v11, $0x3;
	v5 =	vld.idx.msk [tilespmem:v5+s5+$0x0], $0xffff  }
0x33e: {  	v11 =	vand.u32 $0x7F, v11;
	v3 =	vand.u32 $0xFFFFFC00, v3;
	[tilespmem:s20+$0x180] =	vst v8;
	v8 =	vor.u32 $0x380, v2  }
0x33f: {  	v3 =	vor.u32 v11, v3;
	v9 =	vld.idx.msk [tilespmem:v9+s5+$0x0], $0xffff;
	[tilespmem:s9+$0x12C00] =	vst v7  }
0x340: {  	s24 =	sadd.s32 $0x10C00, s2;
	v7 =	vld.idx.msk [tilespmem:v10+s5+$0x0], $0xffff;
	v10 =	vor.u32 $0x280, v0  }
0x341: {  	[tilespmem:s24+$0x80] =	vst v4;
	v4 =	vadd.s32 $0x8100, v6  }
0x342: {  	v11 =	vld.idx.msk [tilespmem:v12+s5+$0x0], $0xffff;
	[tilespmem:s3+$0x300] =	vst v5  }
0x343: {  	v5 =	vld.idx.msk [tilespmem:v8+s5+$0x0], $0xffff;
	v8 =	vor.u32 $0x180, v1  }
0x344: {  	v12 =	vld.idx.msk [tilespmem:v3+s5+$0x0], $0xffff;
	[tilespmem:s20+$0x200] =	vst v9;
	v9 =	vadd.s32 $0x8000, v2  }
0x345: {  	s29 =	simm.s32 $0x10050;
	v10 =	vld.idx.msk [tilespmem:v10+s5+$0x0], $0xffff;
	[tilespmem:s9+$0x12C80] =	vst v7;
	v7 =	vor.u32 $0x80, v3  }
0x346: {  	s31 =	sor.u32 s6, s8;
	s12 =	simm.s32 $0x40;
	s11 =	simm.s32 $0x200;
	v13 =	vor.u32 $0x300, v0;
	v4 =	vld.idx.msk [tilespmem:v4+s5+$0x0], $0xffff  }
0x347: {  	s6 =	sor.u32 $0x380, s31;
	v14 =	vld [tilespmem:s29+$0x0];
	s8 =	sand.u32 $0x70, s12;
	s14 =	sand.u32 $0x1C00, s11;
	[tilespmem:s24+$0x100] =	vst v11;
	v11 =	vadd.s32 $0x8180, v6  }
0x348: {  	s8 =	sor.u32 s8, s14;
	v8 =	vld.idx.msk [tilespmem:v8+s5+$0x0], $0xffff;
	[tilespmem:s6+$0x10C00] =	vst v5  }
0x349: {  	[tilespmem:s8+$0x10C00] =	vst v12;
	v5 =	vld.idx.msk [tilespmem:v9+s5+$0x0], $0xffff;
	v9 =	vor.u32 $0x200, v1  }
0x34a: {  	v7 =	vld.idx.msk [tilespmem:v7+s5+$0x0], $0xffff;
	[tilespmem:s20+$0x280] =	vst v10;
	v10 =	vadd.s32 $0x8080, v2  }
0x34b: {  	v12 =	vld.idx.msk [tilespmem:v13+s5+$0x0], $0xffff;
	[tilespmem:s9+$0x12D00] =	vst v4;
	v13 =	vor.u32 $0x100, v3  }
0x34c: {  	s16 =	simm.s32 $0x10060;
	v15 =	vor.u32 $0x380, v0;
	v4 =	vshll.u32 v14, $0x3;
	v11 =	vld.idx.msk [tilespmem:v11+s5+$0x0], $0xffff  }
0x34d: {  	v16 =	vld [tilespmem:s16+$0x0];
	v4 =	vand.u32 $0xFFFFFC00, v4;
	[tilespmem:s24+$0x180] =	vst v8;
	v8 =	vand.u32 $0x7F, v14;
	v14 =	vadd.s32 $0x8200, v6  }
0x34e: {  	s16 =	sadd.s32 $0x10C00, s8;
	v9 =	vld.idx.msk [tilespmem:v9+s5+$0x0], $0xffff;
	[tilespmem:s1+$0x12C00] =	vst v5;
	v4 =	vor.u32 v8, v4  }
0x34f: {  	v5 =	vld.idx.msk [tilespmem:v10+s5+$0x0], $0xffff;
	[tilespmem:s16+$0x80] =	vst v7;
	v7 =	vor.u32 $0x280, v1  }
0x350: {  	v10 =	vadd.s32 $0x8100, v2;
	v8 =	vld.idx.msk [tilespmem:v13+s5+$0x0], $0xffff;
	[tilespmem:s20+$0x300] =	vst v12  }
0x351: {  	v12 =	vld.idx.msk [tilespmem:v15+s5+$0x0], $0xffff;
	[tilespmem:s9+$0x12D80] =	vst v11;
	v11 =	vor.u32 $0x180, v3  }
0x352: {  	v13 =	vld.idx.msk [tilespmem:v14+s5+$0x0], $0xffff;
	v14 =	vadd.s32 $0x8000, v0  }
0x353: {  	v15 =	vld.idx.msk [tilespmem:v4+s5+$0x0], $0xffff;
	[tilespmem:s24+$0x200] =	vst v9;
	v9 =	vadd.s32 $0x8280, v6  }
0x354: {  	s21 =	sor.u32 s18, s10;
	v7 =	vld.idx.msk [tilespmem:v7+s5+$0x0], $0xffff;
	[tilespmem:s1+$0x12C80] =	vst v5;
	v5 =	vor.u32 $0x80, v4  }
0x355: {  	s18 =	simm.s32 $0x280;
	s3 =	sor.u32 $0x380, s21;
	s20 =	simm.s32 $0x50;
	v10 =	vld.idx.msk [tilespmem:v10+s5+$0x0], $0xffff;
	[tilespmem:s16+$0x100] =	vst v8;
	v8 =	vor.u32 $0x300, v1  }
0x356: {  	s25 =	sand.u32 $0x1C00, s18;
	s22 =	sand.u32 $0x70, s20;
	v11 =	vld.idx.msk [tilespmem:v11+s5+$0x0], $0xffff;
	[tilespmem:s3+$0x10C00] =	vst v12  }
0x357: {  	s10 =	sor.u32 s22, s25;
	v12 =	vadd.s32 $0x8180, v2;
	v14 =	vld.idx.msk [tilespmem:v14+s5+$0x0], $0xffff;
	[tilespmem:s9+$0x12E00] =	vst v13  }
0x358: {  	v13 =	vor.u32 $0x200, v3;
	[tilespmem:s10+$0x10C00] =	vst v15;
	v9 =	vld.idx.msk [tilespmem:v9+s5+$0x0], $0xffff  }
0x359: {  	v15 =	vld.idx.msk [tilespmem:v5+s5+$0x0], $0xffff;
	[tilespmem:s24+$0x280] =	vst v7;
	v7 =	vadd.s32 $0x8080, v0  }
0x35a: {  	v17 =	vadd.s32 $0x8300, v6;
	s21 =	simm.s32 $0x10070;
	v8 =	vld.idx.msk [tilespmem:v8+s5+$0x0], $0xffff  }
0x35b: {  	v18 =	vor.u32 $0x100, v4;
	v5 =	vshll.u32 v16, $0x3;
	[tilespmem:s1+$0x12D00] =	vst v10;
	v10 =	vld [tilespmem:s21+$0x0]  }
0x35c: {  	v16 =	vand.u32 $0x7F, v16;
	v5 =	vand.u32 $0xFFFFFC00, v5;
	v12 =	vld.idx.msk [tilespmem:v12+s5+$0x0], $0xffff;
	[tilespmem:s16+$0x180] =	vst v11;
	v11 =	vor.u32 $0x380, v1  }
0x35d: {  	v5 =	vor.u32 v16, v5;
	v13 =	vld.idx.msk [tilespmem:v13+s5+$0x0], $0xffff;
	[tilespmem:s0+$0x12C00] =	vst v14  }
0x35e: {  	s22 =	sadd.s32 $0x10C00, s10;
	v14 =	vadd.s32 $0x8200, v2;
	[tilespmem:s9+$0x12E80] =	vst v9;
	v7 =	vld.idx.msk [tilespmem:v7+s5+$0x0], $0xffff  }
0x35f: {  	v9 =	vor.u32 $0x280, v3;
	[tilespmem:s22+$0x80] =	vst v15;
	v15 =	vld.idx.msk [tilespmem:v17+s5+$0x0], $0xffff  }
0x360: {  	v17 =	vld.idx.msk [tilespmem:v18+s5+$0x0], $0xffff;
	[tilespmem:s24+$0x300] =	vst v8;
	v8 =	vadd.s32 $0x8100, v0  }
0x361: {  	v6 =	vadd.s32 $0x8380, v6;
	v18 =	vld.idx.msk [tilespmem:v11+s5+$0x0], $0xffff;
	[tilespmem:s1+$0x12D80] =	vst v12  }
0x362: {  	v19 =	vor.u32 $0x180, v4;
	v16 =	vld.idx.msk [tilespmem:v5+s5+$0x0], $0xffff;
	[tilespmem:s16+$0x200] =	vst v13  }
0x363: {  	v21 =	vadd.s32 $0x8000, v1;
	v20 =	vld.idx.msk [tilespmem:v14+s5+$0x0], $0xffff;
	[tilespmem:s0+$0x12C80] =	vst v7  }
0x364: {  	v11 =	vadd.s32 $0x8280, v2;
	v13 =	vld.idx.msk [tilespmem:v9+s5+$0x0], $0xffff;
	[tilespmem:s9+$0x12F00] =	vst v15  }
0x365: {  	s26 =	sor.u32 s23, s15;
	v7 =	vld.idx.msk [tilespmem:v8+s5+$0x0], $0xffff;
	[tilespmem:s22+$0x100] =	vst v17;
	v17 =	vor.u32 $0x80, v5  }
0x366: {  	s23 =	simm.s32 $0x300;
	s25 =	simm.s32 $0x60;
	s3 =	sor.u32 $0x380, s26;
	v14 =	vor.u32 $0x300, v3;
	v12 =	vld.idx.msk [tilespmem:v6+s5+$0x0], $0xffff  }
0x367: {  	s31 =	sand.u32 $0x1C00, s23;
	s29 =	sand.u32 $0x70, s25;
	v9 =	vadd.s32 $0x8180, v0;
	v15 =	vld.idx.msk [tilespmem:v19+s5+$0x0], $0xffff;
	[tilespmem:s3+$0x10C00] =	vst v18  }
0x368: {  	s15 =	sor.u32 s29, s31;
	s26 =	simm.s32 $0x80;
	s24 =	simm.s32 $0x70;
	v8 =	vld.idx.msk [tilespmem:v21+s5+$0x0], $0xffff;
	[tilespmem:s1+$0x12E00] =	vst v20  }
.LBB2_10:
0x369: {  	p0 =	sne.s32 s26, $0x3F0;
	[tilespmem:s15+$0x10C00] =	vst v16;
	v6 =	vor.u32 $0x200, v4;
	v11 =	vld.idx.msk [tilespmem:v11+s5+$0x0], $0xffff;
	s3 =	smov.u32 s24;
	s24 =	smov.u32 s26  }
0x36a: {  	v16 =	vld.idx.msk [tilespmem:v17+s5+$0x0], $0xffff;
	[tilespmem:s16+$0x280] =	vst v13;
	v13 =	vadd.s32 $0x8080, v1  }
0x36b: {  	v14 =	vld.idx.msk [tilespmem:v14+s5+$0x0], $0xffff;
	[tilespmem:s0+$0x12D00] =	vst v7;
	v7 =	vadd.s32 $0x8300, v2  }
0x36c: {  	s21 =	sadd.s32 $0x10, s21;
	v17 =	vor.u32 $0x100, v5;
	v9 =	vld.idx.msk [tilespmem:v9+s5+$0x0], $0xffff;
	[tilespmem:s9+$0x12F80] =	vst v12;
	s9 =	smov.u32 s1;
	s1 =	smov.u32 s0  }
0x36d: {  	v18 =	vshll.u32 v10, $0x3;
	s0 =	smov.u32 s2;
	s2 =	smov.u32 s8;
	s8 =	smov.u32 s10;
	v12 =	vld [tilespmem:s21+$0x0];
	[tilespmem:s22+$0x180] =	vst v15;
	v15 =	vor.u32 $0x380, v3  }
0x36e: {  	v10 =	vand.u32 $0x7F, v10;
	v18 =	vand.u32 $0xFFFFFC00, v18;
	s10 =	smov.u32 s15;
	v6 =	vld.idx.msk [tilespmem:v6+s5+$0x0], $0xffff;
	[tilespmem:s0+$0x12C00] =	vst v8;
	v8 =	vadd.s32 $0x8200, v0  }
0x36f: {  	v18 =	vor.u32 v10, v18;
	s4 =	sadd.s32 $0x10C00, s10;
	v19 =	vld.idx.msk [tilespmem:v13+s5+$0x0], $0xffff;
	[tilespmem:s9+$0x12E80] =	vst v11  }
0x370: {  	v11 =	vor.u32 $0x280, v4;
	[tilespmem:s4+$0x80] =	vst v16;
	v20 =	vld.idx.msk [tilespmem:v7+s5+$0x0], $0xffff  }
0x371: {  	v7 =	vadd.s32 $0x8100, v1;
	v21 =	vld.idx.msk [tilespmem:v17+s5+$0x0], $0xffff;
	[tilespmem:s16+$0x300] =	vst v14;
	s16 =	smov.u32 s22;
	s22 =	smov.u32 s4  }
0x372: {  	v22 =	vld.idx.msk [tilespmem:v15+s5+$0x0], $0xffff;
	[tilespmem:s1+$0x12D80] =	vst v9;
	v9 =	vadd.s32 $0x8380, v2;
	v10 =	vmovc v12;
	v2 =	vmovc v0;
	v0 =	vmov v1;
	v1 =	vmov v3  }
0x373: {  	v15 =	vor.u32 $0x180, v5;
	v3 =	vmovc v4;
	v4 =	vmov v5;
	v5 =	vmov v18;
	v23 =	vld.idx.msk [tilespmem:v8+s5+$0x0], $0xffff  }
0x374: {  	v16 =	vld.idx.msk [tilespmem:v18+s5+$0x0], $0xffff;
	[tilespmem:s16+$0x200] =	vst v6;
	v6 =	vadd.s32 $0x8000, v1  }
.Ltmp4:
0x375: {  	v13 =	vld.idx.msk [tilespmem:v11+s5+$0x0], $0xffff;
	[tilespmem:s0+$0x12C80] =	vst v19;
	v11 =	vadd.s32 $0x8280, v2;
	(pc) =	sbr.rel @p0 .LBB2_10-.Ltmp4, $4  }
0x376: {  	s4 =	sor.u32 s11, s12;
	s11 =	smov.u32 s18;
	s18 =	smov.u32 s23;
	v17 =	vor.u32 $0x80, v5;
	v7 =	vld.idx.msk [tilespmem:v7+s5+$0x0], $0xffff;
	[tilespmem:s9+$0x12F00] =	vst v20  }
0x377: {  	s23 =	sadd.s32 $0x80, s23;
	s12 =	smov.u32 s20;
	s4 =	sor.u32 $0x380, s4;
	v14 =	vor.u32 $0x300, v3;
	[tilespmem:s22+$0x100] =	vst v21;
	v12 =	vld.idx.msk [tilespmem:v9+s5+$0x0], $0xffff  }
0x378: {  	s6 =	sand.u32 $0x70, s3;
	s20 =	smov.u32 s25;
	s15 =	sand.u32 $0x1C00, s23;
	v9 =	vadd.s32 $0x8180, v0;
	v15 =	vld.idx.msk [tilespmem:v15+s5+$0x0], $0xffff;
	[tilespmem:s4+$0x10C00] =	vst v22  }
0x379: {  	s26 =	sadd.s32 $0x10, s26;
	s25 =	smov.u32 s3;
	s15 =	sor.u32 s6, s15;
	v8 =	vld.idx.msk [tilespmem:v6+s5+$0x0], $0xffff;
	[tilespmem:s1+$0x12E00] =	vst v23  }
0x37a: {  	v6 =	vshll.u32 v10, $0x3  }
0x37b: {  	v10 =	vand.u32 $0x7F, v10;
	v6 =	vand.u32 $0xFFFFFC00, v6  }
0x37c: {  	v6 =	vor.u32 v10, v6;
	_ =	sdelay $0x4  }
0x37d: {  	v10 =	vld.idx.msk [tilespmem:v6+s5+$0x0], $0xffff  }
0x37e: {  	v18 =	vor.u32 $0x80, v6  }
0x37f: {  	s3 =	sadd.s32 $0x80, s23  }
0x380: {  	s4 =	sand.u32 $0x70, s24;
	s6 =	sand.u32 $0x1C00, s3  }
0x381: {  	[tilespmem:s15+$0x10C00] =	vst v16;
	s21 =	sor.u32 s4, s6  }
0x382: {  	v16 =	vld.idx.msk [tilespmem:v17+s5+$0x0], $0xffff;
	[tilespmem:s21+$0x10C00] =	vst v10  }
0x383: {  	v10 =	vor.u32 $0x100, v5;
	v17 =	vld.idx.msk [tilespmem:v18+s5+$0x0], $0xffff  }
0x384: {  	v18 =	vor.u32 $0x100, v6;
	_ =	sdelay $0x1  }
0x385: {  	s29 =	sadd.s32 $0x10C00, s15  }
0x386: {  	s6 =	sadd.s32 $0x10C00, s21;
	[tilespmem:s29+$0x80] =	vst v16  }
0x387: {  	v10 =	vld.idx.msk [tilespmem:v10+s5+$0x0], $0xffff;
	[tilespmem:s6+$0x80] =	vst v17  }
0x388: {  	v16 =	vor.u32 $0x180, v5;
	v17 =	vld.idx.msk [tilespmem:v18+s5+$0x0], $0xffff  }
0x389: {  	v18 =	vor.u32 $0x180, v6;
	_ =	sdelay $0x2  }
0x38a: {  	[tilespmem:s29+$0x100] =	vst v10  }
0x38b: {  	v10 =	vor.u32 $0x200, v4;
	v16 =	vld.idx.msk [tilespmem:v16+s5+$0x0], $0xffff;
	[tilespmem:s6+$0x100] =	vst v17  }
0x38c: {  	v17 =	vor.u32 $0x200, v5;
	v18 =	vld.idx.msk [tilespmem:v18+s5+$0x0], $0xffff  }
0x38d: {  	v19 =	vor.u32 $0x200, v6;
	_ =	sdelay $0x1  }
0x38e: {  	[tilespmem:s22+$0x180] =	vst v15  }
0x38f: {  	v10 =	vld.idx.msk [tilespmem:v10+s5+$0x0], $0xffff;
	[tilespmem:s29+$0x180] =	vst v16  }
0x390: {  	v15 =	vor.u32 $0x280, v4;
	v16 =	vld.idx.msk [tilespmem:v17+s5+$0x0], $0xffff;
	[tilespmem:s6+$0x180] =	vst v18  }
0x391: {  	v17 =	vor.u32 $0x280, v5;
	v18 =	vld.idx.msk [tilespmem:v19+s5+$0x0], $0xffff  }
0x392: {  	v19 =	vor.u32 $0x280, v6;
	_ =	sdelay $0x1  }
0x393: {  	[tilespmem:s22+$0x200] =	vst v10  }
0x394: {  	v10 =	vld.idx.msk [tilespmem:v15+s5+$0x0], $0xffff;
	[tilespmem:s29+$0x200] =	vst v16  }
0x395: {  	v15 =	vor.u32 $0x300, v4;
	v16 =	vld.idx.msk [tilespmem:v17+s5+$0x0], $0xffff;
	[tilespmem:s6+$0x200] =	vst v18  }
0x396: {  	v17 =	vor.u32 $0x300, v5;
	v18 =	vld.idx.msk [tilespmem:v19+s5+$0x0], $0xffff  }
0x397: {  	[tilespmem:s16+$0x280] =	vst v13;
	v13 =	vor.u32 $0x300, v6  }
0x398: {  	v14 =	vld.idx.msk [tilespmem:v14+s5+$0x0], $0xffff  }
0x399: {  	[tilespmem:s22+$0x280] =	vst v10;
	v10 =	vor.u32 $0x380, v3  }
0x39a: {  	v15 =	vld.idx.msk [tilespmem:v15+s5+$0x0], $0xffff;
	[tilespmem:s29+$0x280] =	vst v16  }
0x39b: {  	v16 =	vor.u32 $0x380, v4;
	v17 =	vld.idx.msk [tilespmem:v17+s5+$0x0], $0xffff;
	[tilespmem:s6+$0x280] =	vst v18  }
0x39c: {  	v18 =	vor.u32 $0x380, v5;
	v13 =	vld.idx.msk [tilespmem:v13+s5+$0x0], $0xffff  }
0x39d: {  	[tilespmem:s16+$0x300] =	vst v14;
	v14 =	vor.u32 $0x380, v6  }
0x39e: {  	[tilespmem:s0+$0x12D00] =	vst v7;
	v10 =	vld.idx.msk [tilespmem:v10+s5+$0x0], $0xffff  }
0x39f: {  	[tilespmem:s22+$0x300] =	vst v15  }
0x3a0: {  	v15 =	vadd.s32 $0x8000, v3;
	v16 =	vld.idx.msk [tilespmem:v16+s5+$0x0], $0xffff;
	[tilespmem:s29+$0x300] =	vst v17  }
0x3a1: {  	s31 =	sor.u32 s11, s12;
	v17 =	vld.idx.msk [tilespmem:v18+s5+$0x0], $0xffff;
	[tilespmem:s6+$0x300] =	vst v13;
	v13 =	vadd.s32 $0x8000, v4  }
0x3a2: {  	[tilespmem:s9+$0x12F80] =	vst v12;
	s4 =	sor.u32 $0x380, s31;
	v12 =	vadd.s32 $0x8000, v5;
	v14 =	vld.idx.msk [tilespmem:v14+s5+$0x0], $0xffff  }
0x3a3: {  	v11 =	vld.idx.msk [tilespmem:v11+s5+$0x0], $0xffff;
	s9 =	sor.u32 s18, s20;
	[tilespmem:s4+$0x10C00] =	vst v10;
	v10 =	vadd.s32 $0x8000, v6  }
0x3a4: {  	s11 =	sor.u32 s23, s25;
	v7 =	vadd.s32 $0x8080, v1;
	v9 =	vld.idx.msk [tilespmem:v9+s5+$0x0], $0xffff;
	[tilespmem:s2+$0x12C00] =	vst v8;
	s4 =	sor.u32 $0x380, s9  }
0x3a5: {  	s12 =	sor.u32 $0x380, s11;
	s3 =	sor.u32 s3, s24;
	v15 =	vld.idx.msk [tilespmem:v15+s5+$0x0], $0xffff;
	[tilespmem:s4+$0x10C00] =	vst v16  }
0x3a6: {  	s3 =	sor.u32 $0x380, s3;
	v16 =	vadd.s32 $0x8080, v3;
	[tilespmem:s12+$0x10C00] =	vst v17;
	v13 =	vld.idx.msk [tilespmem:v13+s5+$0x0], $0xffff  }
0x3a7: {  	v17 =	vadd.s32 $0x8080, v4;
	v12 =	vld.idx.msk [tilespmem:v12+s5+$0x0], $0xffff;
	[tilespmem:s3+$0x10C00] =	vst v14  }
0x3a8: {  	v8 =	vadd.s32 $0x8080, v5;
	[tilespmem:s1+$0x12E80] =	vst v11;
	v10 =	vld.idx.msk [tilespmem:v10+s5+$0x0], $0xffff  }
0x3a9: {  	v11 =	vadd.s32 $0x8080, v6;
	v7 =	vld.idx.msk [tilespmem:v7+s5+$0x0], $0xffff;
	[tilespmem:s0+$0x12D80] =	vst v9  }
0x3aa: {  	[tilespmem:s8+$0x12C00] =	vst v15;
	v15 =	vadd.s32 $0x8100, v1  }
0x3ab: {  	v14 =	vadd.s32 $0x8300, v2;
	v16 =	vld.idx.msk [tilespmem:v16+s5+$0x0], $0xffff;
	[tilespmem:s10+$0x12C00] =	vst v13  }
0x3ac: {  	v13 =	vadd.s32 $0x8100, v3;
	[tilespmem:s15+$0x12C00] =	vst v12;
	v17 =	vld.idx.msk [tilespmem:v17+s5+$0x0], $0xffff  }
0x3ad: {  	v12 =	vadd.s32 $0x8100, v4;
	v8 =	vld.idx.msk [tilespmem:v8+s5+$0x0], $0xffff;
	[tilespmem:s21+$0x12C00] =	vst v10  }
0x3ae: {  	v9 =	vadd.s32 $0x8100, v5;
	[tilespmem:s2+$0x12C80] =	vst v7;
	v10 =	vld.idx.msk [tilespmem:v11+s5+$0x0], $0xffff  }
0x3af: {  	v7 =	vadd.s32 $0x8100, v6;
	v15 =	vld.idx.msk [tilespmem:v15+s5+$0x0], $0xffff  }
0x3b0: {  	[tilespmem:s8+$0x12C80] =	vst v16;
	v11 =	vld.idx.msk [tilespmem:v14+s5+$0x0], $0xffff;
	v14 =	vadd.s32 $0x8200, v0  }
0x3b1: {  	v16 =	vadd.s32 $0x8180, v1;
	v13 =	vld.idx.msk [tilespmem:v13+s5+$0x0], $0xffff;
	[tilespmem:s10+$0x12C80] =	vst v17  }
0x3b2: {  	v17 =	vadd.s32 $0x8180, v3;
	[tilespmem:s15+$0x12C80] =	vst v8;
	v12 =	vld.idx.msk [tilespmem:v12+s5+$0x0], $0xffff  }
0x3b3: {  	v8 =	vadd.s32 $0x8180, v4;
	v9 =	vld.idx.msk [tilespmem:v9+s5+$0x0], $0xffff;
	[tilespmem:s21+$0x12C80] =	vst v10  }
0x3b4: {  	[tilespmem:s2+$0x12D00] =	vst v15;
	v10 =	vadd.s32 $0x8180, v5;
	v7 =	vld.idx.msk [tilespmem:v7+s5+$0x0], $0xffff  }
0x3b5: {  	[tilespmem:s1+$0x12F00] =	vst v11;
	v11 =	vld.idx.msk [tilespmem:v14+s5+$0x0], $0xffff;
	v14 =	vadd.s32 $0x8180, v6  }
0x3b6: {  	v2 =	vadd.s32 $0x8380, v2;
	v15 =	vld.idx.msk [tilespmem:v16+s5+$0x0], $0xffff;
	[tilespmem:s8+$0x12D00] =	vst v13  }
0x3b7: {  	v13 =	vadd.s32 $0x8200, v1;
	v16 =	vld.idx.msk [tilespmem:v17+s5+$0x0], $0xffff;
	[tilespmem:s10+$0x12D00] =	vst v12  }
0x3b8: {  	v12 =	vadd.s32 $0x8200, v3;
	[tilespmem:s15+$0x12D00] =	vst v9;
	v8 =	vld.idx.msk [tilespmem:v8+s5+$0x0], $0xffff  }
0x3b9: {  	v9 =	vadd.s32 $0x8200, v4;
	v10 =	vld.idx.msk [tilespmem:v10+s5+$0x0], $0xffff;
	[tilespmem:s21+$0x12D00] =	vst v7  }
0x3ba: {  	[tilespmem:s0+$0x12E00] =	vst v11;
	v7 =	vadd.s32 $0x8200, v5;
	v11 =	vld.idx.msk [tilespmem:v14+s5+$0x0], $0xffff  }
0x3bb: {  	v2 =	vld.idx.msk [tilespmem:v2+s5+$0x0], $0xffff;
	[tilespmem:s2+$0x12D80] =	vst v15;
	v14 =	vadd.s32 $0x8200, v6  }
0x3bc: {  	v15 =	vadd.s32 $0x8280, v0;
	v13 =	vld.idx.msk [tilespmem:v13+s5+$0x0], $0xffff;
	[tilespmem:s8+$0x12D80] =	vst v16  }
0x3bd: {  	v16 =	vadd.s32 $0x8280, v1;
	v12 =	vld.idx.msk [tilespmem:v12+s5+$0x0], $0xffff;
	[tilespmem:s10+$0x12D80] =	vst v8  }
0x3be: {  	v8 =	vadd.s32 $0x8280, v3;
	[tilespmem:s15+$0x12D80] =	vst v10;
	v9 =	vld.idx.msk [tilespmem:v9+s5+$0x0], $0xffff  }
0x3bf: {  	v10 =	vadd.s32 $0x8280, v4;
	v7 =	vld.idx.msk [tilespmem:v7+s5+$0x0], $0xffff;
	[tilespmem:s21+$0x12D80] =	vst v11  }
0x3c0: {  	[tilespmem:s1+$0x12F80] =	vst v2;
	v2 =	vadd.s32 $0x8280, v5;
	v11 =	vld.idx.msk [tilespmem:v14+s5+$0x0], $0xffff  }
0x3c1: {  	[tilespmem:s2+$0x12E00] =	vst v13;
	v13 =	vadd.s32 $0x8280, v6;
	v14 =	vld.idx.msk [tilespmem:v15+s5+$0x0], $0xffff  }
0x3c2: {  	v15 =	vadd.s32 $0x8300, v0;
	v16 =	vld.idx.msk [tilespmem:v16+s5+$0x0], $0xffff;
	[tilespmem:s8+$0x12E00] =	vst v12  }
0x3c3: {  	v12 =	vadd.s32 $0x8300, v1;
	v8 =	vld.idx.msk [tilespmem:v8+s5+$0x0], $0xffff;
	[tilespmem:s10+$0x12E00] =	vst v9  }
0x3c4: {  	v9 =	vadd.s32 $0x8300, v3;
	[tilespmem:s15+$0x12E00] =	vst v7;
	v10 =	vld.idx.msk [tilespmem:v10+s5+$0x0], $0xffff  }
0x3c5: {  	v7 =	vadd.s32 $0x8300, v4;
	v2 =	vld.idx.msk [tilespmem:v2+s5+$0x0], $0xffff;
	[tilespmem:s21+$0x12E00] =	vst v11  }
0x3c6: {  	[tilespmem:s0+$0x12E80] =	vst v14;
	v11 =	vadd.s32 $0x8300, v5;
	v13 =	vld.idx.msk [tilespmem:v13+s5+$0x0], $0xffff  }
0x3c7: {  	[tilespmem:s2+$0x12E80] =	vst v16;
	v14 =	vld.idx.msk [tilespmem:v15+s5+$0x0], $0xffff;
	v15 =	vadd.s32 $0x8300, v6  }
0x3c8: {  	v0 =	vadd.s32 $0x8380, v0;
	v12 =	vld.idx.msk [tilespmem:v12+s5+$0x0], $0xffff;
	[tilespmem:s8+$0x12E80] =	vst v8  }
0x3c9: {  	v1 =	vadd.s32 $0x8380, v1;
	v8 =	vld.idx.msk [tilespmem:v9+s5+$0x0], $0xffff;
	[tilespmem:s10+$0x12E80] =	vst v10  }
0x3ca: {  	v3 =	vadd.s32 $0x8380, v3;
	[tilespmem:s15+$0x12E80] =	vst v2;
	v7 =	vld.idx.msk [tilespmem:v7+s5+$0x0], $0xffff  }
0x3cb: {  	v2 =	vadd.s32 $0x8380, v4;
	v4 =	vld.idx.msk [tilespmem:v11+s5+$0x0], $0xffff;
	[tilespmem:s21+$0x12E80] =	vst v13  }
0x3cc: {  	v5 =	vadd.s32 $0x8380, v5;
	[tilespmem:s0+$0x12F00] =	vst v14;
	v9 =	vld.idx.msk [tilespmem:v15+s5+$0x0], $0xffff  }
0x3cd: {  	v6 =	vadd.s32 $0x8380, v6;
	[tilespmem:s2+$0x12F00] =	vst v12;
	v0 =	vld.idx.msk [tilespmem:v0+s5+$0x0], $0xffff  }
0x3ce: {  	v1 =	vld.idx.msk [tilespmem:v1+s5+$0x0], $0xffff;
	[tilespmem:s8+$0x12F00] =	vst v8  }
0x3cf: {  	v3 =	vld.idx.msk [tilespmem:v3+s5+$0x0], $0xffff;
	[tilespmem:s10+$0x12F00] =	vst v7  }
0x3d0: {  	[tilespmem:s15+$0x12F00] =	vst v4;
	v2 =	vld.idx.msk [tilespmem:v2+s5+$0x0], $0xffff  }
0x3d1: {  	v4 =	vld.idx.msk [tilespmem:v5+s5+$0x0], $0xffff;
	[tilespmem:s21+$0x12F00] =	vst v9  }
0x3d2: {  	[tilespmem:s0+$0x12F80] =	vst v0;
	v0 =	vld.idx.msk [tilespmem:v6+s5+$0x0], $0xffff  }
0x3d3: {  	[tilespmem:s2+$0x12F80] =	vst v1  }
0x3d4: {  	[tilespmem:s8+$0x12F80] =	vst v3  }
0x3d5: {  	[tilespmem:s10+$0x12F80] =	vst v2  }
0x3d6: {  	[tilespmem:s15+$0x12F80] =	vst v4  }
0x3d7: {  	[tilespmem:s21+$0x12F80] =	vst v0  }
0x3d8: {  	s14 =	simm.s32 $0x10C00;
	s1 =	rddreg [dreg:$0x7]  }
0x3d9: {  	[hbm4b:s1+s13] =	stream.strided.scatter [tilespmem:s14], [sflag:$0x4], $0x400, s19, s13, $0x38;
	[tilespmem:$0x1CC00] =	vst v63  }
0x3da: {  	s16 =	simm.s32 $0x11000;
	s15 =	sadd.s32 $0x80, s1  }
0x3db: {  	[hbm4b:s15+s13] =	stream.strided.scatter [tilespmem:s16], [sflag:$0x4], $0x400, s19, s13, $0x38;
	[tilespmem:$0x1CC00] =	vst v63  }
0x3dc: {  	s20 =	simm.s32 $0x11400;
	s18 =	sadd.s32 $0x100, s1  }
0x3dd: {  	[hbm4b:s18+s13] =	stream.strided.scatter [tilespmem:s20], [sflag:$0x4], $0x400, s19, s13, $0x38;
	[tilespmem:$0x1CC00] =	vst v63  }
0x3de: {  	s22 =	simm.s32 $0x11800;
	s21 =	sadd.s32 $0x180, s1  }
0x3df: {  	[hbm4b:s21+s13] =	stream.strided.scatter [tilespmem:s22], [sflag:$0x4], $0x400, s19, s13, $0x38;
	[tilespmem:$0x1CC00] =	vst v63  }
0x3e0: {  	s24 =	simm.s32 $0x11C00;
	s23 =	sadd.s32 $0x200, s1  }
0x3e1: {  	[hbm4b:s23+s13] =	stream.strided.scatter [tilespmem:s24], [sflag:$0x4], $0x400, s19, s13, $0x38;
	[tilespmem:$0x1CC00] =	vst v63  }
0x3e2: {  	s26 =	simm.s32 $0x12000;
	s25 =	sadd.s32 $0x280, s1  }
0x3e3: {  	[hbm4b:s25+s13] =	stream.strided.scatter [tilespmem:s26], [sflag:$0x4], $0x400, s19, s13, $0x38;
	[tilespmem:$0x1CC00] =	vst v63  }
0x3e4: {  	s31 =	simm.s32 $0x12400;
	s29 =	sadd.s32 $0x300, s1  }
0x3e5: {  	[hbm4b:s29+s13] =	stream.strided.scatter [tilespmem:s31], [sflag:$0x4], $0x400, s19, s13, $0x38;
	[tilespmem:$0x1CC00] =	vst v63  }
0x3e6: {  	s4 =	simm.s32 $0x12800;
	s3 =	sadd.s32 $0x380, s1  }
0x3e7: {  	[hbm4b:s3+s13] =	stream.strided.scatter [tilespmem:s4], [sflag:$0x4], $0x400, s19, s13, $0x38;
	[tilespmem:$0x1CC00] =	vst v63  }
0x3e8: {  	s8 =	simm.s32 $0x12C00;
	s6 =	sadd.s32 $0x100000, s1  }
0x3e9: {  	[hbm4b:s6+s13] =	stream.strided.scatter [tilespmem:s8], [sflag:$0x4], $0x400, s19, s13, $0x38;
	[tilespmem:$0x1CC00] =	vst v63  }
0x3ea: {  	s10 =	simm.s32 $0x13000;
	s9 =	sadd.s32 $0x80, s6  }
0x3eb: {  	[hbm4b:s9+s13] =	stream.strided.scatter [tilespmem:s10], [sflag:$0x4], $0x400, s19, s13, $0x38;
	[tilespmem:$0x1CC00] =	vst v63  }
0x3ec: {  	s12 =	simm.s32 $0x13400;
	s11 =	sadd.s32 $0x100, s6  }
0x3ed: {  	[hbm4b:s11+s13] =	stream.strided.scatter [tilespmem:s12], [sflag:$0x4], $0x400, s19, s13, $0x38;
	[tilespmem:$0x1CC00] =	vst v63  }
0x3ee: {  	s14 =	sadd.s32 $0x180, s6;
	s15 =	simm.s32 $0x13800  }
0x3ef: {  	[hbm4b:s14+s13] =	stream.strided.scatter [tilespmem:s15], [sflag:$0x4], $0x400, s19, s13, $0x38;
	[tilespmem:$0x1CC00] =	vst v63  }
0x3f0: {  	s16 =	sadd.s32 $0x200, s6;
	s18 =	simm.s32 $0x13C00  }
0x3f1: {  	[hbm4b:s16+s13] =	stream.strided.scatter [tilespmem:s18], [sflag:$0x4], $0x400, s19, s13, $0x38;
	[tilespmem:$0x1CC00] =	vst v63  }
0x3f2: {  	s20 =	sadd.s32 $0x280, s6;
	s21 =	simm.s32 $0x14000  }
0x3f3: {  	[hbm4b:s20+s13] =	stream.strided.scatter [tilespmem:s21], [sflag:$0x4], $0x400, s19, s13, $0x38;
	[tilespmem:$0x1CC00] =	vst v63  }
0x3f4: {  	s22 =	sadd.s32 $0x300, s6;
	s23 =	simm.s32 $0x14400  }
0x3f5: {  	[hbm4b:s22+s13] =	stream.strided.scatter [tilespmem:s23], [sflag:$0x4], $0x400, s19, s13, $0x38;
	[tilespmem:$0x1CC00] =	vst v63  }
0x3f6: {  	s0 =	sadd.s32 $0x380, s6;
	s24 =	simm.s32 $0x14800  }
0x3f7: {  	[hbm4b:s0+s13] =	stream.strided.scatter [tilespmem:s24], [sflag:$0x4], $0x400, s19, s13, $0x38;
	[tilespmem:$0x1CC00] =	vst v63  }
0x3f8: {  	_ =	swait.ge [sflag:s7], $0x400  }
0x3f9: {  	[sflag:s7] =	ssyncset.done $0x0  }
0x3fa: {  	s14 =	simm.s32 $0x5;
	[sflag:s7] =	ssyncadd.s32 $0xFFFFFC00  }
0x3fb: {  	_ =	swait.ge [sflag:s14], $0x4000  }
0x3fc: {  	s25 =	simm.s32 $0x0;
	[sflag:s14] =	ssyncset.done $0x0  }
0x3fd: {  	s26 =	sand.u32 $0x3F0, s25;
	[sflag:s14] =	ssyncadd.s32 $0xFFFFC000  }
0x3fe: {  	v0 =	vld [tilespmem:s26+$0x10400];
	_ =	sdelay $0x4  }
0x3ff: {  	v1 =	vshll.u32 v0, $0x3  }
0x400: {  	v0 =	vand.u32 $0x7F, v0;
	v1 =	vand.u32 $0xFFFFFC00, v1  }
0x401: {  	v6 =	vor.u32 v0, v1;
	_ =	sdelay $0x4  }
0x402: {  	v0 =	vld.idx.msk [tilespmem:v6+s5+$0x0], $0xffff  }
0x403: {  	s29 =	simm.s32 $0x10;
	v1 =	vor.u32 $0x80, v6  }
0x404: {  	s31 =	sand.u32 $0x3F0, s29  }
0x405: {  	s3 =	sand.u32 $0x70, s25;
	s0 =	sand.u32 $0x1C00, s25;
	v2 =	vld [tilespmem:s31+$0x10400]  }
0x406: {  	s9 =	sor.u32 s3, s0  }
0x407: {  	[tilespmem:s9+$0x14C00] =	vst v0  }
0x408: {  	v0 =	vld.idx.msk [tilespmem:v1+s5+$0x0], $0xffff  }
0x409: {  	v1 =	vor.u32 $0x100, v6  }
0x40a: {  	v3 =	vshll.u32 v2, $0x3  }
0x40b: {  	v2 =	vand.u32 $0x7F, v2;
	v3 =	vand.u32 $0xFFFFFC00, v3  }
0x40c: {  	v3 =	vor.u32 v2, v3  }
0x40d: {  	[tilespmem:s9+$0x14C80] =	vst v0  }
0x40e: {  	v0 =	vld.idx.msk [tilespmem:v1+s5+$0x0], $0xffff  }
0x40f: {  	v1 =	vor.u32 $0x180, v6;
	_ =	sdelay $0x1  }
0x410: {  	s4 =	simm.s32 $0x20;
	v2 =	vld.idx.msk [tilespmem:v3+s5+$0x0], $0xffff  }
0x411: {  	s6 =	sand.u32 $0x3F0, s4;
	v4 =	vor.u32 $0x80, v3  }
0x412: {  	s8 =	simm.s32 $0x80;
	v5 =	vld [tilespmem:s6+$0x10400];
	[tilespmem:s9+$0x14D00] =	vst v0  }
0x413: {  	s1 =	sand.u32 $0x70, s29;
	s2 =	sand.u32 $0x1C00, s8;
	v0 =	vld.idx.msk [tilespmem:v1+s5+$0x0], $0xffff  }
0x414: {  	s2 =	sor.u32 s1, s2;
	v1 =	vor.u32 $0x200, v6  }
0x415: {  	[tilespmem:s2+$0x14C00] =	vst v2  }
0x416: {  	v2 =	vld.idx.msk [tilespmem:v4+s5+$0x0], $0xffff  }
0x417: {  	v7 =	vshll.u32 v5, $0x3;
	v4 =	vor.u32 $0x100, v3  }
0x418: {  	[tilespmem:s9+$0x14D80] =	vst v0;
	v0 =	vand.u32 $0x7F, v5;
	v5 =	vand.u32 $0xFFFFFC00, v7  }
0x419: {  	v1 =	vld.idx.msk [tilespmem:v1+s5+$0x0], $0xffff;
	v0 =	vor.u32 v0, v5  }
0x41a: {  	v5 =	vor.u32 $0x280, v6  }
0x41b: {  	[tilespmem:s2+$0x14C80] =	vst v2  }
0x41c: {  	v2 =	vld.idx.msk [tilespmem:v4+s5+$0x0], $0xffff  }
0x41d: {  	v4 =	vor.u32 $0x180, v3  }
0x41e: {  	v7 =	vld.idx.msk [tilespmem:v0+s5+$0x0], $0xffff;
	[tilespmem:s9+$0x14E00] =	vst v1  }
0x41f: {  	s10 =	simm.s32 $0x30;
	v1 =	vld.idx.msk [tilespmem:v5+s5+$0x0], $0xffff;
	v5 =	vor.u32 $0x80, v0  }
0x420: {  	s11 =	sand.u32 $0x3F0, s10;
	s12 =	simm.s32 $0x100;
	v8 =	vor.u32 $0x300, v6  }
0x421: {  	s15 =	sand.u32 $0x1C00, s12;
	s0 =	sand.u32 $0x70, s4;
	v9 =	vld [tilespmem:s11+$0x10400];
	[tilespmem:s2+$0x14D00] =	vst v2  }
0x422: {  	s0 =	sor.u32 s0, s15;
	v2 =	vld.idx.msk [tilespmem:v4+s5+$0x0], $0xffff  }
0x423: {  	v4 =	vor.u32 $0x200, v3;
	[tilespmem:s0+$0x14C00] =	vst v7  }
0x424: {  	v5 =	vld.idx.msk [tilespmem:v5+s5+$0x0], $0xffff;
	[tilespmem:s9+$0x14E80] =	vst v1  }
0x425: {  	v7 =	vld.idx.msk [tilespmem:v8+s5+$0x0], $0xffff;
	v8 =	vor.u32 $0x100, v0  }
0x426: {  	v10 =	vor.u32 $0x380, v6;
	v1 =	vshll.u32 v9, $0x3  }
0x427: {  	[tilespmem:s2+$0x14D80] =	vst v2;
	v2 =	vand.u32 $0x7F, v9;
	v1 =	vand.u32 $0xFFFFFC00, v1  }
0x428: {  	v4 =	vld.idx.msk [tilespmem:v4+s5+$0x0], $0xffff;
	v1 =	vor.u32 v2, v1  }
0x429: {  	v2 =	vor.u32 $0x280, v3;
	[tilespmem:s0+$0x14C80] =	vst v5  }
0x42a: {  	v5 =	vld.idx.msk [tilespmem:v8+s5+$0x0], $0xffff;
	[tilespmem:s9+$0x14F00] =	vst v7  }
0x42b: {  	v8 =	vor.u32 $0x180, v0;
	v7 =	vld.idx.msk [tilespmem:v10+s5+$0x0], $0xffff  }
0x42c: {  	v9 =	vadd.s32 $0x8000, v6  }
0x42d: {  	s16 =	simm.s32 $0x40;
	[tilespmem:s2+$0x14E00] =	vst v4;
	v10 =	vld.idx.msk [tilespmem:v1+s5+$0x0], $0xffff  }
0x42e: {  	s18 =	sand.u32 $0x3F0, s16;
	v4 =	vor.u32 $0x80, v1;
	v2 =	vld.idx.msk [tilespmem:v2+s5+$0x0], $0xffff  }
0x42f: {  	s20 =	simm.s32 $0x180;
	v11 =	vld [tilespmem:s18+$0x10400];
	[tilespmem:s0+$0x14D00] =	vst v5;
	v5 =	vor.u32 $0x300, v3  }
0x430: {  	s1 =	sand.u32 $0x70, s10;
	s4 =	sand.u32 $0x1C00, s20;
	v8 =	vld.idx.msk [tilespmem:v8+s5+$0x0], $0xffff;
	[tilespmem:s9+$0x14F80] =	vst v7  }
0x431: {  	s1 =	sor.u32 s1, s4;
	v7 =	vld.idx.msk [tilespmem:v9+s5+$0x0], $0xffff;
	v9 =	vor.u32 $0x200, v0  }
0x432: {  	[tilespmem:s1+$0x14C00] =	vst v10;
	v10 =	vadd.s32 $0x8080, v6  }
0x433: {  	[tilespmem:s2+$0x14E80] =	vst v2;
	v4 =	vld.idx.msk [tilespmem:v4+s5+$0x0], $0xffff  }
0x434: {  	v12 =	vor.u32 $0x100, v1;
	v2 =	vshll.u32 v11, $0x3;
	v5 =	vld.idx.msk [tilespmem:v5+s5+$0x0], $0xffff  }
0x435: {  	v11 =	vand.u32 $0x7F, v11;
	v2 =	vand.u32 $0xFFFFFC00, v2;
	[tilespmem:s0+$0x14D80] =	vst v8;
	v8 =	vor.u32 $0x380, v3  }
0x436: {  	v2 =	vor.u32 v11, v2;
	v9 =	vld.idx.msk [tilespmem:v9+s5+$0x0], $0xffff;
	[tilespmem:s9+$0x16C00] =	vst v7  }
0x437: {  	v7 =	vld.idx.msk [tilespmem:v10+s5+$0x0], $0xffff;
	v10 =	vor.u32 $0x280, v0  }
0x438: {  	[tilespmem:s1+$0x14C80] =	vst v4;
	v4 =	vadd.s32 $0x8100, v6  }
0x439: {  	v11 =	vld.idx.msk [tilespmem:v12+s5+$0x0], $0xffff;
	[tilespmem:s2+$0x14F00] =	vst v5  }
0x43a: {  	v5 =	vld.idx.msk [tilespmem:v8+s5+$0x0], $0xffff;
	v8 =	vor.u32 $0x180, v1  }
0x43b: {  	v12 =	vld.idx.msk [tilespmem:v2+s5+$0x0], $0xffff;
	[tilespmem:s0+$0x14E00] =	vst v9;
	v9 =	vadd.s32 $0x8000, v3  }
0x43c: {  	s21 =	simm.s32 $0x50;
	v10 =	vld.idx.msk [tilespmem:v10+s5+$0x0], $0xffff;
	[tilespmem:s9+$0x16C80] =	vst v7;
	v7 =	vor.u32 $0x80, v2  }
0x43d: {  	s22 =	sand.u32 $0x3F0, s21;
	s23 =	simm.s32 $0x200;
	v13 =	vor.u32 $0x300, v0;
	v4 =	vld.idx.msk [tilespmem:v4+s5+$0x0], $0xffff  }
0x43e: {  	s24 =	sand.u32 $0x1C00, s23;
	s3 =	sand.u32 $0x70, s16;
	v14 =	vld [tilespmem:s22+$0x10400];
	[tilespmem:s1+$0x14D00] =	vst v11;
	v11 =	vadd.s32 $0x8180, v6  }
0x43f: {  	s8 =	sor.u32 s3, s24;
	v8 =	vld.idx.msk [tilespmem:v8+s5+$0x0], $0xffff;
	[tilespmem:s2+$0x14F80] =	vst v5  }
0x440: {  	[tilespmem:s8+$0x14C00] =	vst v12;
	v5 =	vld.idx.msk [tilespmem:v9+s5+$0x0], $0xffff;
	v9 =	vor.u32 $0x200, v1  }
0x441: {  	v7 =	vld.idx.msk [tilespmem:v7+s5+$0x0], $0xffff;
	[tilespmem:s0+$0x14E80] =	vst v10;
	v10 =	vadd.s32 $0x8080, v3  }
0x442: {  	s25 =	simm.s32 $0x60;
	v12 =	vld.idx.msk [tilespmem:v13+s5+$0x0], $0xffff;
	[tilespmem:s9+$0x16D00] =	vst v4;
	v13 =	vor.u32 $0x100, v2  }
0x443: {  	s26 =	sand.u32 $0x3F0, s25;
	v15 =	vor.u32 $0x380, v0;
	v4 =	vshll.u32 v14, $0x3;
	v11 =	vld.idx.msk [tilespmem:v11+s5+$0x0], $0xffff  }
0x444: {  	v16 =	vld [tilespmem:s26+$0x10400];
	v4 =	vand.u32 $0xFFFFFC00, v4;
	[tilespmem:s1+$0x14D80] =	vst v8;
	v8 =	vand.u32 $0x7F, v14;
	v14 =	vadd.s32 $0x8200, v6  }
0x445: {  	v9 =	vld.idx.msk [tilespmem:v9+s5+$0x0], $0xffff;
	[tilespmem:s2+$0x16C00] =	vst v5;
	v4 =	vor.u32 v8, v4  }
0x446: {  	v5 =	vld.idx.msk [tilespmem:v10+s5+$0x0], $0xffff;
	[tilespmem:s8+$0x14C80] =	vst v7;
	v7 =	vor.u32 $0x280, v1  }
0x447: {  	v10 =	vadd.s32 $0x8100, v3;
	v8 =	vld.idx.msk [tilespmem:v13+s5+$0x0], $0xffff;
	[tilespmem:s0+$0x14F00] =	vst v12  }
0x448: {  	v12 =	vld.idx.msk [tilespmem:v15+s5+$0x0], $0xffff;
	[tilespmem:s9+$0x16D80] =	vst v11;
	v11 =	vor.u32 $0x180, v2  }
0x449: {  	v13 =	vld.idx.msk [tilespmem:v14+s5+$0x0], $0xffff;
	v14 =	vadd.s32 $0x8000, v0  }
0x44a: {  	v15 =	vld.idx.msk [tilespmem:v4+s5+$0x0], $0xffff;
	[tilespmem:s1+$0x14E00] =	vst v9;
	v9 =	vadd.s32 $0x8280, v6  }
0x44b: {  	v7 =	vld.idx.msk [tilespmem:v7+s5+$0x0], $0xffff;
	[tilespmem:s2+$0x16C80] =	vst v5;
	v5 =	vor.u32 $0x80, v4  }
0x44c: {  	s29 =	simm.s32 $0x280;
	v10 =	vld.idx.msk [tilespmem:v10+s5+$0x0], $0xffff;
	[tilespmem:s8+$0x14D00] =	vst v8;
	v8 =	vor.u32 $0x300, v1  }
0x44d: {  	s4 =	sand.u32 $0x70, s21;
	s6 =	sand.u32 $0x1C00, s29;
	v17 =	vld.idx.msk [tilespmem:v11+s5+$0x0], $0xffff;
	[tilespmem:s0+$0x14F80] =	vst v12;
	v11 =	vadd.s32 $0x8180, v3  }
0x44e: {  	s10 =	sor.u32 s4, s6;
	v12 =	vld.idx.msk [tilespmem:v14+s5+$0x0], $0xffff;
	[tilespmem:s9+$0x16E00] =	vst v13  }
0x44f: {  	v13 =	vor.u32 $0x200, v2;
	[tilespmem:s10+$0x14C00] =	vst v15;
	v9 =	vld.idx.msk [tilespmem:v9+s5+$0x0], $0xffff  }
0x450: {  	v14 =	vld.idx.msk [tilespmem:v5+s5+$0x0], $0xffff;
	[tilespmem:s1+$0x14E80] =	vst v7;
	v7 =	vadd.s32 $0x8080, v0  }
0x451: {  	s12 =	simm.s32 $0x70;
	v8 =	vld.idx.msk [tilespmem:v8+s5+$0x0], $0xffff;
	[tilespmem:s2+$0x16D00] =	vst v10;
	v10 =	vadd.s32 $0x8300, v6  }
0x452: {  	s31 =	sand.u32 $0x3F0, s12;
	v15 =	vor.u32 $0x100, v4;
	v18 =	vld.idx.msk [tilespmem:v11+s5+$0x0], $0xffff  }
0x453: {  	v11 =	vld [tilespmem:s31+$0x10400];
	[tilespmem:s8+$0x14D80] =	vst v17;
	v17 =	vor.u32 $0x380, v1  }
0x454: {  	v5 =	vshll.u32 v16, $0x3;
	v13 =	vld.idx.msk [tilespmem:v13+s5+$0x0], $0xffff;
	[tilespmem:s0+$0x16C00] =	vst v12;
	v12 =	vadd.s32 $0x8200, v3  }
0x455: {  	v16 =	vand.u32 $0x7F, v16;
	v5 =	vand.u32 $0xFFFFFC00, v5;
	[tilespmem:s9+$0x16E80] =	vst v9;
	v9 =	vor.u32 $0x280, v2;
	v7 =	vld.idx.msk [tilespmem:v7+s5+$0x0], $0xffff  }
0x456: {  	v5 =	vor.u32 v16, v5;
	[tilespmem:s10+$0x14C80] =	vst v14;
	v10 =	vld.idx.msk [tilespmem:v10+s5+$0x0], $0xffff  }
0x457: {  	v15 =	vld.idx.msk [tilespmem:v15+s5+$0x0], $0xffff;
	[tilespmem:s1+$0x14F00] =	vst v8;
	v8 =	vadd.s32 $0x8100, v0  }
0x458: {  	v6 =	vadd.s32 $0x8380, v6;
	v19 =	vld.idx.msk [tilespmem:v17+s5+$0x0], $0xffff;
	[tilespmem:s2+$0x16D80] =	vst v18  }
0x459: {  	v16 =	vor.u32 $0x180, v4;
	v12 =	vld.idx.msk [tilespmem:v12+s5+$0x0], $0xffff;
	[tilespmem:s8+$0x14E00] =	vst v13  }
0x45a: {  	v14 =	vld.idx.msk [tilespmem:v9+s5+$0x0], $0xffff;
	v9 =	vadd.s32 $0x8000, v1  }
0x45b: {  	v17 =	vld.idx.msk [tilespmem:v5+s5+$0x0], $0xffff;
	v13 =	vadd.s32 $0x8280, v3;
	[tilespmem:s0+$0x16C80] =	vst v7  }
0x45c: {  	v18 =	vor.u32 $0x80, v5;
	v7 =	vld.idx.msk [tilespmem:v8+s5+$0x0], $0xffff;
	[tilespmem:s9+$0x16F00] =	vst v10  }
0x45d: {  	s11 =	simm.s32 $0x300;
	[tilespmem:s10+$0x14D00] =	vst v15;
	v15 =	vor.u32 $0x300, v2;
	v10 =	vld.idx.msk [tilespmem:v6+s5+$0x0], $0xffff  }
0x45e: {  	s3 =	sand.u32 $0x70, s25;
	s6 =	simm.s32 $0x80;
	s15 =	sand.u32 $0x1C00, s11;
	v8 =	vadd.s32 $0x8180, v0;
	v16 =	vld.idx.msk [tilespmem:v16+s5+$0x0], $0xffff;
	[tilespmem:s1+$0x14F80] =	vst v19  }
.LBB2_12:
0x45f: {  	p0 =	sne.s32 s6, $0x3F0;
	s4 =	sor.u32 s3, s15;
	v6 =	vld.idx.msk [tilespmem:v9+s5+$0x0], $0xffff;
	[tilespmem:s2+$0x16E00] =	vst v12;
	s3 =	smov.u32 s12  }
0x460: {  	v9 =	vor.u32 $0x200, v4;
	s12 =	smov.u32 s6;
	[tilespmem:s4+$0x14C00] =	vst v17;
	v12 =	vld.idx.msk [tilespmem:v13+s5+$0x0], $0xffff  }
0x461: {  	v13 =	vld.idx.msk [tilespmem:v18+s5+$0x0], $0xffff;
	[tilespmem:s8+$0x14E80] =	vst v14;
	v14 =	vadd.s32 $0x8080, v1  }
0x462: {  	v15 =	vld.idx.msk [tilespmem:v15+s5+$0x0], $0xffff;
	[tilespmem:s0+$0x16D00] =	vst v7;
	v7 =	vadd.s32 $0x8300, v3  }
0x463: {  	s15 =	sand.u32 $0x3F0, s6;
	v17 =	vor.u32 $0x100, v5;
	v8 =	vld.idx.msk [tilespmem:v8+s5+$0x0], $0xffff;
	[tilespmem:s9+$0x16F80] =	vst v10;
	s9 =	smov.u32 s2;
	s2 =	smov.u32 s0  }
0x464: {  	v18 =	vshll.u32 v11, $0x3;
	s0 =	smov.u32 s1;
	s1 =	smov.u32 s8;
	s8 =	smov.u32 s10;
	v10 =	vld [tilespmem:s15+$0x10400];
	[tilespmem:s10+$0x14D80] =	vst v16;
	v16 =	vor.u32 $0x380, v2  }
0x465: {  	v11 =	vand.u32 $0x7F, v11;
	v18 =	vand.u32 $0xFFFFFC00, v18;
	s10 =	smov.u32 s4;
	v9 =	vld.idx.msk [tilespmem:v9+s5+$0x0], $0xffff;
	[tilespmem:s0+$0x16C00] =	vst v6;
	v6 =	vadd.s32 $0x8200, v0  }
0x466: {  	v18 =	vor.u32 v11, v18;
	v19 =	vld.idx.msk [tilespmem:v14+s5+$0x0], $0xffff;
	[tilespmem:s9+$0x16E80] =	vst v12  }
0x467: {  	[tilespmem:s10+$0x14C80] =	vst v13;
	v13 =	vor.u32 $0x280, v4;
	v20 =	vld.idx.msk [tilespmem:v7+s5+$0x0], $0xffff  }
0x468: {  	v7 =	vadd.s32 $0x8100, v1;
	v21 =	vld.idx.msk [tilespmem:v17+s5+$0x0], $0xffff;
	[tilespmem:s1+$0x14F00] =	vst v15  }
0x469: {  	v22 =	vld.idx.msk [tilespmem:v16+s5+$0x0], $0xffff;
	[tilespmem:s2+$0x16D80] =	vst v8;
	v8 =	vadd.s32 $0x8380, v3;
	v11 =	vmovc v10;
	v3 =	vmovc v0;
	v0 =	vmov v1;
	v1 =	vmov v2  }
0x46a: {  	v16 =	vor.u32 $0x180, v5;
	v2 =	vmovc v4;
	v4 =	vmov v5;
	v5 =	vmov v18;
	v12 =	vld.idx.msk [tilespmem:v6+s5+$0x0], $0xffff  }
.Ltmp5:
0x46b: {  	v17 =	vld.idx.msk [tilespmem:v18+s5+$0x0], $0xffff;
	[tilespmem:s8+$0x14E00] =	vst v9;
	v9 =	vadd.s32 $0x8000, v1;
	(pc) =	sbr.rel @p0 .LBB2_12-.Ltmp5, $4  }
0x46c: {  	v14 =	vld.idx.msk [tilespmem:v13+s5+$0x0], $0xffff;
	[tilespmem:s0+$0x16C80] =	vst v19;
	v13 =	vadd.s32 $0x8280, v3  }
0x46d: {  	v18 =	vor.u32 $0x80, v5;
	v7 =	vld.idx.msk [tilespmem:v7+s5+$0x0], $0xffff;
	[tilespmem:s9+$0x16F00] =	vst v20  }
0x46e: {  	s11 =	sadd.s32 $0x80, s11;
	v15 =	vor.u32 $0x300, v2;
	[tilespmem:s10+$0x14D00] =	vst v21;
	v10 =	vld.idx.msk [tilespmem:v8+s5+$0x0], $0xffff  }
0x46f: {  	s6 =	sadd.s32 $0x10, s6;
	s3 =	sand.u32 $0x70, s3;
	s15 =	sand.u32 $0x1C00, s11;
	v8 =	vadd.s32 $0x8180, v0;
	v16 =	vld.idx.msk [tilespmem:v16+s5+$0x0], $0xffff;
	[tilespmem:s1+$0x14F80] =	vst v22  }
0x470: {  	v6 =	vshll.u32 v11, $0x3  }
0x471: {  	v31 =	vand.u32 $0x7F, v11;
	v6 =	vand.u32 $0xFFFFFC00, v6  }
0x472: {  	v6 =	vor.u32 v31, v6;
	_ =	sdelay $0x4  }
0x473: {  	v11 =	vld.idx.msk [tilespmem:v6+s5+$0x0], $0xffff  }
0x474: {  	v19 =	vor.u32 $0x80, v6  }
0x475: {  	s4 =	sadd.s32 $0x80, s11  }
0x476: {  	s31 =	sor.u32 s3, s15;
	s6 =	sand.u32 $0x70, s12;
	s4 =	sand.u32 $0x1C00, s4  }
0x477: {  	[tilespmem:s31+$0x14C00] =	vst v17;
	s12 =	sor.u32 s6, s4  }
0x478: {  	v17 =	vld.idx.msk [tilespmem:v18+s5+$0x0], $0xffff;
	[tilespmem:s12+$0x14C00] =	vst v11  }
0x479: {  	v32 =	vor.u32 $0x100, v5;
	v33 =	vld.idx.msk [tilespmem:v19+s5+$0x0], $0xffff  }
0x47a: {  	v34 =	vor.u32 $0x100, v6;
	_ =	sdelay $0x2  }
0x47b: {  	[tilespmem:s31+$0x14C80] =	vst v17  }
0x47c: {  	v11 =	vld.idx.msk [tilespmem:v32+s5+$0x0], $0xffff;
	[tilespmem:s12+$0x14C80] =	vst v33  }
0x47d: {  	v35 =	vor.u32 $0x180, v5;
	v18 =	vld.idx.msk [tilespmem:v34+s5+$0x0], $0xffff  }
0x47e: {  	v36 =	vor.u32 $0x180, v6;
	_ =	sdelay $0x2  }
0x47f: {  	[tilespmem:s31+$0x14D00] =	vst v11  }
0x480: {  	v37 =	vor.u32 $0x200, v4;
	v17 =	vld.idx.msk [tilespmem:v35+s5+$0x0], $0xffff;
	[tilespmem:s12+$0x14D00] =	vst v18  }
0x481: {  	v38 =	vor.u32 $0x200, v5;
	v19 =	vld.idx.msk [tilespmem:v36+s5+$0x0], $0xffff  }
0x482: {  	v20 =	vor.u32 $0x200, v6;
	_ =	sdelay $0x1  }
0x483: {  	[tilespmem:s10+$0x14D80] =	vst v16  }
0x484: {  	v11 =	vld.idx.msk [tilespmem:v37+s5+$0x0], $0xffff;
	[tilespmem:s31+$0x14D80] =	vst v17  }
0x485: {  	v39 =	vor.u32 $0x280, v4;
	v17 =	vld.idx.msk [tilespmem:v38+s5+$0x0], $0xffff;
	[tilespmem:s12+$0x14D80] =	vst v19  }
0x486: {  	v40 =	vor.u32 $0x280, v5;
	v19 =	vld.idx.msk [tilespmem:v20+s5+$0x0], $0xffff  }
0x487: {  	v41 =	vor.u32 $0x280, v6;
	_ =	sdelay $0x1  }
0x488: {  	[tilespmem:s10+$0x14E00] =	vst v11  }
0x489: {  	v11 =	vld.idx.msk [tilespmem:v39+s5+$0x0], $0xffff;
	[tilespmem:s31+$0x14E00] =	vst v17  }
0x48a: {  	v42 =	vor.u32 $0x300, v4;
	v17 =	vld.idx.msk [tilespmem:v40+s5+$0x0], $0xffff;
	[tilespmem:s12+$0x14E00] =	vst v19  }
0x48b: {  	v43 =	vor.u32 $0x300, v5;
	v19 =	vld.idx.msk [tilespmem:v41+s5+$0x0], $0xffff  }
0x48c: {  	v44 =	vor.u32 $0x300, v6  }
0x48d: {  	[tilespmem:s8+$0x14E80] =	vst v14  }
0x48e: {  	v14 =	vld.idx.msk [tilespmem:v15+s5+$0x0], $0xffff;
	[tilespmem:s10+$0x14E80] =	vst v11  }
0x48f: {  	v45 =	vor.u32 $0x380, v2;
	v46 =	vld.idx.msk [tilespmem:v42+s5+$0x0], $0xffff;
	[tilespmem:s31+$0x14E80] =	vst v17  }
0x490: {  	v47 =	vor.u32 $0x380, v4;
	v17 =	vld.idx.msk [tilespmem:v43+s5+$0x0], $0xffff;
	[tilespmem:s12+$0x14E80] =	vst v19  }
0x491: {  	[tilespmem:s2+$0x16E00] =	vst v12;
	v48 =	vor.u32 $0x380, v5;
	v49 =	vld.idx.msk [tilespmem:v44+s5+$0x0], $0xffff  }
0x492: {  	v13 =	vld.idx.msk [tilespmem:v13+s5+$0x0], $0xffff;
	v50 =	vor.u32 $0x380, v6  }
0x493: {  	v51 =	vadd.s32 $0x8300, v3;
	[tilespmem:s8+$0x14F00] =	vst v14  }
0x494: {  	v11 =	vld.idx.msk [tilespmem:v45+s5+$0x0], $0xffff;
	[tilespmem:s10+$0x14F00] =	vst v46  }
0x495: {  	v52 =	vadd.s32 $0x8000, v2;
	v16 =	vld.idx.msk [tilespmem:v47+s5+$0x0], $0xffff;
	[tilespmem:s31+$0x14F00] =	vst v17  }
0x496: {  	v53 =	vadd.s32 $0x8000, v4;
	v12 =	vld.idx.msk [tilespmem:v48+s5+$0x0], $0xffff;
	[tilespmem:s12+$0x14F00] =	vst v49  }
0x497: {  	v54 =	vadd.s32 $0x8000, v5;
	[tilespmem:s2+$0x16E80] =	vst v13;
	v18 =	vld.idx.msk [tilespmem:v50+s5+$0x0], $0xffff  }
0x498: {  	[tilespmem:s9+$0x16F80] =	vst v10;
	v56 =	vadd.s32 $0x8000, v6;
	v55 =	vld.idx.msk [tilespmem:v51+s5+$0x0], $0xffff  }
0x499: {  	v9 =	vld.idx.msk [tilespmem:v9+s5+$0x0], $0xffff;
	v57 =	vadd.s32 $0x8380, v3;
	[tilespmem:s8+$0x14F80] =	vst v11  }
0x49a: {  	v58 =	vadd.s32 $0x8080, v1;
	v15 =	vld.idx.msk [tilespmem:v52+s5+$0x0], $0xffff;
	[tilespmem:s10+$0x14F80] =	vst v16  }
0x49b: {  	v59 =	vadd.s32 $0x8080, v2;
	v16 =	vld.idx.msk [tilespmem:v53+s5+$0x0], $0xffff;
	[tilespmem:s31+$0x14F80] =	vst v12  }
0x49c: {  	v60 =	vadd.s32 $0x8080, v4;
	v13 =	vld.idx.msk [tilespmem:v54+s5+$0x0], $0xffff;
	[tilespmem:s12+$0x14F80] =	vst v18  }
0x49d: {  	v61 =	vadd.s32 $0x8080, v5;
	[tilespmem:s2+$0x16F00] =	vst v55;
	v14 =	vld.idx.msk [tilespmem:v56+s5+$0x0], $0xffff  }
0x49e: {  	v62 =	vadd.s32 $0x8080, v6;
	[tilespmem:s1+$0x16C00] =	vst v9;
	v3 =	vld.idx.msk [tilespmem:v57+s5+$0x0], $0xffff  }
0x49f: {  	v11 =	vld.idx.msk [tilespmem:v58+s5+$0x0], $0xffff;
	[tilespmem:s8+$0x16C00] =	vst v15  }
0x4a0: {  	v63 =	vadd.s32 $0x8100, v1;
	[tilespmem:s10+$0x16C00] =	vst v16;
	v12 =	vld.idx.msk [tilespmem:v59+s5+$0x0], $0xffff  }
0x4a1: {  	v20 =	vadd.s32 $0x8100, v2;
	v17 =	vld.idx.msk [tilespmem:v60+s5+$0x0], $0xffff;
	[tilespmem:s31+$0x16C00] =	vst v13  }
0x4a2: {  	v21 =	vadd.s32 $0x8100, v4;
	v10 =	vld.idx.msk [tilespmem:v61+s5+$0x0], $0xffff;
	[tilespmem:s12+$0x16C00] =	vst v14  }
0x4a3: {  	v22 =	vadd.s32 $0x8100, v5;
	[tilespmem:s2+$0x16F80] =	vst v3;
	v9 =	vld.idx.msk [tilespmem:v62+s5+$0x0], $0xffff  }
0x4a4: {  	v23 =	vadd.s32 $0x8100, v6;
	[tilespmem:s1+$0x16C80] =	vst v11  }
0x4a5: {  	v24 =	vld.idx.msk [tilespmem:v63+s5+$0x0], $0xffff;
	[tilespmem:s8+$0x16C80] =	vst v12  }
0x4a6: {  	v25 =	vadd.s32 $0x8180, v1;
	[tilespmem:s10+$0x16C80] =	vst v17;
	v26 =	vld.idx.msk [tilespmem:v20+s5+$0x0], $0xffff  }
0x4a7: {  	v27 =	vadd.s32 $0x8180, v2;
	v13 =	vld.idx.msk [tilespmem:v21+s5+$0x0], $0xffff;
	[tilespmem:s31+$0x16C80] =	vst v10  }
0x4a8: {  	v28 =	vadd.s32 $0x8180, v4;
	v3 =	vld.idx.msk [tilespmem:v22+s5+$0x0], $0xffff;
	[tilespmem:s12+$0x16C80] =	vst v9  }
0x4a9: {  	v29 =	vadd.s32 $0x8180, v5;
	[tilespmem:s0+$0x16D00] =	vst v7;
	v9 =	vld.idx.msk [tilespmem:v23+s5+$0x0], $0xffff  }
0x4aa: {  	v8 =	vld.idx.msk [tilespmem:v8+s5+$0x0], $0xffff;
	v30 =	vadd.s32 $0x8180, v6;
	[tilespmem:s1+$0x16D00] =	vst v24  }
0x4ab: {  	v31 =	vadd.s32 $0x8200, v0;
	v12 =	vld.idx.msk [tilespmem:v25+s5+$0x0], $0xffff;
	[tilespmem:s8+$0x16D00] =	vst v26  }
0x4ac: {  	v32 =	vadd.s32 $0x8200, v1;
	[tilespmem:s10+$0x16D00] =	vst v13;
	v16 =	vld.idx.msk [tilespmem:v27+s5+$0x0], $0xffff  }
0x4ad: {  	v33 =	vadd.s32 $0x8200, v2;
	v10 =	vld.idx.msk [tilespmem:v28+s5+$0x0], $0xffff;
	[tilespmem:s31+$0x16D00] =	vst v3  }
0x4ae: {  	v34 =	vadd.s32 $0x8200, v4;
	v7 =	vld.idx.msk [tilespmem:v29+s5+$0x0], $0xffff;
	[tilespmem:s12+$0x16D00] =	vst v9  }
0x4af: {  	[tilespmem:s0+$0x16D80] =	vst v8;
	v35 =	vadd.s32 $0x8200, v5;
	v9 =	vld.idx.msk [tilespmem:v30+s5+$0x0], $0xffff  }
0x4b0: {  	v37 =	vadd.s32 $0x8200, v6;
	v36 =	vld.idx.msk [tilespmem:v31+s5+$0x0], $0xffff;
	[tilespmem:s1+$0x16D80] =	vst v12  }
0x4b1: {  	v38 =	vadd.s32 $0x8280, v0;
	v15 =	vld.idx.msk [tilespmem:v32+s5+$0x0], $0xffff;
	[tilespmem:s8+$0x16D80] =	vst v16  }
0x4b2: {  	v39 =	vadd.s32 $0x8280, v1;
	[tilespmem:s10+$0x16D80] =	vst v10;
	v13 =	vld.idx.msk [tilespmem:v33+s5+$0x0], $0xffff  }
0x4b3: {  	v40 =	vadd.s32 $0x8280, v2;
	v3 =	vld.idx.msk [tilespmem:v34+s5+$0x0], $0xffff;
	[tilespmem:s31+$0x16D80] =	vst v7  }
0x4b4: {  	v41 =	vadd.s32 $0x8280, v4;
	v8 =	vld.idx.msk [tilespmem:v35+s5+$0x0], $0xffff;
	[tilespmem:s12+$0x16D80] =	vst v9  }
0x4b5: {  	v42 =	vadd.s32 $0x8280, v5;
	[tilespmem:s0+$0x16E00] =	vst v36;
	v43 =	vld.idx.msk [tilespmem:v37+s5+$0x0], $0xffff  }
0x4b6: {  	v45 =	vadd.s32 $0x8280, v6;
	v44 =	vld.idx.msk [tilespmem:v38+s5+$0x0], $0xffff;
	[tilespmem:s1+$0x16E00] =	vst v15  }
0x4b7: {  	v46 =	vadd.s32 $0x8300, v0;
	v16 =	vld.idx.msk [tilespmem:v39+s5+$0x0], $0xffff;
	[tilespmem:s8+$0x16E00] =	vst v13  }
0x4b8: {  	v47 =	vadd.s32 $0x8300, v1;
	[tilespmem:s10+$0x16E00] =	vst v3;
	v10 =	vld.idx.msk [tilespmem:v40+s5+$0x0], $0xffff  }
0x4b9: {  	v48 =	vadd.s32 $0x8300, v2;
	v7 =	vld.idx.msk [tilespmem:v41+s5+$0x0], $0xffff;
	[tilespmem:s31+$0x16E00] =	vst v8  }
0x4ba: {  	v49 =	vadd.s32 $0x8300, v4;
	v9 =	vld.idx.msk [tilespmem:v42+s5+$0x0], $0xffff;
	[tilespmem:s12+$0x16E00] =	vst v43  }
0x4bb: {  	[tilespmem:s0+$0x16E80] =	vst v44;
	v50 =	vadd.s32 $0x8300, v5;
	v51 =	vld.idx.msk [tilespmem:v45+s5+$0x0], $0xffff  }
0x4bc: {  	v53 =	vadd.s32 $0x8300, v6;
	v52 =	vld.idx.msk [tilespmem:v46+s5+$0x0], $0xffff;
	[tilespmem:s1+$0x16E80] =	vst v16  }
0x4bd: {  	v54 =	vadd.s32 $0x8380, v0;
	v13 =	vld.idx.msk [tilespmem:v47+s5+$0x0], $0xffff;
	[tilespmem:s8+$0x16E80] =	vst v10  }
0x4be: {  	v55 =	vadd.s32 $0x8380, v1;
	[tilespmem:s10+$0x16E80] =	vst v7;
	v3 =	vld.idx.msk [tilespmem:v48+s5+$0x0], $0xffff  }
0x4bf: {  	v56 =	vadd.s32 $0x8380, v2;
	v7 =	vld.idx.msk [tilespmem:v49+s5+$0x0], $0xffff;
	[tilespmem:s31+$0x16E80] =	vst v9  }
0x4c0: {  	v57 =	vadd.s32 $0x8380, v4;
	v58 =	vld.idx.msk [tilespmem:v50+s5+$0x0], $0xffff;
	[tilespmem:s12+$0x16E80] =	vst v51  }
0x4c1: {  	v59 =	vadd.s32 $0x8380, v5;
	[tilespmem:s0+$0x16F00] =	vst v52;
	v60 =	vld.idx.msk [tilespmem:v53+s5+$0x0], $0xffff  }
0x4c2: {  	v6 =	vadd.s32 $0x8380, v6;
	v0 =	vld.idx.msk [tilespmem:v54+s5+$0x0], $0xffff;
	[tilespmem:s1+$0x16F00] =	vst v13  }
0x4c3: {  	v1 =	vld.idx.msk [tilespmem:v55+s5+$0x0], $0xffff;
	[tilespmem:s8+$0x16F00] =	vst v3  }
0x4c4: {  	[tilespmem:s10+$0x16F00] =	vst v7;
	v2 =	vld.idx.msk [tilespmem:v56+s5+$0x0], $0xffff  }
0x4c5: {  	v61 =	vld.idx.msk [tilespmem:v57+s5+$0x0], $0xffff;
	[tilespmem:s31+$0x16F00] =	vst v58  }
0x4c6: {  	v62 =	vld.idx.msk [tilespmem:v59+s5+$0x0], $0xffff;
	[tilespmem:s12+$0x16F00] =	vst v60  }
0x4c7: {  	[tilespmem:s0+$0x16F80] =	vst v0;
	v63 =	vld.idx.msk [tilespmem:v6+s5+$0x0], $0xffff  }
0x4c8: {  	[tilespmem:s1+$0x16F80] =	vst v1  }
0x4c9: {  	[tilespmem:s8+$0x16F80] =	vst v2  }
0x4ca: {  	[tilespmem:s10+$0x16F80] =	vst v61  }
0x4cb: {  	[tilespmem:s31+$0x16F80] =	vst v62  }
0x4cc: {  	[tilespmem:s12+$0x16F80] =	vst v63  }
0x4cd: {  	s12 =	simm.s32 $0x14C00;
	s1 =	rddreg [dreg:$0x8]  }
0x4ce: {  	[hbm4b:s1+s13] =	stream.strided.scatter [tilespmem:s12], [sflag:$0x5], $0x400, s19, s13, $0x38;
	[tilespmem:$0x1CC00] =	vst v63  }
0x4cf: {  	s16 =	simm.s32 $0x15000;
	s15 =	sadd.s32 $0x80, s1  }
0x4d0: {  	[hbm4b:s15+s13] =	stream.strided.scatter [tilespmem:s16], [sflag:$0x5], $0x400, s19, s13, $0x38;
	[tilespmem:$0x1CC00] =	vst v63  }
0x4d1: {  	s20 =	simm.s32 $0x15400;
	s18 =	sadd.s32 $0x100, s1  }
0x4d2: {  	[hbm4b:s18+s13] =	stream.strided.scatter [tilespmem:s20], [sflag:$0x5], $0x400, s19, s13, $0x38;
	[tilespmem:$0x1CC00] =	vst v63  }
0x4d3: {  	s22 =	simm.s32 $0x15800;
	s21 =	sadd.s32 $0x180, s1  }
0x4d4: {  	[hbm4b:s21+s13] =	stream.strided.scatter [tilespmem:s22], [sflag:$0x5], $0x400, s19, s13, $0x38;
	[tilespmem:$0x1CC00] =	vst v63  }
0x4d5: {  	s24 =	simm.s32 $0x15C00;
	s23 =	sadd.s32 $0x200, s1  }
0x4d6: {  	[hbm4b:s23+s13] =	stream.strided.scatter [tilespmem:s24], [sflag:$0x5], $0x400, s19, s13, $0x38;
	[tilespmem:$0x1CC00] =	vst v63  }
0x4d7: {  	s26 =	simm.s32 $0x16000;
	s25 =	sadd.s32 $0x280, s1  }
0x4d8: {  	[hbm4b:s25+s13] =	stream.strided.scatter [tilespmem:s26], [sflag:$0x5], $0x400, s19, s13, $0x38;
	[tilespmem:$0x1CC00] =	vst v63  }
0x4d9: {  	s31 =	simm.s32 $0x16400;
	s29 =	sadd.s32 $0x300, s1  }
0x4da: {  	[hbm4b:s29+s13] =	stream.strided.scatter [tilespmem:s31], [sflag:$0x5], $0x400, s19, s13, $0x38;
	[tilespmem:$0x1CC00] =	vst v63  }
0x4db: {  	s3 =	simm.s32 $0x16800;
	s2 =	sadd.s32 $0x380, s1  }
0x4dc: {  	[hbm4b:s2+s13] =	stream.strided.scatter [tilespmem:s3], [sflag:$0x5], $0x400, s19, s13, $0x38;
	[tilespmem:$0x1CC00] =	vst v63  }
0x4dd: {  	s6 =	simm.s32 $0x16C00;
	s4 =	sadd.s32 $0x100000, s1  }
0x4de: {  	[hbm4b:s4+s13] =	stream.strided.scatter [tilespmem:s6], [sflag:$0x5], $0x400, s19, s13, $0x38;
	[tilespmem:$0x1CC00] =	vst v63  }
0x4df: {  	s9 =	simm.s32 $0x17000;
	s8 =	sadd.s32 $0x80, s4  }
0x4e0: {  	[hbm4b:s8+s13] =	stream.strided.scatter [tilespmem:s9], [sflag:$0x5], $0x400, s19, s13, $0x38;
	[tilespmem:$0x1CC00] =	vst v63  }
0x4e1: {  	s11 =	simm.s32 $0x17400;
	s10 =	sadd.s32 $0x100, s4  }
0x4e2: {  	[hbm4b:s10+s13] =	stream.strided.scatter [tilespmem:s11], [sflag:$0x5], $0x400, s19, s13, $0x38;
	[tilespmem:$0x1CC00] =	vst v63  }
0x4e3: {  	s12 =	sadd.s32 $0x180, s4;
	s15 =	simm.s32 $0x17800  }
0x4e4: {  	[hbm4b:s12+s13] =	stream.strided.scatter [tilespmem:s15], [sflag:$0x5], $0x400, s19, s13, $0x38;
	[tilespmem:$0x1CC00] =	vst v63  }
0x4e5: {  	s16 =	sadd.s32 $0x200, s4;
	s18 =	simm.s32 $0x17C00  }
0x4e6: {  	[hbm4b:s16+s13] =	stream.strided.scatter [tilespmem:s18], [sflag:$0x5], $0x400, s19, s13, $0x38;
	[tilespmem:$0x1CC00] =	vst v63  }
0x4e7: {  	s20 =	sadd.s32 $0x280, s4;
	s21 =	simm.s32 $0x18000  }
0x4e8: {  	[hbm4b:s20+s13] =	stream.strided.scatter [tilespmem:s21], [sflag:$0x5], $0x400, s19, s13, $0x38;
	[tilespmem:$0x1CC00] =	vst v63  }
0x4e9: {  	s22 =	sadd.s32 $0x300, s4;
	s23 =	simm.s32 $0x18400  }
0x4ea: {  	[hbm4b:s22+s13] =	stream.strided.scatter [tilespmem:s23], [sflag:$0x5], $0x400, s19, s13, $0x38;
	[tilespmem:$0x1CC00] =	vst v63  }
0x4eb: {  	s0 =	sadd.s32 $0x380, s4;
	s24 =	simm.s32 $0x18800;
	s25 =	simm.s32 $0x6  }
0x4ec: {  	[hbm4b:s0+s13] =	stream.strided.scatter [tilespmem:s24], [sflag:$0x5], $0x400, s19, s13, $0x38;
	[tilespmem:$0x1CC00] =	vst v63  }
0x4ed: {  	_ =	swait.ge [sflag:s25], $0x4000  }
0x4ee: {  	[sflag:s25] =	ssyncset.done $0x0  }
0x4ef: {  	s26 =	simm.s32 $0x4;
	[sflag:s25] =	ssyncadd.s32 $0xFFFFC000  }
0x4f0: {  	_ =	swait.ge [sflag:s26], $0x4000  }
0x4f1: {  	[sflag:s26] =	ssyncset.done $0x0  }
0x4f2: {  	[sflag:s26] =	ssyncadd.s32 $0xFFFFC000  }
0x4f3: {  	_ =	swait.ge [sflag:s14], $0x4000  }
0x4f4: {  	s29 =	rddreg [dreg:$0xa]  }
0x4f5: {  	s31 =	rddreg [dreg:$0x9];
	s1 =	sadd.s32 $0x1, s29  }
0x4f6: {  	p0 =	sne.s32 s1, s31  }
.Ltmp6:
0x4f7: {  	_ = 	snop;
	(pc) =	sbr.rel @p0 .LBB2_1-.Ltmp6, $3  }
0x4f8: {  	_ =	sdelay $0x1  }
0x4f9: {  	[sflag:s14] =	ssyncset.done $0x0  }
0x4fa: {  	[sflag:s14] =	ssyncadd.s32 $0xFFFFC000  }
0x4fb: {  	_ =	sfence.sel $0x180000  }
0x4fc: {  	[bflag:$0x0] =	sbarrier.arrive $0xFFFF  }
0x4fd: {  	_ =	strace $0x90000047  }
0x4fe: {  	s0 =	stileid.u32;
	[bflag:$0x2] =	sbarrier.arrive $0xFFFF  }
0x4ff: {  	p0 =	sne.s32 s0, $0x0;
	s0 =	rddreg [dreg:$0x3]  }
0x500: {  	s0 =	sadd.s32 @!p0 $0x100000, s0  }
0x501: {  	[sflag:s0] =	ssyncadd.tile.s32 @!p0 $0x1;
	_ =	shalt  }
.Lfunc_end2:
_tile_overlayer_lowered:
.L_overlay_start_2:
0x502: {  	(tag) =	ssettag $0x2  }
0x503: {  	s0 =	rddreg [dreg:$0x0];
	s2 =	stileid.u32  }
0x504: {  	s1 =	rddreg [dreg:$0x1];
	p0 =	sne.s32 s2, $0x0  }
0x505: {  	s3 =	rddreg [dreg:$0x2];
	[bflag:$0x3] =	sbarrier.arrive $0xFFFF;
	s2 =	simm.s32 @!p0 $0x1C07  }
0x506: {  	[timem:s3], [sflag:s2] =	dma.local @!p0 [hbm:s0], s1  }
0x507: {  	s0 =	simm.s32 @!p0 $0x7  }
0x508: {  	_ =	swait.ge @!p0 [sflag:s0], s1  }
0x509: {  	s1 =	ssub.s32 @!p0 $0x0, s1;
	[sflag:s0] =	ssyncset.done @!p0 $0x0  }
0x50a: {  	[sflag:s0] =	ssyncadd.s32 @!p0 s1  }
0x50b: {  	[bflag:$0x3] =	sbarrier.arrive $0xFFFF  }
0x50c: {  	_ =	shalt  }

</sc_bundles>
